<compile_context>
chip_gen: v7x
topology: tpu7x:2x2x1
jax: 0.10.2.dev20260603
libtpu: 0.0.44.dev20260713+nightly
codegen_flags: <defaults>
</compile_context>

<pallas_src>
import functools
import math

import numpy as np
import jax
import jax.numpy as jnp
from jax import lax
from jax.experimental import pallas as pl
from jax.experimental.pallas import tpu as pltpu
from jax.experimental.pallas import tpu_sc as plsc

_D = 1024
_SCALE = math.sqrt(_D)
_NC, _NS = 2, 16
_NW = _NC * _NS
_K = 16
_LANES = 16
_CPR = _D // _LANES
_UNROLL = 8


def _make_pe(seq, d):
    position = np.arange(0, seq, dtype=np.float32)[:, None]
    div_term = np.exp(
        np.arange(0, d, 2, dtype=np.float32) * (-math.log(10000.0) / d))
    pe = np.zeros((seq, d), dtype=np.float32)
    pe[:, 0::2] = np.sin(position * div_term)
    pe[:, 1::2] = np.cos(position * div_term)
    return pe


@functools.partial(jax.jit, static_argnames=("nb", "seq"))
def _sc_embed(x_flat, table, pe, nb, seq):
    ppw = seq // _NW
    nwin = ppw // _K
    assert nwin >= 4 and nwin % 2 == 0 and nb == 4 and seq % _NW == 0
    mesh = plsc.VectorSubcoreMesh(core_axis_name="c", subcore_axis_name="s")

    @functools.partial(
        pl.kernel,
        out_type=jax.ShapeDtypeStruct((nb * seq, _D), jnp.float32),
        mesh=mesh,
        scratch_types=[
            pltpu.VMEM((nb * ppw,), jnp.int32),
            pltpu.VMEM((_K, _D), jnp.float32),
            pltpu.VMEM((_K, _D), jnp.float32),
            pltpu.VMEM((_K, _D), jnp.float32),
            pltpu.VMEM((_K, _D), jnp.float32),
            pltpu.VMEM((_K, _D), jnp.float32),
            pltpu.VMEM((_K, _D), jnp.float32),
            [pltpu.SemaphoreType.DMA] * 10,
        ],
    )
    def k(x_hbm, table_hbm, pe_hbm, out_hbm, idx_v, rows0, rows1, rows2,
          rows3, pe0, pe1, sems):
        g0, g1, g2, g3, o0, o1, o2, o3, p0, p1 = sems
        wid = lax.axis_index("s") * _NC + lax.axis_index("c")
        pbase = wid * ppw

        rows = [rows0, rows1, rows2, rows3]
        pev = [pe0, pe1]
        gsem = [g0, g1, g2, g3]
        osem = [o0, o1, o2, o3]
        psem = [p0, p1]

        idx_descs = [
            pltpu.make_async_copy(
                x_hbm.at[pl.ds(b * seq + pbase, ppw)],
                idx_v.at[pl.ds(b * ppw, ppw)],
                [g1, g2, g3, p1][b])
            for b in range(nb)
        ]
        for d in idx_descs:
            d.start()
        for d in idx_descs:
            d.wait()

        def gather_desc(v, b, r4):
            return pltpu.make_async_copy(
                table_hbm.at[idx_v.at[pl.ds(b * ppw + v * _K, _K)]],
                rows[r4], gsem[r4])

        def pe_desc(v, p2):
            return pltpu.make_async_copy(
                pe_hbm.at[pl.ds(pbase + v * _K, _K)], pev[p2], psem[p2])

        def out_desc(v, b, r4):
            return pltpu.make_async_copy(
                rows[r4],
                out_hbm.at[pl.ds(b * seq + pbase + v * _K, _K)], osem[r4])

        def compute(r4, p2):
            rows_b = rows[r4]
            pe_b = pev[p2]

            def compute_body(it, carry):
                i0 = it * _UNROLL
                for u in range(_UNROLL):
                    i = i0 + u
                    r = lax.shift_right_logical(i, 6)
                    j = lax.bitwise_and(i, _CPR - 1)
                    sl = pl.ds(j * _LANES, _LANES)
                    rows_b[r, sl] = rows_b[r, sl] * _SCALE + pe_b[r, sl]
                return carry

            lax.fori_loop(0, _K * _CPR // _UNROLL, compute_body, 0)

        def chunk_step(v, b, wait_out, start_next, p2, wait_pe):
            r4 = b
            if wait_out:
                b3 = b - 3
                v3, bb3 = (v, b3) if b3 >= 0 else (v - 1, b3 + nb)
                out_desc(v3, bb3, (b + 1) % 4).wait()
            if start_next:
                bn = b + 1
                vn, bbn = (v, bn) if bn < nb else (v + 1, 0)
                gather_desc(vn, bbn, (b + 1) % 4).start()
            gather_desc(v, b, r4).wait()
            if wait_pe:
                pe_desc(v, p2).wait()
            compute(r4, p2)
            out_desc(v, b, r4).start()

        def do_window(v, p2, first_win, last_win):
            if not last_win:
                pe_desc(v + 1, p2 ^ 1).start()
            for b in range(nb):
                wait_out = not (first_win and b < 3)
                start_next = not (last_win and b == nb - 1)
                chunk_step(v, b, wait_out, start_next, p2, b == 0)

        gather_desc(0, 0, 0).start()
        pe_desc(0, 0).start()
        do_window(0, 0, True, False)

        def pair_body(t, carry):
            v = 1 + 2 * t
            do_window(v, 1, False, False)
            do_window(v + 1, 0, False, False)
            return carry

        lax.fori_loop(0, (nwin - 2) // 2, pair_body, 0)

        do_window(nwin - 1, (nwin - 1) & 1, False, True)
        for b in range(1, nb):
            out_desc(nwin - 1, b, b).wait()

    return k(x_flat, table, pe)


def kernel(x, table):
    b, s = x.shape
    pe = jnp.asarray(_make_pe(s, _D))
    x_flat = x.reshape(-1).astype(jnp.int32)
    out = _sc_embed(x_flat, table, pe, b, s)
    return out.reshape(b, s, _D)

# --- scband reference (transcript-rebuilt; emitter-appended) ---
"""Pipeline reference for scband-embeddings-2413771620960 (READ-ONLY COPY).

The authoritative reference and input builder live on the scoring server;
editing this copy changes nothing except your own understanding.
"""

import math
import jax, jax.numpy as jnp
import numpy as np

VOCAB = 100000
D_MODEL = 1024
MAX_SEQ = 8192


def make_pe(max_seq_length, d_model):
    position = np.arange(0, max_seq_length, dtype=np.float32)[:, None]
    div_term = np.exp(np.arange(0, d_model, 2, dtype=np.float32) * (-math.log(10000.0) / d_model))
    pe = np.zeros((max_seq_length, d_model), dtype=np.float32)
    pe[:, 0::2] = np.sin(position * div_term)
    pe[:, 1::2] = np.cos(position * div_term)
    return jnp.asarray(pe)[None, :, :]  # (1, max_seq, d_model)


def setup_inputs(seed: int = 0) -> dict:
    key = jax.random.key(seed)
    k_idx, k_tab = jax.random.split(key)
    x = jax.random.randint(k_idx, (4, 4096), 0, VOCAB, dtype=jnp.int64)
    # nn.Embedding default init: N(0, 1)
    table = jax.random.normal(k_tab, (VOCAB, D_MODEL), dtype=jnp.float32)
    return {"x": x, "table": table}


def reference(x, table):
    # TokenEmbedding: gather + scale by sqrt(d_model)
    emb = jnp.take(table, x, axis=0) * math.sqrt(D_MODEL)
    # PositionalEncoding: add sinusoidal buffer (dropout_rate=0 -> identity)
    pe = make_pe(MAX_SEQ, D_MODEL)
    out = emb + pe[:, : x.shape[1], :]
    return out

if __name__ == "__main__":
    import jax
    _d = setup_inputs()
    print(jax.jit(kernel)(*tuple(_d.values())))

</pallas_src>

<mosaic_0001>
#map = affine_map<(d0, d1) -> (0)>
#map1 = affine_map<(d0, d1) -> (0, 0)>
module attributes {stable_mosaic.version = 14 : i64} {
  func.func @k(%arg0: i32, %arg1: i32, %arg2: memref<16384xi32, #tpu.memory_space<hbm>>, %arg3: memref<100000x1024xf32, #tpu.memory_space<hbm>>, %arg4: memref<4096x1024xf32, #tpu.memory_space<hbm>>, %arg5: memref<16384x1024xf32, #tpu.memory_space<hbm>>, %arg6: memref<512xi32, #tpu.memory_space<vmem>>, %arg7: memref<16x1024xf32, #tpu.memory_space<vmem>>, %arg8: memref<16x1024xf32, #tpu.memory_space<vmem>>, %arg9: memref<16x1024xf32, #tpu.memory_space<vmem>>, %arg10: memref<16x1024xf32, #tpu.memory_space<vmem>>, %arg11: memref<16x1024xf32, #tpu.memory_space<vmem>>, %arg12: memref<16x1024xf32, #tpu.memory_space<vmem>>, %arg13: memref<!tpu.dma_semaphore, #tpu.memory_space<semaphore_mem>>, %arg14: memref<!tpu.dma_semaphore, #tpu.memory_space<semaphore_mem>>, %arg15: memref<!tpu.dma_semaphore, #tpu.memory_space<semaphore_mem>>, %arg16: memref<!tpu.dma_semaphore, #tpu.memory_space<semaphore_mem>>, %arg17: memref<!tpu.dma_semaphore, #tpu.memory_space<semaphore_mem>>, %arg18: memref<!tpu.dma_semaphore, #tpu.memory_space<semaphore_mem>>, %arg19: memref<!tpu.dma_semaphore, #tpu.memory_space<semaphore_mem>>, %arg20: memref<!tpu.dma_semaphore, #tpu.memory_space<semaphore_mem>>, %arg21: memref<!tpu.dma_semaphore, #tpu.memory_space<semaphore_mem>>, %arg22: memref<!tpu.dma_semaphore, #tpu.memory_space<semaphore_mem>>) attributes {dimension_semantics = [#tpu.dimension_semantics<core_parallel>, #tpu.dimension_semantics<subcore_parallel>], iteration_bounds = array<i64: 2, 16>, scalar_prefetch = 0 : i64, scratch_operands = 17 : i64, tpu.core_type = #tpu.core_type<sc_vector_subcore>, window_params = [{transform_indices = #map}, {transform_indices = #map1}, {transform_indices = #map1}, {transform_indices = #map1}]} {
    %mul3A = arith.constant 2 : i32
    %mul3A_0 = arith.muli %arg1, %mul3A : i32
    %add3A = arith.addi %mul3A_0, %arg0 : i32
    %mul3A_1 = arith.constant 128 : i32
    %mul3A_2 = arith.muli %add3A, %mul3A_1 : i32
    %add3A_3 = arith.constant 0 : i32
    %add3A_4 = arith.addi %add3A_3, %mul3A_2 : i32
    %add3A_5 = arith.constant 4096 : i32
    %add3A_6 = arith.addi %add3A_5, %mul3A_2 : i32
    %add3A_7 = arith.constant 8192 : i32
    %add3A_8 = arith.addi %add3A_7, %mul3A_2 : i32
    %add3A_9 = arith.constant 12288 : i32
    %add3A_10 = arith.addi %add3A_9, %mul3A_2 : i32
    %dma_start3A = arith.constant 0 : i32
    %dma_start3A_11 = tpu.memref_slice %arg6[%dma_start3A] : memref<512xi32, #tpu.memory_space<vmem>> -> memref<128xi32, #tpu.memory_space<vmem>>
    %dma_start3A_12 = tpu.memref_slice %arg2[%add3A_4] : memref<16384xi32, #tpu.memory_space<hbm>> -> memref<128xi32, #tpu.memory_space<hbm>>
    %dma_start3A_13 = arith.constant 0 : i32
    %dma_start3A_14 = tpu.memref_slice %arg6[%dma_start3A_13] : memref<512xi32, #tpu.memory_space<vmem>> -> memref<128xi32, #tpu.memory_space<vmem>>
    %dma_start3A_15 = tpu.memref_slice %arg2[%add3A_4] : memref<16384xi32, #tpu.memory_space<hbm>> -> memref<128xi32, #tpu.memory_space<hbm>>
    tpu.enqueue_dma source(%dma_start3A_15 : memref<128xi32, #tpu.memory_space<hbm>>) target(%dma_start3A_14 : memref<128xi32, #tpu.memory_space<vmem>>) target_semaphore(%arg14 : memref<!tpu.dma_semaphore, #tpu.memory_space<semaphore_mem>>)
    %dma_start3A_16 = arith.constant 128 : i32
    %dma_start3A_17 = tpu.memref_slice %arg6[%dma_start3A_16] : memref<512xi32, #tpu.memory_space<vmem>> -> memref<128xi32, #tpu.memory_space<vmem>>
    %dma_start3A_18 = tpu.memref_slice %arg2[%add3A_6] : memref<16384xi32, #tpu.memory_space<hbm>> -> memref<128xi32, #tpu.memory_space<hbm>>
    %dma_start3A_19 = arith.constant 128 : i32
    %dma_start3A_20 = tpu.memref_slice %arg6[%dma_start3A_19] : memref<512xi32, #tpu.memory_space<vmem>> -> memref<128xi32, #tpu.memory_space<vmem>>
    %dma_start3A_21 = tpu.memref_slice %arg2[%add3A_6] : memref<16384xi32, #tpu.memory_space<hbm>> -> memref<128xi32, #tpu.memory_space<hbm>>
    tpu.enqueue_dma source(%dma_start3A_21 : memref<128xi32, #tpu.memory_space<hbm>>) target(%dma_start3A_20 : memref<128xi32, #tpu.memory_space<vmem>>) target_semaphore(%arg15 : memref<!tpu.dma_semaphore, #tpu.memory_space<semaphore_mem>>)
    %dma_start3A_22 = arith.constant 256 : i32
    %dma_start3A_23 = tpu.memref_slice %arg6[%dma_start3A_22] : memref<512xi32, #tpu.memory_space<vmem>> -> memref<128xi32, #tpu.memory_space<vmem>>
    %dma_start3A_24 = tpu.memref_slice %arg2[%add3A_8] : memref<16384xi32, #tpu.memory_space<hbm>> -> memref<128xi32, #tpu.memory_space<hbm>>
    %dma_start3A_25 = arith.constant 256 : i32
    %dma_start3A_26 = tpu.memref_slice %arg6[%dma_start3A_25] : memref<512xi32, #tpu.memory_space<vmem>> -> memref<128xi32, #tpu.memory_space<vmem>>
    %dma_start3A_27 = tpu.memref_slice %arg2[%add3A_8] : memref<16384xi32, #tpu.memory_space<hbm>> -> memref<128xi32, #tpu.memory_space<hbm>>
    tpu.enqueue_dma source(%dma_start3A_27 : memref<128xi32, #tpu.memory_space<hbm>>) target(%dma_start3A_26 : memref<128xi32, #tpu.memory_space<vmem>>) target_semaphore(%arg16 : memref<!tpu.dma_semaphore, #tpu.memory_space<semaphore_mem>>)
    %dma_start3A_28 = arith.constant 384 : i32
    %dma_start3A_29 = tpu.memref_slice %arg6[%dma_start3A_28] : memref<512xi32, #tpu.memory_space<vmem>> -> memref<128xi32, #tpu.memory_space<vmem>>
    %dma_start3A_30 = tpu.memref_slice %arg2[%add3A_10] : memref<16384xi32, #tpu.memory_space<hbm>> -> memref<128xi32, #tpu.memory_space<hbm>>
    %dma_start3A_31 = arith.constant 384 : i32
    %dma_start3A_32 = tpu.memref_slice %arg6[%dma_start3A_31] : memref<512xi32, #tpu.memory_space<vmem>> -> memref<128xi32, #tpu.memory_space<vmem>>
    %dma_start3A_33 = tpu.memref_slice %arg2[%add3A_10] : memref<16384xi32, #tpu.memory_space<hbm>> -> memref<128xi32, #tpu.memory_space<hbm>>
    tpu.enqueue_dma source(%dma_start3A_33 : memref<128xi32, #tpu.memory_space<hbm>>) target(%dma_start3A_32 : memref<128xi32, #tpu.memory_space<vmem>>) target_semaphore(%arg22 : memref<!tpu.dma_semaphore, #tpu.memory_space<semaphore_mem>>)
    %dma_wait3A = arith.constant 0 : i32
    %dma_wait3A_34 = tpu.memref_slice %arg6[%dma_wait3A] : memref<512xi32, #tpu.memory_space<vmem>> -> memref<128xi32, #tpu.memory_space<vmem>>
    %dma_wait3A_35 = tpu.memref_slice %arg2[%add3A_4] : memref<16384xi32, #tpu.memory_space<hbm>> -> memref<128xi32, #tpu.memory_space<hbm>>
    %dma_wait3A_36 = arith.constant 0 : i32
    %dma_wait3A_37 = tpu.memref_slice %arg6[%dma_wait3A_36] : memref<512xi32, #tpu.memory_space<vmem>> -> memref<128xi32, #tpu.memory_space<vmem>>
    %dma_wait3A_38 = tpu.memref_slice %arg2[%add3A_4] : memref<16384xi32, #tpu.memory_space<hbm>> -> memref<128xi32, #tpu.memory_space<hbm>>
    tpu.wait_dma2 semaphore(%arg14 : memref<!tpu.dma_semaphore, #tpu.memory_space<semaphore_mem>>) src(%dma_wait3A_38 : memref<128xi32, #tpu.memory_space<hbm>>) dst(%dma_wait3A_37 : memref<128xi32, #tpu.memory_space<vmem>>)
    %dma_wait3A_39 = arith.constant 128 : i32
    %dma_wait3A_40 = tpu.memref_slice %arg6[%dma_wait3A_39] : memref<512xi32, #tpu.memory_space<vmem>> -> memref<128xi32, #tpu.memory_space<vmem>>
    %dma_wait3A_41 = tpu.memref_slice %arg2[%add3A_6] : memref<16384xi32, #tpu.memory_space<hbm>> -> memref<128xi32, #tpu.memory_space<hbm>>
    %dma_wait3A_42 = arith.constant 128 : i32
    %dma_wait3A_43 = tpu.memref_slice %arg6[%dma_wait3A_42] : memref<512xi32, #tpu.memory_space<vmem>> -> memref<128xi32, #tpu.memory_space<vmem>>
    %dma_wait3A_44 = tpu.memref_slice %arg2[%add3A_6] : memref<16384xi32, #tpu.memory_space<hbm>> -> memref<128xi32, #tpu.memory_space<hbm>>
    tpu.wait_dma2 semaphore(%arg15 : memref<!tpu.dma_semaphore, #tpu.memory_space<semaphore_mem>>) src(%dma_wait3A_44 : memref<128xi32, #tpu.memory_space<hbm>>) dst(%dma_wait3A_43 : memref<128xi32, #tpu.memory_space<vmem>>)
    %dma_wait3A_45 = arith.constant 256 : i32
    %dma_wait3A_46 = tpu.memref_slice %arg6[%dma_wait3A_45] : memref<512xi32, #tpu.memory_space<vmem>> -> memref<128xi32, #tpu.memory_space<vmem>>
    %dma_wait3A_47 = tpu.memref_slice %arg2[%add3A_8] : memref<16384xi32, #tpu.memory_space<hbm>> -> memref<128xi32, #tpu.memory_space<hbm>>
    %dma_wait3A_48 = arith.constant 256 : i32
    %dma_wait3A_49 = tpu.memref_slice %arg6[%dma_wait3A_48] : memref<512xi32, #tpu.memory_space<vmem>> -> memref<128xi32, #tpu.memory_space<vmem>>
    %dma_wait3A_50 = tpu.memref_slice %arg2[%add3A_8] : memref<16384xi32, #tpu.memory_space<hbm>> -> memref<128xi32, #tpu.memory_space<hbm>>
    tpu.wait_dma2 semaphore(%arg16 : memref<!tpu.dma_semaphore, #tpu.memory_space<semaphore_mem>>) src(%dma_wait3A_50 : memref<128xi32, #tpu.memory_space<hbm>>) dst(%dma_wait3A_49 : memref<128xi32, #tpu.memory_space<vmem>>)
    %dma_wait3A_51 = arith.constant 384 : i32
    %dma_wait3A_52 = tpu.memref_slice %arg6[%dma_wait3A_51] : memref<512xi32, #tpu.memory_space<vmem>> -> memref<128xi32, #tpu.memory_space<vmem>>
    %dma_wait3A_53 = tpu.memref_slice %arg2[%add3A_10] : memref<16384xi32, #tpu.memory_space<hbm>> -> memref<128xi32, #tpu.memory_space<hbm>>
    %dma_wait3A_54 = arith.constant 384 : i32
    %dma_wait3A_55 = tpu.memref_slice %arg6[%dma_wait3A_54] : memref<512xi32, #tpu.memory_space<vmem>> -> memref<128xi32, #tpu.memory_space<vmem>>
    %dma_wait3A_56 = tpu.memref_slice %arg2[%add3A_10] : memref<16384xi32, #tpu.memory_space<hbm>> -> memref<128xi32, #tpu.memory_space<hbm>>
    tpu.wait_dma2 semaphore(%arg22 : memref<!tpu.dma_semaphore, #tpu.memory_space<semaphore_mem>>) src(%dma_wait3A_56 : memref<128xi32, #tpu.memory_space<hbm>>) dst(%dma_wait3A_55 : memref<128xi32, #tpu.memory_space<vmem>>)
    %dma_start3A_57 = arith.constant 0 : i32
    %dma_start3A_58 = tpu.memref_slice %arg6[%dma_start3A_57] : memref<512xi32, #tpu.memory_space<vmem>> -> memref<16xi32, #tpu.memory_space<vmem>>
    %dma_start3A_59 = arith.constant 0 : i32
    %dma_start3A_60 = arith.constant 0 : i32
    %dma_start3A_61 = tpu.memref_slice %arg3[%dma_start3A_59, %dma_start3A_60] : memref<100000x1024xf32, #tpu.memory_space<hbm>> -> memref<100000x1024xf32, #tpu.memory_space<hbm>>
    tpu.enqueue_indirect_dma source(%dma_start3A_61 : memref<100000x1024xf32, #tpu.memory_space<hbm>>) target(%arg7 : memref<16x1024xf32, #tpu.memory_space<vmem>>) offsets(%dma_start3A_58 : memref<16xi32, #tpu.memory_space<vmem>>) semaphore(%arg13 : memref<!tpu.dma_semaphore, #tpu.memory_space<semaphore_mem>>)
    %add3A_62 = arith.constant 0 : i32
    %add3A_63 = arith.addi %mul3A_2, %add3A_62 : i32
    %dma_start3A_64 = arith.constant 0 : i32
    %dma_start3A_65 = tpu.memref_slice %arg4[%add3A_63, %dma_start3A_64] : memref<4096x1024xf32, #tpu.memory_space<hbm>> -> memref<16x1024xf32, #tpu.memory_space<hbm>>
    %dma_start3A_66 = arith.constant 0 : i32
    %dma_start3A_67 = tpu.memref_slice %arg4[%add3A_63, %dma_start3A_66] : memref<4096x1024xf32, #tpu.memory_space<hbm>> -> memref<16x1024xf32, #tpu.memory_space<hbm>>
    tpu.enqueue_dma source(%dma_start3A_67 : memref<16x1024xf32, #tpu.memory_space<hbm>>) target(%arg11 : memref<16x1024xf32, #tpu.memory_space<vmem>>) target_semaphore(%arg21 : memref<!tpu.dma_semaphore, #tpu.memory_space<semaphore_mem>>)
    %add3A_68 = arith.constant 16 : i32
    %add3A_69 = arith.addi %mul3A_2, %add3A_68 : i32
    %dma_start3A_70 = arith.constant 0 : i32
    %dma_start3A_71 = tpu.memref_slice %arg4[%add3A_69, %dma_start3A_70] : memref<4096x1024xf32, #tpu.memory_space<hbm>> -> memref<16x1024xf32, #tpu.memory_space<hbm>>
    %dma_start3A_72 = arith.constant 0 : i32
    %dma_start3A_73 = tpu.memref_slice %arg4[%add3A_69, %dma_start3A_72] : memref<4096x1024xf32, #tpu.memory_space<hbm>> -> memref<16x1024xf32, #tpu.memory_space<hbm>>
    tpu.enqueue_dma source(%dma_start3A_73 : memref<16x1024xf32, #tpu.memory_space<hbm>>) target(%arg12 : memref<16x1024xf32, #tpu.memory_space<vmem>>) target_semaphore(%arg22 : memref<!tpu.dma_semaphore, #tpu.memory_space<semaphore_mem>>)
    %dma_start3A_74 = arith.constant 128 : i32
    %dma_start3A_75 = tpu.memref_slice %arg6[%dma_start3A_74] : memref<512xi32, #tpu.memory_space<vmem>> -> memref<16xi32, #tpu.memory_space<vmem>>
    %dma_start3A_76 = arith.constant 0 : i32
    %dma_start3A_77 = arith.constant 0 : i32
    %dma_start3A_78 = tpu.memref_slice %arg3[%dma_start3A_76, %dma_start3A_77] : memref<100000x1024xf32, #tpu.memory_space<hbm>> -> memref<100000x1024xf32, #tpu.memory_space<hbm>>
    tpu.enqueue_indirect_dma source(%dma_start3A_78 : memref<100000x1024xf32, #tpu.memory_space<hbm>>) target(%arg8 : memref<16x1024xf32, #tpu.memory_space<vmem>>) offsets(%dma_start3A_75 : memref<16xi32, #tpu.memory_space<vmem>>) semaphore(%arg14 : memref<!tpu.dma_semaphore, #tpu.memory_space<semaphore_mem>>)
    %dma_wait3A_79 = arith.constant 0 : i32
    %dma_wait3A_80 = tpu.memref_slice %arg6[%dma_wait3A_79] : memref<512xi32, #tpu.memory_space<vmem>> -> memref<16xi32, #tpu.memory_space<vmem>>
    %dma_wait3A_81 = arith.constant 0 : i32
    %dma_wait3A_82 = arith.constant 0 : i32
    %dma_wait3A_83 = tpu.memref_slice %arg3[%dma_wait3A_81, %dma_wait3A_82] : memref<100000x1024xf32, #tpu.memory_space<hbm>> -> memref<100000x1024xf32, #tpu.memory_space<hbm>>
    tpu.wait_indirect_dma semaphore(%arg13 : memref<!tpu.dma_semaphore, #tpu.memory_space<semaphore_mem>>) src(%dma_wait3A_83 : memref<100000x1024xf32, #tpu.memory_space<hbm>>) dst(%arg7 : memref<16x1024xf32, #tpu.memory_space<vmem>>)
    %add3A_84 = arith.constant 0 : i32
    %add3A_85 = arith.addi %mul3A_2, %add3A_84 : i32
    %dma_wait3A_86 = arith.constant 0 : i32
    %dma_wait3A_87 = tpu.memref_slice %arg4[%add3A_85, %dma_wait3A_86] : memref<4096x1024xf32, #tpu.memory_space<hbm>> -> memref<16x1024xf32, #tpu.memory_space<hbm>>
    %dma_wait3A_88 = arith.constant 0 : i32
    %dma_wait3A_89 = tpu.memref_slice %arg4[%add3A_85, %dma_wait3A_88] : memref<4096x1024xf32, #tpu.memory_space<hbm>> -> memref<16x1024xf32, #tpu.memory_space<hbm>>
    tpu.wait_dma2 semaphore(%arg21 : memref<!tpu.dma_semaphore, #tpu.memory_space<semaphore_mem>>) src(%dma_wait3A_89 : memref<16x1024xf32, #tpu.memory_space<hbm>>) dst(%arg11 : memref<16x1024xf32, #tpu.memory_space<vmem>>)
    %scan3A = arith.constant 0 : i32
    %scan3A_90 = arith.constant 0 : i32
    %scan3A_91 = arith.constant 128 : i32
    %scan3A_92 = arith.addi %scan3A_90, %scan3A_91 : i32
    %scan3A_93 = arith.constant 1 : i32
    scf.for %scan3A_342 = %scan3A_90 to %scan3A_92 step %scan3A_93  : i32 {
      %mul3A_343 = arith.constant 8 : i32
      %mul3A_344 = arith.muli %scan3A_342, %mul3A_343 : i32
      %add3A_345 = arith.constant 0 : i32
      %add3A_346 = arith.addi %mul3A_344, %add3A_345 : i32
      %shift_right_logical3A = arith.constant 6 : i32
      %shift_right_logical3A_347 = arith.shrui %add3A_346, %shift_right_logical3A : i32
      %and3A = arith.constant 63 : i32
      %and3A_348 = arith.andi %add3A_346, %and3A : i32
      %mul3A_349 = arith.constant 16 : i32
      %mul3A_350 = arith.muli %and3A_348, %mul3A_349 : i32
      %get3A = arith.index_cast %shift_right_logical3A_347 : i32 to index
      %get3A_351 = arith.index_cast %mul3A_350 : i32 to index
      %get3A_352 = tpu.vector_load %arg7[%get3A, %get3A_351] {strides = array<i32>} : memref<16x1024xf32, #tpu.memory_space<vmem>>, vector<1x16xf32>,
      %get3A_353 = vector.shape_cast %get3A_352 : vector<1x16xf32> to vector<16xf32>
      %mul3A_354 = arith.constant 3.200000e+01 : f32
      %mul3A_355 = vector.broadcast %mul3A_354 : f32 to vector<16xf32>
      %mul3A_356 = arith.mulf %get3A_353, %mul3A_355 : vector<16xf32>
      %get3A_357 = arith.index_cast %shift_right_logical3A_347 : i32 to index
      %get3A_358 = arith.index_cast %mul3A_350 : i32 to index
      %get3A_359 = tpu.vector_load %arg11[%get3A_357, %get3A_358] {strides = array<i32>} : memref<16x1024xf32, #tpu.memory_space<vmem>>, vector<1x16xf32>,
      %get3A_360 = vector.shape_cast %get3A_359 : vector<1x16xf32> to vector<16xf32>
      %add3A_361 = arith.addf %mul3A_356, %get3A_360 : vector<16xf32>
      %swap3A = arith.index_cast %shift_right_logical3A_347 : i32 to index
      %swap3A_362 = arith.index_cast %mul3A_350 : i32 to index
      %swap3A_363 = tpu.vector_load %arg7[%swap3A, %swap3A_362] {strides = array<i32>} : memref<16x1024xf32, #tpu.memory_space<vmem>>, vector<1x16xf32>,
      %swap3A_364 = vector.shape_cast %swap3A_363 : vector<1x16xf32> to vector<16xf32>
      %swap3A_365 = vector.shape_cast %add3A_361 : vector<16xf32> to vector<1x16xf32>
      tpu.vector_store %arg7[%swap3A, %swap3A_362], %swap3A_365 {strides = array<i32>} : memref<16x1024xf32, #tpu.memory_space<vmem>>, vector<1x16xf32>,
      %add3A_366 = arith.constant 1 : i32
      %add3A_367 = arith.addi %mul3A_344, %add3A_366 : i32
      %shift_right_logical3A_368 = arith.constant 6 : i32
      %shift_right_logical3A_369 = arith.shrui %add3A_367, %shift_right_logical3A_368 : i32
      %and3A_370 = arith.constant 63 : i32
      %and3A_371 = arith.andi %add3A_367, %and3A_370 : i32
      %mul3A_372 = arith.constant 16 : i32
      %mul3A_373 = arith.muli %and3A_371, %mul3A_372 : i32
      %get3A_374 = arith.index_cast %shift_right_logical3A_369 : i32 to index
      %get3A_375 = arith.index_cast %mul3A_373 : i32 to index
      %get3A_376 = tpu.vector_load %arg7[%get3A_374, %get3A_375] {strides = array<i32>} : memref<16x1024xf32, #tpu.memory_space<vmem>>, vector<1x16xf32>,
      %get3A_377 = vector.shape_cast %get3A_376 : vector<1x16xf32> to vector<16xf32>
      %mul3A_378 = arith.constant 3.200000e+01 : f32
      %mul3A_379 = vector.broadcast %mul3A_378 : f32 to vector<16xf32>
      %mul3A_380 = arith.mulf %get3A_377, %mul3A_379 : vector<16xf32>
      %get3A_381 = arith.index_cast %shift_right_logical3A_369 : i32 to index
      %get3A_382 = arith.index_cast %mul3A_373 : i32 to index
      %get3A_383 = tpu.vector_load %arg11[%get3A_381, %get3A_382] {strides = array<i32>} : memref<16x1024xf32, #tpu.memory_space<vmem>>, vector<1x16xf32>,
      %get3A_384 = vector.shape_cast %get3A_383 : vector<1x16xf32> to vector<16xf32>
      %add3A_385 = arith.addf %mul3A_380, %get3A_384 : vector<16xf32>
      %swap3A_386 = arith.index_cast %shift_right_logical3A_369 : i32 to index
      %swap3A_387 = arith.index_cast %mul3A_373 : i32 to index
      %swap3A_388 = tpu.vector_load %arg7[%swap3A_386, %swap3A_387] {strides = array<i32>} : memref<16x1024xf32, #tpu.memory_space<vmem>>, vector<1x16xf32>,
      %swap3A_389 = vector.shape_cast %swap3A_388 : vector<1x16xf32> to vector<16xf32>
      %swap3A_390 = vector.shape_cast %add3A_385 : vector<16xf32> to vector<1x16xf32>
      tpu.vector_store %arg7[%swap3A_386, %swap3A_387], %swap3A_390 {strides = array<i32>} : memref<16x1024xf32, #tpu.memory_space<vmem>>, vector<1x16xf32>,
      %add3A_391 = arith.constant 2 : i32
      %add3A_392 = arith.addi %mul3A_344, %add3A_391 : i32
      %shift_right_logical3A_393 = arith.constant 6 : i32
      %shift_right_logical3A_394 = arith.shrui %add3A_392, %shift_right_logical3A_393 : i32
      %and3A_395 = arith.constant 63 : i32
      %and3A_396 = arith.andi %add3A_392, %and3A_395 : i32
      %mul3A_397 = arith.constant 16 : i32
      %mul3A_398 = arith.muli %and3A_396, %mul3A_397 : i32
      %get3A_399 = arith.index_cast %shift_right_logical3A_394 : i32 to index
      %get3A_400 = arith.index_cast %mul3A_398 : i32 to index
      %get3A_401 = tpu.vector_load %arg7[%get3A_399, %get3A_400] {strides = array<i32>} : memref<16x1024xf32, #tpu.memory_space<vmem>>, vector<1x16xf32>,
      %get3A_402 = vector.shape_cast %get3A_401 : vector<1x16xf32> to vector<16xf32>
      %mul3A_403 = arith.constant 3.200000e+01 : f32
      %mul3A_404 = vector.broadcast %mul3A_403 : f32 to vector<16xf32>
      %mul3A_405 = arith.mulf %get3A_402, %mul3A_404 : vector<16xf32>
      %get3A_406 = arith.index_cast %shift_right_logical3A_394 : i32 to index
      %get3A_407 = arith.index_cast %mul3A_398 : i32 to index
      %get3A_408 = tpu.vector_load %arg11[%get3A_406, %get3A_407] {strides = array<i32>} : memref<16x1024xf32, #tpu.memory_space<vmem>>, vector<1x16xf32>,
      %get3A_409 = vector.shape_cast %get3A_408 : vector<1x16xf32> to vector<16xf32>
      %add3A_410 = arith.addf %mul3A_405, %get3A_409 : vector<16xf32>
      %swap3A_411 = arith.index_cast %shift_right_logical3A_394 : i32 to index
      %swap3A_412 = arith.index_cast %mul3A_398 : i32 to index
      %swap3A_413 = tpu.vector_load %arg7[%swap3A_411, %swap3A_412] {strides = array<i32>} : memref<16x1024xf32, #tpu.memory_space<vmem>>, vector<1x16xf32>,
      %swap3A_414 = vector.shape_cast %swap3A_413 : vector<1x16xf32> to vector<16xf32>
      %swap3A_415 = vector.shape_cast %add3A_410 : vector<16xf32> to vector<1x16xf32>
      tpu.vector_store %arg7[%swap3A_411, %swap3A_412], %swap3A_415 {strides = array<i32>} : memref<16x1024xf32, #tpu.memory_space<vmem>>, vector<1x16xf32>,
      %add3A_416 = arith.constant 3 : i32
      %add3A_417 = arith.addi %mul3A_344, %add3A_416 : i32
      %shift_right_logical3A_418 = arith.constant 6 : i32
      %shift_right_logical3A_419 = arith.shrui %add3A_417, %shift_right_logical3A_418 : i32
      %and3A_420 = arith.constant 63 : i32
      %and3A_421 = arith.andi %add3A_417, %and3A_420 : i32
      %mul3A_422 = arith.constant 16 : i32
      %mul3A_423 = arith.muli %and3A_421, %mul3A_422 : i32
      %get3A_424 = arith.index_cast %shift_right_logical3A_419 : i32 to index
      %get3A_425 = arith.index_cast %mul3A_423 : i32 to index
      %get3A_426 = tpu.vector_load %arg7[%get3A_424, %get3A_425] {strides = array<i32>} : memref<16x1024xf32, #tpu.memory_space<vmem>>, vector<1x16xf32>,
      %get3A_427 = vector.shape_cast %get3A_426 : vector<1x16xf32> to vector<16xf32>
      %mul3A_428 = arith.constant 3.200000e+01 : f32
      %mul3A_429 = vector.broadcast %mul3A_428 : f32 to vector<16xf32>
      %mul3A_430 = arith.mulf %get3A_427, %mul3A_429 : vector<16xf32>
      %get3A_431 = arith.index_cast %shift_right_logical3A_419 : i32 to index
      %get3A_432 = arith.index_cast %mul3A_423 : i32 to index
      %get3A_433 = tpu.vector_load %arg11[%get3A_431, %get3A_432] {strides = array<i32>} : memref<16x1024xf32, #tpu.memory_space<vmem>>, vector<1x16xf32>,
      %get3A_434 = vector.shape_cast %get3A_433 : vector<1x16xf32> to vector<16xf32>
      %add3A_435 = arith.addf %mul3A_430, %get3A_434 : vector<16xf32>
      %swap3A_436 = arith.index_cast %shift_right_logical3A_419 : i32 to index
      %swap3A_437 = arith.index_cast %mul3A_423 : i32 to index
      %swap3A_438 = tpu.vector_load %arg7[%swap3A_436, %swap3A_437] {strides = array<i32>} : memref<16x1024xf32, #tpu.memory_space<vmem>>, vector<1x16xf32>,
      %swap3A_439 = vector.shape_cast %swap3A_438 : vector<1x16xf32> to vector<16xf32>
      %swap3A_440 = vector.shape_cast %add3A_435 : vector<16xf32> to vector<1x16xf32>
      tpu.vector_store %arg7[%swap3A_436, %swap3A_437], %swap3A_440 {strides = array<i32>} : memref<16x1024xf32, #tpu.memory_space<vmem>>, vector<1x16xf32>,
      %add3A_441 = arith.constant 4 : i32
      %add3A_442 = arith.addi %mul3A_344, %add3A_441 : i32
      %shift_right_logical3A_443 = arith.constant 6 : i32
      %shift_right_logical3A_444 = arith.shrui %add3A_442, %shift_right_logical3A_443 : i32
      %and3A_445 = arith.constant 63 : i32
      %and3A_446 = arith.andi %add3A_442, %and3A_445 : i32
      %mul3A_447 = arith.constant 16 : i32
      %mul3A_448 = arith.muli %and3A_446, %mul3A_447 : i32
      %get3A_449 = arith.index_cast %shift_right_logical3A_444 : i32 to index
      %get3A_450 = arith.index_cast %mul3A_448 : i32 to index
      %get3A_451 = tpu.vector_load %arg7[%get3A_449, %get3A_450] {strides = array<i32>} : memref<16x1024xf32, #tpu.memory_space<vmem>>, vector<1x16xf32>,
      %get3A_452 = vector.shape_cast %get3A_451 : vector<1x16xf32> to vector<16xf32>
      %mul3A_453 = arith.constant 3.200000e+01 : f32
      %mul3A_454 = vector.broadcast %mul3A_453 : f32 to vector<16xf32>
      %mul3A_455 = arith.mulf %get3A_452, %mul3A_454 : vector<16xf32>
      %get3A_456 = arith.index_cast %shift_right_logical3A_444 : i32 to index
      %get3A_457 = arith.index_cast %mul3A_448 : i32 to index
      %get3A_458 = tpu.vector_load %arg11[%get3A_456, %get3A_457] {strides = array<i32>} : memref<16x1024xf32, #tpu.memory_space<vmem>>, vector<1x16xf32>,
      %get3A_459 = vector.shape_cast %get3A_458 : vector<1x16xf32> to vector<16xf32>
      %add3A_460 = arith.addf %mul3A_455, %get3A_459 : vector<16xf32>
      %swap3A_461 = arith.index_cast %shift_right_logical3A_444 : i32 to index
      %swap3A_462 = arith.index_cast %mul3A_448 : i32 to index
      %swap3A_463 = tpu.vector_load %arg7[%swap3A_461, %swap3A_462] {strides = array<i32>} : memref<16x1024xf32, #tpu.memory_space<vmem>>, vector<1x16xf32>,
      %swap3A_464 = vector.shape_cast %swap3A_463 : vector<1x16xf32> to vector<16xf32>
      %swap3A_465 = vector.shape_cast %add3A_460 : vector<16xf32> to vector<1x16xf32>
      tpu.vector_store %arg7[%swap3A_461, %swap3A_462], %swap3A_465 {strides = array<i32>} : memref<16x1024xf32, #tpu.memory_space<vmem>>, vector<1x16xf32>,
      %add3A_466 = arith.constant 5 : i32
      %add3A_467 = arith.addi %mul3A_344, %add3A_466 : i32
      %shift_right_logical3A_468 = arith.constant 6 : i32
      %shift_right_logical3A_469 = arith.shrui %add3A_467, %shift_right_logical3A_468 : i32
      %and3A_470 = arith.constant 63 : i32
      %and3A_471 = arith.andi %add3A_467, %and3A_470 : i32
      %mul3A_472 = arith.constant 16 : i32
      %mul3A_473 = arith.muli %and3A_471, %mul3A_472 : i32
      %get3A_474 = arith.index_cast %shift_right_logical3A_469 : i32 to index
      %get3A_475 = arith.index_cast %mul3A_473 : i32 to index
      %get3A_476 = tpu.vector_load %arg7[%get3A_474, %get3A_475] {strides = array<i32>} : memref<16x1024xf32, #tpu.memory_space<vmem>>, vector<1x16xf32>,
      %get3A_477 = vector.shape_cast %get3A_476 : vector<1x16xf32> to vector<16xf32>
      %mul3A_478 = arith.constant 3.200000e+01 : f32
      %mul3A_479 = vector.broadcast %mul3A_478 : f32 to vector<16xf32>
      %mul3A_480 = arith.mulf %get3A_477, %mul3A_479 : vector<16xf32>
      %get3A_481 = arith.index_cast %shift_right_logical3A_469 : i32 to index
      %get3A_482 = arith.index_cast %mul3A_473 : i32 to index
      %get3A_483 = tpu.vector_load %arg11[%get3A_481, %get3A_482] {strides = array<i32>} : memref<16x1024xf32, #tpu.memory_space<vmem>>, vector<1x16xf32>,
      %get3A_484 = vector.shape_cast %get3A_483 : vector<1x16xf32> to vector<16xf32>
      %add3A_485 = arith.addf %mul3A_480, %get3A_484 : vector<16xf32>
      %swap3A_486 = arith.index_cast %shift_right_logical3A_469 : i32 to index
      %swap3A_487 = arith.index_cast %mul3A_473 : i32 to index
      %swap3A_488 = tpu.vector_load %arg7[%swap3A_486, %swap3A_487] {strides = array<i32>} : memref<16x1024xf32, #tpu.memory_space<vmem>>, vector<1x16xf32>,
      %swap3A_489 = vector.shape_cast %swap3A_488 : vector<1x16xf32> to vector<16xf32>
      %swap3A_490 = vector.shape_cast %add3A_485 : vector<16xf32> to vector<1x16xf32>
      tpu.vector_store %arg7[%swap3A_486, %swap3A_487], %swap3A_490 {strides = array<i32>} : memref<16x1024xf32, #tpu.memory_space<vmem>>, vector<1x16xf32>,
      %add3A_491 = arith.constant 6 : i32
      %add3A_492 = arith.addi %mul3A_344, %add3A_491 : i32
      %shift_right_logical3A_493 = arith.constant 6 : i32
      %shift_right_logical3A_494 = arith.shrui %add3A_492, %shift_right_logical3A_493 : i32
      %and3A_495 = arith.constant 63 : i32
      %and3A_496 = arith.andi %add3A_492, %and3A_495 : i32
      %mul3A_497 = arith.constant 16 : i32
      %mul3A_498 = arith.muli %and3A_496, %mul3A_497 : i32
      %get3A_499 = arith.index_cast %shift_right_logical3A_494 : i32 to index
      %get3A_500 = arith.index_cast %mul3A_498 : i32 to index
      %get3A_501 = tpu.vector_load %arg7[%get3A_499, %get3A_500] {strides = array<i32>} : memref<16x1024xf32, #tpu.memory_space<vmem>>, vector<1x16xf32>,
      %get3A_502 = vector.shape_cast %get3A_501 : vector<1x16xf32> to vector<16xf32>
      %mul3A_503 = arith.constant 3.200000e+01 : f32
      %mul3A_504 = vector.broadcast %mul3A_503 : f32 to vector<16xf32>
      %mul3A_505 = arith.mulf %get3A_502, %mul3A_504 : vector<16xf32>
      %get3A_506 = arith.index_cast %shift_right_logical3A_494 : i32 to index
      %get3A_507 = arith.index_cast %mul3A_498 : i32 to index
      %get3A_508 = tpu.vector_load %arg11[%get3A_506, %get3A_507] {strides = array<i32>} : memref<16x1024xf32, #tpu.memory_space<vmem>>, vector<1x16xf32>,
      %get3A_509 = vector.shape_cast %get3A_508 : vector<1x16xf32> to vector<16xf32>
      %add3A_510 = arith.addf %mul3A_505, %get3A_509 : vector<16xf32>
      %swap3A_511 = arith.index_cast %shift_right_logical3A_494 : i32 to index
      %swap3A_512 = arith.index_cast %mul3A_498 : i32 to index
      %swap3A_513 = tpu.vector_load %arg7[%swap3A_511, %swap3A_512] {strides = array<i32>} : memref<16x1024xf32, #tpu.memory_space<vmem>>, vector<1x16xf32>,
      %swap3A_514 = vector.shape_cast %swap3A_513 : vector<1x16xf32> to vector<16xf32>
      %swap3A_515 = vector.shape_cast %add3A_510 : vector<16xf32> to vector<1x16xf32>
      tpu.vector_store %arg7[%swap3A_511, %swap3A_512], %swap3A_515 {strides = array<i32>} : memref<16x1024xf32, #tpu.memory_space<vmem>>, vector<1x16xf32>,
      %add3A_516 = arith.constant 7 : i32
      %add3A_517 = arith.addi %mul3A_344, %add3A_516 : i32
      %shift_right_logical3A_518 = arith.constant 6 : i32
      %shift_right_logical3A_519 = arith.shrui %add3A_517, %shift_right_logical3A_518 : i32
      %and3A_520 = arith.constant 63 : i32
      %and3A_521 = arith.andi %add3A_517, %and3A_520 : i32
      %mul3A_522 = arith.constant 16 : i32
      %mul3A_523 = arith.muli %and3A_521, %mul3A_522 : i32
      %get3A_524 = arith.index_cast %shift_right_logical3A_519 : i32 to index
      %get3A_525 = arith.index_cast %mul3A_523 : i32 to index
      %get3A_526 = tpu.vector_load %arg7[%get3A_524, %get3A_525] {strides = array<i32>} : memref<16x1024xf32, #tpu.memory_space<vmem>>, vector<1x16xf32>,
      %get3A_527 = vector.shape_cast %get3A_526 : vector<1x16xf32> to vector<16xf32>
      %mul3A_528 = arith.constant 3.200000e+01 : f32
      %mul3A_529 = vector.broadcast %mul3A_528 : f32 to vector<16xf32>
      %mul3A_530 = arith.mulf %get3A_527, %mul3A_529 : vector<16xf32>
      %get3A_531 = arith.index_cast %shift_right_logical3A_519 : i32 to index
      %get3A_532 = arith.index_cast %mul3A_523 : i32 to index
      %get3A_533 = tpu.vector_load %arg11[%get3A_531, %get3A_532] {strides = array<i32>} : memref<16x1024xf32, #tpu.memory_space<vmem>>, vector<1x16xf32>,
      %get3A_534 = vector.shape_cast %get3A_533 : vector<1x16xf32> to vector<16xf32>
      %add3A_535 = arith.addf %mul3A_530, %get3A_534 : vector<16xf32>
      %swap3A_536 = arith.index_cast %shift_right_logical3A_519 : i32 to index
      %swap3A_537 = arith.index_cast %mul3A_523 : i32 to index
      %swap3A_538 = tpu.vector_load %arg7[%swap3A_536, %swap3A_537] {strides = array<i32>} : memref<16x1024xf32, #tpu.memory_space<vmem>>, vector<1x16xf32>,
      %swap3A_539 = vector.shape_cast %swap3A_538 : vector<1x16xf32> to vector<16xf32>
      %swap3A_540 = vector.shape_cast %add3A_535 : vector<16xf32> to vector<1x16xf32>
      tpu.vector_store %arg7[%swap3A_536, %swap3A_537], %swap3A_540 {strides = array<i32>} : memref<16x1024xf32, #tpu.memory_space<vmem>>, vector<1x16xf32>,
    }
    %scan3A_94 = arith.constant 128 : i32
    %add3A_95 = arith.constant 0 : i32
    %add3A_96 = arith.addi %add3A_95, %mul3A_2 : i32
    %add3A_97 = arith.constant 0 : i32
    %add3A_98 = arith.addi %add3A_96, %add3A_97 : i32
    %dma_start3A_99 = arith.constant 0 : i32
    %dma_start3A_100 = tpu.memref_slice %arg5[%add3A_98, %dma_start3A_99] : memref<16384x1024xf32, #tpu.memory_space<hbm>> -> memref<16x1024xf32, #tpu.memory_space<hbm>>
    %dma_start3A_101 = arith.constant 0 : i32
    %dma_start3A_102 = tpu.memref_slice %arg5[%add3A_98, %dma_start3A_101] : memref<16384x1024xf32, #tpu.memory_space<hbm>> -> memref<16x1024xf32, #tpu.memory_space<hbm>>
    tpu.enqueue_dma source(%arg7 : memref<16x1024xf32, #tpu.memory_space<vmem>>) target(%dma_start3A_102 : memref<16x1024xf32, #tpu.memory_space<hbm>>) target_semaphore(%arg17 : memref<!tpu.dma_semaphore, #tpu.memory_space<semaphore_mem>>)
    %dma_start3A_103 = arith.constant 256 : i32
    %dma_start3A_104 = tpu.memref_slice %arg6[%dma_start3A_103] : memref<512xi32, #tpu.memory_space<vmem>> -> memref<16xi32, #tpu.memory_space<vmem>>
    %dma_start3A_105 = arith.constant 0 : i32
    %dma_start3A_106 = arith.constant 0 : i32
    %dma_start3A_107 = tpu.memref_slice %arg3[%dma_start3A_105, %dma_start3A_106] : memref<100000x1024xf32, #tpu.memory_space<hbm>> -> memref<100000x1024xf32, #tpu.memory_space<hbm>>
    tpu.enqueue_indirect_dma source(%dma_start3A_107 : memref<100000x1024xf32, #tpu.memory_space<hbm>>) target(%arg9 : memref<16x1024xf32, #tpu.memory_space<vmem>>) offsets(%dma_start3A_104 : memref<16xi32, #tpu.memory_space<vmem>>) semaphore(%arg15 : memref<!tpu.dma_semaphore, #tpu.memory_space<semaphore_mem>>)
    %dma_wait3A_108 = arith.constant 128 : i32
    %dma_wait3A_109 = tpu.memref_slice %arg6[%dma_wait3A_108] : memref<512xi32, #tpu.memory_space<vmem>> -> memref<16xi32, #tpu.memory_space<vmem>>
    %dma_wait3A_110 = arith.constant 0 : i32
    %dma_wait3A_111 = arith.constant 0 : i32
    %dma_wait3A_112 = tpu.memref_slice %arg3[%dma_wait3A_110, %dma_wait3A_111] : memref<100000x1024xf32, #tpu.memory_space<hbm>> -> memref<100000x1024xf32, #tpu.memory_space<hbm>>
    tpu.wait_indirect_dma semaphore(%arg14 : memref<!tpu.dma_semaphore, #tpu.memory_space<semaphore_mem>>) src(%dma_wait3A_112 : memref<100000x1024xf32, #tpu.memory_space<hbm>>) dst(%arg8 : memref<16x1024xf32, #tpu.memory_space<vmem>>)
    %scan3A_113 = arith.constant 0 : i32
    %scan3A_114 = arith.constant 0 : i32
    %scan3A_115 = arith.constant 128 : i32
    %scan3A_116 = arith.addi %scan3A_114, %scan3A_115 : i32
    %scan3A_117 = arith.constant 1 : i32
    scf.for %scan3A_342 = %scan3A_114 to %scan3A_116 step %scan3A_117  : i32 {
      %mul3A_343 = arith.constant 8 : i32
      %mul3A_344 = arith.muli %scan3A_342, %mul3A_343 : i32
      %add3A_345 = arith.constant 0 : i32
      %add3A_346 = arith.addi %mul3A_344, %add3A_345 : i32
      %shift_right_logical3A = arith.constant 6 : i32
      %shift_right_logical3A_347 = arith.shrui %add3A_346, %shift_right_logical3A : i32
      %and3A = arith.constant 63 : i32
      %and3A_348 = arith.andi %add3A_346, %and3A : i32
      %mul3A_349 = arith.constant 16 : i32
      %mul3A_350 = arith.muli %and3A_348, %mul3A_349 : i32
      %get3A = arith.index_cast %shift_right_logical3A_347 : i32 to index
      %get3A_351 = arith.index_cast %mul3A_350 : i32 to index
      %get3A_352 = tpu.vector_load %arg8[%get3A, %get3A_351] {strides = array<i32>} : memref<16x1024xf32, #tpu.memory_space<vmem>>, vector<1x16xf32>,
      %get3A_353 = vector.shape_cast %get3A_352 : vector<1x16xf32> to vector<16xf32>
      %mul3A_354 = arith.constant 3.200000e+01 : f32
      %mul3A_355 = vector.broadcast %mul3A_354 : f32 to vector<16xf32>
      %mul3A_356 = arith.mulf %get3A_353, %mul3A_355 : vector<16xf32>
      %get3A_357 = arith.index_cast %shift_right_logical3A_347 : i32 to index
      %get3A_358 = arith.index_cast %mul3A_350 : i32 to index
      %get3A_359 = tpu.vector_load %arg11[%get3A_357, %get3A_358] {strides = array<i32>} : memref<16x1024xf32, #tpu.memory_space<vmem>>, vector<1x16xf32>,
      %get3A_360 = vector.shape_cast %get3A_359 : vector<1x16xf32> to vector<16xf32>
      %add3A_361 = arith.addf %mul3A_356, %get3A_360 : vector<16xf32>
      %swap3A = arith.index_cast %shift_right_logical3A_347 : i32 to index
      %swap3A_362 = arith.index_cast %mul3A_350 : i32 to index
      %swap3A_363 = tpu.vector_load %arg8[%swap3A, %swap3A_362] {strides = array<i32>} : memref<16x1024xf32, #tpu.memory_space<vmem>>, vector<1x16xf32>,
      %swap3A_364 = vector.shape_cast %swap3A_363 : vector<1x16xf32> to vector<16xf32>
      %swap3A_365 = vector.shape_cast %add3A_361 : vector<16xf32> to vector<1x16xf32>
      tpu.vector_store %arg8[%swap3A, %swap3A_362], %swap3A_365 {strides = array<i32>} : memref<16x1024xf32, #tpu.memory_space<vmem>>, vector<1x16xf32>,
      %add3A_366 = arith.constant 1 : i32
      %add3A_367 = arith.addi %mul3A_344, %add3A_366 : i32
      %shift_right_logical3A_368 = arith.constant 6 : i32
      %shift_right_logical3A_369 = arith.shrui %add3A_367, %shift_right_logical3A_368 : i32
      %and3A_370 = arith.constant 63 : i32
      %and3A_371 = arith.andi %add3A_367, %and3A_370 : i32
      %mul3A_372 = arith.constant 16 : i32
      %mul3A_373 = arith.muli %and3A_371, %mul3A_372 : i32
      %get3A_374 = arith.index_cast %shift_right_logical3A_369 : i32 to index
      %get3A_375 = arith.index_cast %mul3A_373 : i32 to index
      %get3A_376 = tpu.vector_load %arg8[%get3A_374, %get3A_375] {strides = array<i32>} : memref<16x1024xf32, #tpu.memory_space<vmem>>, vector<1x16xf32>,
      %get3A_377 = vector.shape_cast %get3A_376 : vector<1x16xf32> to vector<16xf32>
      %mul3A_378 = arith.constant 3.200000e+01 : f32
      %mul3A_379 = vector.broadcast %mul3A_378 : f32 to vector<16xf32>
      %mul3A_380 = arith.mulf %get3A_377, %mul3A_379 : vector<16xf32>
      %get3A_381 = arith.index_cast %shift_right_logical3A_369 : i32 to index
      %get3A_382 = arith.index_cast %mul3A_373 : i32 to index
      %get3A_383 = tpu.vector_load %arg11[%get3A_381, %get3A_382] {strides = array<i32>} : memref<16x1024xf32, #tpu.memory_space<vmem>>, vector<1x16xf32>,
      %get3A_384 = vector.shape_cast %get3A_383 : vector<1x16xf32> to vector<16xf32>
      %add3A_385 = arith.addf %mul3A_380, %get3A_384 : vector<16xf32>
      %swap3A_386 = arith.index_cast %shift_right_logical3A_369 : i32 to index
      %swap3A_387 = arith.index_cast %mul3A_373 : i32 to index
      %swap3A_388 = tpu.vector_load %arg8[%swap3A_386, %swap3A_387] {strides = array<i32>} : memref<16x1024xf32, #tpu.memory_space<vmem>>, vector<1x16xf32>,
      %swap3A_389 = vector.shape_cast %swap3A_388 : vector<1x16xf32> to vector<16xf32>
      %swap3A_390 = vector.shape_cast %add3A_385 : vector<16xf32> to vector<1x16xf32>
      tpu.vector_store %arg8[%swap3A_386, %swap3A_387], %swap3A_390 {strides = array<i32>} : memref<16x1024xf32, #tpu.memory_space<vmem>>, vector<1x16xf32>,
      %add3A_391 = arith.constant 2 : i32
      %add3A_392 = arith.addi %mul3A_344, %add3A_391 : i32
      %shift_right_logical3A_393 = arith.constant 6 : i32
      %shift_right_logical3A_394 = arith.shrui %add3A_392, %shift_right_logical3A_393 : i32
      %and3A_395 = arith.constant 63 : i32
      %and3A_396 = arith.andi %add3A_392, %and3A_395 : i32
      %mul3A_397 = arith.constant 16 : i32
      %mul3A_398 = arith.muli %and3A_396, %mul3A_397 : i32
      %get3A_399 = arith.index_cast %shift_right_logical3A_394 : i32 to index
      %get3A_400 = arith.index_cast %mul3A_398 : i32 to index
      %get3A_401 = tpu.vector_load %arg8[%get3A_399, %get3A_400] {strides = array<i32>} : memref<16x1024xf32, #tpu.memory_space<vmem>>, vector<1x16xf32>,
      %get3A_402 = vector.shape_cast %get3A_401 : vector<1x16xf32> to vector<16xf32>
      %mul3A_403 = arith.constant 3.200000e+01 : f32
      %mul3A_404 = vector.broadcast %mul3A_403 : f32 to vector<16xf32>
      %mul3A_405 = arith.mulf %get3A_402, %mul3A_404 : vector<16xf32>
      %get3A_406 = arith.index_cast %shift_right_logical3A_394 : i32 to index
      %get3A_407 = arith.index_cast %mul3A_398 : i32 to index
      %get3A_408 = tpu.vector_load %arg11[%get3A_406, %get3A_407] {strides = array<i32>} : memref<16x1024xf32, #tpu.memory_space<vmem>>, vector<1x16xf32>,
      %get3A_409 = vector.shape_cast %get3A_408 : vector<1x16xf32> to vector<16xf32>
      %add3A_410 = arith.addf %mul3A_405, %get3A_409 : vector<16xf32>
      %swap3A_411 = arith.index_cast %shift_right_logical3A_394 : i32 to index
      %swap3A_412 = arith.index_cast %mul3A_398 : i32 to index
      %swap3A_413 = tpu.vector_load %arg8[%swap3A_411, %swap3A_412] {strides = array<i32>} : memref<16x1024xf32, #tpu.memory_space<vmem>>, vector<1x16xf32>,
      %swap3A_414 = vector.shape_cast %swap3A_413 : vector<1x16xf32> to vector<16xf32>
      %swap3A_415 = vector.shape_cast %add3A_410 : vector<16xf32> to vector<1x16xf32>
      tpu.vector_store %arg8[%swap3A_411, %swap3A_412], %swap3A_415 {strides = array<i32>} : memref<16x1024xf32, #tpu.memory_space<vmem>>, vector<1x16xf32>,
      %add3A_416 = arith.constant 3 : i32
      %add3A_417 = arith.addi %mul3A_344, %add3A_416 : i32
      %shift_right_logical3A_418 = arith.constant 6 : i32
      %shift_right_logical3A_419 = arith.shrui %add3A_417, %shift_right_logical3A_418 : i32
      %and3A_420 = arith.constant 63 : i32
      %and3A_421 = arith.andi %add3A_417, %and3A_420 : i32
      %mul3A_422 = arith.constant 16 : i32
      %mul3A_423 = arith.muli %and3A_421, %mul3A_422 : i32
      %get3A_424 = arith.index_cast %shift_right_logical3A_419 : i32 to index
      %get3A_425 = arith.index_cast %mul3A_423 : i32 to index
      %get3A_426 = tpu.vector_load %arg8[%get3A_424, %get3A_425] {strides = array<i32>} : memref<16x1024xf32, #tpu.memory_space<vmem>>, vector<1x16xf32>,
      %get3A_427 = vector.shape_cast %get3A_426 : vector<1x16xf32> to vector<16xf32>
      %mul3A_428 = arith.constant 3.200000e+01 : f32
      %mul3A_429 = vector.broadcast %mul3A_428 : f32 to vector<16xf32>
      %mul3A_430 = arith.mulf %get3A_427, %mul3A_429 : vector<16xf32>
      %get3A_431 = arith.index_cast %shift_right_logical3A_419 : i32 to index
      %get3A_432 = arith.index_cast %mul3A_423 : i32 to index
      %get3A_433 = tpu.vector_load %arg11[%get3A_431, %get3A_432] {strides = array<i32>} : memref<16x1024xf32, #tpu.memory_space<vmem>>, vector<1x16xf32>,
      %get3A_434 = vector.shape_cast %get3A_433 : vector<1x16xf32> to vector<16xf32>
      %add3A_435 = arith.addf %mul3A_430, %get3A_434 : vector<16xf32>
      %swap3A_436 = arith.index_cast %shift_right_logical3A_419 : i32 to index
      %swap3A_437 = arith.index_cast %mul3A_423 : i32 to index
      %swap3A_438 = tpu.vector_load %arg8[%swap3A_436, %swap3A_437] {strides = array<i32>} : memref<16x1024xf32, #tpu.memory_space<vmem>>, vector<1x16xf32>,
      %swap3A_439 = vector.shape_cast %swap3A_438 : vector<1x16xf32> to vector<16xf32>
      %swap3A_440 = vector.shape_cast %add3A_435 : vector<16xf32> to vector<1x16xf32>
      tpu.vector_store %arg8[%swap3A_436, %swap3A_437], %swap3A_440 {strides = array<i32>} : memref<16x1024xf32, #tpu.memory_space<vmem>>, vector<1x16xf32>,
      %add3A_441 = arith.constant 4 : i32
      %add3A_442 = arith.addi %mul3A_344, %add3A_441 : i32
      %shift_right_logical3A_443 = arith.constant 6 : i32
      %shift_right_logical3A_444 = arith.shrui %add3A_442, %shift_right_logical3A_443 : i32
      %and3A_445 = arith.constant 63 : i32
      %and3A_446 = arith.andi %add3A_442, %and3A_445 : i32
      %mul3A_447 = arith.constant 16 : i32
      %mul3A_448 = arith.muli %and3A_446, %mul3A_447 : i32
      %get3A_449 = arith.index_cast %shift_right_logical3A_444 : i32 to index
      %get3A_450 = arith.index_cast %mul3A_448 : i32 to index
      %get3A_451 = tpu.vector_load %arg8[%get3A_449, %get3A_450] {strides = array<i32>} : memref<16x1024xf32, #tpu.memory_space<vmem>>, vector<1x16xf32>,
      %get3A_452 = vector.shape_cast %get3A_451 : vector<1x16xf32> to vector<16xf32>
      %mul3A_453 = arith.constant 3.200000e+01 : f32
      %mul3A_454 = vector.broadcast %mul3A_453 : f32 to vector<16xf32>
      %mul3A_455 = arith.mulf %get3A_452, %mul3A_454 : vector<16xf32>
      %get3A_456 = arith.index_cast %shift_right_logical3A_444 : i32 to index
      %get3A_457 = arith.index_cast %mul3A_448 : i32 to index
      %get3A_458 = tpu.vector_load %arg11[%get3A_456, %get3A_457] {strides = array<i32>} : memref<16x1024xf32, #tpu.memory_space<vmem>>, vector<1x16xf32>,
      %get3A_459 = vector.shape_cast %get3A_458 : vector<1x16xf32> to vector<16xf32>
      %add3A_460 = arith.addf %mul3A_455, %get3A_459 : vector<16xf32>
      %swap3A_461 = arith.index_cast %shift_right_logical3A_444 : i32 to index
      %swap3A_462 = arith.index_cast %mul3A_448 : i32 to index
      %swap3A_463 = tpu.vector_load %arg8[%swap3A_461, %swap3A_462] {strides = array<i32>} : memref<16x1024xf32, #tpu.memory_space<vmem>>, vector<1x16xf32>,
      %swap3A_464 = vector.shape_cast %swap3A_463 : vector<1x16xf32> to vector<16xf32>
      %swap3A_465 = vector.shape_cast %add3A_460 : vector<16xf32> to vector<1x16xf32>
      tpu.vector_store %arg8[%swap3A_461, %swap3A_462], %swap3A_465 {strides = array<i32>} : memref<16x1024xf32, #tpu.memory_space<vmem>>, vector<1x16xf32>,
      %add3A_466 = arith.constant 5 : i32
      %add3A_467 = arith.addi %mul3A_344, %add3A_466 : i32
      %shift_right_logical3A_468 = arith.constant 6 : i32
      %shift_right_logical3A_469 = arith.shrui %add3A_467, %shift_right_logical3A_468 : i32
      %and3A_470 = arith.constant 63 : i32
      %and3A_471 = arith.andi %add3A_467, %and3A_470 : i32
      %mul3A_472 = arith.constant 16 : i32
      %mul3A_473 = arith.muli %and3A_471, %mul3A_472 : i32
      %get3A_474 = arith.index_cast %shift_right_logical3A_469 : i32 to index
      %get3A_475 = arith.index_cast %mul3A_473 : i32 to index
      %get3A_476 = tpu.vector_load %arg8[%get3A_474, %get3A_475] {strides = array<i32>} : memref<16x1024xf32, #tpu.memory_space<vmem>>, vector<1x16xf32>,
      %get3A_477 = vector.shape_cast %get3A_476 : vector<1x16xf32> to vector<16xf32>
      %mul3A_478 = arith.constant 3.200000e+01 : f32
      %mul3A_479 = vector.broadcast %mul3A_478 : f32 to vector<16xf32>
      %mul3A_480 = arith.mulf %get3A_477, %mul3A_479 : vector<16xf32>
      %get3A_481 = arith.index_cast %shift_right_logical3A_469 : i32 to index
      %get3A_482 = arith.index_cast %mul3A_473 : i32 to index
      %get3A_483 = tpu.vector_load %arg11[%get3A_481, %get3A_482] {strides = array<i32>} : memref<16x1024xf32, #tpu.memory_space<vmem>>, vector<1x16xf32>,
      %get3A_484 = vector.shape_cast %get3A_483 : vector<1x16xf32> to vector<16xf32>
      %add3A_485 = arith.addf %mul3A_480, %get3A_484 : vector<16xf32>
      %swap3A_486 = arith.index_cast %shift_right_logical3A_469 : i32 to index
      %swap3A_487 = arith.index_cast %mul3A_473 : i32 to index
      %swap3A_488 = tpu.vector_load %arg8[%swap3A_486, %swap3A_487] {strides = array<i32>} : memref<16x1024xf32, #tpu.memory_space<vmem>>, vector<1x16xf32>,
      %swap3A_489 = vector.shape_cast %swap3A_488 : vector<1x16xf32> to vector<16xf32>
      %swap3A_490 = vector.shape_cast %add3A_485 : vector<16xf32> to vector<1x16xf32>
      tpu.vector_store %arg8[%swap3A_486, %swap3A_487], %swap3A_490 {strides = array<i32>} : memref<16x1024xf32, #tpu.memory_space<vmem>>, vector<1x16xf32>,
      %add3A_491 = arith.constant 6 : i32
      %add3A_492 = arith.addi %mul3A_344, %add3A_491 : i32
      %shift_right_logical3A_493 = arith.constant 6 : i32
      %shift_right_logical3A_494 = arith.shrui %add3A_492, %shift_right_logical3A_493 : i32
      %and3A_495 = arith.constant 63 : i32
      %and3A_496 = arith.andi %add3A_492, %and3A_495 : i32
      %mul3A_497 = arith.constant 16 : i32
      %mul3A_498 = arith.muli %and3A_496, %mul3A_497 : i32
      %get3A_499 = arith.index_cast %shift_right_logical3A_494 : i32 to index
      %get3A_500 = arith.index_cast %mul3A_498 : i32 to index
      %get3A_501 = tpu.vector_load %arg8[%get3A_499, %get3A_500] {strides = array<i32>} : memref<16x1024xf32, #tpu.memory_space<vmem>>, vector<1x16xf32>,
      %get3A_502 = vector.shape_cast %get3A_501 : vector<1x16xf32> to vector<16xf32>
      %mul3A_503 = arith.constant 3.200000e+01 : f32
      %mul3A_504 = vector.broadcast %mul3A_503 : f32 to vector<16xf32>
      %mul3A_505 = arith.mulf %get3A_502, %mul3A_504 : vector<16xf32>
      %get3A_506 = arith.index_cast %shift_right_logical3A_494 : i32 to index
      %get3A_507 = arith.index_cast %mul3A_498 : i32 to index
      %get3A_508 = tpu.vector_load %arg11[%get3A_506, %get3A_507] {strides = array<i32>} : memref<16x1024xf32, #tpu.memory_space<vmem>>, vector<1x16xf32>,
      %get3A_509 = vector.shape_cast %get3A_508 : vector<1x16xf32> to vector<16xf32>
      %add3A_510 = arith.addf %mul3A_505, %get3A_509 : vector<16xf32>
      %swap3A_511 = arith.index_cast %shift_right_logical3A_494 : i32 to index
      %swap3A_512 = arith.index_cast %mul3A_498 : i32 to index
      %swap3A_513 = tpu.vector_load %arg8[%swap3A_511, %swap3A_512] {strides = array<i32>} : memref<16x1024xf32, #tpu.memory_space<vmem>>, vector<1x16xf32>,
      %swap3A_514 = vector.shape_cast %swap3A_513 : vector<1x16xf32> to vector<16xf32>
      %swap3A_515 = vector.shape_cast %add3A_510 : vector<16xf32> to vector<1x16xf32>
      tpu.vector_store %arg8[%swap3A_511, %swap3A_512], %swap3A_515 {strides = array<i32>} : memref<16x1024xf32, #tpu.memory_space<vmem>>, vector<1x16xf32>,
      %add3A_516 = arith.constant 7 : i32
      %add3A_517 = arith.addi %mul3A_344, %add3A_516 : i32
      %shift_right_logical3A_518 = arith.constant 6 : i32
      %shift_right_logical3A_519 = arith.shrui %add3A_517, %shift_right_logical3A_518 : i32
      %and3A_520 = arith.constant 63 : i32
      %and3A_521 = arith.andi %add3A_517, %and3A_520 : i32
      %mul3A_522 = arith.constant 16 : i32
      %mul3A_523 = arith.muli %and3A_521, %mul3A_522 : i32
      %get3A_524 = arith.index_cast %shift_right_logical3A_519 : i32 to index
      %get3A_525 = arith.index_cast %mul3A_523 : i32 to index
      %get3A_526 = tpu.vector_load %arg8[%get3A_524, %get3A_525] {strides = array<i32>} : memref<16x1024xf32, #tpu.memory_space<vmem>>, vector<1x16xf32>,
      %get3A_527 = vector.shape_cast %get3A_526 : vector<1x16xf32> to vector<16xf32>
      %mul3A_528 = arith.constant 3.200000e+01 : f32
      %mul3A_529 = vector.broadcast %mul3A_528 : f32 to vector<16xf32>
      %mul3A_530 = arith.mulf %get3A_527, %mul3A_529 : vector<16xf32>
      %get3A_531 = arith.index_cast %shift_right_logical3A_519 : i32 to index
      %get3A_532 = arith.index_cast %mul3A_523 : i32 to index
      %get3A_533 = tpu.vector_load %arg11[%get3A_531, %get3A_532] {strides = array<i32>} : memref<16x1024xf32, #tpu.memory_space<vmem>>, vector<1x16xf32>,
      %get3A_534 = vector.shape_cast %get3A_533 : vector<1x16xf32> to vector<16xf32>
      %add3A_535 = arith.addf %mul3A_530, %get3A_534 : vector<16xf32>
      %swap3A_536 = arith.index_cast %shift_right_logical3A_519 : i32 to index
      %swap3A_537 = arith.index_cast %mul3A_523 : i32 to index
      %swap3A_538 = tpu.vector_load %arg8[%swap3A_536, %swap3A_537] {strides = array<i32>} : memref<16x1024xf32, #tpu.memory_space<vmem>>, vector<1x16xf32>,
      %swap3A_539 = vector.shape_cast %swap3A_538 : vector<1x16xf32> to vector<16xf32>
      %swap3A_540 = vector.shape_cast %add3A_535 : vector<16xf32> to vector<1x16xf32>
      tpu.vector_store %arg8[%swap3A_536, %swap3A_537], %swap3A_540 {strides = array<i32>} : memref<16x1024xf32, #tpu.memory_space<vmem>>, vector<1x16xf32>,
    }
    %scan3A_118 = arith.constant 128 : i32
    %add3A_119 = arith.constant 4096 : i32
    %add3A_120 = arith.addi %add3A_119, %mul3A_2 : i32
    %add3A_121 = arith.constant 0 : i32
    %add3A_122 = arith.addi %add3A_120, %add3A_121 : i32
    %dma_start3A_123 = arith.constant 0 : i32
    %dma_start3A_124 = tpu.memref_slice %arg5[%add3A_122, %dma_start3A_123] : memref<16384x1024xf32, #tpu.memory_space<hbm>> -> memref<16x1024xf32, #tpu.memory_space<hbm>>
    %dma_start3A_125 = arith.constant 0 : i32
    %dma_start3A_126 = tpu.memref_slice %arg5[%add3A_122, %dma_start3A_125] : memref<16384x1024xf32, #tpu.memory_space<hbm>> -> memref<16x1024xf32, #tpu.memory_space<hbm>>
    tpu.enqueue_dma source(%arg8 : memref<16x1024xf32, #tpu.memory_space<vmem>>) target(%dma_start3A_126 : memref<16x1024xf32, #tpu.memory_space<hbm>>) target_semaphore(%arg18 : memref<!tpu.dma_semaphore, #tpu.memory_space<semaphore_mem>>)
    %dma_start3A_127 = arith.constant 384 : i32
    %dma_start3A_128 = tpu.memref_slice %arg6[%dma_start3A_127] : memref<512xi32, #tpu.memory_space<vmem>> -> memref<16xi32, #tpu.memory_space<vmem>>
    %dma_start3A_129 = arith.constant 0 : i32
    %dma_start3A_130 = arith.constant 0 : i32
    %dma_start3A_131 = tpu.memref_slice %arg3[%dma_start3A_129, %dma_start3A_130] : memref<100000x1024xf32, #tpu.memory_space<hbm>> -> memref<100000x1024xf32, #tpu.memory_space<hbm>>
    tpu.enqueue_indirect_dma source(%dma_start3A_131 : memref<100000x1024xf32, #tpu.memory_space<hbm>>) target(%arg10 : memref<16x1024xf32, #tpu.memory_space<vmem>>) offsets(%dma_start3A_128 : memref<16xi32, #tpu.memory_space<vmem>>) semaphore(%arg16 : memref<!tpu.dma_semaphore, #tpu.memory_space<semaphore_mem>>)
    %dma_wait3A_132 = arith.constant 256 : i32
    %dma_wait3A_133 = tpu.memref_slice %arg6[%dma_wait3A_132] : memref<512xi32, #tpu.memory_space<vmem>> -> memref<16xi32, #tpu.memory_space<vmem>>
    %dma_wait3A_134 = arith.constant 0 : i32
    %dma_wait3A_135 = arith.constant 0 : i32
    %dma_wait3A_136 = tpu.memref_slice %arg3[%dma_wait3A_134, %dma_wait3A_135] : memref<100000x1024xf32, #tpu.memory_space<hbm>> -> memref<100000x1024xf32, #tpu.memory_space<hbm>>
    tpu.wait_indirect_dma semaphore(%arg15 : memref<!tpu.dma_semaphore, #tpu.memory_space<semaphore_mem>>) src(%dma_wait3A_136 : memref<100000x1024xf32, #tpu.memory_space<hbm>>) dst(%arg9 : memref<16x1024xf32, #tpu.memory_space<vmem>>)
    %scan3A_137 = arith.constant 0 : i32
    %scan3A_138 = arith.constant 0 : i32
    %scan3A_139 = arith.constant 128 : i32
    %scan3A_140 = arith.addi %scan3A_138, %scan3A_139 : i32
    %scan3A_141 = arith.constant 1 : i32
    scf.for %scan3A_342 = %scan3A_138 to %scan3A_140 step %scan3A_141  : i32 {
      %mul3A_343 = arith.constant 8 : i32
      %mul3A_344 = arith.muli %scan3A_342, %mul3A_343 : i32
      %add3A_345 = arith.constant 0 : i32
      %add3A_346 = arith.addi %mul3A_344, %add3A_345 : i32
      %shift_right_logical3A = arith.constant 6 : i32
      %shift_right_logical3A_347 = arith.shrui %add3A_346, %shift_right_logical3A : i32
      %and3A = arith.constant 63 : i32
      %and3A_348 = arith.andi %add3A_346, %and3A : i32
      %mul3A_349 = arith.constant 16 : i32
      %mul3A_350 = arith.muli %and3A_348, %mul3A_349 : i32
      %get3A = arith.index_cast %shift_right_logical3A_347 : i32 to index
      %get3A_351 = arith.index_cast %mul3A_350 : i32 to index
      %get3A_352 = tpu.vector_load %arg9[%get3A, %get3A_351] {strides = array<i32>} : memref<16x1024xf32, #tpu.memory_space<vmem>>, vector<1x16xf32>,
      %get3A_353 = vector.shape_cast %get3A_352 : vector<1x16xf32> to vector<16xf32>
      %mul3A_354 = arith.constant 3.200000e+01 : f32
      %mul3A_355 = vector.broadcast %mul3A_354 : f32 to vector<16xf32>
      %mul3A_356 = arith.mulf %get3A_353, %mul3A_355 : vector<16xf32>
      %get3A_357 = arith.index_cast %shift_right_logical3A_347 : i32 to index
      %get3A_358 = arith.index_cast %mul3A_350 : i32 to index
      %get3A_359 = tpu.vector_load %arg11[%get3A_357, %get3A_358] {strides = array<i32>} : memref<16x1024xf32, #tpu.memory_space<vmem>>, vector<1x16xf32>,
      %get3A_360 = vector.shape_cast %get3A_359 : vector<1x16xf32> to vector<16xf32>
      %add3A_361 = arith.addf %mul3A_356, %get3A_360 : vector<16xf32>
      %swap3A = arith.index_cast %shift_right_logical3A_347 : i32 to index
      %swap3A_362 = arith.index_cast %mul3A_350 : i32 to index
      %swap3A_363 = tpu.vector_load %arg9[%swap3A, %swap3A_362] {strides = array<i32>} : memref<16x1024xf32, #tpu.memory_space<vmem>>, vector<1x16xf32>,
      %swap3A_364 = vector.shape_cast %swap3A_363 : vector<1x16xf32> to vector<16xf32>
      %swap3A_365 = vector.shape_cast %add3A_361 : vector<16xf32> to vector<1x16xf32>
      tpu.vector_store %arg9[%swap3A, %swap3A_362], %swap3A_365 {strides = array<i32>} : memref<16x1024xf32, #tpu.memory_space<vmem>>, vector<1x16xf32>,
      %add3A_366 = arith.constant 1 : i32
      %add3A_367 = arith.addi %mul3A_344, %add3A_366 : i32
      %shift_right_logical3A_368 = arith.constant 6 : i32
      %shift_right_logical3A_369 = arith.shrui %add3A_367, %shift_right_logical3A_368 : i32
      %and3A_370 = arith.constant 63 : i32
      %and3A_371 = arith.andi %add3A_367, %and3A_370 : i32
      %mul3A_372 = arith.constant 16 : i32
      %mul3A_373 = arith.muli %and3A_371, %mul3A_372 : i32
      %get3A_374 = arith.index_cast %shift_right_logical3A_369 : i32 to index
      %get3A_375 = arith.index_cast %mul3A_373 : i32 to index
      %get3A_376 = tpu.vector_load %arg9[%get3A_374, %get3A_375] {strides = array<i32>} : memref<16x1024xf32, #tpu.memory_space<vmem>>, vector<1x16xf32>,
      %get3A_377 = vector.shape_cast %get3A_376 : vector<1x16xf32> to vector<16xf32>
      %mul3A_378 = arith.constant 3.200000e+01 : f32
      %mul3A_379 = vector.broadcast %mul3A_378 : f32 to vector<16xf32>
      %mul3A_380 = arith.mulf %get3A_377, %mul3A_379 : vector<16xf32>
      %get3A_381 = arith.index_cast %shift_right_logical3A_369 : i32 to index
      %get3A_382 = arith.index_cast %mul3A_373 : i32 to index
      %get3A_383 = tpu.vector_load %arg11[%get3A_381, %get3A_382] {strides = array<i32>} : memref<16x1024xf32, #tpu.memory_space<vmem>>, vector<1x16xf32>,
      %get3A_384 = vector.shape_cast %get3A_383 : vector<1x16xf32> to vector<16xf32>
      %add3A_385 = arith.addf %mul3A_380, %get3A_384 : vector<16xf32>
      %swap3A_386 = arith.index_cast %shift_right_logical3A_369 : i32 to index
      %swap3A_387 = arith.index_cast %mul3A_373 : i32 to index
      %swap3A_388 = tpu.vector_load %arg9[%swap3A_386, %swap3A_387] {strides = array<i32>} : memref<16x1024xf32, #tpu.memory_space<vmem>>, vector<1x16xf32>,
      %swap3A_389 = vector.shape_cast %swap3A_388 : vector<1x16xf32> to vector<16xf32>
      %swap3A_390 = vector.shape_cast %add3A_385 : vector<16xf32> to vector<1x16xf32>
      tpu.vector_store %arg9[%swap3A_386, %swap3A_387], %swap3A_390 {strides = array<i32>} : memref<16x1024xf32, #tpu.memory_space<vmem>>, vector<1x16xf32>,
      %add3A_391 = arith.constant 2 : i32
      %add3A_392 = arith.addi %mul3A_344, %add3A_391 : i32
      %shift_right_logical3A_393 = arith.constant 6 : i32
      %shift_right_logical3A_394 = arith.shrui %add3A_392, %shift_right_logical3A_393 : i32
      %and3A_395 = arith.constant 63 : i32
      %and3A_396 = arith.andi %add3A_392, %and3A_395 : i32
      %mul3A_397 = arith.constant 16 : i32
      %mul3A_398 = arith.muli %and3A_396, %mul3A_397 : i32
      %get3A_399 = arith.index_cast %shift_right_logical3A_394 : i32 to index
      %get3A_400 = arith.index_cast %mul3A_398 : i32 to index
      %get3A_401 = tpu.vector_load %arg9[%get3A_399, %get3A_400] {strides = array<i32>} : memref<16x1024xf32, #tpu.memory_space<vmem>>, vector<1x16xf32>,
      %get3A_402 = vector.shape_cast %get3A_401 : vector<1x16xf32> to vector<16xf32>
      %mul3A_403 = arith.constant 3.200000e+01 : f32
      %mul3A_404 = vector.broadcast %mul3A_403 : f32 to vector<16xf32>
      %mul3A_405 = arith.mulf %get3A_402, %mul3A_404 : vector<16xf32>
      %get3A_406 = arith.index_cast %shift_right_logical3A_394 : i32 to index
      %get3A_407 = arith.index_cast %mul3A_398 : i32 to index
      %get3A_408 = tpu.vector_load %arg11[%get3A_406, %get3A_407] {strides = array<i32>} : memref<16x1024xf32, #tpu.memory_space<vmem>>, vector<1x16xf32>,
      %get3A_409 = vector.shape_cast %get3A_408 : vector<1x16xf32> to vector<16xf32>
      %add3A_410 = arith.addf %mul3A_405, %get3A_409 : vector<16xf32>
      %swap3A_411 = arith.index_cast %shift_right_logical3A_394 : i32 to index
      %swap3A_412 = arith.index_cast %mul3A_398 : i32 to index
      %swap3A_413 = tpu.vector_load %arg9[%swap3A_411, %swap3A_412] {strides = array<i32>} : memref<16x1024xf32, #tpu.memory_space<vmem>>, vector<1x16xf32>,
      %swap3A_414 = vector.shape_cast %swap3A_413 : vector<1x16xf32> to vector<16xf32>
      %swap3A_415 = vector.shape_cast %add3A_410 : vector<16xf32> to vector<1x16xf32>
      tpu.vector_store %arg9[%swap3A_411, %swap3A_412], %swap3A_415 {strides = array<i32>} : memref<16x1024xf32, #tpu.memory_space<vmem>>, vector<1x16xf32>,
      %add3A_416 = arith.constant 3 : i32
      %add3A_417 = arith.addi %mul3A_344, %add3A_416 : i32
      %shift_right_logical3A_418 = arith.constant 6 : i32
      %shift_right_logical3A_419 = arith.shrui %add3A_417, %shift_right_logical3A_418 : i32
      %and3A_420 = arith.constant 63 : i32
      %and3A_421 = arith.andi %add3A_417, %and3A_420 : i32
      %mul3A_422 = arith.constant 16 : i32
      %mul3A_423 = arith.muli %and3A_421, %mul3A_422 : i32
      %get3A_424 = arith.index_cast %shift_right_logical3A_419 : i32 to index
      %get3A_425 = arith.index_cast %mul3A_423 : i32 to index
      %get3A_426 = tpu.vector_load %arg9[%get3A_424, %get3A_425] {strides = array<i32>} : memref<16x1024xf32, #tpu.memory_space<vmem>>, vector<1x16xf32>,
      %get3A_427 = vector.shape_cast %get3A_426 : vector<1x16xf32> to vector<16xf32>
      %mul3A_428 = arith.constant 3.200000e+01 : f32
      %mul3A_429 = vector.broadcast %mul3A_428 : f32 to vector<16xf32>
      %mul3A_430 = arith.mulf %get3A_427, %mul3A_429 : vector<16xf32>
      %get3A_431 = arith.index_cast %shift_right_logical3A_419 : i32 to index
      %get3A_432 = arith.index_cast %mul3A_423 : i32 to index
      %get3A_433 = tpu.vector_load %arg11[%get3A_431, %get3A_432] {strides = array<i32>} : memref<16x1024xf32, #tpu.memory_space<vmem>>, vector<1x16xf32>,
      %get3A_434 = vector.shape_cast %get3A_433 : vector<1x16xf32> to vector<16xf32>
      %add3A_435 = arith.addf %mul3A_430, %get3A_434 : vector<16xf32>
      %swap3A_436 = arith.index_cast %shift_right_logical3A_419 : i32 to index
      %swap3A_437 = arith.index_cast %mul3A_423 : i32 to index
      %swap3A_438 = tpu.vector_load %arg9[%swap3A_436, %swap3A_437] {strides = array<i32>} : memref<16x1024xf32, #tpu.memory_space<vmem>>, vector<1x16xf32>,
      %swap3A_439 = vector.shape_cast %swap3A_438 : vector<1x16xf32> to vector<16xf32>
      %swap3A_440 = vector.shape_cast %add3A_435 : vector<16xf32> to vector<1x16xf32>
      tpu.vector_store %arg9[%swap3A_436, %swap3A_437], %swap3A_440 {strides = array<i32>} : memref<16x1024xf32, #tpu.memory_space<vmem>>, vector<1x16xf32>,
      %add3A_441 = arith.constant 4 : i32
      %add3A_442 = arith.addi %mul3A_344, %add3A_441 : i32
      %shift_right_logical3A_443 = arith.constant 6 : i32
      %shift_right_logical3A_444 = arith.shrui %add3A_442, %shift_right_logical3A_443 : i32
      %and3A_445 = arith.constant 63 : i32
      %and3A_446 = arith.andi %add3A_442, %and3A_445 : i32
      %mul3A_447 = arith.constant 16 : i32
      %mul3A_448 = arith.muli %and3A_446, %mul3A_447 : i32
      %get3A_449 = arith.index_cast %shift_right_logical3A_444 : i32 to index
      %get3A_450 = arith.index_cast %mul3A_448 : i32 to index
      %get3A_451 = tpu.vector_load %arg9[%get3A_449, %get3A_450] {strides = array<i32>} : memref<16x1024xf32, #tpu.memory_space<vmem>>, vector<1x16xf32>,
      %get3A_452 = vector.shape_cast %get3A_451 : vector<1x16xf32> to vector<16xf32>
      %mul3A_453 = arith.constant 3.200000e+01 : f32
      %mul3A_454 = vector.broadcast %mul3A_453 : f32 to vector<16xf32>
      %mul3A_455 = arith.mulf %get3A_452, %mul3A_454 : vector<16xf32>
      %get3A_456 = arith.index_cast %shift_right_logical3A_444 : i32 to index
      %get3A_457 = arith.index_cast %mul3A_448 : i32 to index
      %get3A_458 = tpu.vector_load %arg11[%get3A_456, %get3A_457] {strides = array<i32>} : memref<16x1024xf32, #tpu.memory_space<vmem>>, vector<1x16xf32>,
      %get3A_459 = vector.shape_cast %get3A_458 : vector<1x16xf32> to vector<16xf32>
      %add3A_460 = arith.addf %mul3A_455, %get3A_459 : vector<16xf32>
      %swap3A_461 = arith.index_cast %shift_right_logical3A_444 : i32 to index
      %swap3A_462 = arith.index_cast %mul3A_448 : i32 to index
      %swap3A_463 = tpu.vector_load %arg9[%swap3A_461, %swap3A_462] {strides = array<i32>} : memref<16x1024xf32, #tpu.memory_space<vmem>>, vector<1x16xf32>,
      %swap3A_464 = vector.shape_cast %swap3A_463 : vector<1x16xf32> to vector<16xf32>
      %swap3A_465 = vector.shape_cast %add3A_460 : vector<16xf32> to vector<1x16xf32>
      tpu.vector_store %arg9[%swap3A_461, %swap3A_462], %swap3A_465 {strides = array<i32>} : memref<16x1024xf32, #tpu.memory_space<vmem>>, vector<1x16xf32>,
      %add3A_466 = arith.constant 5 : i32
      %add3A_467 = arith.addi %mul3A_344, %add3A_466 : i32
      %shift_right_logical3A_468 = arith.constant 6 : i32
      %shift_right_logical3A_469 = arith.shrui %add3A_467, %shift_right_logical3A_468 : i32
      %and3A_470 = arith.constant 63 : i32
      %and3A_471 = arith.andi %add3A_467, %and3A_470 : i32
      %mul3A_472 = arith.constant 16 : i32
      %mul3A_473 = arith.muli %and3A_471, %mul3A_472 : i32
      %get3A_474 = arith.index_cast %shift_right_logical3A_469 : i32 to index
      %get3A_475 = arith.index_cast %mul3A_473 : i32 to index
      %get3A_476 = tpu.vector_load %arg9[%get3A_474, %get3A_475] {strides = array<i32>} : memref<16x1024xf32, #tpu.memory_space<vmem>>, vector<1x16xf32>,
      %get3A_477 = vector.shape_cast %get3A_476 : vector<1x16xf32> to vector<16xf32>
      %mul3A_478 = arith.constant 3.200000e+01 : f32
      %mul3A_479 = vector.broadcast %mul3A_478 : f32 to vector<16xf32>
      %mul3A_480 = arith.mulf %get3A_477, %mul3A_479 : vector<16xf32>
      %get3A_481 = arith.index_cast %shift_right_logical3A_469 : i32 to index
      %get3A_482 = arith.index_cast %mul3A_473 : i32 to index
      %get3A_483 = tpu.vector_load %arg11[%get3A_481, %get3A_482] {strides = array<i32>} : memref<16x1024xf32, #tpu.memory_space<vmem>>, vector<1x16xf32>,
      %get3A_484 = vector.shape_cast %get3A_483 : vector<1x16xf32> to vector<16xf32>
      %add3A_485 = arith.addf %mul3A_480, %get3A_484 : vector<16xf32>
      %swap3A_486 = arith.index_cast %shift_right_logical3A_469 : i32 to index
      %swap3A_487 = arith.index_cast %mul3A_473 : i32 to index
      %swap3A_488 = tpu.vector_load %arg9[%swap3A_486, %swap3A_487] {strides = array<i32>} : memref<16x1024xf32, #tpu.memory_space<vmem>>, vector<1x16xf32>,
      %swap3A_489 = vector.shape_cast %swap3A_488 : vector<1x16xf32> to vector<16xf32>
      %swap3A_490 = vector.shape_cast %add3A_485 : vector<16xf32> to vector<1x16xf32>
      tpu.vector_store %arg9[%swap3A_486, %swap3A_487], %swap3A_490 {strides = array<i32>} : memref<16x1024xf32, #tpu.memory_space<vmem>>, vector<1x16xf32>,
      %add3A_491 = arith.constant 6 : i32
      %add3A_492 = arith.addi %mul3A_344, %add3A_491 : i32
      %shift_right_logical3A_493 = arith.constant 6 : i32
      %shift_right_logical3A_494 = arith.shrui %add3A_492, %shift_right_logical3A_493 : i32
      %and3A_495 = arith.constant 63 : i32
      %and3A_496 = arith.andi %add3A_492, %and3A_495 : i32
      %mul3A_497 = arith.constant 16 : i32
      %mul3A_498 = arith.muli %and3A_496, %mul3A_497 : i32
      %get3A_499 = arith.index_cast %shift_right_logical3A_494 : i32 to index
      %get3A_500 = arith.index_cast %mul3A_498 : i32 to index
      %get3A_501 = tpu.vector_load %arg9[%get3A_499, %get3A_500] {strides = array<i32>} : memref<16x1024xf32, #tpu.memory_space<vmem>>, vector<1x16xf32>,
      %get3A_502 = vector.shape_cast %get3A_501 : vector<1x16xf32> to vector<16xf32>
      %mul3A_503 = arith.constant 3.200000e+01 : f32
      %mul3A_504 = vector.broadcast %mul3A_503 : f32 to vector<16xf32>
      %mul3A_505 = arith.mulf %get3A_502, %mul3A_504 : vector<16xf32>
      %get3A_506 = arith.index_cast %shift_right_logical3A_494 : i32 to index
      %get3A_507 = arith.index_cast %mul3A_498 : i32 to index
      %get3A_508 = tpu.vector_load %arg11[%get3A_506, %get3A_507] {strides = array<i32>} : memref<16x1024xf32, #tpu.memory_space<vmem>>, vector<1x16xf32>,
      %get3A_509 = vector.shape_cast %get3A_508 : vector<1x16xf32> to vector<16xf32>
      %add3A_510 = arith.addf %mul3A_505, %get3A_509 : vector<16xf32>
      %swap3A_511 = arith.index_cast %shift_right_logical3A_494 : i32 to index
      %swap3A_512 = arith.index_cast %mul3A_498 : i32 to index
      %swap3A_513 = tpu.vector_load %arg9[%swap3A_511, %swap3A_512] {strides = array<i32>} : memref<16x1024xf32, #tpu.memory_space<vmem>>, vector<1x16xf32>,
      %swap3A_514 = vector.shape_cast %swap3A_513 : vector<1x16xf32> to vector<16xf32>
      %swap3A_515 = vector.shape_cast %add3A_510 : vector<16xf32> to vector<1x16xf32>
      tpu.vector_store %arg9[%swap3A_511, %swap3A_512], %swap3A_515 {strides = array<i32>} : memref<16x1024xf32, #tpu.memory_space<vmem>>, vector<1x16xf32>,
      %add3A_516 = arith.constant 7 : i32
      %add3A_517 = arith.addi %mul3A_344, %add3A_516 : i32
      %shift_right_logical3A_518 = arith.constant 6 : i32
      %shift_right_logical3A_519 = arith.shrui %add3A_517, %shift_right_logical3A_518 : i32
      %and3A_520 = arith.constant 63 : i32
      %and3A_521 = arith.andi %add3A_517, %and3A_520 : i32
      %mul3A_522 = arith.constant 16 : i32
      %mul3A_523 = arith.muli %and3A_521, %mul3A_522 : i32
      %get3A_524 = arith.index_cast %shift_right_logical3A_519 : i32 to index
      %get3A_525 = arith.index_cast %mul3A_523 : i32 to index
      %get3A_526 = tpu.vector_load %arg9[%get3A_524, %get3A_525] {strides = array<i32>} : memref<16x1024xf32, #tpu.memory_space<vmem>>, vector<1x16xf32>,
      %get3A_527 = vector.shape_cast %get3A_526 : vector<1x16xf32> to vector<16xf32>
      %mul3A_528 = arith.constant 3.200000e+01 : f32
      %mul3A_529 = vector.broadcast %mul3A_528 : f32 to vector<16xf32>
      %mul3A_530 = arith.mulf %get3A_527, %mul3A_529 : vector<16xf32>
      %get3A_531 = arith.index_cast %shift_right_logical3A_519 : i32 to index
      %get3A_532 = arith.index_cast %mul3A_523 : i32 to index
      %get3A_533 = tpu.vector_load %arg11[%get3A_531, %get3A_532] {strides = array<i32>} : memref<16x1024xf32, #tpu.memory_space<vmem>>, vector<1x16xf32>,
      %get3A_534 = vector.shape_cast %get3A_533 : vector<1x16xf32> to vector<16xf32>
      %add3A_535 = arith.addf %mul3A_530, %get3A_534 : vector<16xf32>
      %swap3A_536 = arith.index_cast %shift_right_logical3A_519 : i32 to index
      %swap3A_537 = arith.index_cast %mul3A_523 : i32 to index
      %swap3A_538 = tpu.vector_load %arg9[%swap3A_536, %swap3A_537] {strides = array<i32>} : memref<16x1024xf32, #tpu.memory_space<vmem>>, vector<1x16xf32>,
      %swap3A_539 = vector.shape_cast %swap3A_538 : vector<1x16xf32> to vector<16xf32>
      %swap3A_540 = vector.shape_cast %add3A_535 : vector<16xf32> to vector<1x16xf32>
      tpu.vector_store %arg9[%swap3A_536, %swap3A_537], %swap3A_540 {strides = array<i32>} : memref<16x1024xf32, #tpu.memory_space<vmem>>, vector<1x16xf32>,
    }
    %scan3A_142 = arith.constant 128 : i32
    %add3A_143 = arith.constant 8192 : i32
    %add3A_144 = arith.addi %add3A_143, %mul3A_2 : i32
    %add3A_145 = arith.constant 0 : i32
    %add3A_146 = arith.addi %add3A_144, %add3A_145 : i32
    %dma_start3A_147 = arith.constant 0 : i32
    %dma_start3A_148 = tpu.memref_slice %arg5[%add3A_146, %dma_start3A_147] : memref<16384x1024xf32, #tpu.memory_space<hbm>> -> memref<16x1024xf32, #tpu.memory_space<hbm>>
    %dma_start3A_149 = arith.constant 0 : i32
    %dma_start3A_150 = tpu.memref_slice %arg5[%add3A_146, %dma_start3A_149] : memref<16384x1024xf32, #tpu.memory_space<hbm>> -> memref<16x1024xf32, #tpu.memory_space<hbm>>
    tpu.enqueue_dma source(%arg9 : memref<16x1024xf32, #tpu.memory_space<vmem>>) target(%dma_start3A_150 : memref<16x1024xf32, #tpu.memory_space<hbm>>) target_semaphore(%arg19 : memref<!tpu.dma_semaphore, #tpu.memory_space<semaphore_mem>>)
    %add3A_151 = arith.constant 0 : i32
    %add3A_152 = arith.addi %add3A_151, %mul3A_2 : i32
    %add3A_153 = arith.constant 0 : i32
    %add3A_154 = arith.addi %add3A_152, %add3A_153 : i32
    %dma_wait3A_155 = arith.constant 0 : i32
    %dma_wait3A_156 = tpu.memref_slice %arg5[%add3A_154, %dma_wait3A_155] : memref<16384x1024xf32, #tpu.memory_space<hbm>> -> memref<16x1024xf32, #tpu.memory_space<hbm>>
    %dma_wait3A_157 = arith.constant 0 : i32
    %dma_wait3A_158 = tpu.memref_slice %arg5[%add3A_154, %dma_wait3A_157] : memref<16384x1024xf32, #tpu.memory_space<hbm>> -> memref<16x1024xf32, #tpu.memory_space<hbm>>
    tpu.wait_dma2 semaphore(%arg17 : memref<!tpu.dma_semaphore, #tpu.memory_space<semaphore_mem>>) src(%arg7 : memref<16x1024xf32, #tpu.memory_space<vmem>>) dst(%dma_wait3A_158 : memref<16x1024xf32, #tpu.memory_space<hbm>>)
    %dma_start3A_159 = arith.constant 16 : i32
    %dma_start3A_160 = tpu.memref_slice %arg6[%dma_start3A_159] : memref<512xi32, #tpu.memory_space<vmem>> -> memref<16xi32, #tpu.memory_space<vmem>>
    %dma_start3A_161 = arith.constant 0 : i32
    %dma_start3A_162 = arith.constant 0 : i32
    %dma_start3A_163 = tpu.memref_slice %arg3[%dma_start3A_161, %dma_start3A_162] : memref<100000x1024xf32, #tpu.memory_space<hbm>> -> memref<100000x1024xf32, #tpu.memory_space<hbm>>
    tpu.enqueue_indirect_dma source(%dma_start3A_163 : memref<100000x1024xf32, #tpu.memory_space<hbm>>) target(%arg7 : memref<16x1024xf32, #tpu.memory_space<vmem>>) offsets(%dma_start3A_160 : memref<16xi32, #tpu.memory_space<vmem>>) semaphore(%arg13 : memref<!tpu.dma_semaphore, #tpu.memory_space<semaphore_mem>>)
    %dma_wait3A_164 = arith.constant 384 : i32
    %dma_wait3A_165 = tpu.memref_slice %arg6[%dma_wait3A_164] : memref<512xi32, #tpu.memory_space<vmem>> -> memref<16xi32, #tpu.memory_space<vmem>>
    %dma_wait3A_166 = arith.constant 0 : i32
    %dma_wait3A_167 = arith.constant 0 : i32
    %dma_wait3A_168 = tpu.memref_slice %arg3[%dma_wait3A_166, %dma_wait3A_167] : memref<100000x1024xf32, #tpu.memory_space<hbm>> -> memref<100000x1024xf32, #tpu.memory_space<hbm>>
    tpu.wait_indirect_dma semaphore(%arg16 : memref<!tpu.dma_semaphore, #tpu.memory_space<semaphore_mem>>) src(%dma_wait3A_168 : memref<100000x1024xf32, #tpu.memory_space<hbm>>) dst(%arg10 : memref<16x1024xf32, #tpu.memory_space<vmem>>)
    %scan3A_169 = arith.constant 0 : i32
    %scan3A_170 = arith.constant 0 : i32
    %scan3A_171 = arith.constant 128 : i32
    %scan3A_172 = arith.addi %scan3A_170, %scan3A_171 : i32
    %scan3A_173 = arith.constant 1 : i32
    scf.for %scan3A_342 = %scan3A_170 to %scan3A_172 step %scan3A_173  : i32 {
      %mul3A_343 = arith.constant 8 : i32
      %mul3A_344 = arith.muli %scan3A_342, %mul3A_343 : i32
      %add3A_345 = arith.constant 0 : i32
      %add3A_346 = arith.addi %mul3A_344, %add3A_345 : i32
      %shift_right_logical3A = arith.constant 6 : i32
      %shift_right_logical3A_347 = arith.shrui %add3A_346, %shift_right_logical3A : i32
      %and3A = arith.constant 63 : i32
      %and3A_348 = arith.andi %add3A_346, %and3A : i32
      %mul3A_349 = arith.constant 16 : i32
      %mul3A_350 = arith.muli %and3A_348, %mul3A_349 : i32
      %get3A = arith.index_cast %shift_right_logical3A_347 : i32 to index
      %get3A_351 = arith.index_cast %mul3A_350 : i32 to index
      %get3A_352 = tpu.vector_load %arg10[%get3A, %get3A_351] {strides = array<i32>} : memref<16x1024xf32, #tpu.memory_space<vmem>>, vector<1x16xf32>,
      %get3A_353 = vector.shape_cast %get3A_352 : vector<1x16xf32> to vector<16xf32>
      %mul3A_354 = arith.constant 3.200000e+01 : f32
      %mul3A_355 = vector.broadcast %mul3A_354 : f32 to vector<16xf32>
      %mul3A_356 = arith.mulf %get3A_353, %mul3A_355 : vector<16xf32>
      %get3A_357 = arith.index_cast %shift_right_logical3A_347 : i32 to index
      %get3A_358 = arith.index_cast %mul3A_350 : i32 to index
      %get3A_359 = tpu.vector_load %arg11[%get3A_357, %get3A_358] {strides = array<i32>} : memref<16x1024xf32, #tpu.memory_space<vmem>>, vector<1x16xf32>,
      %get3A_360 = vector.shape_cast %get3A_359 : vector<1x16xf32> to vector<16xf32>
      %add3A_361 = arith.addf %mul3A_356, %get3A_360 : vector<16xf32>
      %swap3A = arith.index_cast %shift_right_logical3A_347 : i32 to index
      %swap3A_362 = arith.index_cast %mul3A_350 : i32 to index
      %swap3A_363 = tpu.vector_load %arg10[%swap3A, %swap3A_362] {strides = array<i32>} : memref<16x1024xf32, #tpu.memory_space<vmem>>, vector<1x16xf32>,
      %swap3A_364 = vector.shape_cast %swap3A_363 : vector<1x16xf32> to vector<16xf32>
      %swap3A_365 = vector.shape_cast %add3A_361 : vector<16xf32> to vector<1x16xf32>
      tpu.vector_store %arg10[%swap3A, %swap3A_362], %swap3A_365 {strides = array<i32>} : memref<16x1024xf32, #tpu.memory_space<vmem>>, vector<1x16xf32>,
      %add3A_366 = arith.constant 1 : i32
      %add3A_367 = arith.addi %mul3A_344, %add3A_366 : i32
      %shift_right_logical3A_368 = arith.constant 6 : i32
      %shift_right_logical3A_369 = arith.shrui %add3A_367, %shift_right_logical3A_368 : i32
      %and3A_370 = arith.constant 63 : i32
      %and3A_371 = arith.andi %add3A_367, %and3A_370 : i32
      %mul3A_372 = arith.constant 16 : i32
      %mul3A_373 = arith.muli %and3A_371, %mul3A_372 : i32
      %get3A_374 = arith.index_cast %shift_right_logical3A_369 : i32 to index
      %get3A_375 = arith.index_cast %mul3A_373 : i32 to index
      %get3A_376 = tpu.vector_load %arg10[%get3A_374, %get3A_375] {strides = array<i32>} : memref<16x1024xf32, #tpu.memory_space<vmem>>, vector<1x16xf32>,
      %get3A_377 = vector.shape_cast %get3A_376 : vector<1x16xf32> to vector<16xf32>
      %mul3A_378 = arith.constant 3.200000e+01 : f32
      %mul3A_379 = vector.broadcast %mul3A_378 : f32 to vector<16xf32>
      %mul3A_380 = arith.mulf %get3A_377, %mul3A_379 : vector<16xf32>
      %get3A_381 = arith.index_cast %shift_right_logical3A_369 : i32 to index
      %get3A_382 = arith.index_cast %mul3A_373 : i32 to index
      %get3A_383 = tpu.vector_load %arg11[%get3A_381, %get3A_382] {strides = array<i32>} : memref<16x1024xf32, #tpu.memory_space<vmem>>, vector<1x16xf32>,
      %get3A_384 = vector.shape_cast %get3A_383 : vector<1x16xf32> to vector<16xf32>
      %add3A_385 = arith.addf %mul3A_380, %get3A_384 : vector<16xf32>
      %swap3A_386 = arith.index_cast %shift_right_logical3A_369 : i32 to index
      %swap3A_387 = arith.index_cast %mul3A_373 : i32 to index
      %swap3A_388 = tpu.vector_load %arg10[%swap3A_386, %swap3A_387] {strides = array<i32>} : memref<16x1024xf32, #tpu.memory_space<vmem>>, vector<1x16xf32>,
      %swap3A_389 = vector.shape_cast %swap3A_388 : vector<1x16xf32> to vector<16xf32>
      %swap3A_390 = vector.shape_cast %add3A_385 : vector<16xf32> to vector<1x16xf32>
      tpu.vector_store %arg10[%swap3A_386, %swap3A_387], %swap3A_390 {strides = array<i32>} : memref<16x1024xf32, #tpu.memory_space<vmem>>, vector<1x16xf32>,
      %add3A_391 = arith.constant 2 : i32
      %add3A_392 = arith.addi %mul3A_344, %add3A_391 : i32
      %shift_right_logical3A_393 = arith.constant 6 : i32
      %shift_right_logical3A_394 = arith.shrui %add3A_392, %shift_right_logical3A_393 : i32
      %and3A_395 = arith.constant 63 : i32
      %and3A_396 = arith.andi %add3A_392, %and3A_395 : i32
      %mul3A_397 = arith.constant 16 : i32
      %mul3A_398 = arith.muli %and3A_396, %mul3A_397 : i32
      %get3A_399 = arith.index_cast %shift_right_logical3A_394 : i32 to index
      %get3A_400 = arith.index_cast %mul3A_398 : i32 to index
      %get3A_401 = tpu.vector_load %arg10[%get3A_399, %get3A_400] {strides = array<i32>} : memref<16x1024xf32, #tpu.memory_space<vmem>>, vector<1x16xf32>,
      %get3A_402 = vector.shape_cast %get3A_401 : vector<1x16xf32> to vector<16xf32>
      %mul3A_403 = arith.constant 3.200000e+01 : f32
      %mul3A_404 = vector.broadcast %mul3A_403 : f32 to vector<16xf32>
      %mul3A_405 = arith.mulf %get3A_402, %mul3A_404 : vector<16xf32>
      %get3A_406 = arith.index_cast %shift_right_logical3A_394 : i32 to index
      %get3A_407 = arith.index_cast %mul3A_398 : i32 to index
      %get3A_408 = tpu.vector_load %arg11[%get3A_406, %get3A_407] {strides = array<i32>} : memref<16x1024xf32, #tpu.memory_space<vmem>>, vector<1x16xf32>,
      %get3A_409 = vector.shape_cast %get3A_408 : vector<1x16xf32> to vector<16xf32>
      %add3A_410 = arith.addf %mul3A_405, %get3A_409 : vector<16xf32>
      %swap3A_411 = arith.index_cast %shift_right_logical3A_394 : i32 to index
      %swap3A_412 = arith.index_cast %mul3A_398 : i32 to index
      %swap3A_413 = tpu.vector_load %arg10[%swap3A_411, %swap3A_412] {strides = array<i32>} : memref<16x1024xf32, #tpu.memory_space<vmem>>, vector<1x16xf32>,
      %swap3A_414 = vector.shape_cast %swap3A_413 : vector<1x16xf32> to vector<16xf32>
      %swap3A_415 = vector.shape_cast %add3A_410 : vector<16xf32> to vector<1x16xf32>
      tpu.vector_store %arg10[%swap3A_411, %swap3A_412], %swap3A_415 {strides = array<i32>} : memref<16x1024xf32, #tpu.memory_space<vmem>>, vector<1x16xf32>,
      %add3A_416 = arith.constant 3 : i32
      %add3A_417 = arith.addi %mul3A_344, %add3A_416 : i32
      %shift_right_logical3A_418 = arith.constant 6 : i32
      %shift_right_logical3A_419 = arith.shrui %add3A_417, %shift_right_logical3A_418 : i32
      %and3A_420 = arith.constant 63 : i32
      %and3A_421 = arith.andi %add3A_417, %and3A_420 : i32
      %mul3A_422 = arith.constant 16 : i32
      %mul3A_423 = arith.muli %and3A_421, %mul3A_422 : i32
      %get3A_424 = arith.index_cast %shift_right_logical3A_419 : i32 to index
      %get3A_425 = arith.index_cast %mul3A_423 : i32 to index
      %get3A_426 = tpu.vector_load %arg10[%get3A_424, %get3A_425] {strides = array<i32>} : memref<16x1024xf32, #tpu.memory_space<vmem>>, vector<1x16xf32>,
      %get3A_427 = vector.shape_cast %get3A_426 : vector<1x16xf32> to vector<16xf32>
      %mul3A_428 = arith.constant 3.200000e+01 : f32
      %mul3A_429 = vector.broadcast %mul3A_428 : f32 to vector<16xf32>
      %mul3A_430 = arith.mulf %get3A_427, %mul3A_429 : vector<16xf32>
      %get3A_431 = arith.index_cast %shift_right_logical3A_419 : i32 to index
      %get3A_432 = arith.index_cast %mul3A_423 : i32 to index
      %get3A_433 = tpu.vector_load %arg11[%get3A_431, %get3A_432] {strides = array<i32>} : memref<16x1024xf32, #tpu.memory_space<vmem>>, vector<1x16xf32>,
      %get3A_434 = vector.shape_cast %get3A_433 : vector<1x16xf32> to vector<16xf32>
      %add3A_435 = arith.addf %mul3A_430, %get3A_434 : vector<16xf32>
      %swap3A_436 = arith.index_cast %shift_right_logical3A_419 : i32 to index
      %swap3A_437 = arith.index_cast %mul3A_423 : i32 to index
      %swap3A_438 = tpu.vector_load %arg10[%swap3A_436, %swap3A_437] {strides = array<i32>} : memref<16x1024xf32, #tpu.memory_space<vmem>>, vector<1x16xf32>,
      %swap3A_439 = vector.shape_cast %swap3A_438 : vector<1x16xf32> to vector<16xf32>
      %swap3A_440 = vector.shape_cast %add3A_435 : vector<16xf32> to vector<1x16xf32>
      tpu.vector_store %arg10[%swap3A_436, %swap3A_437], %swap3A_440 {strides = array<i32>} : memref<16x1024xf32, #tpu.memory_space<vmem>>, vector<1x16xf32>,
      %add3A_441 = arith.constant 4 : i32
      %add3A_442 = arith.addi %mul3A_344, %add3A_441 : i32
      %shift_right_logical3A_443 = arith.constant 6 : i32
      %shift_right_logical3A_444 = arith.shrui %add3A_442, %shift_right_logical3A_443 : i32
      %and3A_445 = arith.constant 63 : i32
      %and3A_446 = arith.andi %add3A_442, %and3A_445 : i32
      %mul3A_447 = arith.constant 16 : i32
      %mul3A_448 = arith.muli %and3A_446, %mul3A_447 : i32
      %get3A_449 = arith.index_cast %shift_right_logical3A_444 : i32 to index
      %get3A_450 = arith.index_cast %mul3A_448 : i32 to index
      %get3A_451 = tpu.vector_load %arg10[%get3A_449, %get3A_450] {strides = array<i32>} : memref<16x1024xf32, #tpu.memory_space<vmem>>, vector<1x16xf32>,
      %get3A_452 = vector.shape_cast %get3A_451 : vector<1x16xf32> to vector<16xf32>
      %mul3A_453 = arith.constant 3.200000e+01 : f32
      %mul3A_454 = vector.broadcast %mul3A_453 : f32 to vector<16xf32>
      %mul3A_455 = arith.mulf %get3A_452, %mul3A_454 : vector<16xf32>
      %get3A_456 = arith.index_cast %shift_right_logical3A_444 : i32 to index
      %get3A_457 = arith.index_cast %mul3A_448 : i32 to index
      %get3A_458 = tpu.vector_load %arg11[%get3A_456, %get3A_457] {strides = array<i32>} : memref<16x1024xf32, #tpu.memory_space<vmem>>, vector<1x16xf32>,
      %get3A_459 = vector.shape_cast %get3A_458 : vector<1x16xf32> to vector<16xf32>
      %add3A_460 = arith.addf %mul3A_455, %get3A_459 : vector<16xf32>
      %swap3A_461 = arith.index_cast %shift_right_logical3A_444 : i32 to index
      %swap3A_462 = arith.index_cast %mul3A_448 : i32 to index
      %swap3A_463 = tpu.vector_load %arg10[%swap3A_461, %swap3A_462] {strides = array<i32>} : memref<16x1024xf32, #tpu.memory_space<vmem>>, vector<1x16xf32>,
      %swap3A_464 = vector.shape_cast %swap3A_463 : vector<1x16xf32> to vector<16xf32>
      %swap3A_465 = vector.shape_cast %add3A_460 : vector<16xf32> to vector<1x16xf32>
      tpu.vector_store %arg10[%swap3A_461, %swap3A_462], %swap3A_465 {strides = array<i32>} : memref<16x1024xf32, #tpu.memory_space<vmem>>, vector<1x16xf32>,
      %add3A_466 = arith.constant 5 : i32
      %add3A_467 = arith.addi %mul3A_344, %add3A_466 : i32
      %shift_right_logical3A_468 = arith.constant 6 : i32
      %shift_right_logical3A_469 = arith.shrui %add3A_467, %shift_right_logical3A_468 : i32
      %and3A_470 = arith.constant 63 : i32
      %and3A_471 = arith.andi %add3A_467, %and3A_470 : i32
      %mul3A_472 = arith.constant 16 : i32
      %mul3A_473 = arith.muli %and3A_471, %mul3A_472 : i32
      %get3A_474 = arith.index_cast %shift_right_logical3A_469 : i32 to index
      %get3A_475 = arith.index_cast %mul3A_473 : i32 to index
      %get3A_476 = tpu.vector_load %arg10[%get3A_474, %get3A_475] {strides = array<i32>} : memref<16x1024xf32, #tpu.memory_space<vmem>>, vector<1x16xf32>,
      %get3A_477 = vector.shape_cast %get3A_476 : vector<1x16xf32> to vector<16xf32>
      %mul3A_478 = arith.constant 3.200000e+01 : f32
      %mul3A_479 = vector.broadcast %mul3A_478 : f32 to vector<16xf32>
      %mul3A_480 = arith.mulf %get3A_477, %mul3A_479 : vector<16xf32>
      %get3A_481 = arith.index_cast %shift_right_logical3A_469 : i32 to index
      %get3A_482 = arith.index_cast %mul3A_473 : i32 to index
      %get3A_483 = tpu.vector_load %arg11[%get3A_481, %get3A_482] {strides = array<i32>} : memref<16x1024xf32, #tpu.memory_space<vmem>>, vector<1x16xf32>,
      %get3A_484 = vector.shape_cast %get3A_483 : vector<1x16xf32> to vector<16xf32>
      %add3A_485 = arith.addf %mul3A_480, %get3A_484 : vector<16xf32>
      %swap3A_486 = arith.index_cast %shift_right_logical3A_469 : i32 to index
      %swap3A_487 = arith.index_cast %mul3A_473 : i32 to index
      %swap3A_488 = tpu.vector_load %arg10[%swap3A_486, %swap3A_487] {strides = array<i32>} : memref<16x1024xf32, #tpu.memory_space<vmem>>, vector<1x16xf32>,
      %swap3A_489 = vector.shape_cast %swap3A_488 : vector<1x16xf32> to vector<16xf32>
      %swap3A_490 = vector.shape_cast %add3A_485 : vector<16xf32> to vector<1x16xf32>
      tpu.vector_store %arg10[%swap3A_486, %swap3A_487], %swap3A_490 {strides = array<i32>} : memref<16x1024xf32, #tpu.memory_space<vmem>>, vector<1x16xf32>,
      %add3A_491 = arith.constant 6 : i32
      %add3A_492 = arith.addi %mul3A_344, %add3A_491 : i32
      %shift_right_logical3A_493 = arith.constant 6 : i32
      %shift_right_logical3A_494 = arith.shrui %add3A_492, %shift_right_logical3A_493 : i32
      %and3A_495 = arith.constant 63 : i32
      %and3A_496 = arith.andi %add3A_492, %and3A_495 : i32
      %mul3A_497 = arith.constant 16 : i32
      %mul3A_498 = arith.muli %and3A_496, %mul3A_497 : i32
      %get3A_499 = arith.index_cast %shift_right_logical3A_494 : i32 to index
      %get3A_500 = arith.index_cast %mul3A_498 : i32 to index
      %get3A_501 = tpu.vector_load %arg10[%get3A_499, %get3A_500] {strides = array<i32>} : memref<16x1024xf32, #tpu.memory_space<vmem>>, vector<1x16xf32>,
      %get3A_502 = vector.shape_cast %get3A_501 : vector<1x16xf32> to vector<16xf32>
      %mul3A_503 = arith.constant 3.200000e+01 : f32
      %mul3A_504 = vector.broadcast %mul3A_503 : f32 to vector<16xf32>
      %mul3A_505 = arith.mulf %get3A_502, %mul3A_504 : vector<16xf32>
      %get3A_506 = arith.index_cast %shift_right_logical3A_494 : i32 to index
      %get3A_507 = arith.index_cast %mul3A_498 : i32 to index
      %get3A_508 = tpu.vector_load %arg11[%get3A_506, %get3A_507] {strides = array<i32>} : memref<16x1024xf32, #tpu.memory_space<vmem>>, vector<1x16xf32>,
      %get3A_509 = vector.shape_cast %get3A_508 : vector<1x16xf32> to vector<16xf32>
      %add3A_510 = arith.addf %mul3A_505, %get3A_509 : vector<16xf32>
      %swap3A_511 = arith.index_cast %shift_right_logical3A_494 : i32 to index
      %swap3A_512 = arith.index_cast %mul3A_498 : i32 to index
      %swap3A_513 = tpu.vector_load %arg10[%swap3A_511, %swap3A_512] {strides = array<i32>} : memref<16x1024xf32, #tpu.memory_space<vmem>>, vector<1x16xf32>,
      %swap3A_514 = vector.shape_cast %swap3A_513 : vector<1x16xf32> to vector<16xf32>
      %swap3A_515 = vector.shape_cast %add3A_510 : vector<16xf32> to vector<1x16xf32>
      tpu.vector_store %arg10[%swap3A_511, %swap3A_512], %swap3A_515 {strides = array<i32>} : memref<16x1024xf32, #tpu.memory_space<vmem>>, vector<1x16xf32>,
      %add3A_516 = arith.constant 7 : i32
      %add3A_517 = arith.addi %mul3A_344, %add3A_516 : i32
      %shift_right_logical3A_518 = arith.constant 6 : i32
      %shift_right_logical3A_519 = arith.shrui %add3A_517, %shift_right_logical3A_518 : i32
      %and3A_520 = arith.constant 63 : i32
      %and3A_521 = arith.andi %add3A_517, %and3A_520 : i32
      %mul3A_522 = arith.constant 16 : i32
      %mul3A_523 = arith.muli %and3A_521, %mul3A_522 : i32
      %get3A_524 = arith.index_cast %shift_right_logical3A_519 : i32 to index
      %get3A_525 = arith.index_cast %mul3A_523 : i32 to index
      %get3A_526 = tpu.vector_load %arg10[%get3A_524, %get3A_525] {strides = array<i32>} : memref<16x1024xf32, #tpu.memory_space<vmem>>, vector<1x16xf32>,
      %get3A_527 = vector.shape_cast %get3A_526 : vector<1x16xf32> to vector<16xf32>
      %mul3A_528 = arith.constant 3.200000e+01 : f32
      %mul3A_529 = vector.broadcast %mul3A_528 : f32 to vector<16xf32>
      %mul3A_530 = arith.mulf %get3A_527, %mul3A_529 : vector<16xf32>
      %get3A_531 = arith.index_cast %shift_right_logical3A_519 : i32 to index
      %get3A_532 = arith.index_cast %mul3A_523 : i32 to index
      %get3A_533 = tpu.vector_load %arg11[%get3A_531, %get3A_532] {strides = array<i32>} : memref<16x1024xf32, #tpu.memory_space<vmem>>, vector<1x16xf32>,
      %get3A_534 = vector.shape_cast %get3A_533 : vector<1x16xf32> to vector<16xf32>
      %add3A_535 = arith.addf %mul3A_530, %get3A_534 : vector<16xf32>
      %swap3A_536 = arith.index_cast %shift_right_logical3A_519 : i32 to index
      %swap3A_537 = arith.index_cast %mul3A_523 : i32 to index
      %swap3A_538 = tpu.vector_load %arg10[%swap3A_536, %swap3A_537] {strides = array<i32>} : memref<16x1024xf32, #tpu.memory_space<vmem>>, vector<1x16xf32>,
      %swap3A_539 = vector.shape_cast %swap3A_538 : vector<1x16xf32> to vector<16xf32>
      %swap3A_540 = vector.shape_cast %add3A_535 : vector<16xf32> to vector<1x16xf32>
      tpu.vector_store %arg10[%swap3A_536, %swap3A_537], %swap3A_540 {strides = array<i32>} : memref<16x1024xf32, #tpu.memory_space<vmem>>, vector<1x16xf32>,
    }
    %scan3A_174 = arith.constant 128 : i32
    %add3A_175 = arith.constant 12288 : i32
    %add3A_176 = arith.addi %add3A_175, %mul3A_2 : i32
    %add3A_177 = arith.constant 0 : i32
    %add3A_178 = arith.addi %add3A_176, %add3A_177 : i32
    %dma_start3A_179 = arith.constant 0 : i32
    %dma_start3A_180 = tpu.memref_slice %arg5[%add3A_178, %dma_start3A_179] : memref<16384x1024xf32, #tpu.memory_space<hbm>> -> memref<16x1024xf32, #tpu.memory_space<hbm>>
    %dma_start3A_181 = arith.constant 0 : i32
    %dma_start3A_182 = tpu.memref_slice %arg5[%add3A_178, %dma_start3A_181] : memref<16384x1024xf32, #tpu.memory_space<hbm>> -> memref<16x1024xf32, #tpu.memory_space<hbm>>
    tpu.enqueue_dma source(%arg10 : memref<16x1024xf32, #tpu.memory_space<vmem>>) target(%dma_start3A_182 : memref<16x1024xf32, #tpu.memory_space<hbm>>) target_semaphore(%arg20 : memref<!tpu.dma_semaphore, #tpu.memory_space<semaphore_mem>>)
    %scan3A_183 = arith.constant 0 : i32
    %scan3A_184 = arith.constant 0 : i32
    %scan3A_185 = arith.constant 3 : i32
    %scan3A_186 = arith.addi %scan3A_184, %scan3A_185 : i32
    %scan3A_187 = arith.constant 1 : i32
    scf.for %scan3A_342 = %scan3A_184 to %scan3A_186 step %scan3A_187  : i32 {
      %mul3A_343 = arith.constant 2 : i32
      %mul3A_344 = arith.muli %mul3A_343, %scan3A_342 : i32
      %add3A_345 = arith.constant 1 : i32
      %add3A_346 = arith.addi %add3A_345, %mul3A_344 : i32
      %add3A_347 = arith.constant 1 : i32
      %add3A_348 = arith.addi %add3A_346, %add3A_347 : i32
      %mul3A_349 = arith.constant 16 : i32
      %mul3A_350 = arith.muli %add3A_348, %mul3A_349 : i32
      %add3A_351 = arith.addi %mul3A_2, %mul3A_350 : i32
      %dma_start3A_352 = arith.constant 0 : i32
      %dma_start3A_353 = tpu.memref_slice %arg4[%add3A_351, %dma_start3A_352] : memref<4096x1024xf32, #tpu.memory_space<hbm>> -> memref<16x1024xf32, #tpu.memory_space<hbm>>
      %dma_start3A_354 = arith.constant 0 : i32
      %dma_start3A_355 = tpu.memref_slice %arg4[%add3A_351, %dma_start3A_354] : memref<4096x1024xf32, #tpu.memory_space<hbm>> -> memref<16x1024xf32, #tpu.memory_space<hbm>>
      tpu.enqueue_dma source(%dma_start3A_355 : memref<16x1024xf32, #tpu.memory_space<hbm>>) target(%arg11 : memref<16x1024xf32, #tpu.memory_space<vmem>>) target_semaphore(%arg21 : memref<!tpu.dma_semaphore, #tpu.memory_space<semaphore_mem>>)
      %sub3A = arith.constant 1 : i32
      %sub3A_356 = arith.subi %add3A_346, %sub3A : i32
      %add3A_357 = arith.constant 4096 : i32
      %add3A_358 = arith.addi %add3A_357, %mul3A_2 : i32
      %mul3A_359 = arith.constant 16 : i32
      %mul3A_360 = arith.muli %sub3A_356, %mul3A_359 : i32
      %add3A_361 = arith.addi %add3A_358, %mul3A_360 : i32
      %dma_wait3A_362 = arith.constant 0 : i32
      %dma_wait3A_363 = tpu.memref_slice %arg5[%add3A_361, %dma_wait3A_362] : memref<16384x1024xf32, #tpu.memory_space<hbm>> -> memref<16x1024xf32, #tpu.memory_space<hbm>>
      %dma_wait3A_364 = arith.constant 0 : i32
      %dma_wait3A_365 = tpu.memref_slice %arg5[%add3A_361, %dma_wait3A_364] : memref<16384x1024xf32, #tpu.memory_space<hbm>> -> memref<16x1024xf32, #tpu.memory_space<hbm>>
      tpu.wait_dma2 semaphore(%arg18 : memref<!tpu.dma_semaphore, #tpu.memory_space<semaphore_mem>>) src(%arg8 : memref<16x1024xf32, #tpu.memory_space<vmem>>) dst(%dma_wait3A_365 : memref<16x1024xf32, #tpu.memory_space<hbm>>)
      %mul3A_366 = arith.constant 16 : i32
      %mul3A_367 = arith.muli %add3A_346, %mul3A_366 : i32
      %add3A_368 = arith.constant 128 : i32
      %add3A_369 = arith.addi %add3A_368, %mul3A_367 : i32
      %dma_start3A_370 = tpu.memref_slice %arg6[%add3A_369] : memref<512xi32, #tpu.memory_space<vmem>> -> memref<16xi32, #tpu.memory_space<vmem>>
      %dma_start3A_371 = arith.constant 0 : i32
      %dma_start3A_372 = arith.constant 0 : i32
      %dma_start3A_373 = tpu.memref_slice %arg3[%dma_start3A_371, %dma_start3A_372] : memref<100000x1024xf32, #tpu.memory_space<hbm>> -> memref<100000x1024xf32, #tpu.memory_space<hbm>>
      tpu.enqueue_indirect_dma source(%dma_start3A_373 : memref<100000x1024xf32, #tpu.memory_space<hbm>>) target(%arg8 : memref<16x1024xf32, #tpu.memory_space<vmem>>) offsets(%dma_start3A_370 : memref<16xi32, #tpu.memory_space<vmem>>) semaphore(%arg14 : memref<!tpu.dma_semaphore, #tpu.memory_space<semaphore_mem>>)
      %mul3A_374 = arith.constant 16 : i32
      %mul3A_375 = arith.muli %add3A_346, %mul3A_374 : i32
      %add3A_376 = arith.constant 0 : i32
      %add3A_377 = arith.addi %add3A_376, %mul3A_375 : i32
      %dma_wait3A_378 = tpu.memref_slice %arg6[%add3A_377] : memref<512xi32, #tpu.memory_space<vmem>> -> memref<16xi32, #tpu.memory_space<vmem>>
      %dma_wait3A_379 = arith.constant 0 : i32
      %dma_wait3A_380 = arith.constant 0 : i32
      %dma_wait3A_381 = tpu.memref_slice %arg3[%dma_wait3A_379, %dma_wait3A_380] : memref<100000x1024xf32, #tpu.memory_space<hbm>> -> memref<100000x1024xf32, #tpu.memory_space<hbm>>
      tpu.wait_indirect_dma semaphore(%arg13 : memref<!tpu.dma_semaphore, #tpu.memory_space<semaphore_mem>>) src(%dma_wait3A_381 : memref<100000x1024xf32, #tpu.memory_space<hbm>>) dst(%arg7 : memref<16x1024xf32, #tpu.memory_space<vmem>>)
      %mul3A_382 = arith.constant 16 : i32
      %mul3A_383 = arith.muli %add3A_346, %mul3A_382 : i32
      %add3A_384 = arith.addi %mul3A_2, %mul3A_383 : i32
      %dma_wait3A_385 = arith.constant 0 : i32
      %dma_wait3A_386 = tpu.memref_slice %arg4[%add3A_384, %dma_wait3A_385] : memref<4096x1024xf32, #tpu.memory_space<hbm>> -> memref<16x1024xf32, #tpu.memory_space<hbm>>
      %dma_wait3A_387 = arith.constant 0 : i32
      %dma_wait3A_388 = tpu.memref_slice %arg4[%add3A_384, %dma_wait3A_387] : memref<4096x1024xf32, #tpu.memory_space<hbm>> -> memref<16x1024xf32, #tpu.memory_space<hbm>>
      tpu.wait_dma2 semaphore(%arg22 : memref<!tpu.dma_semaphore, #tpu.memory_space<semaphore_mem>>) src(%dma_wait3A_388 : memref<16x1024xf32, #tpu.memory_space<hbm>>) dst(%arg12 : memref<16x1024xf32, #tpu.memory_space<vmem>>)
      %scan3A_389 = arith.constant 0 : i32
      %scan3A_390 = arith.constant 0 : i32
      %scan3A_391 = arith.constant 128 : i32
      %scan3A_392 = arith.addi %scan3A_390, %scan3A_391 : i32
      %scan3A_393 = arith.constant 1 : i32
      scf.for %scan3A_716 = %scan3A_390 to %scan3A_392 step %scan3A_393  : i32 {
        %mul3A_717 = arith.constant 8 : i32
        %mul3A_718 = arith.muli %scan3A_716, %mul3A_717 : i32
        %add3A_719 = arith.constant 0 : i32
        %add3A_720 = arith.addi %mul3A_718, %add3A_719 : i32
        %shift_right_logical3A = arith.constant 6 : i32
        %shift_right_logical3A_721 = arith.shrui %add3A_720, %shift_right_logical3A : i32
        %and3A = arith.constant 63 : i32
        %and3A_722 = arith.andi %add3A_720, %and3A : i32
        %mul3A_723 = arith.constant 16 : i32
        %mul3A_724 = arith.muli %and3A_722, %mul3A_723 : i32
        %get3A = arith.index_cast %shift_right_logical3A_721 : i32 to index
        %get3A_725 = arith.index_cast %mul3A_724 : i32 to index
        %get3A_726 = tpu.vector_load %arg7[%get3A, %get3A_725] {strides = array<i32>} : memref<16x1024xf32, #tpu.memory_space<vmem>>, vector<1x16xf32>,
        %get3A_727 = vector.shape_cast %get3A_726 : vector<1x16xf32> to vector<16xf32>
        %mul3A_728 = arith.constant 3.200000e+01 : f32
        %mul3A_729 = vector.broadcast %mul3A_728 : f32 to vector<16xf32>
        %mul3A_730 = arith.mulf %get3A_727, %mul3A_729 : vector<16xf32>
        %get3A_731 = arith.index_cast %shift_right_logical3A_721 : i32 to index
        %get3A_732 = arith.index_cast %mul3A_724 : i32 to index
        %get3A_733 = tpu.vector_load %arg12[%get3A_731, %get3A_732] {strides = array<i32>} : memref<16x1024xf32, #tpu.memory_space<vmem>>, vector<1x16xf32>,
        %get3A_734 = vector.shape_cast %get3A_733 : vector<1x16xf32> to vector<16xf32>
        %add3A_735 = arith.addf %mul3A_730, %get3A_734 : vector<16xf32>
        %swap3A = arith.index_cast %shift_right_logical3A_721 : i32 to index
        %swap3A_736 = arith.index_cast %mul3A_724 : i32 to index
        %swap3A_737 = tpu.vector_load %arg7[%swap3A, %swap3A_736] {strides = array<i32>} : memref<16x1024xf32, #tpu.memory_space<vmem>>, vector<1x16xf32>,
        %swap3A_738 = vector.shape_cast %swap3A_737 : vector<1x16xf32> to vector<16xf32>
        %swap3A_739 = vector.shape_cast %add3A_735 : vector<16xf32> to vector<1x16xf32>
        tpu.vector_store %arg7[%swap3A, %swap3A_736], %swap3A_739 {strides = array<i32>} : memref<16x1024xf32, #tpu.memory_space<vmem>>, vector<1x16xf32>,
        %add3A_740 = arith.constant 1 : i32
        %add3A_741 = arith.addi %mul3A_718, %add3A_740 : i32
        %shift_right_logical3A_742 = arith.constant 6 : i32
        %shift_right_logical3A_743 = arith.shrui %add3A_741, %shift_right_logical3A_742 : i32
        %and3A_744 = arith.constant 63 : i32
        %and3A_745 = arith.andi %add3A_741, %and3A_744 : i32
        %mul3A_746 = arith.constant 16 : i32
        %mul3A_747 = arith.muli %and3A_745, %mul3A_746 : i32
        %get3A_748 = arith.index_cast %shift_right_logical3A_743 : i32 to index
        %get3A_749 = arith.index_cast %mul3A_747 : i32 to index
        %get3A_750 = tpu.vector_load %arg7[%get3A_748, %get3A_749] {strides = array<i32>} : memref<16x1024xf32, #tpu.memory_space<vmem>>, vector<1x16xf32>,
        %get3A_751 = vector.shape_cast %get3A_750 : vector<1x16xf32> to vector<16xf32>
        %mul3A_752 = arith.constant 3.200000e+01 : f32
        %mul3A_753 = vector.broadcast %mul3A_752 : f32 to vector<16xf32>
        %mul3A_754 = arith.mulf %get3A_751, %mul3A_753 : vector<16xf32>
        %get3A_755 = arith.index_cast %shift_right_logical3A_743 : i32 to index
        %get3A_756 = arith.index_cast %mul3A_747 : i32 to index
        %get3A_757 = tpu.vector_load %arg12[%get3A_755, %get3A_756] {strides = array<i32>} : memref<16x1024xf32, #tpu.memory_space<vmem>>, vector<1x16xf32>,
        %get3A_758 = vector.shape_cast %get3A_757 : vector<1x16xf32> to vector<16xf32>
        %add3A_759 = arith.addf %mul3A_754, %get3A_758 : vector<16xf32>
        %swap3A_760 = arith.index_cast %shift_right_logical3A_743 : i32 to index
        %swap3A_761 = arith.index_cast %mul3A_747 : i32 to index
        %swap3A_762 = tpu.vector_load %arg7[%swap3A_760, %swap3A_761] {strides = array<i32>} : memref<16x1024xf32, #tpu.memory_space<vmem>>, vector<1x16xf32>,
        %swap3A_763 = vector.shape_cast %swap3A_762 : vector<1x16xf32> to vector<16xf32>
        %swap3A_764 = vector.shape_cast %add3A_759 : vector<16xf32> to vector<1x16xf32>
        tpu.vector_store %arg7[%swap3A_760, %swap3A_761], %swap3A_764 {strides = array<i32>} : memref<16x1024xf32, #tpu.memory_space<vmem>>, vector<1x16xf32>,
        %add3A_765 = arith.constant 2 : i32
        %add3A_766 = arith.addi %mul3A_718, %add3A_765 : i32
        %shift_right_logical3A_767 = arith.constant 6 : i32
        %shift_right_logical3A_768 = arith.shrui %add3A_766, %shift_right_logical3A_767 : i32
        %and3A_769 = arith.constant 63 : i32
        %and3A_770 = arith.andi %add3A_766, %and3A_769 : i32
        %mul3A_771 = arith.constant 16 : i32
        %mul3A_772 = arith.muli %and3A_770, %mul3A_771 : i32
        %get3A_773 = arith.index_cast %shift_right_logical3A_768 : i32 to index
        %get3A_774 = arith.index_cast %mul3A_772 : i32 to index
        %get3A_775 = tpu.vector_load %arg7[%get3A_773, %get3A_774] {strides = array<i32>} : memref<16x1024xf32, #tpu.memory_space<vmem>>, vector<1x16xf32>,
        %get3A_776 = vector.shape_cast %get3A_775 : vector<1x16xf32> to vector<16xf32>
        %mul3A_777 = arith.constant 3.200000e+01 : f32
        %mul3A_778 = vector.broadcast %mul3A_777 : f32 to vector<16xf32>
        %mul3A_779 = arith.mulf %get3A_776, %mul3A_778 : vector<16xf32>
        %get3A_780 = arith.index_cast %shift_right_logical3A_768 : i32 to index
        %get3A_781 = arith.index_cast %mul3A_772 : i32 to index
        %get3A_782 = tpu.vector_load %arg12[%get3A_780, %get3A_781] {strides = array<i32>} : memref<16x1024xf32, #tpu.memory_space<vmem>>, vector<1x16xf32>,
        %get3A_783 = vector.shape_cast %get3A_782 : vector<1x16xf32> to vector<16xf32>
        %add3A_784 = arith.addf %mul3A_779, %get3A_783 : vector<16xf32>
        %swap3A_785 = arith.index_cast %shift_right_logical3A_768 : i32 to index
        %swap3A_786 = arith.index_cast %mul3A_772 : i32 to index
        %swap3A_787 = tpu.vector_load %arg7[%swap3A_785, %swap3A_786] {strides = array<i32>} : memref<16x1024xf32, #tpu.memory_space<vmem>>, vector<1x16xf32>,
        %swap3A_788 = vector.shape_cast %swap3A_787 : vector<1x16xf32> to vector<16xf32>
        %swap3A_789 = vector.shape_cast %add3A_784 : vector<16xf32> to vector<1x16xf32>
        tpu.vector_store %arg7[%swap3A_785, %swap3A_786], %swap3A_789 {strides = array<i32>} : memref<16x1024xf32, #tpu.memory_space<vmem>>, vector<1x16xf32>,
        %add3A_790 = arith.constant 3 : i32
        %add3A_791 = arith.addi %mul3A_718, %add3A_790 : i32
        %shift_right_logical3A_792 = arith.constant 6 : i32
        %shift_right_logical3A_793 = arith.shrui %add3A_791, %shift_right_logical3A_792 : i32
        %and3A_794 = arith.constant 63 : i32
        %and3A_795 = arith.andi %add3A_791, %and3A_794 : i32
        %mul3A_796 = arith.constant 16 : i32
        %mul3A_797 = arith.muli %and3A_795, %mul3A_796 : i32
        %get3A_798 = arith.index_cast %shift_right_logical3A_793 : i32 to index
        %get3A_799 = arith.index_cast %mul3A_797 : i32 to index
        %get3A_800 = tpu.vector_load %arg7[%get3A_798, %get3A_799] {strides = array<i32>} : memref<16x1024xf32, #tpu.memory_space<vmem>>, vector<1x16xf32>,
        %get3A_801 = vector.shape_cast %get3A_800 : vector<1x16xf32> to vector<16xf32>
        %mul3A_802 = arith.constant 3.200000e+01 : f32
        %mul3A_803 = vector.broadcast %mul3A_802 : f32 to vector<16xf32>
        %mul3A_804 = arith.mulf %get3A_801, %mul3A_803 : vector<16xf32>
        %get3A_805 = arith.index_cast %shift_right_logical3A_793 : i32 to index
        %get3A_806 = arith.index_cast %mul3A_797 : i32 to index
        %get3A_807 = tpu.vector_load %arg12[%get3A_805, %get3A_806] {strides = array<i32>} : memref<16x1024xf32, #tpu.memory_space<vmem>>, vector<1x16xf32>,
        %get3A_808 = vector.shape_cast %get3A_807 : vector<1x16xf32> to vector<16xf32>
        %add3A_809 = arith.addf %mul3A_804, %get3A_808 : vector<16xf32>
        %swap3A_810 = arith.index_cast %shift_right_logical3A_793 : i32 to index
        %swap3A_811 = arith.index_cast %mul3A_797 : i32 to index
        %swap3A_812 = tpu.vector_load %arg7[%swap3A_810, %swap3A_811] {strides = array<i32>} : memref<16x1024xf32, #tpu.memory_space<vmem>>, vector<1x16xf32>,
        %swap3A_813 = vector.shape_cast %swap3A_812 : vector<1x16xf32> to vector<16xf32>
        %swap3A_814 = vector.shape_cast %add3A_809 : vector<16xf32> to vector<1x16xf32>
        tpu.vector_store %arg7[%swap3A_810, %swap3A_811], %swap3A_814 {strides = array<i32>} : memref<16x1024xf32, #tpu.memory_space<vmem>>, vector<1x16xf32>,
        %add3A_815 = arith.constant 4 : i32
        %add3A_816 = arith.addi %mul3A_718, %add3A_815 : i32
        %shift_right_logical3A_817 = arith.constant 6 : i32
        %shift_right_logical3A_818 = arith.shrui %add3A_816, %shift_right_logical3A_817 : i32
        %and3A_819 = arith.constant 63 : i32
        %and3A_820 = arith.andi %add3A_816, %and3A_819 : i32
        %mul3A_821 = arith.constant 16 : i32
        %mul3A_822 = arith.muli %and3A_820, %mul3A_821 : i32
        %get3A_823 = arith.index_cast %shift_right_logical3A_818 : i32 to index
        %get3A_824 = arith.index_cast %mul3A_822 : i32 to index
        %get3A_825 = tpu.vector_load %arg7[%get3A_823, %get3A_824] {strides = array<i32>} : memref<16x1024xf32, #tpu.memory_space<vmem>>, vector<1x16xf32>,
        %get3A_826 = vector.shape_cast %get3A_825 : vector<1x16xf32> to vector<16xf32>
        %mul3A_827 = arith.constant 3.200000e+01 : f32
        %mul3A_828 = vector.broadcast %mul3A_827 : f32 to vector<16xf32>
        %mul3A_829 = arith.mulf %get3A_826, %mul3A_828 : vector<16xf32>
        %get3A_830 = arith.index_cast %shift_right_logical3A_818 : i32 to index
        %get3A_831 = arith.index_cast %mul3A_822 : i32 to index
        %get3A_832 = tpu.vector_load %arg12[%get3A_830, %get3A_831] {strides = array<i32>} : memref<16x1024xf32, #tpu.memory_space<vmem>>, vector<1x16xf32>,
        %get3A_833 = vector.shape_cast %get3A_832 : vector<1x16xf32> to vector<16xf32>
        %add3A_834 = arith.addf %mul3A_829, %get3A_833 : vector<16xf32>
        %swap3A_835 = arith.index_cast %shift_right_logical3A_818 : i32 to index
        %swap3A_836 = arith.index_cast %mul3A_822 : i32 to index
        %swap3A_837 = tpu.vector_load %arg7[%swap3A_835, %swap3A_836] {strides = array<i32>} : memref<16x1024xf32, #tpu.memory_space<vmem>>, vector<1x16xf32>,
        %swap3A_838 = vector.shape_cast %swap3A_837 : vector<1x16xf32> to vector<16xf32>
        %swap3A_839 = vector.shape_cast %add3A_834 : vector<16xf32> to vector<1x16xf32>
        tpu.vector_store %arg7[%swap3A_835, %swap3A_836], %swap3A_839 {strides = array<i32>} : memref<16x1024xf32, #tpu.memory_space<vmem>>, vector<1x16xf32>,
        %add3A_840 = arith.constant 5 : i32
        %add3A_841 = arith.addi %mul3A_718, %add3A_840 : i32
        %shift_right_logical3A_842 = arith.constant 6 : i32
        %shift_right_logical3A_843 = arith.shrui %add3A_841, %shift_right_logical3A_842 : i32
        %and3A_844 = arith.constant 63 : i32
        %and3A_845 = arith.andi %add3A_841, %and3A_844 : i32
        %mul3A_846 = arith.constant 16 : i32
        %mul3A_847 = arith.muli %and3A_845, %mul3A_846 : i32
        %get3A_848 = arith.index_cast %shift_right_logical3A_843 : i32 to index
        %get3A_849 = arith.index_cast %mul3A_847 : i32 to index
        %get3A_850 = tpu.vector_load %arg7[%get3A_848, %get3A_849] {strides = array<i32>} : memref<16x1024xf32, #tpu.memory_space<vmem>>, vector<1x16xf32>,
        %get3A_851 = vector.shape_cast %get3A_850 : vector<1x16xf32> to vector<16xf32>
        %mul3A_852 = arith.constant 3.200000e+01 : f32
        %mul3A_853 = vector.broadcast %mul3A_852 : f32 to vector<16xf32>
        %mul3A_854 = arith.mulf %get3A_851, %mul3A_853 : vector<16xf32>
        %get3A_855 = arith.index_cast %shift_right_logical3A_843 : i32 to index
        %get3A_856 = arith.index_cast %mul3A_847 : i32 to index
        %get3A_857 = tpu.vector_load %arg12[%get3A_855, %get3A_856] {strides = array<i32>} : memref<16x1024xf32, #tpu.memory_space<vmem>>, vector<1x16xf32>,
        %get3A_858 = vector.shape_cast %get3A_857 : vector<1x16xf32> to vector<16xf32>
        %add3A_859 = arith.addf %mul3A_854, %get3A_858 : vector<16xf32>
        %swap3A_860 = arith.index_cast %shift_right_logical3A_843 : i32 to index
        %swap3A_861 = arith.index_cast %mul3A_847 : i32 to index
        %swap3A_862 = tpu.vector_load %arg7[%swap3A_860, %swap3A_861] {strides = array<i32>} : memref<16x1024xf32, #tpu.memory_space<vmem>>, vector<1x16xf32>,
        %swap3A_863 = vector.shape_cast %swap3A_862 : vector<1x16xf32> to vector<16xf32>
        %swap3A_864 = vector.shape_cast %add3A_859 : vector<16xf32> to vector<1x16xf32>
        tpu.vector_store %arg7[%swap3A_860, %swap3A_861], %swap3A_864 {strides = array<i32>} : memref<16x1024xf32, #tpu.memory_space<vmem>>, vector<1x16xf32>,
        %add3A_865 = arith.constant 6 : i32
        %add3A_866 = arith.addi %mul3A_718, %add3A_865 : i32
        %shift_right_logical3A_867 = arith.constant 6 : i32
        %shift_right_logical3A_868 = arith.shrui %add3A_866, %shift_right_logical3A_867 : i32
        %and3A_869 = arith.constant 63 : i32
        %and3A_870 = arith.andi %add3A_866, %and3A_869 : i32
        %mul3A_871 = arith.constant 16 : i32
        %mul3A_872 = arith.muli %and3A_870, %mul3A_871 : i32
        %get3A_873 = arith.index_cast %shift_right_logical3A_868 : i32 to index
        %get3A_874 = arith.index_cast %mul3A_872 : i32 to index
        %get3A_875 = tpu.vector_load %arg7[%get3A_873, %get3A_874] {strides = array<i32>} : memref<16x1024xf32, #tpu.memory_space<vmem>>, vector<1x16xf32>,
        %get3A_876 = vector.shape_cast %get3A_875 : vector<1x16xf32> to vector<16xf32>
        %mul3A_877 = arith.constant 3.200000e+01 : f32
        %mul3A_878 = vector.broadcast %mul3A_877 : f32 to vector<16xf32>
        %mul3A_879 = arith.mulf %get3A_876, %mul3A_878 : vector<16xf32>
        %get3A_880 = arith.index_cast %shift_right_logical3A_868 : i32 to index
        %get3A_881 = arith.index_cast %mul3A_872 : i32 to index
        %get3A_882 = tpu.vector_load %arg12[%get3A_880, %get3A_881] {strides = array<i32>} : memref<16x1024xf32, #tpu.memory_space<vmem>>, vector<1x16xf32>,
        %get3A_883 = vector.shape_cast %get3A_882 : vector<1x16xf32> to vector<16xf32>
        %add3A_884 = arith.addf %mul3A_879, %get3A_883 : vector<16xf32>
        %swap3A_885 = arith.index_cast %shift_right_logical3A_868 : i32 to index
        %swap3A_886 = arith.index_cast %mul3A_872 : i32 to index
        %swap3A_887 = tpu.vector_load %arg7[%swap3A_885, %swap3A_886] {strides = array<i32>} : memref<16x1024xf32, #tpu.memory_space<vmem>>, vector<1x16xf32>,
        %swap3A_888 = vector.shape_cast %swap3A_887 : vector<1x16xf32> to vector<16xf32>
        %swap3A_889 = vector.shape_cast %add3A_884 : vector<16xf32> to vector<1x16xf32>
        tpu.vector_store %arg7[%swap3A_885, %swap3A_886], %swap3A_889 {strides = array<i32>} : memref<16x1024xf32, #tpu.memory_space<vmem>>, vector<1x16xf32>,
        %add3A_890 = arith.constant 7 : i32
        %add3A_891 = arith.addi %mul3A_718, %add3A_890 : i32
        %shift_right_logical3A_892 = arith.constant 6 : i32
        %shift_right_logical3A_893 = arith.shrui %add3A_891, %shift_right_logical3A_892 : i32
        %and3A_894 = arith.constant 63 : i32
        %and3A_895 = arith.andi %add3A_891, %and3A_894 : i32
        %mul3A_896 = arith.constant 16 : i32
        %mul3A_897 = arith.muli %and3A_895, %mul3A_896 : i32
        %get3A_898 = arith.index_cast %shift_right_logical3A_893 : i32 to index
        %get3A_899 = arith.index_cast %mul3A_897 : i32 to index
        %get3A_900 = tpu.vector_load %arg7[%get3A_898, %get3A_899] {strides = array<i32>} : memref<16x1024xf32, #tpu.memory_space<vmem>>, vector<1x16xf32>,
        %get3A_901 = vector.shape_cast %get3A_900 : vector<1x16xf32> to vector<16xf32>
        %mul3A_902 = arith.constant 3.200000e+01 : f32
        %mul3A_903 = vector.broadcast %mul3A_902 : f32 to vector<16xf32>
        %mul3A_904 = arith.mulf %get3A_901, %mul3A_903 : vector<16xf32>
        %get3A_905 = arith.index_cast %shift_right_logical3A_893 : i32 to index
        %get3A_906 = arith.index_cast %mul3A_897 : i32 to index
        %get3A_907 = tpu.vector_load %arg12[%get3A_905, %get3A_906] {strides = array<i32>} : memref<16x1024xf32, #tpu.memory_space<vmem>>, vector<1x16xf32>,
        %get3A_908 = vector.shape_cast %get3A_907 : vector<1x16xf32> to vector<16xf32>
        %add3A_909 = arith.addf %mul3A_904, %get3A_908 : vector<16xf32>
        %swap3A_910 = arith.index_cast %shift_right_logical3A_893 : i32 to index
        %swap3A_911 = arith.index_cast %mul3A_897 : i32 to index
        %swap3A_912 = tpu.vector_load %arg7[%swap3A_910, %swap3A_911] {strides = array<i32>} : memref<16x1024xf32, #tpu.memory_space<vmem>>, vector<1x16xf32>,
        %swap3A_913 = vector.shape_cast %swap3A_912 : vector<1x16xf32> to vector<16xf32>
        %swap3A_914 = vector.shape_cast %add3A_909 : vector<16xf32> to vector<1x16xf32>
        tpu.vector_store %arg7[%swap3A_910, %swap3A_911], %swap3A_914 {strides = array<i32>} : memref<16x1024xf32, #tpu.memory_space<vmem>>, vector<1x16xf32>,
      }
      %scan3A_394 = arith.constant 128 : i32
      %add3A_395 = arith.constant 0 : i32
      %add3A_396 = arith.addi %add3A_395, %mul3A_2 : i32
      %mul3A_397 = arith.constant 16 : i32
      %mul3A_398 = arith.muli %add3A_346, %mul3A_397 : i32
      %add3A_399 = arith.addi %add3A_396, %mul3A_398 : i32
      %dma_start3A_400 = arith.constant 0 : i32
      %dma_start3A_401 = tpu.memref_slice %arg5[%add3A_399, %dma_start3A_400] : memref<16384x1024xf32, #tpu.memory_space<hbm>> -> memref<16x1024xf32, #tpu.memory_space<hbm>>
      %dma_start3A_402 = arith.constant 0 : i32
      %dma_start3A_403 = tpu.memref_slice %arg5[%add3A_399, %dma_start3A_402] : memref<16384x1024xf32, #tpu.memory_space<hbm>> -> memref<16x1024xf32, #tpu.memory_space<hbm>>
      tpu.enqueue_dma source(%arg7 : memref<16x1024xf32, #tpu.memory_space<vmem>>) target(%dma_start3A_403 : memref<16x1024xf32, #tpu.memory_space<hbm>>) target_semaphore(%arg17 : memref<!tpu.dma_semaphore, #tpu.memory_space<semaphore_mem>>)
      %sub3A_404 = arith.constant 1 : i32
      %sub3A_405 = arith.subi %add3A_346, %sub3A_404 : i32
      %add3A_406 = arith.constant 8192 : i32
      %add3A_407 = arith.addi %add3A_406, %mul3A_2 : i32
      %mul3A_408 = arith.constant 16 : i32
      %mul3A_409 = arith.muli %sub3A_405, %mul3A_408 : i32
      %add3A_410 = arith.addi %add3A_407, %mul3A_409 : i32
      %dma_wait3A_411 = arith.constant 0 : i32
      %dma_wait3A_412 = tpu.memref_slice %arg5[%add3A_410, %dma_wait3A_411] : memref<16384x1024xf32, #tpu.memory_space<hbm>> -> memref<16x1024xf32, #tpu.memory_space<hbm>>
      %dma_wait3A_413 = arith.constant 0 : i32
      %dma_wait3A_414 = tpu.memref_slice %arg5[%add3A_410, %dma_wait3A_413] : memref<16384x1024xf32, #tpu.memory_space<hbm>> -> memref<16x1024xf32, #tpu.memory_space<hbm>>
      tpu.wait_dma2 semaphore(%arg19 : memref<!tpu.dma_semaphore, #tpu.memory_space<semaphore_mem>>) src(%arg9 : memref<16x1024xf32, #tpu.memory_space<vmem>>) dst(%dma_wait3A_414 : memref<16x1024xf32, #tpu.memory_space<hbm>>)
      %mul3A_415 = arith.constant 16 : i32
      %mul3A_416 = arith.muli %add3A_346, %mul3A_415 : i32
      %add3A_417 = arith.constant 256 : i32
      %add3A_418 = arith.addi %add3A_417, %mul3A_416 : i32
      %dma_start3A_419 = tpu.memref_slice %arg6[%add3A_418] : memref<512xi32, #tpu.memory_space<vmem>> -> memref<16xi32, #tpu.memory_space<vmem>>
      %dma_start3A_420 = arith.constant 0 : i32
      %dma_start3A_421 = arith.constant 0 : i32
      %dma_start3A_422 = tpu.memref_slice %arg3[%dma_start3A_420, %dma_start3A_421] : memref<100000x1024xf32, #tpu.memory_space<hbm>> -> memref<100000x1024xf32, #tpu.memory_space<hbm>>
      tpu.enqueue_indirect_dma source(%dma_start3A_422 : memref<100000x1024xf32, #tpu.memory_space<hbm>>) target(%arg9 : memref<16x1024xf32, #tpu.memory_space<vmem>>) offsets(%dma_start3A_419 : memref<16xi32, #tpu.memory_space<vmem>>) semaphore(%arg15 : memref<!tpu.dma_semaphore, #tpu.memory_space<semaphore_mem>>)
      %mul3A_423 = arith.constant 16 : i32
      %mul3A_424 = arith.muli %add3A_346, %mul3A_423 : i32
      %add3A_425 = arith.constant 128 : i32
      %add3A_426 = arith.addi %add3A_425, %mul3A_424 : i32
      %dma_wait3A_427 = tpu.memref_slice %arg6[%add3A_426] : memref<512xi32, #tpu.memory_space<vmem>> -> memref<16xi32, #tpu.memory_space<vmem>>
      %dma_wait3A_428 = arith.constant 0 : i32
      %dma_wait3A_429 = arith.constant 0 : i32
      %dma_wait3A_430 = tpu.memref_slice %arg3[%dma_wait3A_428, %dma_wait3A_429] : memref<100000x1024xf32, #tpu.memory_space<hbm>> -> memref<100000x1024xf32, #tpu.memory_space<hbm>>
      tpu.wait_indirect_dma semaphore(%arg14 : memref<!tpu.dma_semaphore, #tpu.memory_space<semaphore_mem>>) src(%dma_wait3A_430 : memref<100000x1024xf32, #tpu.memory_space<hbm>>) dst(%arg8 : memref<16x1024xf32, #tpu.memory_space<vmem>>)
      %scan3A_431 = arith.constant 0 : i32
      %scan3A_432 = arith.constant 0 : i32
      %scan3A_433 = arith.constant 128 : i32
      %scan3A_434 = arith.addi %scan3A_432, %scan3A_433 : i32
      %scan3A_435 = arith.constant 1 : i32
      scf.for %scan3A_716 = %scan3A_432 to %scan3A_434 step %scan3A_435  : i32 {
        %mul3A_717 = arith.constant 8 : i32
        %mul3A_718 = arith.muli %scan3A_716, %mul3A_717 : i32
        %add3A_719 = arith.constant 0 : i32
        %add3A_720 = arith.addi %mul3A_718, %add3A_719 : i32
        %shift_right_logical3A = arith.constant 6 : i32
        %shift_right_logical3A_721 = arith.shrui %add3A_720, %shift_right_logical3A : i32
        %and3A = arith.constant 63 : i32
        %and3A_722 = arith.andi %add3A_720, %and3A : i32
        %mul3A_723 = arith.constant 16 : i32
        %mul3A_724 = arith.muli %and3A_722, %mul3A_723 : i32
        %get3A = arith.index_cast %shift_right_logical3A_721 : i32 to index
        %get3A_725 = arith.index_cast %mul3A_724 : i32 to index
        %get3A_726 = tpu.vector_load %arg8[%get3A, %get3A_725] {strides = array<i32>} : memref<16x1024xf32, #tpu.memory_space<vmem>>, vector<1x16xf32>,
        %get3A_727 = vector.shape_cast %get3A_726 : vector<1x16xf32> to vector<16xf32>
        %mul3A_728 = arith.constant 3.200000e+01 : f32
        %mul3A_729 = vector.broadcast %mul3A_728 : f32 to vector<16xf32>
        %mul3A_730 = arith.mulf %get3A_727, %mul3A_729 : vector<16xf32>
        %get3A_731 = arith.index_cast %shift_right_logical3A_721 : i32 to index
        %get3A_732 = arith.index_cast %mul3A_724 : i32 to index
        %get3A_733 = tpu.vector_load %arg12[%get3A_731, %get3A_732] {strides = array<i32>} : memref<16x1024xf32, #tpu.memory_space<vmem>>, vector<1x16xf32>,
        %get3A_734 = vector.shape_cast %get3A_733 : vector<1x16xf32> to vector<16xf32>
        %add3A_735 = arith.addf %mul3A_730, %get3A_734 : vector<16xf32>
        %swap3A = arith.index_cast %shift_right_logical3A_721 : i32 to index
        %swap3A_736 = arith.index_cast %mul3A_724 : i32 to index
        %swap3A_737 = tpu.vector_load %arg8[%swap3A, %swap3A_736] {strides = array<i32>} : memref<16x1024xf32, #tpu.memory_space<vmem>>, vector<1x16xf32>,
        %swap3A_738 = vector.shape_cast %swap3A_737 : vector<1x16xf32> to vector<16xf32>
        %swap3A_739 = vector.shape_cast %add3A_735 : vector<16xf32> to vector<1x16xf32>
        tpu.vector_store %arg8[%swap3A, %swap3A_736], %swap3A_739 {strides = array<i32>} : memref<16x1024xf32, #tpu.memory_space<vmem>>, vector<1x16xf32>,
        %add3A_740 = arith.constant 1 : i32
        %add3A_741 = arith.addi %mul3A_718, %add3A_740 : i32
        %shift_right_logical3A_742 = arith.constant 6 : i32
        %shift_right_logical3A_743 = arith.shrui %add3A_741, %shift_right_logical3A_742 : i32
        %and3A_744 = arith.constant 63 : i32
        %and3A_745 = arith.andi %add3A_741, %and3A_744 : i32
        %mul3A_746 = arith.constant 16 : i32
        %mul3A_747 = arith.muli %and3A_745, %mul3A_746 : i32
        %get3A_748 = arith.index_cast %shift_right_logical3A_743 : i32 to index
        %get3A_749 = arith.index_cast %mul3A_747 : i32 to index
        %get3A_750 = tpu.vector_load %arg8[%get3A_748, %get3A_749] {strides = array<i32>} : memref<16x1024xf32, #tpu.memory_space<vmem>>, vector<1x16xf32>,
        %get3A_751 = vector.shape_cast %get3A_750 : vector<1x16xf32> to vector<16xf32>
        %mul3A_752 = arith.constant 3.200000e+01 : f32
        %mul3A_753 = vector.broadcast %mul3A_752 : f32 to vector<16xf32>
        %mul3A_754 = arith.mulf %get3A_751, %mul3A_753 : vector<16xf32>
        %get3A_755 = arith.index_cast %shift_right_logical3A_743 : i32 to index
        %get3A_756 = arith.index_cast %mul3A_747 : i32 to index
        %get3A_757 = tpu.vector_load %arg12[%get3A_755, %get3A_756] {strides = array<i32>} : memref<16x1024xf32, #tpu.memory_space<vmem>>, vector<1x16xf32>,
        %get3A_758 = vector.shape_cast %get3A_757 : vector<1x16xf32> to vector<16xf32>
        %add3A_759 = arith.addf %mul3A_754, %get3A_758 : vector<16xf32>
        %swap3A_760 = arith.index_cast %shift_right_logical3A_743 : i32 to index
        %swap3A_761 = arith.index_cast %mul3A_747 : i32 to index
        %swap3A_762 = tpu.vector_load %arg8[%swap3A_760, %swap3A_761] {strides = array<i32>} : memref<16x1024xf32, #tpu.memory_space<vmem>>, vector<1x16xf32>,
        %swap3A_763 = vector.shape_cast %swap3A_762 : vector<1x16xf32> to vector<16xf32>
        %swap3A_764 = vector.shape_cast %add3A_759 : vector<16xf32> to vector<1x16xf32>
        tpu.vector_store %arg8[%swap3A_760, %swap3A_761], %swap3A_764 {strides = array<i32>} : memref<16x1024xf32, #tpu.memory_space<vmem>>, vector<1x16xf32>,
        %add3A_765 = arith.constant 2 : i32
        %add3A_766 = arith.addi %mul3A_718, %add3A_765 : i32
        %shift_right_logical3A_767 = arith.constant 6 : i32
        %shift_right_logical3A_768 = arith.shrui %add3A_766, %shift_right_logical3A_767 : i32
        %and3A_769 = arith.constant 63 : i32
        %and3A_770 = arith.andi %add3A_766, %and3A_769 : i32
        %mul3A_771 = arith.constant 16 : i32
        %mul3A_772 = arith.muli %and3A_770, %mul3A_771 : i32
        %get3A_773 = arith.index_cast %shift_right_logical3A_768 : i32 to index
        %get3A_774 = arith.index_cast %mul3A_772 : i32 to index
        %get3A_775 = tpu.vector_load %arg8[%get3A_773, %get3A_774] {strides = array<i32>} : memref<16x1024xf32, #tpu.memory_space<vmem>>, vector<1x16xf32>,
        %get3A_776 = vector.shape_cast %get3A_775 : vector<1x16xf32> to vector<16xf32>
        %mul3A_777 = arith.constant 3.200000e+01 : f32
        %mul3A_778 = vector.broadcast %mul3A_777 : f32 to vector<16xf32>
        %mul3A_779 = arith.mulf %get3A_776, %mul3A_778 : vector<16xf32>
        %get3A_780 = arith.index_cast %shift_right_logical3A_768 : i32 to index
        %get3A_781 = arith.index_cast %mul3A_772 : i32 to index
        %get3A_782 = tpu.vector_load %arg12[%get3A_780, %get3A_781] {strides = array<i32>} : memref<16x1024xf32, #tpu.memory_space<vmem>>, vector<1x16xf32>,
        %get3A_783 = vector.shape_cast %get3A_782 : vector<1x16xf32> to vector<16xf32>
        %add3A_784 = arith.addf %mul3A_779, %get3A_783 : vector<16xf32>
        %swap3A_785 = arith.index_cast %shift_right_logical3A_768 : i32 to index
        %swap3A_786 = arith.index_cast %mul3A_772 : i32 to index
        %swap3A_787 = tpu.vector_load %arg8[%swap3A_785, %swap3A_786] {strides = array<i32>} : memref<16x1024xf32, #tpu.memory_space<vmem>>, vector<1x16xf32>,
        %swap3A_788 = vector.shape_cast %swap3A_787 : vector<1x16xf32> to vector<16xf32>
        %swap3A_789 = vector.shape_cast %add3A_784 : vector<16xf32> to vector<1x16xf32>
        tpu.vector_store %arg8[%swap3A_785, %swap3A_786], %swap3A_789 {strides = array<i32>} : memref<16x1024xf32, #tpu.memory_space<vmem>>, vector<1x16xf32>,
        %add3A_790 = arith.constant 3 : i32
        %add3A_791 = arith.addi %mul3A_718, %add3A_790 : i32
        %shift_right_logical3A_792 = arith.constant 6 : i32
        %shift_right_logical3A_793 = arith.shrui %add3A_791, %shift_right_logical3A_792 : i32
        %and3A_794 = arith.constant 63 : i32
        %and3A_795 = arith.andi %add3A_791, %and3A_794 : i32
        %mul3A_796 = arith.constant 16 : i32
        %mul3A_797 = arith.muli %and3A_795, %mul3A_796 : i32
        %get3A_798 = arith.index_cast %shift_right_logical3A_793 : i32 to index
        %get3A_799 = arith.index_cast %mul3A_797 : i32 to index
        %get3A_800 = tpu.vector_load %arg8[%get3A_798, %get3A_799] {strides = array<i32>} : memref<16x1024xf32, #tpu.memory_space<vmem>>, vector<1x16xf32>,
        %get3A_801 = vector.shape_cast %get3A_800 : vector<1x16xf32> to vector<16xf32>
        %mul3A_802 = arith.constant 3.200000e+01 : f32
        %mul3A_803 = vector.broadcast %mul3A_802 : f32 to vector<16xf32>
        %mul3A_804 = arith.mulf %get3A_801, %mul3A_803 : vector<16xf32>
        %get3A_805 = arith.index_cast %shift_right_logical3A_793 : i32 to index
        %get3A_806 = arith.index_cast %mul3A_797 : i32 to index
        %get3A_807 = tpu.vector_load %arg12[%get3A_805, %get3A_806] {strides = array<i32>} : memref<16x1024xf32, #tpu.memory_space<vmem>>, vector<1x16xf32>,
        %get3A_808 = vector.shape_cast %get3A_807 : vector<1x16xf32> to vector<16xf32>
        %add3A_809 = arith.addf %mul3A_804, %get3A_808 : vector<16xf32>
        %swap3A_810 = arith.index_cast %shift_right_logical3A_793 : i32 to index
        %swap3A_811 = arith.index_cast %mul3A_797 : i32 to index
        %swap3A_812 = tpu.vector_load %arg8[%swap3A_810, %swap3A_811] {strides = array<i32>} : memref<16x1024xf32, #tpu.memory_space<vmem>>, vector<1x16xf32>,
        %swap3A_813 = vector.shape_cast %swap3A_812 : vector<1x16xf32> to vector<16xf32>
        %swap3A_814 = vector.shape_cast %add3A_809 : vector<16xf32> to vector<1x16xf32>
        tpu.vector_store %arg8[%swap3A_810, %swap3A_811], %swap3A_814 {strides = array<i32>} : memref<16x1024xf32, #tpu.memory_space<vmem>>, vector<1x16xf32>,
        %add3A_815 = arith.constant 4 : i32
        %add3A_816 = arith.addi %mul3A_718, %add3A_815 : i32
        %shift_right_logical3A_817 = arith.constant 6 : i32
        %shift_right_logical3A_818 = arith.shrui %add3A_816, %shift_right_logical3A_817 : i32
        %and3A_819 = arith.constant 63 : i32
        %and3A_820 = arith.andi %add3A_816, %and3A_819 : i32
        %mul3A_821 = arith.constant 16 : i32
        %mul3A_822 = arith.muli %and3A_820, %mul3A_821 : i32
        %get3A_823 = arith.index_cast %shift_right_logical3A_818 : i32 to index
        %get3A_824 = arith.index_cast %mul3A_822 : i32 to index
        %get3A_825 = tpu.vector_load %arg8[%get3A_823, %get3A_824] {strides = array<i32>} : memref<16x1024xf32, #tpu.memory_space<vmem>>, vector<1x16xf32>,
        %get3A_826 = vector.shape_cast %get3A_825 : vector<1x16xf32> to vector<16xf32>
        %mul3A_827 = arith.constant 3.200000e+01 : f32
        %mul3A_828 = vector.broadcast %mul3A_827 : f32 to vector<16xf32>
        %mul3A_829 = arith.mulf %get3A_826, %mul3A_828 : vector<16xf32>
        %get3A_830 = arith.index_cast %shift_right_logical3A_818 : i32 to index
        %get3A_831 = arith.index_cast %mul3A_822 : i32 to index
        %get3A_832 = tpu.vector_load %arg12[%get3A_830, %get3A_831] {strides = array<i32>} : memref<16x1024xf32, #tpu.memory_space<vmem>>, vector<1x16xf32>,
        %get3A_833 = vector.shape_cast %get3A_832 : vector<1x16xf32> to vector<16xf32>
        %add3A_834 = arith.addf %mul3A_829, %get3A_833 : vector<16xf32>
        %swap3A_835 = arith.index_cast %shift_right_logical3A_818 : i32 to index
        %swap3A_836 = arith.index_cast %mul3A_822 : i32 to index
        %swap3A_837 = tpu.vector_load %arg8[%swap3A_835, %swap3A_836] {strides = array<i32>} : memref<16x1024xf32, #tpu.memory_space<vmem>>, vector<1x16xf32>,
        %swap3A_838 = vector.shape_cast %swap3A_837 : vector<1x16xf32> to vector<16xf32>
        %swap3A_839 = vector.shape_cast %add3A_834 : vector<16xf32> to vector<1x16xf32>
        tpu.vector_store %arg8[%swap3A_835, %swap3A_836], %swap3A_839 {strides = array<i32>} : memref<16x1024xf32, #tpu.memory_space<vmem>>, vector<1x16xf32>,
        %add3A_840 = arith.constant 5 : i32
        %add3A_841 = arith.addi %mul3A_718, %add3A_840 : i32
        %shift_right_logical3A_842 = arith.constant 6 : i32
        %shift_right_logical3A_843 = arith.shrui %add3A_841, %shift_right_logical3A_842 : i32
        %and3A_844 = arith.constant 63 : i32
        %and3A_845 = arith.andi %add3A_841, %and3A_844 : i32
        %mul3A_846 = arith.constant 16 : i32
        %mul3A_847 = arith.muli %and3A_845, %mul3A_846 : i32
        %get3A_848 = arith.index_cast %shift_right_logical3A_843 : i32 to index
        %get3A_849 = arith.index_cast %mul3A_847 : i32 to index
        %get3A_850 = tpu.vector_load %arg8[%get3A_848, %get3A_849] {strides = array<i32>} : memref<16x1024xf32, #tpu.memory_space<vmem>>, vector<1x16xf32>,
        %get3A_851 = vector.shape_cast %get3A_850 : vector<1x16xf32> to vector<16xf32>
        %mul3A_852 = arith.constant 3.200000e+01 : f32
        %mul3A_853 = vector.broadcast %mul3A_852 : f32 to vector<16xf32>
        %mul3A_854 = arith.mulf %get3A_851, %mul3A_853 : vector<16xf32>
        %get3A_855 = arith.index_cast %shift_right_logical3A_843 : i32 to index
        %get3A_856 = arith.index_cast %mul3A_847 : i32 to index
        %get3A_857 = tpu.vector_load %arg12[%get3A_855, %get3A_856] {strides = array<i32>} : memref<16x1024xf32, #tpu.memory_space<vmem>>, vector<1x16xf32>,
        %get3A_858 = vector.shape_cast %get3A_857 : vector<1x16xf32> to vector<16xf32>
        %add3A_859 = arith.addf %mul3A_854, %get3A_858 : vector<16xf32>
        %swap3A_860 = arith.index_cast %shift_right_logical3A_843 : i32 to index
        %swap3A_861 = arith.index_cast %mul3A_847 : i32 to index
        %swap3A_862 = tpu.vector_load %arg8[%swap3A_860, %swap3A_861] {strides = array<i32>} : memref<16x1024xf32, #tpu.memory_space<vmem>>, vector<1x16xf32>,
        %swap3A_863 = vector.shape_cast %swap3A_862 : vector<1x16xf32> to vector<16xf32>
        %swap3A_864 = vector.shape_cast %add3A_859 : vector<16xf32> to vector<1x16xf32>
        tpu.vector_store %arg8[%swap3A_860, %swap3A_861], %swap3A_864 {strides = array<i32>} : memref<16x1024xf32, #tpu.memory_space<vmem>>, vector<1x16xf32>,
        %add3A_865 = arith.constant 6 : i32
        %add3A_866 = arith.addi %mul3A_718, %add3A_865 : i32
        %shift_right_logical3A_867 = arith.constant 6 : i32
        %shift_right_logical3A_868 = arith.shrui %add3A_866, %shift_right_logical3A_867 : i32
        %and3A_869 = arith.constant 63 : i32
        %and3A_870 = arith.andi %add3A_866, %and3A_869 : i32
        %mul3A_871 = arith.constant 16 : i32
        %mul3A_872 = arith.muli %and3A_870, %mul3A_871 : i32
        %get3A_873 = arith.index_cast %shift_right_logical3A_868 : i32 to index
        %get3A_874 = arith.index_cast %mul3A_872 : i32 to index
        %get3A_875 = tpu.vector_load %arg8[%get3A_873, %get3A_874] {strides = array<i32>} : memref<16x1024xf32, #tpu.memory_space<vmem>>, vector<1x16xf32>,
        %get3A_876 = vector.shape_cast %get3A_875 : vector<1x16xf32> to vector<16xf32>
        %mul3A_877 = arith.constant 3.200000e+01 : f32
        %mul3A_878 = vector.broadcast %mul3A_877 : f32 to vector<16xf32>
        %mul3A_879 = arith.mulf %get3A_876, %mul3A_878 : vector<16xf32>
        %get3A_880 = arith.index_cast %shift_right_logical3A_868 : i32 to index
        %get3A_881 = arith.index_cast %mul3A_872 : i32 to index
        %get3A_882 = tpu.vector_load %arg12[%get3A_880, %get3A_881] {strides = array<i32>} : memref<16x1024xf32, #tpu.memory_space<vmem>>, vector<1x16xf32>,
        %get3A_883 = vector.shape_cast %get3A_882 : vector<1x16xf32> to vector<16xf32>
        %add3A_884 = arith.addf %mul3A_879, %get3A_883 : vector<16xf32>
        %swap3A_885 = arith.index_cast %shift_right_logical3A_868 : i32 to index
        %swap3A_886 = arith.index_cast %mul3A_872 : i32 to index
        %swap3A_887 = tpu.vector_load %arg8[%swap3A_885, %swap3A_886] {strides = array<i32>} : memref<16x1024xf32, #tpu.memory_space<vmem>>, vector<1x16xf32>,
        %swap3A_888 = vector.shape_cast %swap3A_887 : vector<1x16xf32> to vector<16xf32>
        %swap3A_889 = vector.shape_cast %add3A_884 : vector<16xf32> to vector<1x16xf32>
        tpu.vector_store %arg8[%swap3A_885, %swap3A_886], %swap3A_889 {strides = array<i32>} : memref<16x1024xf32, #tpu.memory_space<vmem>>, vector<1x16xf32>,
        %add3A_890 = arith.constant 7 : i32
        %add3A_891 = arith.addi %mul3A_718, %add3A_890 : i32
        %shift_right_logical3A_892 = arith.constant 6 : i32
        %shift_right_logical3A_893 = arith.shrui %add3A_891, %shift_right_logical3A_892 : i32
        %and3A_894 = arith.constant 63 : i32
        %and3A_895 = arith.andi %add3A_891, %and3A_894 : i32
        %mul3A_896 = arith.constant 16 : i32
        %mul3A_897 = arith.muli %and3A_895, %mul3A_896 : i32
        %get3A_898 = arith.index_cast %shift_right_logical3A_893 : i32 to index
        %get3A_899 = arith.index_cast %mul3A_897 : i32 to index
        %get3A_900 = tpu.vector_load %arg8[%get3A_898, %get3A_899] {strides = array<i32>} : memref<16x1024xf32, #tpu.memory_space<vmem>>, vector<1x16xf32>,
        %get3A_901 = vector.shape_cast %get3A_900 : vector<1x16xf32> to vector<16xf32>
        %mul3A_902 = arith.constant 3.200000e+01 : f32
        %mul3A_903 = vector.broadcast %mul3A_902 : f32 to vector<16xf32>
        %mul3A_904 = arith.mulf %get3A_901, %mul3A_903 : vector<16xf32>
        %get3A_905 = arith.index_cast %shift_right_logical3A_893 : i32 to index
        %get3A_906 = arith.index_cast %mul3A_897 : i32 to index
        %get3A_907 = tpu.vector_load %arg12[%get3A_905, %get3A_906] {strides = array<i32>} : memref<16x1024xf32, #tpu.memory_space<vmem>>, vector<1x16xf32>,
        %get3A_908 = vector.shape_cast %get3A_907 : vector<1x16xf32> to vector<16xf32>
        %add3A_909 = arith.addf %mul3A_904, %get3A_908 : vector<16xf32>
        %swap3A_910 = arith.index_cast %shift_right_logical3A_893 : i32 to index
        %swap3A_911 = arith.index_cast %mul3A_897 : i32 to index
        %swap3A_912 = tpu.vector_load %arg8[%swap3A_910, %swap3A_911] {strides = array<i32>} : memref<16x1024xf32, #tpu.memory_space<vmem>>, vector<1x16xf32>,
        %swap3A_913 = vector.shape_cast %swap3A_912 : vector<1x16xf32> to vector<16xf32>
        %swap3A_914 = vector.shape_cast %add3A_909 : vector<16xf32> to vector<1x16xf32>
        tpu.vector_store %arg8[%swap3A_910, %swap3A_911], %swap3A_914 {strides = array<i32>} : memref<16x1024xf32, #tpu.memory_space<vmem>>, vector<1x16xf32>,
      }
      %scan3A_436 = arith.constant 128 : i32
      %add3A_437 = arith.constant 4096 : i32
      %add3A_438 = arith.addi %add3A_437, %mul3A_2 : i32
      %mul3A_439 = arith.constant 16 : i32
      %mul3A_440 = arith.muli %add3A_346, %mul3A_439 : i32
      %add3A_441 = arith.addi %add3A_438, %mul3A_440 : i32
      %dma_start3A_442 = arith.constant 0 : i32
      %dma_start3A_443 = tpu.memref_slice %arg5[%add3A_441, %dma_start3A_442] : memref<16384x1024xf32, #tpu.memory_space<hbm>> -> memref<16x1024xf32, #tpu.memory_space<hbm>>
      %dma_start3A_444 = arith.constant 0 : i32
      %dma_start3A_445 = tpu.memref_slice %arg5[%add3A_441, %dma_start3A_444] : memref<16384x1024xf32, #tpu.memory_space<hbm>> -> memref<16x1024xf32, #tpu.memory_space<hbm>>
      tpu.enqueue_dma source(%arg8 : memref<16x1024xf32, #tpu.memory_space<vmem>>) target(%dma_start3A_445 : memref<16x1024xf32, #tpu.memory_space<hbm>>) target_semaphore(%arg18 : memref<!tpu.dma_semaphore, #tpu.memory_space<semaphore_mem>>)
      %sub3A_446 = arith.constant 1 : i32
      %sub3A_447 = arith.subi %add3A_346, %sub3A_446 : i32
      %add3A_448 = arith.constant 12288 : i32
      %add3A_449 = arith.addi %add3A_448, %mul3A_2 : i32
      %mul3A_450 = arith.constant 16 : i32
      %mul3A_451 = arith.muli %sub3A_447, %mul3A_450 : i32
      %add3A_452 = arith.addi %add3A_449, %mul3A_451 : i32
      %dma_wait3A_453 = arith.constant 0 : i32
      %dma_wait3A_454 = tpu.memref_slice %arg5[%add3A_452, %dma_wait3A_453] : memref<16384x1024xf32, #tpu.memory_space<hbm>> -> memref<16x1024xf32, #tpu.memory_space<hbm>>
      %dma_wait3A_455 = arith.constant 0 : i32
      %dma_wait3A_456 = tpu.memref_slice %arg5[%add3A_452, %dma_wait3A_455] : memref<16384x1024xf32, #tpu.memory_space<hbm>> -> memref<16x1024xf32, #tpu.memory_space<hbm>>
      tpu.wait_dma2 semaphore(%arg20 : memref<!tpu.dma_semaphore, #tpu.memory_space<semaphore_mem>>) src(%arg10 : memref<16x1024xf32, #tpu.memory_space<vmem>>) dst(%dma_wait3A_456 : memref<16x1024xf32, #tpu.memory_space<hbm>>)
      %mul3A_457 = arith.constant 16 : i32
      %mul3A_458 = arith.muli %add3A_346, %mul3A_457 : i32
      %add3A_459 = arith.constant 384 : i32
      %add3A_460 = arith.addi %add3A_459, %mul3A_458 : i32
      %dma_start3A_461 = tpu.memref_slice %arg6[%add3A_460] : memref<512xi32, #tpu.memory_space<vmem>> -> memref<16xi32, #tpu.memory_space<vmem>>
      %dma_start3A_462 = arith.constant 0 : i32
      %dma_start3A_463 = arith.constant 0 : i32
      %dma_start3A_464 = tpu.memref_slice %arg3[%dma_start3A_462, %dma_start3A_463] : memref<100000x1024xf32, #tpu.memory_space<hbm>> -> memref<100000x1024xf32, #tpu.memory_space<hbm>>
      tpu.enqueue_indirect_dma source(%dma_start3A_464 : memref<100000x1024xf32, #tpu.memory_space<hbm>>) target(%arg10 : memref<16x1024xf32, #tpu.memory_space<vmem>>) offsets(%dma_start3A_461 : memref<16xi32, #tpu.memory_space<vmem>>) semaphore(%arg16 : memref<!tpu.dma_semaphore, #tpu.memory_space<semaphore_mem>>)
      %mul3A_465 = arith.constant 16 : i32
      %mul3A_466 = arith.muli %add3A_346, %mul3A_465 : i32
      %add3A_467 = arith.constant 256 : i32
      %add3A_468 = arith.addi %add3A_467, %mul3A_466 : i32
      %dma_wait3A_469 = tpu.memref_slice %arg6[%add3A_468] : memref<512xi32, #tpu.memory_space<vmem>> -> memref<16xi32, #tpu.memory_space<vmem>>
      %dma_wait3A_470 = arith.constant 0 : i32
      %dma_wait3A_471 = arith.constant 0 : i32
      %dma_wait3A_472 = tpu.memref_slice %arg3[%dma_wait3A_470, %dma_wait3A_471] : memref<100000x1024xf32, #tpu.memory_space<hbm>> -> memref<100000x1024xf32, #tpu.memory_space<hbm>>
      tpu.wait_indirect_dma semaphore(%arg15 : memref<!tpu.dma_semaphore, #tpu.memory_space<semaphore_mem>>) src(%dma_wait3A_472 : memref<100000x1024xf32, #tpu.memory_space<hbm>>) dst(%arg9 : memref<16x1024xf32, #tpu.memory_space<vmem>>)
      %scan3A_473 = arith.constant 0 : i32
      %scan3A_474 = arith.constant 0 : i32
      %scan3A_475 = arith.constant 128 : i32
      %scan3A_476 = arith.addi %scan3A_474, %scan3A_475 : i32
      %scan3A_477 = arith.constant 1 : i32
      scf.for %scan3A_716 = %scan3A_474 to %scan3A_476 step %scan3A_477  : i32 {
        %mul3A_717 = arith.constant 8 : i32
        %mul3A_718 = arith.muli %scan3A_716, %mul3A_717 : i32
        %add3A_719 = arith.constant 0 : i32
        %add3A_720 = arith.addi %mul3A_718, %add3A_719 : i32
        %shift_right_logical3A = arith.constant 6 : i32
        %shift_right_logical3A_721 = arith.shrui %add3A_720, %shift_right_logical3A : i32
        %and3A = arith.constant 63 : i32
        %and3A_722 = arith.andi %add3A_720, %and3A : i32
        %mul3A_723 = arith.constant 16 : i32
        %mul3A_724 = arith.muli %and3A_722, %mul3A_723 : i32
        %get3A = arith.index_cast %shift_right_logical3A_721 : i32 to index
        %get3A_725 = arith.index_cast %mul3A_724 : i32 to index
        %get3A_726 = tpu.vector_load %arg9[%get3A, %get3A_725] {strides = array<i32>} : memref<16x1024xf32, #tpu.memory_space<vmem>>, vector<1x16xf32>,
        %get3A_727 = vector.shape_cast %get3A_726 : vector<1x16xf32> to vector<16xf32>
        %mul3A_728 = arith.constant 3.200000e+01 : f32
        %mul3A_729 = vector.broadcast %mul3A_728 : f32 to vector<16xf32>
        %mul3A_730 = arith.mulf %get3A_727, %mul3A_729 : vector<16xf32>
        %get3A_731 = arith.index_cast %shift_right_logical3A_721 : i32 to index
        %get3A_732 = arith.index_cast %mul3A_724 : i32 to index
        %get3A_733 = tpu.vector_load %arg12[%get3A_731, %get3A_732] {strides = array<i32>} : memref<16x1024xf32, #tpu.memory_space<vmem>>, vector<1x16xf32>,
        %get3A_734 = vector.shape_cast %get3A_733 : vector<1x16xf32> to vector<16xf32>
        %add3A_735 = arith.addf %mul3A_730, %get3A_734 : vector<16xf32>
        %swap3A = arith.index_cast %shift_right_logical3A_721 : i32 to index
        %swap3A_736 = arith.index_cast %mul3A_724 : i32 to index
        %swap3A_737 = tpu.vector_load %arg9[%swap3A, %swap3A_736] {strides = array<i32>} : memref<16x1024xf32, #tpu.memory_space<vmem>>, vector<1x16xf32>,
        %swap3A_738 = vector.shape_cast %swap3A_737 : vector<1x16xf32> to vector<16xf32>
        %swap3A_739 = vector.shape_cast %add3A_735 : vector<16xf32> to vector<1x16xf32>
        tpu.vector_store %arg9[%swap3A, %swap3A_736], %swap3A_739 {strides = array<i32>} : memref<16x1024xf32, #tpu.memory_space<vmem>>, vector<1x16xf32>,
        %add3A_740 = arith.constant 1 : i32
        %add3A_741 = arith.addi %mul3A_718, %add3A_740 : i32
        %shift_right_logical3A_742 = arith.constant 6 : i32
        %shift_right_logical3A_743 = arith.shrui %add3A_741, %shift_right_logical3A_742 : i32
        %and3A_744 = arith.constant 63 : i32
        %and3A_745 = arith.andi %add3A_741, %and3A_744 : i32
        %mul3A_746 = arith.constant 16 : i32
        %mul3A_747 = arith.muli %and3A_745, %mul3A_746 : i32
        %get3A_748 = arith.index_cast %shift_right_logical3A_743 : i32 to index
        %get3A_749 = arith.index_cast %mul3A_747 : i32 to index
        %get3A_750 = tpu.vector_load %arg9[%get3A_748, %get3A_749] {strides = array<i32>} : memref<16x1024xf32, #tpu.memory_space<vmem>>, vector<1x16xf32>,
        %get3A_751 = vector.shape_cast %get3A_750 : vector<1x16xf32> to vector<16xf32>
        %mul3A_752 = arith.constant 3.200000e+01 : f32
        %mul3A_753 = vector.broadcast %mul3A_752 : f32 to vector<16xf32>
        %mul3A_754 = arith.mulf %get3A_751, %mul3A_753 : vector<16xf32>
        %get3A_755 = arith.index_cast %shift_right_logical3A_743 : i32 to index
        %get3A_756 = arith.index_cast %mul3A_747 : i32 to index
        %get3A_757 = tpu.vector_load %arg12[%get3A_755, %get3A_756] {strides = array<i32>} : memref<16x1024xf32, #tpu.memory_space<vmem>>, vector<1x16xf32>,
        %get3A_758 = vector.shape_cast %get3A_757 : vector<1x16xf32> to vector<16xf32>
        %add3A_759 = arith.addf %mul3A_754, %get3A_758 : vector<16xf32>
        %swap3A_760 = arith.index_cast %shift_right_logical3A_743 : i32 to index
        %swap3A_761 = arith.index_cast %mul3A_747 : i32 to index
        %swap3A_762 = tpu.vector_load %arg9[%swap3A_760, %swap3A_761] {strides = array<i32>} : memref<16x1024xf32, #tpu.memory_space<vmem>>, vector<1x16xf32>,
        %swap3A_763 = vector.shape_cast %swap3A_762 : vector<1x16xf32> to vector<16xf32>
        %swap3A_764 = vector.shape_cast %add3A_759 : vector<16xf32> to vector<1x16xf32>
        tpu.vector_store %arg9[%swap3A_760, %swap3A_761], %swap3A_764 {strides = array<i32>} : memref<16x1024xf32, #tpu.memory_space<vmem>>, vector<1x16xf32>,
        %add3A_765 = arith.constant 2 : i32
        %add3A_766 = arith.addi %mul3A_718, %add3A_765 : i32
        %shift_right_logical3A_767 = arith.constant 6 : i32
        %shift_right_logical3A_768 = arith.shrui %add3A_766, %shift_right_logical3A_767 : i32
        %and3A_769 = arith.constant 63 : i32
        %and3A_770 = arith.andi %add3A_766, %and3A_769 : i32
        %mul3A_771 = arith.constant 16 : i32
        %mul3A_772 = arith.muli %and3A_770, %mul3A_771 : i32
        %get3A_773 = arith.index_cast %shift_right_logical3A_768 : i32 to index
        %get3A_774 = arith.index_cast %mul3A_772 : i32 to index
        %get3A_775 = tpu.vector_load %arg9[%get3A_773, %get3A_774] {strides = array<i32>} : memref<16x1024xf32, #tpu.memory_space<vmem>>, vector<1x16xf32>,
        %get3A_776 = vector.shape_cast %get3A_775 : vector<1x16xf32> to vector<16xf32>
        %mul3A_777 = arith.constant 3.200000e+01 : f32
        %mul3A_778 = vector.broadcast %mul3A_777 : f32 to vector<16xf32>
        %mul3A_779 = arith.mulf %get3A_776, %mul3A_778 : vector<16xf32>
        %get3A_780 = arith.index_cast %shift_right_logical3A_768 : i32 to index
        %get3A_781 = arith.index_cast %mul3A_772 : i32 to index
        %get3A_782 = tpu.vector_load %arg12[%get3A_780, %get3A_781] {strides = array<i32>} : memref<16x1024xf32, #tpu.memory_space<vmem>>, vector<1x16xf32>,
        %get3A_783 = vector.shape_cast %get3A_782 : vector<1x16xf32> to vector<16xf32>
        %add3A_784 = arith.addf %mul3A_779, %get3A_783 : vector<16xf32>
        %swap3A_785 = arith.index_cast %shift_right_logical3A_768 : i32 to index
        %swap3A_786 = arith.index_cast %mul3A_772 : i32 to index
        %swap3A_787 = tpu.vector_load %arg9[%swap3A_785, %swap3A_786] {strides = array<i32>} : memref<16x1024xf32, #tpu.memory_space<vmem>>, vector<1x16xf32>,
        %swap3A_788 = vector.shape_cast %swap3A_787 : vector<1x16xf32> to vector<16xf32>
        %swap3A_789 = vector.shape_cast %add3A_784 : vector<16xf32> to vector<1x16xf32>
        tpu.vector_store %arg9[%swap3A_785, %swap3A_786], %swap3A_789 {strides = array<i32>} : memref<16x1024xf32, #tpu.memory_space<vmem>>, vector<1x16xf32>,
        %add3A_790 = arith.constant 3 : i32
        %add3A_791 = arith.addi %mul3A_718, %add3A_790 : i32
        %shift_right_logical3A_792 = arith.constant 6 : i32
        %shift_right_logical3A_793 = arith.shrui %add3A_791, %shift_right_logical3A_792 : i32
        %and3A_794 = arith.constant 63 : i32
        %and3A_795 = arith.andi %add3A_791, %and3A_794 : i32
        %mul3A_796 = arith.constant 16 : i32
        %mul3A_797 = arith.muli %and3A_795, %mul3A_796 : i32
        %get3A_798 = arith.index_cast %shift_right_logical3A_793 : i32 to index
        %get3A_799 = arith.index_cast %mul3A_797 : i32 to index
        %get3A_800 = tpu.vector_load %arg9[%get3A_798, %get3A_799] {strides = array<i32>} : memref<16x1024xf32, #tpu.memory_space<vmem>>, vector<1x16xf32>,
        %get3A_801 = vector.shape_cast %get3A_800 : vector<1x16xf32> to vector<16xf32>
        %mul3A_802 = arith.constant 3.200000e+01 : f32
        %mul3A_803 = vector.broadcast %mul3A_802 : f32 to vector<16xf32>
        %mul3A_804 = arith.mulf %get3A_801, %mul3A_803 : vector<16xf32>
        %get3A_805 = arith.index_cast %shift_right_logical3A_793 : i32 to index
        %get3A_806 = arith.index_cast %mul3A_797 : i32 to index
        %get3A_807 = tpu.vector_load %arg12[%get3A_805, %get3A_806] {strides = array<i32>} : memref<16x1024xf32, #tpu.memory_space<vmem>>, vector<1x16xf32>,
        %get3A_808 = vector.shape_cast %get3A_807 : vector<1x16xf32> to vector<16xf32>
        %add3A_809 = arith.addf %mul3A_804, %get3A_808 : vector<16xf32>
        %swap3A_810 = arith.index_cast %shift_right_logical3A_793 : i32 to index
        %swap3A_811 = arith.index_cast %mul3A_797 : i32 to index
        %swap3A_812 = tpu.vector_load %arg9[%swap3A_810, %swap3A_811] {strides = array<i32>} : memref<16x1024xf32, #tpu.memory_space<vmem>>, vector<1x16xf32>,
        %swap3A_813 = vector.shape_cast %swap3A_812 : vector<1x16xf32> to vector<16xf32>
        %swap3A_814 = vector.shape_cast %add3A_809 : vector<16xf32> to vector<1x16xf32>
        tpu.vector_store %arg9[%swap3A_810, %swap3A_811], %swap3A_814 {strides = array<i32>} : memref<16x1024xf32, #tpu.memory_space<vmem>>, vector<1x16xf32>,
        %add3A_815 = arith.constant 4 : i32
        %add3A_816 = arith.addi %mul3A_718, %add3A_815 : i32
        %shift_right_logical3A_817 = arith.constant 6 : i32
        %shift_right_logical3A_818 = arith.shrui %add3A_816, %shift_right_logical3A_817 : i32
        %and3A_819 = arith.constant 63 : i32
        %and3A_820 = arith.andi %add3A_816, %and3A_819 : i32
        %mul3A_821 = arith.constant 16 : i32
        %mul3A_822 = arith.muli %and3A_820, %mul3A_821 : i32
        %get3A_823 = arith.index_cast %shift_right_logical3A_818 : i32 to index
        %get3A_824 = arith.index_cast %mul3A_822 : i32 to index
        %get3A_825 = tpu.vector_load %arg9[%get3A_823, %get3A_824] {strides = array<i32>} : memref<16x1024xf32, #tpu.memory_space<vmem>>, vector<1x16xf32>,
        %get3A_826 = vector.shape_cast %get3A_825 : vector<1x16xf32> to vector<16xf32>
        %mul3A_827 = arith.constant 3.200000e+01 : f32
        %mul3A_828 = vector.broadcast %mul3A_827 : f32 to vector<16xf32>
        %mul3A_829 = arith.mulf %get3A_826, %mul3A_828 : vector<16xf32>
        %get3A_830 = arith.index_cast %shift_right_logical3A_818 : i32 to index
        %get3A_831 = arith.index_cast %mul3A_822 : i32 to index
        %get3A_832 = tpu.vector_load %arg12[%get3A_830, %get3A_831] {strides = array<i32>} : memref<16x1024xf32, #tpu.memory_space<vmem>>, vector<1x16xf32>,
        %get3A_833 = vector.shape_cast %get3A_832 : vector<1x16xf32> to vector<16xf32>
        %add3A_834 = arith.addf %mul3A_829, %get3A_833 : vector<16xf32>
        %swap3A_835 = arith.index_cast %shift_right_logical3A_818 : i32 to index
        %swap3A_836 = arith.index_cast %mul3A_822 : i32 to index
        %swap3A_837 = tpu.vector_load %arg9[%swap3A_835, %swap3A_836] {strides = array<i32>} : memref<16x1024xf32, #tpu.memory_space<vmem>>, vector<1x16xf32>,
        %swap3A_838 = vector.shape_cast %swap3A_837 : vector<1x16xf32> to vector<16xf32>
        %swap3A_839 = vector.shape_cast %add3A_834 : vector<16xf32> to vector<1x16xf32>
        tpu.vector_store %arg9[%swap3A_835, %swap3A_836], %swap3A_839 {strides = array<i32>} : memref<16x1024xf32, #tpu.memory_space<vmem>>, vector<1x16xf32>,
        %add3A_840 = arith.constant 5 : i32
        %add3A_841 = arith.addi %mul3A_718, %add3A_840 : i32
        %shift_right_logical3A_842 = arith.constant 6 : i32
        %shift_right_logical3A_843 = arith.shrui %add3A_841, %shift_right_logical3A_842 : i32
        %and3A_844 = arith.constant 63 : i32
        %and3A_845 = arith.andi %add3A_841, %and3A_844 : i32
        %mul3A_846 = arith.constant 16 : i32
        %mul3A_847 = arith.muli %and3A_845, %mul3A_846 : i32
        %get3A_848 = arith.index_cast %shift_right_logical3A_843 : i32 to index
        %get3A_849 = arith.index_cast %mul3A_847 : i32 to index
        %get3A_850 = tpu.vector_load %arg9[%get3A_848, %get3A_849] {strides = array<i32>} : memref<16x1024xf32, #tpu.memory_space<vmem>>, vector<1x16xf32>,
        %get3A_851 = vector.shape_cast %get3A_850 : vector<1x16xf32> to vector<16xf32>
        %mul3A_852 = arith.constant 3.200000e+01 : f32
        %mul3A_853 = vector.broadcast %mul3A_852 : f32 to vector<16xf32>
        %mul3A_854 = arith.mulf %get3A_851, %mul3A_853 : vector<16xf32>
        %get3A_855 = arith.index_cast %shift_right_logical3A_843 : i32 to index
        %get3A_856 = arith.index_cast %mul3A_847 : i32 to index
        %get3A_857 = tpu.vector_load %arg12[%get3A_855, %get3A_856] {strides = array<i32>} : memref<16x1024xf32, #tpu.memory_space<vmem>>, vector<1x16xf32>,
        %get3A_858 = vector.shape_cast %get3A_857 : vector<1x16xf32> to vector<16xf32>
        %add3A_859 = arith.addf %mul3A_854, %get3A_858 : vector<16xf32>
        %swap3A_860 = arith.index_cast %shift_right_logical3A_843 : i32 to index
        %swap3A_861 = arith.index_cast %mul3A_847 : i32 to index
        %swap3A_862 = tpu.vector_load %arg9[%swap3A_860, %swap3A_861] {strides = array<i32>} : memref<16x1024xf32, #tpu.memory_space<vmem>>, vector<1x16xf32>,
        %swap3A_863 = vector.shape_cast %swap3A_862 : vector<1x16xf32> to vector<16xf32>
        %swap3A_864 = vector.shape_cast %add3A_859 : vector<16xf32> to vector<1x16xf32>
        tpu.vector_store %arg9[%swap3A_860, %swap3A_861], %swap3A_864 {strides = array<i32>} : memref<16x1024xf32, #tpu.memory_space<vmem>>, vector<1x16xf32>,
        %add3A_865 = arith.constant 6 : i32
        %add3A_866 = arith.addi %mul3A_718, %add3A_865 : i32
        %shift_right_logical3A_867 = arith.constant 6 : i32
        %shift_right_logical3A_868 = arith.shrui %add3A_866, %shift_right_logical3A_867 : i32
        %and3A_869 = arith.constant 63 : i32
        %and3A_870 = arith.andi %add3A_866, %and3A_869 : i32
        %mul3A_871 = arith.constant 16 : i32
        %mul3A_872 = arith.muli %and3A_870, %mul3A_871 : i32
        %get3A_873 = arith.index_cast %shift_right_logical3A_868 : i32 to index
        %get3A_874 = arith.index_cast %mul3A_872 : i32 to index
        %get3A_875 = tpu.vector_load %arg9[%get3A_873, %get3A_874] {strides = array<i32>} : memref<16x1024xf32, #tpu.memory_space<vmem>>, vector<1x16xf32>,
        %get3A_876 = vector.shape_cast %get3A_875 : vector<1x16xf32> to vector<16xf32>
        %mul3A_877 = arith.constant 3.200000e+01 : f32
        %mul3A_878 = vector.broadcast %mul3A_877 : f32 to vector<16xf32>
        %mul3A_879 = arith.mulf %get3A_876, %mul3A_878 : vector<16xf32>
        %get3A_880 = arith.index_cast %shift_right_logical3A_868 : i32 to index
        %get3A_881 = arith.index_cast %mul3A_872 : i32 to index
        %get3A_882 = tpu.vector_load %arg12[%get3A_880, %get3A_881] {strides = array<i32>} : memref<16x1024xf32, #tpu.memory_space<vmem>>, vector<1x16xf32>,
        %get3A_883 = vector.shape_cast %get3A_882 : vector<1x16xf32> to vector<16xf32>
        %add3A_884 = arith.addf %mul3A_879, %get3A_883 : vector<16xf32>
        %swap3A_885 = arith.index_cast %shift_right_logical3A_868 : i32 to index
        %swap3A_886 = arith.index_cast %mul3A_872 : i32 to index
        %swap3A_887 = tpu.vector_load %arg9[%swap3A_885, %swap3A_886] {strides = array<i32>} : memref<16x1024xf32, #tpu.memory_space<vmem>>, vector<1x16xf32>,
        %swap3A_888 = vector.shape_cast %swap3A_887 : vector<1x16xf32> to vector<16xf32>
        %swap3A_889 = vector.shape_cast %add3A_884 : vector<16xf32> to vector<1x16xf32>
        tpu.vector_store %arg9[%swap3A_885, %swap3A_886], %swap3A_889 {strides = array<i32>} : memref<16x1024xf32, #tpu.memory_space<vmem>>, vector<1x16xf32>,
        %add3A_890 = arith.constant 7 : i32
        %add3A_891 = arith.addi %mul3A_718, %add3A_890 : i32
        %shift_right_logical3A_892 = arith.constant 6 : i32
        %shift_right_logical3A_893 = arith.shrui %add3A_891, %shift_right_logical3A_892 : i32
        %and3A_894 = arith.constant 63 : i32
        %and3A_895 = arith.andi %add3A_891, %and3A_894 : i32
        %mul3A_896 = arith.constant 16 : i32
        %mul3A_897 = arith.muli %and3A_895, %mul3A_896 : i32
        %get3A_898 = arith.index_cast %shift_right_logical3A_893 : i32 to index
        %get3A_899 = arith.index_cast %mul3A_897 : i32 to index
        %get3A_900 = tpu.vector_load %arg9[%get3A_898, %get3A_899] {strides = array<i32>} : memref<16x1024xf32, #tpu.memory_space<vmem>>, vector<1x16xf32>,
        %get3A_901 = vector.shape_cast %get3A_900 : vector<1x16xf32> to vector<16xf32>
        %mul3A_902 = arith.constant 3.200000e+01 : f32
        %mul3A_903 = vector.broadcast %mul3A_902 : f32 to vector<16xf32>
        %mul3A_904 = arith.mulf %get3A_901, %mul3A_903 : vector<16xf32>
        %get3A_905 = arith.index_cast %shift_right_logical3A_893 : i32 to index
        %get3A_906 = arith.index_cast %mul3A_897 : i32 to index
        %get3A_907 = tpu.vector_load %arg12[%get3A_905, %get3A_906] {strides = array<i32>} : memref<16x1024xf32, #tpu.memory_space<vmem>>, vector<1x16xf32>,
        %get3A_908 = vector.shape_cast %get3A_907 : vector<1x16xf32> to vector<16xf32>
        %add3A_909 = arith.addf %mul3A_904, %get3A_908 : vector<16xf32>
        %swap3A_910 = arith.index_cast %shift_right_logical3A_893 : i32 to index
        %swap3A_911 = arith.index_cast %mul3A_897 : i32 to index
        %swap3A_912 = tpu.vector_load %arg9[%swap3A_910, %swap3A_911] {strides = array<i32>} : memref<16x1024xf32, #tpu.memory_space<vmem>>, vector<1x16xf32>,
        %swap3A_913 = vector.shape_cast %swap3A_912 : vector<1x16xf32> to vector<16xf32>
        %swap3A_914 = vector.shape_cast %add3A_909 : vector<16xf32> to vector<1x16xf32>
        tpu.vector_store %arg9[%swap3A_910, %swap3A_911], %swap3A_914 {strides = array<i32>} : memref<16x1024xf32, #tpu.memory_space<vmem>>, vector<1x16xf32>,
      }
      %scan3A_478 = arith.constant 128 : i32
      %add3A_479 = arith.constant 8192 : i32
      %add3A_480 = arith.addi %add3A_479, %mul3A_2 : i32
      %mul3A_481 = arith.constant 16 : i32
      %mul3A_482 = arith.muli %add3A_346, %mul3A_481 : i32
      %add3A_483 = arith.addi %add3A_480, %mul3A_482 : i32
      %dma_start3A_484 = arith.constant 0 : i32
      %dma_start3A_485 = tpu.memref_slice %arg5[%add3A_483, %dma_start3A_484] : memref<16384x1024xf32, #tpu.memory_space<hbm>> -> memref<16x1024xf32, #tpu.memory_space<hbm>>
      %dma_start3A_486 = arith.constant 0 : i32
      %dma_start3A_487 = tpu.memref_slice %arg5[%add3A_483, %dma_start3A_486] : memref<16384x1024xf32, #tpu.memory_space<hbm>> -> memref<16x1024xf32, #tpu.memory_space<hbm>>
      tpu.enqueue_dma source(%arg9 : memref<16x1024xf32, #tpu.memory_space<vmem>>) target(%dma_start3A_487 : memref<16x1024xf32, #tpu.memory_space<hbm>>) target_semaphore(%arg19 : memref<!tpu.dma_semaphore, #tpu.memory_space<semaphore_mem>>)
      %add3A_488 = arith.constant 0 : i32
      %add3A_489 = arith.addi %add3A_488, %mul3A_2 : i32
      %mul3A_490 = arith.constant 16 : i32
      %mul3A_491 = arith.muli %add3A_346, %mul3A_490 : i32
      %add3A_492 = arith.addi %add3A_489, %mul3A_491 : i32
      %dma_wait3A_493 = arith.constant 0 : i32
      %dma_wait3A_494 = tpu.memref_slice %arg5[%add3A_492, %dma_wait3A_493] : memref<16384x1024xf32, #tpu.memory_space<hbm>> -> memref<16x1024xf32, #tpu.memory_space<hbm>>
      %dma_wait3A_495 = arith.constant 0 : i32
      %dma_wait3A_496 = tpu.memref_slice %arg5[%add3A_492, %dma_wait3A_495] : memref<16384x1024xf32, #tpu.memory_space<hbm>> -> memref<16x1024xf32, #tpu.memory_space<hbm>>
      tpu.wait_dma2 semaphore(%arg17 : memref<!tpu.dma_semaphore, #tpu.memory_space<semaphore_mem>>) src(%arg7 : memref<16x1024xf32, #tpu.memory_space<vmem>>) dst(%dma_wait3A_496 : memref<16x1024xf32, #tpu.memory_space<hbm>>)
      %add3A_497 = arith.constant 1 : i32
      %add3A_498 = arith.addi %add3A_346, %add3A_497 : i32
      %mul3A_499 = arith.constant 16 : i32
      %mul3A_500 = arith.muli %add3A_498, %mul3A_499 : i32
      %add3A_501 = arith.constant 0 : i32
      %add3A_502 = arith.addi %add3A_501, %mul3A_500 : i32
      %dma_start3A_503 = tpu.memref_slice %arg6[%add3A_502] : memref<512xi32, #tpu.memory_space<vmem>> -> memref<16xi32, #tpu.memory_space<vmem>>
      %dma_start3A_504 = arith.constant 0 : i32
      %dma_start3A_505 = arith.constant 0 : i32
      %dma_start3A_506 = tpu.memref_slice %arg3[%dma_start3A_504, %dma_start3A_505] : memref<100000x1024xf32, #tpu.memory_space<hbm>> -> memref<100000x1024xf32, #tpu.memory_space<hbm>>
      tpu.enqueue_indirect_dma source(%dma_start3A_506 : memref<100000x1024xf32, #tpu.memory_space<hbm>>) target(%arg7 : memref<16x1024xf32, #tpu.memory_space<vmem>>) offsets(%dma_start3A_503 : memref<16xi32, #tpu.memory_space<vmem>>) semaphore(%arg13 : memref<!tpu.dma_semaphore, #tpu.memory_space<semaphore_mem>>)
      %mul3A_507 = arith.constant 16 : i32
      %mul3A_508 = arith.muli %add3A_346, %mul3A_507 : i32
      %add3A_509 = arith.constant 384 : i32
      %add3A_510 = arith.addi %add3A_509, %mul3A_508 : i32
      %dma_wait3A_511 = tpu.memref_slice %arg6[%add3A_510] : memref<512xi32, #tpu.memory_space<vmem>> -> memref<16xi32, #tpu.memory_space<vmem>>
      %dma_wait3A_512 = arith.constant 0 : i32
      %dma_wait3A_513 = arith.constant 0 : i32
      %dma_wait3A_514 = tpu.memref_slice %arg3[%dma_wait3A_512, %dma_wait3A_513] : memref<100000x1024xf32, #tpu.memory_space<hbm>> -> memref<100000x1024xf32, #tpu.memory_space<hbm>>
      tpu.wait_indirect_dma semaphore(%arg16 : memref<!tpu.dma_semaphore, #tpu.memory_space<semaphore_mem>>) src(%dma_wait3A_514 : memref<100000x1024xf32, #tpu.memory_space<hbm>>) dst(%arg10 : memref<16x1024xf32, #tpu.memory_space<vmem>>)
      %scan3A_515 = arith.constant 0 : i32
      %scan3A_516 = arith.constant 0 : i32
      %scan3A_517 = arith.constant 128 : i32
      %scan3A_518 = arith.addi %scan3A_516, %scan3A_517 : i32
      %scan3A_519 = arith.constant 1 : i32
      scf.for %scan3A_716 = %scan3A_516 to %scan3A_518 step %scan3A_519  : i32 {
        %mul3A_717 = arith.constant 8 : i32
        %mul3A_718 = arith.muli %scan3A_716, %mul3A_717 : i32
        %add3A_719 = arith.constant 0 : i32
        %add3A_720 = arith.addi %mul3A_718, %add3A_719 : i32
        %shift_right_logical3A = arith.constant 6 : i32
        %shift_right_logical3A_721 = arith.shrui %add3A_720, %shift_right_logical3A : i32
        %and3A = arith.constant 63 : i32
        %and3A_722 = arith.andi %add3A_720, %and3A : i32
        %mul3A_723 = arith.constant 16 : i32
        %mul3A_724 = arith.muli %and3A_722, %mul3A_723 : i32
        %get3A = arith.index_cast %shift_right_logical3A_721 : i32 to index
        %get3A_725 = arith.index_cast %mul3A_724 : i32 to index
        %get3A_726 = tpu.vector_load %arg10[%get3A, %get3A_725] {strides = array<i32>} : memref<16x1024xf32, #tpu.memory_space<vmem>>, vector<1x16xf32>,
        %get3A_727 = vector.shape_cast %get3A_726 : vector<1x16xf32> to vector<16xf32>
        %mul3A_728 = arith.constant 3.200000e+01 : f32
        %mul3A_729 = vector.broadcast %mul3A_728 : f32 to vector<16xf32>
        %mul3A_730 = arith.mulf %get3A_727, %mul3A_729 : vector<16xf32>
        %get3A_731 = arith.index_cast %shift_right_logical3A_721 : i32 to index
        %get3A_732 = arith.index_cast %mul3A_724 : i32 to index
        %get3A_733 = tpu.vector_load %arg12[%get3A_731, %get3A_732] {strides = array<i32>} : memref<16x1024xf32, #tpu.memory_space<vmem>>, vector<1x16xf32>,
        %get3A_734 = vector.shape_cast %get3A_733 : vector<1x16xf32> to vector<16xf32>
        %add3A_735 = arith.addf %mul3A_730, %get3A_734 : vector<16xf32>
        %swap3A = arith.index_cast %shift_right_logical3A_721 : i32 to index
        %swap3A_736 = arith.index_cast %mul3A_724 : i32 to index
        %swap3A_737 = tpu.vector_load %arg10[%swap3A, %swap3A_736] {strides = array<i32>} : memref<16x1024xf32, #tpu.memory_space<vmem>>, vector<1x16xf32>,
        %swap3A_738 = vector.shape_cast %swap3A_737 : vector<1x16xf32> to vector<16xf32>
        %swap3A_739 = vector.shape_cast %add3A_735 : vector<16xf32> to vector<1x16xf32>
        tpu.vector_store %arg10[%swap3A, %swap3A_736], %swap3A_739 {strides = array<i32>} : memref<16x1024xf32, #tpu.memory_space<vmem>>, vector<1x16xf32>,
        %add3A_740 = arith.constant 1 : i32
        %add3A_741 = arith.addi %mul3A_718, %add3A_740 : i32
        %shift_right_logical3A_742 = arith.constant 6 : i32
        %shift_right_logical3A_743 = arith.shrui %add3A_741, %shift_right_logical3A_742 : i32
        %and3A_744 = arith.constant 63 : i32
        %and3A_745 = arith.andi %add3A_741, %and3A_744 : i32
        %mul3A_746 = arith.constant 16 : i32
        %mul3A_747 = arith.muli %and3A_745, %mul3A_746 : i32
        %get3A_748 = arith.index_cast %shift_right_logical3A_743 : i32 to index
        %get3A_749 = arith.index_cast %mul3A_747 : i32 to index
        %get3A_750 = tpu.vector_load %arg10[%get3A_748, %get3A_749] {strides = array<i32>} : memref<16x1024xf32, #tpu.memory_space<vmem>>, vector<1x16xf32>,
        %get3A_751 = vector.shape_cast %get3A_750 : vector<1x16xf32> to vector<16xf32>
        %mul3A_752 = arith.constant 3.200000e+01 : f32
        %mul3A_753 = vector.broadcast %mul3A_752 : f32 to vector<16xf32>
        %mul3A_754 = arith.mulf %get3A_751, %mul3A_753 : vector<16xf32>
        %get3A_755 = arith.index_cast %shift_right_logical3A_743 : i32 to index
        %get3A_756 = arith.index_cast %mul3A_747 : i32 to index
        %get3A_757 = tpu.vector_load %arg12[%get3A_755, %get3A_756] {strides = array<i32>} : memref<16x1024xf32, #tpu.memory_space<vmem>>, vector<1x16xf32>,
        %get3A_758 = vector.shape_cast %get3A_757 : vector<1x16xf32> to vector<16xf32>
        %add3A_759 = arith.addf %mul3A_754, %get3A_758 : vector<16xf32>
        %swap3A_760 = arith.index_cast %shift_right_logical3A_743 : i32 to index
        %swap3A_761 = arith.index_cast %mul3A_747 : i32 to index
        %swap3A_762 = tpu.vector_load %arg10[%swap3A_760, %swap3A_761] {strides = array<i32>} : memref<16x1024xf32, #tpu.memory_space<vmem>>, vector<1x16xf32>,
        %swap3A_763 = vector.shape_cast %swap3A_762 : vector<1x16xf32> to vector<16xf32>
        %swap3A_764 = vector.shape_cast %add3A_759 : vector<16xf32> to vector<1x16xf32>
        tpu.vector_store %arg10[%swap3A_760, %swap3A_761], %swap3A_764 {strides = array<i32>} : memref<16x1024xf32, #tpu.memory_space<vmem>>, vector<1x16xf32>,
        %add3A_765 = arith.constant 2 : i32
        %add3A_766 = arith.addi %mul3A_718, %add3A_765 : i32
        %shift_right_logical3A_767 = arith.constant 6 : i32
        %shift_right_logical3A_768 = arith.shrui %add3A_766, %shift_right_logical3A_767 : i32
        %and3A_769 = arith.constant 63 : i32
        %and3A_770 = arith.andi %add3A_766, %and3A_769 : i32
        %mul3A_771 = arith.constant 16 : i32
        %mul3A_772 = arith.muli %and3A_770, %mul3A_771 : i32
        %get3A_773 = arith.index_cast %shift_right_logical3A_768 : i32 to index
        %get3A_774 = arith.index_cast %mul3A_772 : i32 to index
        %get3A_775 = tpu.vector_load %arg10[%get3A_773, %get3A_774] {strides = array<i32>} : memref<16x1024xf32, #tpu.memory_space<vmem>>, vector<1x16xf32>,
        %get3A_776 = vector.shape_cast %get3A_775 : vector<1x16xf32> to vector<16xf32>
        %mul3A_777 = arith.constant 3.200000e+01 : f32
        %mul3A_778 = vector.broadcast %mul3A_777 : f32 to vector<16xf32>
        %mul3A_779 = arith.mulf %get3A_776, %mul3A_778 : vector<16xf32>
        %get3A_780 = arith.index_cast %shift_right_logical3A_768 : i32 to index
        %get3A_781 = arith.index_cast %mul3A_772 : i32 to index
        %get3A_782 = tpu.vector_load %arg12[%get3A_780, %get3A_781] {strides = array<i32>} : memref<16x1024xf32, #tpu.memory_space<vmem>>, vector<1x16xf32>,
        %get3A_783 = vector.shape_cast %get3A_782 : vector<1x16xf32> to vector<16xf32>
        %add3A_784 = arith.addf %mul3A_779, %get3A_783 : vector<16xf32>
        %swap3A_785 = arith.index_cast %shift_right_logical3A_768 : i32 to index
        %swap3A_786 = arith.index_cast %mul3A_772 : i32 to index
        %swap3A_787 = tpu.vector_load %arg10[%swap3A_785, %swap3A_786] {strides = array<i32>} : memref<16x1024xf32, #tpu.memory_space<vmem>>, vector<1x16xf32>,
        %swap3A_788 = vector.shape_cast %swap3A_787 : vector<1x16xf32> to vector<16xf32>
        %swap3A_789 = vector.shape_cast %add3A_784 : vector<16xf32> to vector<1x16xf32>
        tpu.vector_store %arg10[%swap3A_785, %swap3A_786], %swap3A_789 {strides = array<i32>} : memref<16x1024xf32, #tpu.memory_space<vmem>>, vector<1x16xf32>,
        %add3A_790 = arith.constant 3 : i32
        %add3A_791 = arith.addi %mul3A_718, %add3A_790 : i32
        %shift_right_logical3A_792 = arith.constant 6 : i32
        %shift_right_logical3A_793 = arith.shrui %add3A_791, %shift_right_logical3A_792 : i32
        %and3A_794 = arith.constant 63 : i32
        %and3A_795 = arith.andi %add3A_791, %and3A_794 : i32
        %mul3A_796 = arith.constant 16 : i32
        %mul3A_797 = arith.muli %and3A_795, %mul3A_796 : i32
        %get3A_798 = arith.index_cast %shift_right_logical3A_793 : i32 to index
        %get3A_799 = arith.index_cast %mul3A_797 : i32 to index
        %get3A_800 = tpu.vector_load %arg10[%get3A_798, %get3A_799] {strides = array<i32>} : memref<16x1024xf32, #tpu.memory_space<vmem>>, vector<1x16xf32>,
        %get3A_801 = vector.shape_cast %get3A_800 : vector<1x16xf32> to vector<16xf32>
        %mul3A_802 = arith.constant 3.200000e+01 : f32
        %mul3A_803 = vector.broadcast %mul3A_802 : f32 to vector<16xf32>
        %mul3A_804 = arith.mulf %get3A_801, %mul3A_803 : vector<16xf32>
        %get3A_805 = arith.index_cast %shift_right_logical3A_793 : i32 to index
        %get3A_806 = arith.index_cast %mul3A_797 : i32 to index
        %get3A_807 = tpu.vector_load %arg12[%get3A_805, %get3A_806] {strides = array<i32>} : memref<16x1024xf32, #tpu.memory_space<vmem>>, vector<1x16xf32>,
        %get3A_808 = vector.shape_cast %get3A_807 : vector<1x16xf32> to vector<16xf32>
        %add3A_809 = arith.addf %mul3A_804, %get3A_808 : vector<16xf32>
        %swap3A_810 = arith.index_cast %shift_right_logical3A_793 : i32 to index
        %swap3A_811 = arith.index_cast %mul3A_797 : i32 to index
        %swap3A_812 = tpu.vector_load %arg10[%swap3A_810, %swap3A_811] {strides = array<i32>} : memref<16x1024xf32, #tpu.memory_space<vmem>>, vector<1x16xf32>,
        %swap3A_813 = vector.shape_cast %swap3A_812 : vector<1x16xf32> to vector<16xf32>
        %swap3A_814 = vector.shape_cast %add3A_809 : vector<16xf32> to vector<1x16xf32>
        tpu.vector_store %arg10[%swap3A_810, %swap3A_811], %swap3A_814 {strides = array<i32>} : memref<16x1024xf32, #tpu.memory_space<vmem>>, vector<1x16xf32>,
        %add3A_815 = arith.constant 4 : i32
        %add3A_816 = arith.addi %mul3A_718, %add3A_815 : i32
        %shift_right_logical3A_817 = arith.constant 6 : i32
        %shift_right_logical3A_818 = arith.shrui %add3A_816, %shift_right_logical3A_817 : i32
        %and3A_819 = arith.constant 63 : i32
        %and3A_820 = arith.andi %add3A_816, %and3A_819 : i32
        %mul3A_821 = arith.constant 16 : i32
        %mul3A_822 = arith.muli %and3A_820, %mul3A_821 : i32
        %get3A_823 = arith.index_cast %shift_right_logical3A_818 : i32 to index
        %get3A_824 = arith.index_cast %mul3A_822 : i32 to index
        %get3A_825 = tpu.vector_load %arg10[%get3A_823, %get3A_824] {strides = array<i32>} : memref<16x1024xf32, #tpu.memory_space<vmem>>, vector<1x16xf32>,
        %get3A_826 = vector.shape_cast %get3A_825 : vector<1x16xf32> to vector<16xf32>
        %mul3A_827 = arith.constant 3.200000e+01 : f32
        %mul3A_828 = vector.broadcast %mul3A_827 : f32 to vector<16xf32>
        %mul3A_829 = arith.mulf %get3A_826, %mul3A_828 : vector<16xf32>
        %get3A_830 = arith.index_cast %shift_right_logical3A_818 : i32 to index
        %get3A_831 = arith.index_cast %mul3A_822 : i32 to index
        %get3A_832 = tpu.vector_load %arg12[%get3A_830, %get3A_831] {strides = array<i32>} : memref<16x1024xf32, #tpu.memory_space<vmem>>, vector<1x16xf32>,
        %get3A_833 = vector.shape_cast %get3A_832 : vector<1x16xf32> to vector<16xf32>
        %add3A_834 = arith.addf %mul3A_829, %get3A_833 : vector<16xf32>
        %swap3A_835 = arith.index_cast %shift_right_logical3A_818 : i32 to index
        %swap3A_836 = arith.index_cast %mul3A_822 : i32 to index
        %swap3A_837 = tpu.vector_load %arg10[%swap3A_835, %swap3A_836] {strides = array<i32>} : memref<16x1024xf32, #tpu.memory_space<vmem>>, vector<1x16xf32>,
        %swap3A_838 = vector.shape_cast %swap3A_837 : vector<1x16xf32> to vector<16xf32>
        %swap3A_839 = vector.shape_cast %add3A_834 : vector<16xf32> to vector<1x16xf32>
        tpu.vector_store %arg10[%swap3A_835, %swap3A_836], %swap3A_839 {strides = array<i32>} : memref<16x1024xf32, #tpu.memory_space<vmem>>, vector<1x16xf32>,
        %add3A_840 = arith.constant 5 : i32
        %add3A_841 = arith.addi %mul3A_718, %add3A_840 : i32
        %shift_right_logical3A_842 = arith.constant 6 : i32
        %shift_right_logical3A_843 = arith.shrui %add3A_841, %shift_right_logical3A_842 : i32
        %and3A_844 = arith.constant 63 : i32
        %and3A_845 = arith.andi %add3A_841, %and3A_844 : i32
        %mul3A_846 = arith.constant 16 : i32
        %mul3A_847 = arith.muli %and3A_845, %mul3A_846 : i32
        %get3A_848 = arith.index_cast %shift_right_logical3A_843 : i32 to index
        %get3A_849 = arith.index_cast %mul3A_847 : i32 to index
        %get3A_850 = tpu.vector_load %arg10[%get3A_848, %get3A_849] {strides = array<i32>} : memref<16x1024xf32, #tpu.memory_space<vmem>>, vector<1x16xf32>,
        %get3A_851 = vector.shape_cast %get3A_850 : vector<1x16xf32> to vector<16xf32>
        %mul3A_852 = arith.constant 3.200000e+01 : f32
        %mul3A_853 = vector.broadcast %mul3A_852 : f32 to vector<16xf32>
        %mul3A_854 = arith.mulf %get3A_851, %mul3A_853 : vector<16xf32>
        %get3A_855 = arith.index_cast %shift_right_logical3A_843 : i32 to index
        %get3A_856 = arith.index_cast %mul3A_847 : i32 to index
        %get3A_857 = tpu.vector_load %arg12[%get3A_855, %get3A_856] {strides = array<i32>} : memref<16x1024xf32, #tpu.memory_space<vmem>>, vector<1x16xf32>,
        %get3A_858 = vector.shape_cast %get3A_857 : vector<1x16xf32> to vector<16xf32>
        %add3A_859 = arith.addf %mul3A_854, %get3A_858 : vector<16xf32>
        %swap3A_860 = arith.index_cast %shift_right_logical3A_843 : i32 to index
        %swap3A_861 = arith.index_cast %mul3A_847 : i32 to index
        %swap3A_862 = tpu.vector_load %arg10[%swap3A_860, %swap3A_861] {strides = array<i32>} : memref<16x1024xf32, #tpu.memory_space<vmem>>, vector<1x16xf32>,
        %swap3A_863 = vector.shape_cast %swap3A_862 : vector<1x16xf32> to vector<16xf32>
        %swap3A_864 = vector.shape_cast %add3A_859 : vector<16xf32> to vector<1x16xf32>
        tpu.vector_store %arg10[%swap3A_860, %swap3A_861], %swap3A_864 {strides = array<i32>} : memref<16x1024xf32, #tpu.memory_space<vmem>>, vector<1x16xf32>,
        %add3A_865 = arith.constant 6 : i32
        %add3A_866 = arith.addi %mul3A_718, %add3A_865 : i32
        %shift_right_logical3A_867 = arith.constant 6 : i32
        %shift_right_logical3A_868 = arith.shrui %add3A_866, %shift_right_logical3A_867 : i32
        %and3A_869 = arith.constant 63 : i32
        %and3A_870 = arith.andi %add3A_866, %and3A_869 : i32
        %mul3A_871 = arith.constant 16 : i32
        %mul3A_872 = arith.muli %and3A_870, %mul3A_871 : i32
        %get3A_873 = arith.index_cast %shift_right_logical3A_868 : i32 to index
        %get3A_874 = arith.index_cast %mul3A_872 : i32 to index
        %get3A_875 = tpu.vector_load %arg10[%get3A_873, %get3A_874] {strides = array<i32>} : memref<16x1024xf32, #tpu.memory_space<vmem>>, vector<1x16xf32>,
        %get3A_876 = vector.shape_cast %get3A_875 : vector<1x16xf32> to vector<16xf32>
        %mul3A_877 = arith.constant 3.200000e+01 : f32
        %mul3A_878 = vector.broadcast %mul3A_877 : f32 to vector<16xf32>
        %mul3A_879 = arith.mulf %get3A_876, %mul3A_878 : vector<16xf32>
        %get3A_880 = arith.index_cast %shift_right_logical3A_868 : i32 to index
        %get3A_881 = arith.index_cast %mul3A_872 : i32 to index
        %get3A_882 = tpu.vector_load %arg12[%get3A_880, %get3A_881] {strides = array<i32>} : memref<16x1024xf32, #tpu.memory_space<vmem>>, vector<1x16xf32>,
        %get3A_883 = vector.shape_cast %get3A_882 : vector<1x16xf32> to vector<16xf32>
        %add3A_884 = arith.addf %mul3A_879, %get3A_883 : vector<16xf32>
        %swap3A_885 = arith.index_cast %shift_right_logical3A_868 : i32 to index
        %swap3A_886 = arith.index_cast %mul3A_872 : i32 to index
        %swap3A_887 = tpu.vector_load %arg10[%swap3A_885, %swap3A_886] {strides = array<i32>} : memref<16x1024xf32, #tpu.memory_space<vmem>>, vector<1x16xf32>,
        %swap3A_888 = vector.shape_cast %swap3A_887 : vector<1x16xf32> to vector<16xf32>
        %swap3A_889 = vector.shape_cast %add3A_884 : vector<16xf32> to vector<1x16xf32>
        tpu.vector_store %arg10[%swap3A_885, %swap3A_886], %swap3A_889 {strides = array<i32>} : memref<16x1024xf32, #tpu.memory_space<vmem>>, vector<1x16xf32>,
        %add3A_890 = arith.constant 7 : i32
        %add3A_891 = arith.addi %mul3A_718, %add3A_890 : i32
        %shift_right_logical3A_892 = arith.constant 6 : i32
        %shift_right_logical3A_893 = arith.shrui %add3A_891, %shift_right_logical3A_892 : i32
        %and3A_894 = arith.constant 63 : i32
        %and3A_895 = arith.andi %add3A_891, %and3A_894 : i32
        %mul3A_896 = arith.constant 16 : i32
        %mul3A_897 = arith.muli %and3A_895, %mul3A_896 : i32
        %get3A_898 = arith.index_cast %shift_right_logical3A_893 : i32 to index
        %get3A_899 = arith.index_cast %mul3A_897 : i32 to index
        %get3A_900 = tpu.vector_load %arg10[%get3A_898, %get3A_899] {strides = array<i32>} : memref<16x1024xf32, #tpu.memory_space<vmem>>, vector<1x16xf32>,
        %get3A_901 = vector.shape_cast %get3A_900 : vector<1x16xf32> to vector<16xf32>
        %mul3A_902 = arith.constant 3.200000e+01 : f32
        %mul3A_903 = vector.broadcast %mul3A_902 : f32 to vector<16xf32>
        %mul3A_904 = arith.mulf %get3A_901, %mul3A_903 : vector<16xf32>
        %get3A_905 = arith.index_cast %shift_right_logical3A_893 : i32 to index
        %get3A_906 = arith.index_cast %mul3A_897 : i32 to index
        %get3A_907 = tpu.vector_load %arg12[%get3A_905, %get3A_906] {strides = array<i32>} : memref<16x1024xf32, #tpu.memory_space<vmem>>, vector<1x16xf32>,
        %get3A_908 = vector.shape_cast %get3A_907 : vector<1x16xf32> to vector<16xf32>
        %add3A_909 = arith.addf %mul3A_904, %get3A_908 : vector<16xf32>
        %swap3A_910 = arith.index_cast %shift_right_logical3A_893 : i32 to index
        %swap3A_911 = arith.index_cast %mul3A_897 : i32 to index
        %swap3A_912 = tpu.vector_load %arg10[%swap3A_910, %swap3A_911] {strides = array<i32>} : memref<16x1024xf32, #tpu.memory_space<vmem>>, vector<1x16xf32>,
        %swap3A_913 = vector.shape_cast %swap3A_912 : vector<1x16xf32> to vector<16xf32>
        %swap3A_914 = vector.shape_cast %add3A_909 : vector<16xf32> to vector<1x16xf32>
        tpu.vector_store %arg10[%swap3A_910, %swap3A_911], %swap3A_914 {strides = array<i32>} : memref<16x1024xf32, #tpu.memory_space<vmem>>, vector<1x16xf32>,
      }
      %scan3A_520 = arith.constant 128 : i32
      %add3A_521 = arith.constant 12288 : i32
      %add3A_522 = arith.addi %add3A_521, %mul3A_2 : i32
      %mul3A_523 = arith.constant 16 : i32
      %mul3A_524 = arith.muli %add3A_346, %mul3A_523 : i32
      %add3A_525 = arith.addi %add3A_522, %mul3A_524 : i32
      %dma_start3A_526 = arith.constant 0 : i32
      %dma_start3A_527 = tpu.memref_slice %arg5[%add3A_525, %dma_start3A_526] : memref<16384x1024xf32, #tpu.memory_space<hbm>> -> memref<16x1024xf32, #tpu.memory_space<hbm>>
      %dma_start3A_528 = arith.constant 0 : i32
      %dma_start3A_529 = tpu.memref_slice %arg5[%add3A_525, %dma_start3A_528] : memref<16384x1024xf32, #tpu.memory_space<hbm>> -> memref<16x1024xf32, #tpu.memory_space<hbm>>
      tpu.enqueue_dma source(%arg10 : memref<16x1024xf32, #tpu.memory_space<vmem>>) target(%dma_start3A_529 : memref<16x1024xf32, #tpu.memory_space<hbm>>) target_semaphore(%arg20 : memref<!tpu.dma_semaphore, #tpu.memory_space<semaphore_mem>>)
      %add3A_530 = arith.constant 1 : i32
      %add3A_531 = arith.addi %add3A_346, %add3A_530 : i32
      %add3A_532 = arith.constant 1 : i32
      %add3A_533 = arith.addi %add3A_531, %add3A_532 : i32
      %mul3A_534 = arith.constant 16 : i32
      %mul3A_535 = arith.muli %add3A_533, %mul3A_534 : i32
      %add3A_536 = arith.addi %mul3A_2, %mul3A_535 : i32
      %dma_start3A_537 = arith.constant 0 : i32
      %dma_start3A_538 = tpu.memref_slice %arg4[%add3A_536, %dma_start3A_537] : memref<4096x1024xf32, #tpu.memory_space<hbm>> -> memref<16x1024xf32, #tpu.memory_space<hbm>>
      %dma_start3A_539 = arith.constant 0 : i32
      %dma_start3A_540 = tpu.memref_slice %arg4[%add3A_536, %dma_start3A_539] : memref<4096x1024xf32, #tpu.memory_space<hbm>> -> memref<16x1024xf32, #tpu.memory_space<hbm>>
      tpu.enqueue_dma source(%dma_start3A_540 : memref<16x1024xf32, #tpu.memory_space<hbm>>) target(%arg12 : memref<16x1024xf32, #tpu.memory_space<vmem>>) target_semaphore(%arg22 : memref<!tpu.dma_semaphore, #tpu.memory_space<semaphore_mem>>)
      %sub3A_541 = arith.constant 1 : i32
      %sub3A_542 = arith.subi %add3A_531, %sub3A_541 : i32
      %add3A_543 = arith.constant 4096 : i32
      %add3A_544 = arith.addi %add3A_543, %mul3A_2 : i32
      %mul3A_545 = arith.constant 16 : i32
      %mul3A_546 = arith.muli %sub3A_542, %mul3A_545 : i32
      %add3A_547 = arith.addi %add3A_544, %mul3A_546 : i32
      %dma_wait3A_548 = arith.constant 0 : i32
      %dma_wait3A_549 = tpu.memref_slice %arg5[%add3A_547, %dma_wait3A_548] : memref<16384x1024xf32, #tpu.memory_space<hbm>> -> memref<16x1024xf32, #tpu.memory_space<hbm>>
      %dma_wait3A_550 = arith.constant 0 : i32
      %dma_wait3A_551 = tpu.memref_slice %arg5[%add3A_547, %dma_wait3A_550] : memref<16384x1024xf32, #tpu.memory_space<hbm>> -> memref<16x1024xf32, #tpu.memory_space<hbm>>
      tpu.wait_dma2 semaphore(%arg18 : memref<!tpu.dma_semaphore, #tpu.memory_space<semaphore_mem>>) src(%arg8 : memref<16x1024xf32, #tpu.memory_space<vmem>>) dst(%dma_wait3A_551 : memref<16x1024xf32, #tpu.memory_space<hbm>>)
      %mul3A_552 = arith.constant 16 : i32
      %mul3A_553 = arith.muli %add3A_531, %mul3A_552 : i32
      %add3A_554 = arith.constant 128 : i32
      %add3A_555 = arith.addi %add3A_554, %mul3A_553 : i32
      %dma_start3A_556 = tpu.memref_slice %arg6[%add3A_555] : memref<512xi32, #tpu.memory_space<vmem>> -> memref<16xi32, #tpu.memory_space<vmem>>
      %dma_start3A_557 = arith.constant 0 : i32
      %dma_start3A_558 = arith.constant 0 : i32
      %dma_start3A_559 = tpu.memref_slice %arg3[%dma_start3A_557, %dma_start3A_558] : memref<100000x1024xf32, #tpu.memory_space<hbm>> -> memref<100000x1024xf32, #tpu.memory_space<hbm>>
      tpu.enqueue_indirect_dma source(%dma_start3A_559 : memref<100000x1024xf32, #tpu.memory_space<hbm>>) target(%arg8 : memref<16x1024xf32, #tpu.memory_space<vmem>>) offsets(%dma_start3A_556 : memref<16xi32, #tpu.memory_space<vmem>>) semaphore(%arg14 : memref<!tpu.dma_semaphore, #tpu.memory_space<semaphore_mem>>)
      %mul3A_560 = arith.constant 16 : i32
      %mul3A_561 = arith.muli %add3A_531, %mul3A_560 : i32
      %add3A_562 = arith.constant 0 : i32
      %add3A_563 = arith.addi %add3A_562, %mul3A_561 : i32
      %dma_wait3A_564 = tpu.memref_slice %arg6[%add3A_563] : memref<512xi32, #tpu.memory_space<vmem>> -> memref<16xi32, #tpu.memory_space<vmem>>
      %dma_wait3A_565 = arith.constant 0 : i32
      %dma_wait3A_566 = arith.constant 0 : i32
      %dma_wait3A_567 = tpu.memref_slice %arg3[%dma_wait3A_565, %dma_wait3A_566] : memref<100000x1024xf32, #tpu.memory_space<hbm>> -> memref<100000x1024xf32, #tpu.memory_space<hbm>>
      tpu.wait_indirect_dma semaphore(%arg13 : memref<!tpu.dma_semaphore, #tpu.memory_space<semaphore_mem>>) src(%dma_wait3A_567 : memref<100000x1024xf32, #tpu.memory_space<hbm>>) dst(%arg7 : memref<16x1024xf32, #tpu.memory_space<vmem>>)
      %mul3A_568 = arith.constant 16 : i32
      %mul3A_569 = arith.muli %add3A_531, %mul3A_568 : i32
      %add3A_570 = arith.addi %mul3A_2, %mul3A_569 : i32
      %dma_wait3A_571 = arith.constant 0 : i32
      %dma_wait3A_572 = tpu.memref_slice %arg4[%add3A_570, %dma_wait3A_571] : memref<4096x1024xf32, #tpu.memory_space<hbm>> -> memref<16x1024xf32, #tpu.memory_space<hbm>>
      %dma_wait3A_573 = arith.constant 0 : i32
      %dma_wait3A_574 = tpu.memref_slice %arg4[%add3A_570, %dma_wait3A_573] : memref<4096x1024xf32, #tpu.memory_space<hbm>> -> memref<16x1024xf32, #tpu.memory_space<hbm>>
      tpu.wait_dma2 semaphore(%arg21 : memref<!tpu.dma_semaphore, #tpu.memory_space<semaphore_mem>>) src(%dma_wait3A_574 : memref<16x1024xf32, #tpu.memory_space<hbm>>) dst(%arg11 : memref<16x1024xf32, #tpu.memory_space<vmem>>)
      %scan3A_575 = arith.constant 0 : i32
      %scan3A_576 = arith.constant 0 : i32
      %scan3A_577 = arith.constant 128 : i32
      %scan3A_578 = arith.addi %scan3A_576, %scan3A_577 : i32
      %scan3A_579 = arith.constant 1 : i32
      scf.for %scan3A_716 = %scan3A_576 to %scan3A_578 step %scan3A_579  : i32 {
        %mul3A_717 = arith.constant 8 : i32
        %mul3A_718 = arith.muli %scan3A_716, %mul3A_717 : i32
        %add3A_719 = arith.constant 0 : i32
        %add3A_720 = arith.addi %mul3A_718, %add3A_719 : i32
        %shift_right_logical3A = arith.constant 6 : i32
        %shift_right_logical3A_721 = arith.shrui %add3A_720, %shift_right_logical3A : i32
        %and3A = arith.constant 63 : i32
        %and3A_722 = arith.andi %add3A_720, %and3A : i32
        %mul3A_723 = arith.constant 16 : i32
        %mul3A_724 = arith.muli %and3A_722, %mul3A_723 : i32
        %get3A = arith.index_cast %shift_right_logical3A_721 : i32 to index
        %get3A_725 = arith.index_cast %mul3A_724 : i32 to index
        %get3A_726 = tpu.vector_load %arg7[%get3A, %get3A_725] {strides = array<i32>} : memref<16x1024xf32, #tpu.memory_space<vmem>>, vector<1x16xf32>,
        %get3A_727 = vector.shape_cast %get3A_726 : vector<1x16xf32> to vector<16xf32>
        %mul3A_728 = arith.constant 3.200000e+01 : f32
        %mul3A_729 = vector.broadcast %mul3A_728 : f32 to vector<16xf32>
        %mul3A_730 = arith.mulf %get3A_727, %mul3A_729 : vector<16xf32>
        %get3A_731 = arith.index_cast %shift_right_logical3A_721 : i32 to index
        %get3A_732 = arith.index_cast %mul3A_724 : i32 to index
        %get3A_733 = tpu.vector_load %arg11[%get3A_731, %get3A_732] {strides = array<i32>} : memref<16x1024xf32, #tpu.memory_space<vmem>>, vector<1x16xf32>,
        %get3A_734 = vector.shape_cast %get3A_733 : vector<1x16xf32> to vector<16xf32>
        %add3A_735 = arith.addf %mul3A_730, %get3A_734 : vector<16xf32>
        %swap3A = arith.index_cast %shift_right_logical3A_721 : i32 to index
        %swap3A_736 = arith.index_cast %mul3A_724 : i32 to index
        %swap3A_737 = tpu.vector_load %arg7[%swap3A, %swap3A_736] {strides = array<i32>} : memref<16x1024xf32, #tpu.memory_space<vmem>>, vector<1x16xf32>,
        %swap3A_738 = vector.shape_cast %swap3A_737 : vector<1x16xf32> to vector<16xf32>
        %swap3A_739 = vector.shape_cast %add3A_735 : vector<16xf32> to vector<1x16xf32>
        tpu.vector_store %arg7[%swap3A, %swap3A_736], %swap3A_739 {strides = array<i32>} : memref<16x1024xf32, #tpu.memory_space<vmem>>, vector<1x16xf32>,
        %add3A_740 = arith.constant 1 : i32
        %add3A_741 = arith.addi %mul3A_718, %add3A_740 : i32
        %shift_right_logical3A_742 = arith.constant 6 : i32
        %shift_right_logical3A_743 = arith.shrui %add3A_741, %shift_right_logical3A_742 : i32
        %and3A_744 = arith.constant 63 : i32
        %and3A_745 = arith.andi %add3A_741, %and3A_744 : i32
        %mul3A_746 = arith.constant 16 : i32
        %mul3A_747 = arith.muli %and3A_745, %mul3A_746 : i32
        %get3A_748 = arith.index_cast %shift_right_logical3A_743 : i32 to index
        %get3A_749 = arith.index_cast %mul3A_747 : i32 to index
        %get3A_750 = tpu.vector_load %arg7[%get3A_748, %get3A_749] {strides = array<i32>} : memref<16x1024xf32, #tpu.memory_space<vmem>>, vector<1x16xf32>,
        %get3A_751 = vector.shape_cast %get3A_750 : vector<1x16xf32> to vector<16xf32>
        %mul3A_752 = arith.constant 3.200000e+01 : f32
        %mul3A_753 = vector.broadcast %mul3A_752 : f32 to vector<16xf32>
        %mul3A_754 = arith.mulf %get3A_751, %mul3A_753 : vector<16xf32>
        %get3A_755 = arith.index_cast %shift_right_logical3A_743 : i32 to index
        %get3A_756 = arith.index_cast %mul3A_747 : i32 to index
        %get3A_757 = tpu.vector_load %arg11[%get3A_755, %get3A_756] {strides = array<i32>} : memref<16x1024xf32, #tpu.memory_space<vmem>>, vector<1x16xf32>,
        %get3A_758 = vector.shape_cast %get3A_757 : vector<1x16xf32> to vector<16xf32>
        %add3A_759 = arith.addf %mul3A_754, %get3A_758 : vector<16xf32>
        %swap3A_760 = arith.index_cast %shift_right_logical3A_743 : i32 to index
        %swap3A_761 = arith.index_cast %mul3A_747 : i32 to index
        %swap3A_762 = tpu.vector_load %arg7[%swap3A_760, %swap3A_761] {strides = array<i32>} : memref<16x1024xf32, #tpu.memory_space<vmem>>, vector<1x16xf32>,
        %swap3A_763 = vector.shape_cast %swap3A_762 : vector<1x16xf32> to vector<16xf32>
        %swap3A_764 = vector.shape_cast %add3A_759 : vector<16xf32> to vector<1x16xf32>
        tpu.vector_store %arg7[%swap3A_760, %swap3A_761], %swap3A_764 {strides = array<i32>} : memref<16x1024xf32, #tpu.memory_space<vmem>>, vector<1x16xf32>,
        %add3A_765 = arith.constant 2 : i32
        %add3A_766 = arith.addi %mul3A_718, %add3A_765 : i32
        %shift_right_logical3A_767 = arith.constant 6 : i32
        %shift_right_logical3A_768 = arith.shrui %add3A_766, %shift_right_logical3A_767 : i32
        %and3A_769 = arith.constant 63 : i32
        %and3A_770 = arith.andi %add3A_766, %and3A_769 : i32
        %mul3A_771 = arith.constant 16 : i32
        %mul3A_772 = arith.muli %and3A_770, %mul3A_771 : i32
        %get3A_773 = arith.index_cast %shift_right_logical3A_768 : i32 to index
        %get3A_774 = arith.index_cast %mul3A_772 : i32 to index
        %get3A_775 = tpu.vector_load %arg7[%get3A_773, %get3A_774] {strides = array<i32>} : memref<16x1024xf32, #tpu.memory_space<vmem>>, vector<1x16xf32>,
        %get3A_776 = vector.shape_cast %get3A_775 : vector<1x16xf32> to vector<16xf32>
        %mul3A_777 = arith.constant 3.200000e+01 : f32
        %mul3A_778 = vector.broadcast %mul3A_777 : f32 to vector<16xf32>
        %mul3A_779 = arith.mulf %get3A_776, %mul3A_778 : vector<16xf32>
        %get3A_780 = arith.index_cast %shift_right_logical3A_768 : i32 to index
        %get3A_781 = arith.index_cast %mul3A_772 : i32 to index
        %get3A_782 = tpu.vector_load %arg11[%get3A_780, %get3A_781] {strides = array<i32>} : memref<16x1024xf32, #tpu.memory_space<vmem>>, vector<1x16xf32>,
        %get3A_783 = vector.shape_cast %get3A_782 : vector<1x16xf32> to vector<16xf32>
        %add3A_784 = arith.addf %mul3A_779, %get3A_783 : vector<16xf32>
        %swap3A_785 = arith.index_cast %shift_right_logical3A_768 : i32 to index
        %swap3A_786 = arith.index_cast %mul3A_772 : i32 to index
        %swap3A_787 = tpu.vector_load %arg7[%swap3A_785, %swap3A_786] {strides = array<i32>} : memref<16x1024xf32, #tpu.memory_space<vmem>>, vector<1x16xf32>,
        %swap3A_788 = vector.shape_cast %swap3A_787 : vector<1x16xf32> to vector<16xf32>
        %swap3A_789 = vector.shape_cast %add3A_784 : vector<16xf32> to vector<1x16xf32>
        tpu.vector_store %arg7[%swap3A_785, %swap3A_786], %swap3A_789 {strides = array<i32>} : memref<16x1024xf32, #tpu.memory_space<vmem>>, vector<1x16xf32>,
        %add3A_790 = arith.constant 3 : i32
        %add3A_791 = arith.addi %mul3A_718, %add3A_790 : i32
        %shift_right_logical3A_792 = arith.constant 6 : i32
        %shift_right_logical3A_793 = arith.shrui %add3A_791, %shift_right_logical3A_792 : i32
        %and3A_794 = arith.constant 63 : i32
        %and3A_795 = arith.andi %add3A_791, %and3A_794 : i32
        %mul3A_796 = arith.constant 16 : i32
        %mul3A_797 = arith.muli %and3A_795, %mul3A_796 : i32
        %get3A_798 = arith.index_cast %shift_right_logical3A_793 : i32 to index
        %get3A_799 = arith.index_cast %mul3A_797 : i32 to index
        %get3A_800 = tpu.vector_load %arg7[%get3A_798, %get3A_799] {strides = array<i32>} : memref<16x1024xf32, #tpu.memory_space<vmem>>, vector<1x16xf32>,
        %get3A_801 = vector.shape_cast %get3A_800 : vector<1x16xf32> to vector<16xf32>
        %mul3A_802 = arith.constant 3.200000e+01 : f32
        %mul3A_803 = vector.broadcast %mul3A_802 : f32 to vector<16xf32>
        %mul3A_804 = arith.mulf %get3A_801, %mul3A_803 : vector<16xf32>
        %get3A_805 = arith.index_cast %shift_right_logical3A_793 : i32 to index
        %get3A_806 = arith.index_cast %mul3A_797 : i32 to index
        %get3A_807 = tpu.vector_load %arg11[%get3A_805, %get3A_806] {strides = array<i32>} : memref<16x1024xf32, #tpu.memory_space<vmem>>, vector<1x16xf32>,
        %get3A_808 = vector.shape_cast %get3A_807 : vector<1x16xf32> to vector<16xf32>
        %add3A_809 = arith.addf %mul3A_804, %get3A_808 : vector<16xf32>
        %swap3A_810 = arith.index_cast %shift_right_logical3A_793 : i32 to index
        %swap3A_811 = arith.index_cast %mul3A_797 : i32 to index
        %swap3A_812 = tpu.vector_load %arg7[%swap3A_810, %swap3A_811] {strides = array<i32>} : memref<16x1024xf32, #tpu.memory_space<vmem>>, vector<1x16xf32>,
        %swap3A_813 = vector.shape_cast %swap3A_812 : vector<1x16xf32> to vector<16xf32>
        %swap3A_814 = vector.shape_cast %add3A_809 : vector<16xf32> to vector<1x16xf32>
        tpu.vector_store %arg7[%swap3A_810, %swap3A_811], %swap3A_814 {strides = array<i32>} : memref<16x1024xf32, #tpu.memory_space<vmem>>, vector<1x16xf32>,
        %add3A_815 = arith.constant 4 : i32
        %add3A_816 = arith.addi %mul3A_718, %add3A_815 : i32
        %shift_right_logical3A_817 = arith.constant 6 : i32
        %shift_right_logical3A_818 = arith.shrui %add3A_816, %shift_right_logical3A_817 : i32
        %and3A_819 = arith.constant 63 : i32
        %and3A_820 = arith.andi %add3A_816, %and3A_819 : i32
        %mul3A_821 = arith.constant 16 : i32
        %mul3A_822 = arith.muli %and3A_820, %mul3A_821 : i32
        %get3A_823 = arith.index_cast %shift_right_logical3A_818 : i32 to index
        %get3A_824 = arith.index_cast %mul3A_822 : i32 to index
        %get3A_825 = tpu.vector_load %arg7[%get3A_823, %get3A_824] {strides = array<i32>} : memref<16x1024xf32, #tpu.memory_space<vmem>>, vector<1x16xf32>,
        %get3A_826 = vector.shape_cast %get3A_825 : vector<1x16xf32> to vector<16xf32>
        %mul3A_827 = arith.constant 3.200000e+01 : f32
        %mul3A_828 = vector.broadcast %mul3A_827 : f32 to vector<16xf32>
        %mul3A_829 = arith.mulf %get3A_826, %mul3A_828 : vector<16xf32>
        %get3A_830 = arith.index_cast %shift_right_logical3A_818 : i32 to index
        %get3A_831 = arith.index_cast %mul3A_822 : i32 to index
        %get3A_832 = tpu.vector_load %arg11[%get3A_830, %get3A_831] {strides = array<i32>} : memref<16x1024xf32, #tpu.memory_space<vmem>>, vector<1x16xf32>,
        %get3A_833 = vector.shape_cast %get3A_832 : vector<1x16xf32> to vector<16xf32>
        %add3A_834 = arith.addf %mul3A_829, %get3A_833 : vector<16xf32>
        %swap3A_835 = arith.index_cast %shift_right_logical3A_818 : i32 to index
        %swap3A_836 = arith.index_cast %mul3A_822 : i32 to index
        %swap3A_837 = tpu.vector_load %arg7[%swap3A_835, %swap3A_836] {strides = array<i32>} : memref<16x1024xf32, #tpu.memory_space<vmem>>, vector<1x16xf32>,
        %swap3A_838 = vector.shape_cast %swap3A_837 : vector<1x16xf32> to vector<16xf32>
        %swap3A_839 = vector.shape_cast %add3A_834 : vector<16xf32> to vector<1x16xf32>
        tpu.vector_store %arg7[%swap3A_835, %swap3A_836], %swap3A_839 {strides = array<i32>} : memref<16x1024xf32, #tpu.memory_space<vmem>>, vector<1x16xf32>,
        %add3A_840 = arith.constant 5 : i32
        %add3A_841 = arith.addi %mul3A_718, %add3A_840 : i32
        %shift_right_logical3A_842 = arith.constant 6 : i32
        %shift_right_logical3A_843 = arith.shrui %add3A_841, %shift_right_logical3A_842 : i32
        %and3A_844 = arith.constant 63 : i32
        %and3A_845 = arith.andi %add3A_841, %and3A_844 : i32
        %mul3A_846 = arith.constant 16 : i32
        %mul3A_847 = arith.muli %and3A_845, %mul3A_846 : i32
        %get3A_848 = arith.index_cast %shift_right_logical3A_843 : i32 to index
        %get3A_849 = arith.index_cast %mul3A_847 : i32 to index
        %get3A_850 = tpu.vector_load %arg7[%get3A_848, %get3A_849] {strides = array<i32>} : memref<16x1024xf32, #tpu.memory_space<vmem>>, vector<1x16xf32>,
        %get3A_851 = vector.shape_cast %get3A_850 : vector<1x16xf32> to vector<16xf32>
        %mul3A_852 = arith.constant 3.200000e+01 : f32
        %mul3A_853 = vector.broadcast %mul3A_852 : f32 to vector<16xf32>
        %mul3A_854 = arith.mulf %get3A_851, %mul3A_853 : vector<16xf32>
        %get3A_855 = arith.index_cast %shift_right_logical3A_843 : i32 to index
        %get3A_856 = arith.index_cast %mul3A_847 : i32 to index
        %get3A_857 = tpu.vector_load %arg11[%get3A_855, %get3A_856] {strides = array<i32>} : memref<16x1024xf32, #tpu.memory_space<vmem>>, vector<1x16xf32>,
        %get3A_858 = vector.shape_cast %get3A_857 : vector<1x16xf32> to vector<16xf32>
        %add3A_859 = arith.addf %mul3A_854, %get3A_858 : vector<16xf32>
        %swap3A_860 = arith.index_cast %shift_right_logical3A_843 : i32 to index
        %swap3A_861 = arith.index_cast %mul3A_847 : i32 to index
        %swap3A_862 = tpu.vector_load %arg7[%swap3A_860, %swap3A_861] {strides = array<i32>} : memref<16x1024xf32, #tpu.memory_space<vmem>>, vector<1x16xf32>,
        %swap3A_863 = vector.shape_cast %swap3A_862 : vector<1x16xf32> to vector<16xf32>
        %swap3A_864 = vector.shape_cast %add3A_859 : vector<16xf32> to vector<1x16xf32>
        tpu.vector_store %arg7[%swap3A_860, %swap3A_861], %swap3A_864 {strides = array<i32>} : memref<16x1024xf32, #tpu.memory_space<vmem>>, vector<1x16xf32>,
        %add3A_865 = arith.constant 6 : i32
        %add3A_866 = arith.addi %mul3A_718, %add3A_865 : i32
        %shift_right_logical3A_867 = arith.constant 6 : i32
        %shift_right_logical3A_868 = arith.shrui %add3A_866, %shift_right_logical3A_867 : i32
        %and3A_869 = arith.constant 63 : i32
        %and3A_870 = arith.andi %add3A_866, %and3A_869 : i32
        %mul3A_871 = arith.constant 16 : i32
        %mul3A_872 = arith.muli %and3A_870, %mul3A_871 : i32
        %get3A_873 = arith.index_cast %shift_right_logical3A_868 : i32 to index
        %get3A_874 = arith.index_cast %mul3A_872 : i32 to index
        %get3A_875 = tpu.vector_load %arg7[%get3A_873, %get3A_874] {strides = array<i32>} : memref<16x1024xf32, #tpu.memory_space<vmem>>, vector<1x16xf32>,
        %get3A_876 = vector.shape_cast %get3A_875 : vector<1x16xf32> to vector<16xf32>
        %mul3A_877 = arith.constant 3.200000e+01 : f32
        %mul3A_878 = vector.broadcast %mul3A_877 : f32 to vector<16xf32>
        %mul3A_879 = arith.mulf %get3A_876, %mul3A_878 : vector<16xf32>
        %get3A_880 = arith.index_cast %shift_right_logical3A_868 : i32 to index
        %get3A_881 = arith.index_cast %mul3A_872 : i32 to index
        %get3A_882 = tpu.vector_load %arg11[%get3A_880, %get3A_881] {strides = array<i32>} : memref<16x1024xf32, #tpu.memory_space<vmem>>, vector<1x16xf32>,
        %get3A_883 = vector.shape_cast %get3A_882 : vector<1x16xf32> to vector<16xf32>
        %add3A_884 = arith.addf %mul3A_879, %get3A_883 : vector<16xf32>
        %swap3A_885 = arith.index_cast %shift_right_logical3A_868 : i32 to index
        %swap3A_886 = arith.index_cast %mul3A_872 : i32 to index
        %swap3A_887 = tpu.vector_load %arg7[%swap3A_885, %swap3A_886] {strides = array<i32>} : memref<16x1024xf32, #tpu.memory_space<vmem>>, vector<1x16xf32>,
        %swap3A_888 = vector.shape_cast %swap3A_887 : vector<1x16xf32> to vector<16xf32>
        %swap3A_889 = vector.shape_cast %add3A_884 : vector<16xf32> to vector<1x16xf32>
        tpu.vector_store %arg7[%swap3A_885, %swap3A_886], %swap3A_889 {strides = array<i32>} : memref<16x1024xf32, #tpu.memory_space<vmem>>, vector<1x16xf32>,
        %add3A_890 = arith.constant 7 : i32
        %add3A_891 = arith.addi %mul3A_718, %add3A_890 : i32
        %shift_right_logical3A_892 = arith.constant 6 : i32
        %shift_right_logical3A_893 = arith.shrui %add3A_891, %shift_right_logical3A_892 : i32
        %and3A_894 = arith.constant 63 : i32
        %and3A_895 = arith.andi %add3A_891, %and3A_894 : i32
        %mul3A_896 = arith.constant 16 : i32
        %mul3A_897 = arith.muli %and3A_895, %mul3A_896 : i32
        %get3A_898 = arith.index_cast %shift_right_logical3A_893 : i32 to index
        %get3A_899 = arith.index_cast %mul3A_897 : i32 to index
        %get3A_900 = tpu.vector_load %arg7[%get3A_898, %get3A_899] {strides = array<i32>} : memref<16x1024xf32, #tpu.memory_space<vmem>>, vector<1x16xf32>,
        %get3A_901 = vector.shape_cast %get3A_900 : vector<1x16xf32> to vector<16xf32>
        %mul3A_902 = arith.constant 3.200000e+01 : f32
        %mul3A_903 = vector.broadcast %mul3A_902 : f32 to vector<16xf32>
        %mul3A_904 = arith.mulf %get3A_901, %mul3A_903 : vector<16xf32>
        %get3A_905 = arith.index_cast %shift_right_logical3A_893 : i32 to index
        %get3A_906 = arith.index_cast %mul3A_897 : i32 to index
        %get3A_907 = tpu.vector_load %arg11[%get3A_905, %get3A_906] {strides = array<i32>} : memref<16x1024xf32, #tpu.memory_space<vmem>>, vector<1x16xf32>,
        %get3A_908 = vector.shape_cast %get3A_907 : vector<1x16xf32> to vector<16xf32>
        %add3A_909 = arith.addf %mul3A_904, %get3A_908 : vector<16xf32>
        %swap3A_910 = arith.index_cast %shift_right_logical3A_893 : i32 to index
        %swap3A_911 = arith.index_cast %mul3A_897 : i32 to index
        %swap3A_912 = tpu.vector_load %arg7[%swap3A_910, %swap3A_911] {strides = array<i32>} : memref<16x1024xf32, #tpu.memory_space<vmem>>, vector<1x16xf32>,
        %swap3A_913 = vector.shape_cast %swap3A_912 : vector<1x16xf32> to vector<16xf32>
        %swap3A_914 = vector.shape_cast %add3A_909 : vector<16xf32> to vector<1x16xf32>
        tpu.vector_store %arg7[%swap3A_910, %swap3A_911], %swap3A_914 {strides = array<i32>} : memref<16x1024xf32, #tpu.memory_space<vmem>>, vector<1x16xf32>,
      }
      %scan3A_580 = arith.constant 128 : i32
      %add3A_581 = arith.constant 0 : i32
      %add3A_582 = arith.addi %add3A_581, %mul3A_2 : i32
      %mul3A_583 = arith.constant 16 : i32
      %mul3A_584 = arith.muli %add3A_531, %mul3A_583 : i32
      %add3A_585 = arith.addi %add3A_582, %mul3A_584 : i32
      %dma_start3A_586 = arith.constant 0 : i32
      %dma_start3A_587 = tpu.memref_slice %arg5[%add3A_585, %dma_start3A_586] : memref<16384x1024xf32, #tpu.memory_space<hbm>> -> memref<16x1024xf32, #tpu.memory_space<hbm>>
      %dma_start3A_588 = arith.constant 0 : i32
      %dma_start3A_589 = tpu.memref_slice %arg5[%add3A_585, %dma_start3A_588] : memref<16384x1024xf32, #tpu.memory_space<hbm>> -> memref<16x1024xf32, #tpu.memory_space<hbm>>
      tpu.enqueue_dma source(%arg7 : memref<16x1024xf32, #tpu.memory_space<vmem>>) target(%dma_start3A_589 : memref<16x1024xf32, #tpu.memory_space<hbm>>) target_semaphore(%arg17 : memref<!tpu.dma_semaphore, #tpu.memory_space<semaphore_mem>>)
      %sub3A_590 = arith.constant 1 : i32
      %sub3A_591 = arith.subi %add3A_531, %sub3A_590 : i32
      %add3A_592 = arith.constant 8192 : i32
      %add3A_593 = arith.addi %add3A_592, %mul3A_2 : i32
      %mul3A_594 = arith.constant 16 : i32
      %mul3A_595 = arith.muli %sub3A_591, %mul3A_594 : i32
      %add3A_596 = arith.addi %add3A_593, %mul3A_595 : i32
      %dma_wait3A_597 = arith.constant 0 : i32
      %dma_wait3A_598 = tpu.memref_slice %arg5[%add3A_596, %dma_wait3A_597] : memref<16384x1024xf32, #tpu.memory_space<hbm>> -> memref<16x1024xf32, #tpu.memory_space<hbm>>
      %dma_wait3A_599 = arith.constant 0 : i32
      %dma_wait3A_600 = tpu.memref_slice %arg5[%add3A_596, %dma_wait3A_599] : memref<16384x1024xf32, #tpu.memory_space<hbm>> -> memref<16x1024xf32, #tpu.memory_space<hbm>>
      tpu.wait_dma2 semaphore(%arg19 : memref<!tpu.dma_semaphore, #tpu.memory_space<semaphore_mem>>) src(%arg9 : memref<16x1024xf32, #tpu.memory_space<vmem>>) dst(%dma_wait3A_600 : memref<16x1024xf32, #tpu.memory_space<hbm>>)
      %mul3A_601 = arith.constant 16 : i32
      %mul3A_602 = arith.muli %add3A_531, %mul3A_601 : i32
      %add3A_603 = arith.constant 256 : i32
      %add3A_604 = arith.addi %add3A_603, %mul3A_602 : i32
      %dma_start3A_605 = tpu.memref_slice %arg6[%add3A_604] : memref<512xi32, #tpu.memory_space<vmem>> -> memref<16xi32, #tpu.memory_space<vmem>>
      %dma_start3A_606 = arith.constant 0 : i32
      %dma_start3A_607 = arith.constant 0 : i32
      %dma_start3A_608 = tpu.memref_slice %arg3[%dma_start3A_606, %dma_start3A_607] : memref<100000x1024xf32, #tpu.memory_space<hbm>> -> memref<100000x1024xf32, #tpu.memory_space<hbm>>
      tpu.enqueue_indirect_dma source(%dma_start3A_608 : memref<100000x1024xf32, #tpu.memory_space<hbm>>) target(%arg9 : memref<16x1024xf32, #tpu.memory_space<vmem>>) offsets(%dma_start3A_605 : memref<16xi32, #tpu.memory_space<vmem>>) semaphore(%arg15 : memref<!tpu.dma_semaphore, #tpu.memory_space<semaphore_mem>>)
      %mul3A_609 = arith.constant 16 : i32
      %mul3A_610 = arith.muli %add3A_531, %mul3A_609 : i32
      %add3A_611 = arith.constant 128 : i32
      %add3A_612 = arith.addi %add3A_611, %mul3A_610 : i32
      %dma_wait3A_613 = tpu.memref_slice %arg6[%add3A_612] : memref<512xi32, #tpu.memory_space<vmem>> -> memref<16xi32, #tpu.memory_space<vmem>>
      %dma_wait3A_614 = arith.constant 0 : i32
      %dma_wait3A_615 = arith.constant 0 : i32
      %dma_wait3A_616 = tpu.memref_slice %arg3[%dma_wait3A_614, %dma_wait3A_615] : memref<100000x1024xf32, #tpu.memory_space<hbm>> -> memref<100000x1024xf32, #tpu.memory_space<hbm>>
      tpu.wait_indirect_dma semaphore(%arg14 : memref<!tpu.dma_semaphore, #tpu.memory_space<semaphore_mem>>) src(%dma_wait3A_616 : memref<100000x1024xf32, #tpu.memory_space<hbm>>) dst(%arg8 : memref<16x1024xf32, #tpu.memory_space<vmem>>)
      %scan3A_617 = arith.constant 0 : i32
      %scan3A_618 = arith.constant 0 : i32
      %scan3A_619 = arith.constant 128 : i32
      %scan3A_620 = arith.addi %scan3A_618, %scan3A_619 : i32
      %scan3A_621 = arith.constant 1 : i32
      scf.for %scan3A_716 = %scan3A_618 to %scan3A_620 step %scan3A_621  : i32 {
        %mul3A_717 = arith.constant 8 : i32
        %mul3A_718 = arith.muli %scan3A_716, %mul3A_717 : i32
        %add3A_719 = arith.constant 0 : i32
        %add3A_720 = arith.addi %mul3A_718, %add3A_719 : i32
        %shift_right_logical3A = arith.constant 6 : i32
        %shift_right_logical3A_721 = arith.shrui %add3A_720, %shift_right_logical3A : i32
        %and3A = arith.constant 63 : i32
        %and3A_722 = arith.andi %add3A_720, %and3A : i32
        %mul3A_723 = arith.constant 16 : i32
        %mul3A_724 = arith.muli %and3A_722, %mul3A_723 : i32
        %get3A = arith.index_cast %shift_right_logical3A_721 : i32 to index
        %get3A_725 = arith.index_cast %mul3A_724 : i32 to index
        %get3A_726 = tpu.vector_load %arg8[%get3A, %get3A_725] {strides = array<i32>} : memref<16x1024xf32, #tpu.memory_space<vmem>>, vector<1x16xf32>,
        %get3A_727 = vector.shape_cast %get3A_726 : vector<1x16xf32> to vector<16xf32>
        %mul3A_728 = arith.constant 3.200000e+01 : f32
        %mul3A_729 = vector.broadcast %mul3A_728 : f32 to vector<16xf32>
        %mul3A_730 = arith.mulf %get3A_727, %mul3A_729 : vector<16xf32>
        %get3A_731 = arith.index_cast %shift_right_logical3A_721 : i32 to index
        %get3A_732 = arith.index_cast %mul3A_724 : i32 to index
        %get3A_733 = tpu.vector_load %arg11[%get3A_731, %get3A_732] {strides = array<i32>} : memref<16x1024xf32, #tpu.memory_space<vmem>>, vector<1x16xf32>,
        %get3A_734 = vector.shape_cast %get3A_733 : vector<1x16xf32> to vector<16xf32>
        %add3A_735 = arith.addf %mul3A_730, %get3A_734 : vector<16xf32>
        %swap3A = arith.index_cast %shift_right_logical3A_721 : i32 to index
        %swap3A_736 = arith.index_cast %mul3A_724 : i32 to index
        %swap3A_737 = tpu.vector_load %arg8[%swap3A, %swap3A_736] {strides = array<i32>} : memref<16x1024xf32, #tpu.memory_space<vmem>>, vector<1x16xf32>,
        %swap3A_738 = vector.shape_cast %swap3A_737 : vector<1x16xf32> to vector<16xf32>
        %swap3A_739 = vector.shape_cast %add3A_735 : vector<16xf32> to vector<1x16xf32>
        tpu.vector_store %arg8[%swap3A, %swap3A_736], %swap3A_739 {strides = array<i32>} : memref<16x1024xf32, #tpu.memory_space<vmem>>, vector<1x16xf32>,
        %add3A_740 = arith.constant 1 : i32
        %add3A_741 = arith.addi %mul3A_718, %add3A_740 : i32
        %shift_right_logical3A_742 = arith.constant 6 : i32
        %shift_right_logical3A_743 = arith.shrui %add3A_741, %shift_right_logical3A_742 : i32
        %and3A_744 = arith.constant 63 : i32
        %and3A_745 = arith.andi %add3A_741, %and3A_744 : i32
        %mul3A_746 = arith.constant 16 : i32
        %mul3A_747 = arith.muli %and3A_745, %mul3A_746 : i32
        %get3A_748 = arith.index_cast %shift_right_logical3A_743 : i32 to index
        %get3A_749 = arith.index_cast %mul3A_747 : i32 to index
        %get3A_750 = tpu.vector_load %arg8[%get3A_748, %get3A_749] {strides = array<i32>} : memref<16x1024xf32, #tpu.memory_space<vmem>>, vector<1x16xf32>,
        %get3A_751 = vector.shape_cast %get3A_750 : vector<1x16xf32> to vector<16xf32>
        %mul3A_752 = arith.constant 3.200000e+01 : f32
        %mul3A_753 = vector.broadcast %mul3A_752 : f32 to vector<16xf32>
        %mul3A_754 = arith.mulf %get3A_751, %mul3A_753 : vector<16xf32>
        %get3A_755 = arith.index_cast %shift_right_logical3A_743 : i32 to index
        %get3A_756 = arith.index_cast %mul3A_747 : i32 to index
        %get3A_757 = tpu.vector_load %arg11[%get3A_755, %get3A_756] {strides = array<i32>} : memref<16x1024xf32, #tpu.memory_space<vmem>>, vector<1x16xf32>,
        %get3A_758 = vector.shape_cast %get3A_757 : vector<1x16xf32> to vector<16xf32>
        %add3A_759 = arith.addf %mul3A_754, %get3A_758 : vector<16xf32>
        %swap3A_760 = arith.index_cast %shift_right_logical3A_743 : i32 to index
        %swap3A_761 = arith.index_cast %mul3A_747 : i32 to index
        %swap3A_762 = tpu.vector_load %arg8[%swap3A_760, %swap3A_761] {strides = array<i32>} : memref<16x1024xf32, #tpu.memory_space<vmem>>, vector<1x16xf32>,
        %swap3A_763 = vector.shape_cast %swap3A_762 : vector<1x16xf32> to vector<16xf32>
        %swap3A_764 = vector.shape_cast %add3A_759 : vector<16xf32> to vector<1x16xf32>
        tpu.vector_store %arg8[%swap3A_760, %swap3A_761], %swap3A_764 {strides = array<i32>} : memref<16x1024xf32, #tpu.memory_space<vmem>>, vector<1x16xf32>,
        %add3A_765 = arith.constant 2 : i32
        %add3A_766 = arith.addi %mul3A_718, %add3A_765 : i32
        %shift_right_logical3A_767 = arith.constant 6 : i32
        %shift_right_logical3A_768 = arith.shrui %add3A_766, %shift_right_logical3A_767 : i32
        %and3A_769 = arith.constant 63 : i32
        %and3A_770 = arith.andi %add3A_766, %and3A_769 : i32
        %mul3A_771 = arith.constant 16 : i32
        %mul3A_772 = arith.muli %and3A_770, %mul3A_771 : i32
        %get3A_773 = arith.index_cast %shift_right_logical3A_768 : i32 to index
        %get3A_774 = arith.index_cast %mul3A_772 : i32 to index
        %get3A_775 = tpu.vector_load %arg8[%get3A_773, %get3A_774] {strides = array<i32>} : memref<16x1024xf32, #tpu.memory_space<vmem>>, vector<1x16xf32>,
        %get3A_776 = vector.shape_cast %get3A_775 : vector<1x16xf32> to vector<16xf32>
        %mul3A_777 = arith.constant 3.200000e+01 : f32
        %mul3A_778 = vector.broadcast %mul3A_777 : f32 to vector<16xf32>
        %mul3A_779 = arith.mulf %get3A_776, %mul3A_778 : vector<16xf32>
        %get3A_780 = arith.index_cast %shift_right_logical3A_768 : i32 to index
        %get3A_781 = arith.index_cast %mul3A_772 : i32 to index
        %get3A_782 = tpu.vector_load %arg11[%get3A_780, %get3A_781] {strides = array<i32>} : memref<16x1024xf32, #tpu.memory_space<vmem>>, vector<1x16xf32>,
        %get3A_783 = vector.shape_cast %get3A_782 : vector<1x16xf32> to vector<16xf32>
        %add3A_784 = arith.addf %mul3A_779, %get3A_783 : vector<16xf32>
        %swap3A_785 = arith.index_cast %shift_right_logical3A_768 : i32 to index
        %swap3A_786 = arith.index_cast %mul3A_772 : i32 to index
        %swap3A_787 = tpu.vector_load %arg8[%swap3A_785, %swap3A_786] {strides = array<i32>} : memref<16x1024xf32, #tpu.memory_space<vmem>>, vector<1x16xf32>,
        %swap3A_788 = vector.shape_cast %swap3A_787 : vector<1x16xf32> to vector<16xf32>
        %swap3A_789 = vector.shape_cast %add3A_784 : vector<16xf32> to vector<1x16xf32>
        tpu.vector_store %arg8[%swap3A_785, %swap3A_786], %swap3A_789 {strides = array<i32>} : memref<16x1024xf32, #tpu.memory_space<vmem>>, vector<1x16xf32>,
        %add3A_790 = arith.constant 3 : i32
        %add3A_791 = arith.addi %mul3A_718, %add3A_790 : i32
        %shift_right_logical3A_792 = arith.constant 6 : i32
        %shift_right_logical3A_793 = arith.shrui %add3A_791, %shift_right_logical3A_792 : i32
        %and3A_794 = arith.constant 63 : i32
        %and3A_795 = arith.andi %add3A_791, %and3A_794 : i32
        %mul3A_796 = arith.constant 16 : i32
        %mul3A_797 = arith.muli %and3A_795, %mul3A_796 : i32
        %get3A_798 = arith.index_cast %shift_right_logical3A_793 : i32 to index
        %get3A_799 = arith.index_cast %mul3A_797 : i32 to index
        %get3A_800 = tpu.vector_load %arg8[%get3A_798, %get3A_799] {strides = array<i32>} : memref<16x1024xf32, #tpu.memory_space<vmem>>, vector<1x16xf32>,
        %get3A_801 = vector.shape_cast %get3A_800 : vector<1x16xf32> to vector<16xf32>
        %mul3A_802 = arith.constant 3.200000e+01 : f32
        %mul3A_803 = vector.broadcast %mul3A_802 : f32 to vector<16xf32>
        %mul3A_804 = arith.mulf %get3A_801, %mul3A_803 : vector<16xf32>
        %get3A_805 = arith.index_cast %shift_right_logical3A_793 : i32 to index
        %get3A_806 = arith.index_cast %mul3A_797 : i32 to index
        %get3A_807 = tpu.vector_load %arg11[%get3A_805, %get3A_806] {strides = array<i32>} : memref<16x1024xf32, #tpu.memory_space<vmem>>, vector<1x16xf32>,
        %get3A_808 = vector.shape_cast %get3A_807 : vector<1x16xf32> to vector<16xf32>
        %add3A_809 = arith.addf %mul3A_804, %get3A_808 : vector<16xf32>
        %swap3A_810 = arith.index_cast %shift_right_logical3A_793 : i32 to index
        %swap3A_811 = arith.index_cast %mul3A_797 : i32 to index
        %swap3A_812 = tpu.vector_load %arg8[%swap3A_810, %swap3A_811] {strides = array<i32>} : memref<16x1024xf32, #tpu.memory_space<vmem>>, vector<1x16xf32>,
        %swap3A_813 = vector.shape_cast %swap3A_812 : vector<1x16xf32> to vector<16xf32>
        %swap3A_814 = vector.shape_cast %add3A_809 : vector<16xf32> to vector<1x16xf32>
        tpu.vector_store %arg8[%swap3A_810, %swap3A_811], %swap3A_814 {strides = array<i32>} : memref<16x1024xf32, #tpu.memory_space<vmem>>, vector<1x16xf32>,
        %add3A_815 = arith.constant 4 : i32
        %add3A_816 = arith.addi %mul3A_718, %add3A_815 : i32
        %shift_right_logical3A_817 = arith.constant 6 : i32
        %shift_right_logical3A_818 = arith.shrui %add3A_816, %shift_right_logical3A_817 : i32
        %and3A_819 = arith.constant 63 : i32
        %and3A_820 = arith.andi %add3A_816, %and3A_819 : i32
        %mul3A_821 = arith.constant 16 : i32
        %mul3A_822 = arith.muli %and3A_820, %mul3A_821 : i32
        %get3A_823 = arith.index_cast %shift_right_logical3A_818 : i32 to index
        %get3A_824 = arith.index_cast %mul3A_822 : i32 to index
        %get3A_825 = tpu.vector_load %arg8[%get3A_823, %get3A_824] {strides = array<i32>} : memref<16x1024xf32, #tpu.memory_space<vmem>>, vector<1x16xf32>,
        %get3A_826 = vector.shape_cast %get3A_825 : vector<1x16xf32> to vector<16xf32>
        %mul3A_827 = arith.constant 3.200000e+01 : f32
        %mul3A_828 = vector.broadcast %mul3A_827 : f32 to vector<16xf32>
        %mul3A_829 = arith.mulf %get3A_826, %mul3A_828 : vector<16xf32>
        %get3A_830 = arith.index_cast %shift_right_logical3A_818 : i32 to index
        %get3A_831 = arith.index_cast %mul3A_822 : i32 to index
        %get3A_832 = tpu.vector_load %arg11[%get3A_830, %get3A_831] {strides = array<i32>} : memref<16x1024xf32, #tpu.memory_space<vmem>>, vector<1x16xf32>,
        %get3A_833 = vector.shape_cast %get3A_832 : vector<1x16xf32> to vector<16xf32>
        %add3A_834 = arith.addf %mul3A_829, %get3A_833 : vector<16xf32>
        %swap3A_835 = arith.index_cast %shift_right_logical3A_818 : i32 to index
        %swap3A_836 = arith.index_cast %mul3A_822 : i32 to index
        %swap3A_837 = tpu.vector_load %arg8[%swap3A_835, %swap3A_836] {strides = array<i32>} : memref<16x1024xf32, #tpu.memory_space<vmem>>, vector<1x16xf32>,
        %swap3A_838 = vector.shape_cast %swap3A_837 : vector<1x16xf32> to vector<16xf32>
        %swap3A_839 = vector.shape_cast %add3A_834 : vector<16xf32> to vector<1x16xf32>
        tpu.vector_store %arg8[%swap3A_835, %swap3A_836], %swap3A_839 {strides = array<i32>} : memref<16x1024xf32, #tpu.memory_space<vmem>>, vector<1x16xf32>,
        %add3A_840 = arith.constant 5 : i32
        %add3A_841 = arith.addi %mul3A_718, %add3A_840 : i32
        %shift_right_logical3A_842 = arith.constant 6 : i32
        %shift_right_logical3A_843 = arith.shrui %add3A_841, %shift_right_logical3A_842 : i32
        %and3A_844 = arith.constant 63 : i32
        %and3A_845 = arith.andi %add3A_841, %and3A_844 : i32
        %mul3A_846 = arith.constant 16 : i32
        %mul3A_847 = arith.muli %and3A_845, %mul3A_846 : i32
        %get3A_848 = arith.index_cast %shift_right_logical3A_843 : i32 to index
        %get3A_849 = arith.index_cast %mul3A_847 : i32 to index
        %get3A_850 = tpu.vector_load %arg8[%get3A_848, %get3A_849] {strides = array<i32>} : memref<16x1024xf32, #tpu.memory_space<vmem>>, vector<1x16xf32>,
        %get3A_851 = vector.shape_cast %get3A_850 : vector<1x16xf32> to vector<16xf32>
        %mul3A_852 = arith.constant 3.200000e+01 : f32
        %mul3A_853 = vector.broadcast %mul3A_852 : f32 to vector<16xf32>
        %mul3A_854 = arith.mulf %get3A_851, %mul3A_853 : vector<16xf32>
        %get3A_855 = arith.index_cast %shift_right_logical3A_843 : i32 to index
        %get3A_856 = arith.index_cast %mul3A_847 : i32 to index
        %get3A_857 = tpu.vector_load %arg11[%get3A_855, %get3A_856] {strides = array<i32>} : memref<16x1024xf32, #tpu.memory_space<vmem>>, vector<1x16xf32>,
        %get3A_858 = vector.shape_cast %get3A_857 : vector<1x16xf32> to vector<16xf32>
        %add3A_859 = arith.addf %mul3A_854, %get3A_858 : vector<16xf32>
        %swap3A_860 = arith.index_cast %shift_right_logical3A_843 : i32 to index
        %swap3A_861 = arith.index_cast %mul3A_847 : i32 to index
        %swap3A_862 = tpu.vector_load %arg8[%swap3A_860, %swap3A_861] {strides = array<i32>} : memref<16x1024xf32, #tpu.memory_space<vmem>>, vector<1x16xf32>,
        %swap3A_863 = vector.shape_cast %swap3A_862 : vector<1x16xf32> to vector<16xf32>
        %swap3A_864 = vector.shape_cast %add3A_859 : vector<16xf32> to vector<1x16xf32>
        tpu.vector_store %arg8[%swap3A_860, %swap3A_861], %swap3A_864 {strides = array<i32>} : memref<16x1024xf32, #tpu.memory_space<vmem>>, vector<1x16xf32>,
        %add3A_865 = arith.constant 6 : i32
        %add3A_866 = arith.addi %mul3A_718, %add3A_865 : i32
        %shift_right_logical3A_867 = arith.constant 6 : i32
        %shift_right_logical3A_868 = arith.shrui %add3A_866, %shift_right_logical3A_867 : i32
        %and3A_869 = arith.constant 63 : i32
        %and3A_870 = arith.andi %add3A_866, %and3A_869 : i32
        %mul3A_871 = arith.constant 16 : i32
        %mul3A_872 = arith.muli %and3A_870, %mul3A_871 : i32
        %get3A_873 = arith.index_cast %shift_right_logical3A_868 : i32 to index
        %get3A_874 = arith.index_cast %mul3A_872 : i32 to index
        %get3A_875 = tpu.vector_load %arg8[%get3A_873, %get3A_874] {strides = array<i32>} : memref<16x1024xf32, #tpu.memory_space<vmem>>, vector<1x16xf32>,
        %get3A_876 = vector.shape_cast %get3A_875 : vector<1x16xf32> to vector<16xf32>
        %mul3A_877 = arith.constant 3.200000e+01 : f32
        %mul3A_878 = vector.broadcast %mul3A_877 : f32 to vector<16xf32>
        %mul3A_879 = arith.mulf %get3A_876, %mul3A_878 : vector<16xf32>
        %get3A_880 = arith.index_cast %shift_right_logical3A_868 : i32 to index
        %get3A_881 = arith.index_cast %mul3A_872 : i32 to index
        %get3A_882 = tpu.vector_load %arg11[%get3A_880, %get3A_881] {strides = array<i32>} : memref<16x1024xf32, #tpu.memory_space<vmem>>, vector<1x16xf32>,
        %get3A_883 = vector.shape_cast %get3A_882 : vector<1x16xf32> to vector<16xf32>
        %add3A_884 = arith.addf %mul3A_879, %get3A_883 : vector<16xf32>
        %swap3A_885 = arith.index_cast %shift_right_logical3A_868 : i32 to index
        %swap3A_886 = arith.index_cast %mul3A_872 : i32 to index
        %swap3A_887 = tpu.vector_load %arg8[%swap3A_885, %swap3A_886] {strides = array<i32>} : memref<16x1024xf32, #tpu.memory_space<vmem>>, vector<1x16xf32>,
        %swap3A_888 = vector.shape_cast %swap3A_887 : vector<1x16xf32> to vector<16xf32>
        %swap3A_889 = vector.shape_cast %add3A_884 : vector<16xf32> to vector<1x16xf32>
        tpu.vector_store %arg8[%swap3A_885, %swap3A_886], %swap3A_889 {strides = array<i32>} : memref<16x1024xf32, #tpu.memory_space<vmem>>, vector<1x16xf32>,
        %add3A_890 = arith.constant 7 : i32
        %add3A_891 = arith.addi %mul3A_718, %add3A_890 : i32
        %shift_right_logical3A_892 = arith.constant 6 : i32
        %shift_right_logical3A_893 = arith.shrui %add3A_891, %shift_right_logical3A_892 : i32
        %and3A_894 = arith.constant 63 : i32
        %and3A_895 = arith.andi %add3A_891, %and3A_894 : i32
        %mul3A_896 = arith.constant 16 : i32
        %mul3A_897 = arith.muli %and3A_895, %mul3A_896 : i32
        %get3A_898 = arith.index_cast %shift_right_logical3A_893 : i32 to index
        %get3A_899 = arith.index_cast %mul3A_897 : i32 to index
        %get3A_900 = tpu.vector_load %arg8[%get3A_898, %get3A_899] {strides = array<i32>} : memref<16x1024xf32, #tpu.memory_space<vmem>>, vector<1x16xf32>,
        %get3A_901 = vector.shape_cast %get3A_900 : vector<1x16xf32> to vector<16xf32>
        %mul3A_902 = arith.constant 3.200000e+01 : f32
        %mul3A_903 = vector.broadcast %mul3A_902 : f32 to vector<16xf32>
        %mul3A_904 = arith.mulf %get3A_901, %mul3A_903 : vector<16xf32>
        %get3A_905 = arith.index_cast %shift_right_logical3A_893 : i32 to index
        %get3A_906 = arith.index_cast %mul3A_897 : i32 to index
        %get3A_907 = tpu.vector_load %arg11[%get3A_905, %get3A_906] {strides = array<i32>} : memref<16x1024xf32, #tpu.memory_space<vmem>>, vector<1x16xf32>,
        %get3A_908 = vector.shape_cast %get3A_907 : vector<1x16xf32> to vector<16xf32>
        %add3A_909 = arith.addf %mul3A_904, %get3A_908 : vector<16xf32>
        %swap3A_910 = arith.index_cast %shift_right_logical3A_893 : i32 to index
        %swap3A_911 = arith.index_cast %mul3A_897 : i32 to index
        %swap3A_912 = tpu.vector_load %arg8[%swap3A_910, %swap3A_911] {strides = array<i32>} : memref<16x1024xf32, #tpu.memory_space<vmem>>, vector<1x16xf32>,
        %swap3A_913 = vector.shape_cast %swap3A_912 : vector<1x16xf32> to vector<16xf32>
        %swap3A_914 = vector.shape_cast %add3A_909 : vector<16xf32> to vector<1x16xf32>
        tpu.vector_store %arg8[%swap3A_910, %swap3A_911], %swap3A_914 {strides = array<i32>} : memref<16x1024xf32, #tpu.memory_space<vmem>>, vector<1x16xf32>,
      }
      %scan3A_622 = arith.constant 128 : i32
      %add3A_623 = arith.constant 4096 : i32
      %add3A_624 = arith.addi %add3A_623, %mul3A_2 : i32
      %mul3A_625 = arith.constant 16 : i32
      %mul3A_626 = arith.muli %add3A_531, %mul3A_625 : i32
      %add3A_627 = arith.addi %add3A_624, %mul3A_626 : i32
      %dma_start3A_628 = arith.constant 0 : i32
      %dma_start3A_629 = tpu.memref_slice %arg5[%add3A_627, %dma_start3A_628] : memref<16384x1024xf32, #tpu.memory_space<hbm>> -> memref<16x1024xf32, #tpu.memory_space<hbm>>
      %dma_start3A_630 = arith.constant 0 : i32
      %dma_start3A_631 = tpu.memref_slice %arg5[%add3A_627, %dma_start3A_630] : memref<16384x1024xf32, #tpu.memory_space<hbm>> -> memref<16x1024xf32, #tpu.memory_space<hbm>>
      tpu.enqueue_dma source(%arg8 : memref<16x1024xf32, #tpu.memory_space<vmem>>) target(%dma_start3A_631 : memref<16x1024xf32, #tpu.memory_space<hbm>>) target_semaphore(%arg18 : memref<!tpu.dma_semaphore, #tpu.memory_space<semaphore_mem>>)
      %sub3A_632 = arith.constant 1 : i32
      %sub3A_633 = arith.subi %add3A_531, %sub3A_632 : i32
      %add3A_634 = arith.constant 12288 : i32
      %add3A_635 = arith.addi %add3A_634, %mul3A_2 : i32
      %mul3A_636 = arith.constant 16 : i32
      %mul3A_637 = arith.muli %sub3A_633, %mul3A_636 : i32
      %add3A_638 = arith.addi %add3A_635, %mul3A_637 : i32
      %dma_wait3A_639 = arith.constant 0 : i32
      %dma_wait3A_640 = tpu.memref_slice %arg5[%add3A_638, %dma_wait3A_639] : memref<16384x1024xf32, #tpu.memory_space<hbm>> -> memref<16x1024xf32, #tpu.memory_space<hbm>>
      %dma_wait3A_641 = arith.constant 0 : i32
      %dma_wait3A_642 = tpu.memref_slice %arg5[%add3A_638, %dma_wait3A_641] : memref<16384x1024xf32, #tpu.memory_space<hbm>> -> memref<16x1024xf32, #tpu.memory_space<hbm>>
      tpu.wait_dma2 semaphore(%arg20 : memref<!tpu.dma_semaphore, #tpu.memory_space<semaphore_mem>>) src(%arg10 : memref<16x1024xf32, #tpu.memory_space<vmem>>) dst(%dma_wait3A_642 : memref<16x1024xf32, #tpu.memory_space<hbm>>)
      %mul3A_643 = arith.constant 16 : i32
      %mul3A_644 = arith.muli %add3A_531, %mul3A_643 : i32
      %add3A_645 = arith.constant 384 : i32
      %add3A_646 = arith.addi %add3A_645, %mul3A_644 : i32
      %dma_start3A_647 = tpu.memref_slice %arg6[%add3A_646] : memref<512xi32, #tpu.memory_space<vmem>> -> memref<16xi32, #tpu.memory_space<vmem>>
      %dma_start3A_648 = arith.constant 0 : i32
      %dma_start3A_649 = arith.constant 0 : i32
      %dma_start3A_650 = tpu.memref_slice %arg3[%dma_start3A_648, %dma_start3A_649] : memref<100000x1024xf32, #tpu.memory_space<hbm>> -> memref<100000x1024xf32, #tpu.memory_space<hbm>>
      tpu.enqueue_indirect_dma source(%dma_start3A_650 : memref<100000x1024xf32, #tpu.memory_space<hbm>>) target(%arg10 : memref<16x1024xf32, #tpu.memory_space<vmem>>) offsets(%dma_start3A_647 : memref<16xi32, #tpu.memory_space<vmem>>) semaphore(%arg16 : memref<!tpu.dma_semaphore, #tpu.memory_space<semaphore_mem>>)
      %mul3A_651 = arith.constant 16 : i32
      %mul3A_652 = arith.muli %add3A_531, %mul3A_651 : i32
      %add3A_653 = arith.constant 256 : i32
      %add3A_654 = arith.addi %add3A_653, %mul3A_652 : i32
      %dma_wait3A_655 = tpu.memref_slice %arg6[%add3A_654] : memref<512xi32, #tpu.memory_space<vmem>> -> memref<16xi32, #tpu.memory_space<vmem>>
      %dma_wait3A_656 = arith.constant 0 : i32
      %dma_wait3A_657 = arith.constant 0 : i32
      %dma_wait3A_658 = tpu.memref_slice %arg3[%dma_wait3A_656, %dma_wait3A_657] : memref<100000x1024xf32, #tpu.memory_space<hbm>> -> memref<100000x1024xf32, #tpu.memory_space<hbm>>
      tpu.wait_indirect_dma semaphore(%arg15 : memref<!tpu.dma_semaphore, #tpu.memory_space<semaphore_mem>>) src(%dma_wait3A_658 : memref<100000x1024xf32, #tpu.memory_space<hbm>>) dst(%arg9 : memref<16x1024xf32, #tpu.memory_space<vmem>>)
      %scan3A_659 = arith.constant 0 : i32
      %scan3A_660 = arith.constant 0 : i32
      %scan3A_661 = arith.constant 128 : i32
      %scan3A_662 = arith.addi %scan3A_660, %scan3A_661 : i32
      %scan3A_663 = arith.constant 1 : i32
      scf.for %scan3A_716 = %scan3A_660 to %scan3A_662 step %scan3A_663  : i32 {
        %mul3A_717 = arith.constant 8 : i32
        %mul3A_718 = arith.muli %scan3A_716, %mul3A_717 : i32
        %add3A_719 = arith.constant 0 : i32
        %add3A_720 = arith.addi %mul3A_718, %add3A_719 : i32
        %shift_right_logical3A = arith.constant 6 : i32
        %shift_right_logical3A_721 = arith.shrui %add3A_720, %shift_right_logical3A : i32
        %and3A = arith.constant 63 : i32
        %and3A_722 = arith.andi %add3A_720, %and3A : i32
        %mul3A_723 = arith.constant 16 : i32
        %mul3A_724 = arith.muli %and3A_722, %mul3A_723 : i32
        %get3A = arith.index_cast %shift_right_logical3A_721 : i32 to index
        %get3A_725 = arith.index_cast %mul3A_724 : i32 to index
        %get3A_726 = tpu.vector_load %arg9[%get3A, %get3A_725] {strides = array<i32>} : memref<16x1024xf32, #tpu.memory_space<vmem>>, vector<1x16xf32>,
        %get3A_727 = vector.shape_cast %get3A_726 : vector<1x16xf32> to vector<16xf32>
        %mul3A_728 = arith.constant 3.200000e+01 : f32
        %mul3A_729 = vector.broadcast %mul3A_728 : f32 to vector<16xf32>
        %mul3A_730 = arith.mulf %get3A_727, %mul3A_729 : vector<16xf32>
        %get3A_731 = arith.index_cast %shift_right_logical3A_721 : i32 to index
        %get3A_732 = arith.index_cast %mul3A_724 : i32 to index
        %get3A_733 = tpu.vector_load %arg11[%get3A_731, %get3A_732] {strides = array<i32>} : memref<16x1024xf32, #tpu.memory_space<vmem>>, vector<1x16xf32>,
        %get3A_734 = vector.shape_cast %get3A_733 : vector<1x16xf32> to vector<16xf32>
        %add3A_735 = arith.addf %mul3A_730, %get3A_734 : vector<16xf32>
        %swap3A = arith.index_cast %shift_right_logical3A_721 : i32 to index
        %swap3A_736 = arith.index_cast %mul3A_724 : i32 to index
        %swap3A_737 = tpu.vector_load %arg9[%swap3A, %swap3A_736] {strides = array<i32>} : memref<16x1024xf32, #tpu.memory_space<vmem>>, vector<1x16xf32>,
        %swap3A_738 = vector.shape_cast %swap3A_737 : vector<1x16xf32> to vector<16xf32>
        %swap3A_739 = vector.shape_cast %add3A_735 : vector<16xf32> to vector<1x16xf32>
        tpu.vector_store %arg9[%swap3A, %swap3A_736], %swap3A_739 {strides = array<i32>} : memref<16x1024xf32, #tpu.memory_space<vmem>>, vector<1x16xf32>,
        %add3A_740 = arith.constant 1 : i32
        %add3A_741 = arith.addi %mul3A_718, %add3A_740 : i32
        %shift_right_logical3A_742 = arith.constant 6 : i32
        %shift_right_logical3A_743 = arith.shrui %add3A_741, %shift_right_logical3A_742 : i32
        %and3A_744 = arith.constant 63 : i32
        %and3A_745 = arith.andi %add3A_741, %and3A_744 : i32
        %mul3A_746 = arith.constant 16 : i32
        %mul3A_747 = arith.muli %and3A_745, %mul3A_746 : i32
        %get3A_748 = arith.index_cast %shift_right_logical3A_743 : i32 to index
        %get3A_749 = arith.index_cast %mul3A_747 : i32 to index
        %get3A_750 = tpu.vector_load %arg9[%get3A_748, %get3A_749] {strides = array<i32>} : memref<16x1024xf32, #tpu.memory_space<vmem>>, vector<1x16xf32>,
        %get3A_751 = vector.shape_cast %get3A_750 : vector<1x16xf32> to vector<16xf32>
        %mul3A_752 = arith.constant 3.200000e+01 : f32
        %mul3A_753 = vector.broadcast %mul3A_752 : f32 to vector<16xf32>
        %mul3A_754 = arith.mulf %get3A_751, %mul3A_753 : vector<16xf32>
        %get3A_755 = arith.index_cast %shift_right_logical3A_743 : i32 to index
        %get3A_756 = arith.index_cast %mul3A_747 : i32 to index
        %get3A_757 = tpu.vector_load %arg11[%get3A_755, %get3A_756] {strides = array<i32>} : memref<16x1024xf32, #tpu.memory_space<vmem>>, vector<1x16xf32>,
        %get3A_758 = vector.shape_cast %get3A_757 : vector<1x16xf32> to vector<16xf32>
        %add3A_759 = arith.addf %mul3A_754, %get3A_758 : vector<16xf32>
        %swap3A_760 = arith.index_cast %shift_right_logical3A_743 : i32 to index
        %swap3A_761 = arith.index_cast %mul3A_747 : i32 to index
        %swap3A_762 = tpu.vector_load %arg9[%swap3A_760, %swap3A_761] {strides = array<i32>} : memref<16x1024xf32, #tpu.memory_space<vmem>>, vector<1x16xf32>,
        %swap3A_763 = vector.shape_cast %swap3A_762 : vector<1x16xf32> to vector<16xf32>
        %swap3A_764 = vector.shape_cast %add3A_759 : vector<16xf32> to vector<1x16xf32>
        tpu.vector_store %arg9[%swap3A_760, %swap3A_761], %swap3A_764 {strides = array<i32>} : memref<16x1024xf32, #tpu.memory_space<vmem>>, vector<1x16xf32>,
        %add3A_765 = arith.constant 2 : i32
        %add3A_766 = arith.addi %mul3A_718, %add3A_765 : i32
        %shift_right_logical3A_767 = arith.constant 6 : i32
        %shift_right_logical3A_768 = arith.shrui %add3A_766, %shift_right_logical3A_767 : i32
        %and3A_769 = arith.constant 63 : i32
        %and3A_770 = arith.andi %add3A_766, %and3A_769 : i32
        %mul3A_771 = arith.constant 16 : i32
        %mul3A_772 = arith.muli %and3A_770, %mul3A_771 : i32
        %get3A_773 = arith.index_cast %shift_right_logical3A_768 : i32 to index
        %get3A_774 = arith.index_cast %mul3A_772 : i32 to index
        %get3A_775 = tpu.vector_load %arg9[%get3A_773, %get3A_774] {strides = array<i32>} : memref<16x1024xf32, #tpu.memory_space<vmem>>, vector<1x16xf32>,
        %get3A_776 = vector.shape_cast %get3A_775 : vector<1x16xf32> to vector<16xf32>
        %mul3A_777 = arith.constant 3.200000e+01 : f32
        %mul3A_778 = vector.broadcast %mul3A_777 : f32 to vector<16xf32>
        %mul3A_779 = arith.mulf %get3A_776, %mul3A_778 : vector<16xf32>
        %get3A_780 = arith.index_cast %shift_right_logical3A_768 : i32 to index
        %get3A_781 = arith.index_cast %mul3A_772 : i32 to index
        %get3A_782 = tpu.vector_load %arg11[%get3A_780, %get3A_781] {strides = array<i32>} : memref<16x1024xf32, #tpu.memory_space<vmem>>, vector<1x16xf32>,
        %get3A_783 = vector.shape_cast %get3A_782 : vector<1x16xf32> to vector<16xf32>
        %add3A_784 = arith.addf %mul3A_779, %get3A_783 : vector<16xf32>
        %swap3A_785 = arith.index_cast %shift_right_logical3A_768 : i32 to index
        %swap3A_786 = arith.index_cast %mul3A_772 : i32 to index
        %swap3A_787 = tpu.vector_load %arg9[%swap3A_785, %swap3A_786] {strides = array<i32>} : memref<16x1024xf32, #tpu.memory_space<vmem>>, vector<1x16xf32>,
        %swap3A_788 = vector.shape_cast %swap3A_787 : vector<1x16xf32> to vector<16xf32>
        %swap3A_789 = vector.shape_cast %add3A_784 : vector<16xf32> to vector<1x16xf32>
        tpu.vector_store %arg9[%swap3A_785, %swap3A_786], %swap3A_789 {strides = array<i32>} : memref<16x1024xf32, #tpu.memory_space<vmem>>, vector<1x16xf32>,
        %add3A_790 = arith.constant 3 : i32
        %add3A_791 = arith.addi %mul3A_718, %add3A_790 : i32
        %shift_right_logical3A_792 = arith.constant 6 : i32
        %shift_right_logical3A_793 = arith.shrui %add3A_791, %shift_right_logical3A_792 : i32
        %and3A_794 = arith.constant 63 : i32
        %and3A_795 = arith.andi %add3A_791, %and3A_794 : i32
        %mul3A_796 = arith.constant 16 : i32
        %mul3A_797 = arith.muli %and3A_795, %mul3A_796 : i32
        %get3A_798 = arith.index_cast %shift_right_logical3A_793 : i32 to index
        %get3A_799 = arith.index_cast %mul3A_797 : i32 to index
        %get3A_800 = tpu.vector_load %arg9[%get3A_798, %get3A_799] {strides = array<i32>} : memref<16x1024xf32, #tpu.memory_space<vmem>>, vector<1x16xf32>,
        %get3A_801 = vector.shape_cast %get3A_800 : vector<1x16xf32> to vector<16xf32>
        %mul3A_802 = arith.constant 3.200000e+01 : f32
        %mul3A_803 = vector.broadcast %mul3A_802 : f32 to vector<16xf32>
        %mul3A_804 = arith.mulf %get3A_801, %mul3A_803 : vector<16xf32>
        %get3A_805 = arith.index_cast %shift_right_logical3A_793 : i32 to index
        %get3A_806 = arith.index_cast %mul3A_797 : i32 to index
        %get3A_807 = tpu.vector_load %arg11[%get3A_805, %get3A_806] {strides = array<i32>} : memref<16x1024xf32, #tpu.memory_space<vmem>>, vector<1x16xf32>,
        %get3A_808 = vector.shape_cast %get3A_807 : vector<1x16xf32> to vector<16xf32>
        %add3A_809 = arith.addf %mul3A_804, %get3A_808 : vector<16xf32>
        %swap3A_810 = arith.index_cast %shift_right_logical3A_793 : i32 to index
        %swap3A_811 = arith.index_cast %mul3A_797 : i32 to index
        %swap3A_812 = tpu.vector_load %arg9[%swap3A_810, %swap3A_811] {strides = array<i32>} : memref<16x1024xf32, #tpu.memory_space<vmem>>, vector<1x16xf32>,
        %swap3A_813 = vector.shape_cast %swap3A_812 : vector<1x16xf32> to vector<16xf32>
        %swap3A_814 = vector.shape_cast %add3A_809 : vector<16xf32> to vector<1x16xf32>
        tpu.vector_store %arg9[%swap3A_810, %swap3A_811], %swap3A_814 {strides = array<i32>} : memref<16x1024xf32, #tpu.memory_space<vmem>>, vector<1x16xf32>,
        %add3A_815 = arith.constant 4 : i32
        %add3A_816 = arith.addi %mul3A_718, %add3A_815 : i32
        %shift_right_logical3A_817 = arith.constant 6 : i32
        %shift_right_logical3A_818 = arith.shrui %add3A_816, %shift_right_logical3A_817 : i32
        %and3A_819 = arith.constant 63 : i32
        %and3A_820 = arith.andi %add3A_816, %and3A_819 : i32
        %mul3A_821 = arith.constant 16 : i32
        %mul3A_822 = arith.muli %and3A_820, %mul3A_821 : i32
        %get3A_823 = arith.index_cast %shift_right_logical3A_818 : i32 to index
        %get3A_824 = arith.index_cast %mul3A_822 : i32 to index
        %get3A_825 = tpu.vector_load %arg9[%get3A_823, %get3A_824] {strides = array<i32>} : memref<16x1024xf32, #tpu.memory_space<vmem>>, vector<1x16xf32>,
        %get3A_826 = vector.shape_cast %get3A_825 : vector<1x16xf32> to vector<16xf32>
        %mul3A_827 = arith.constant 3.200000e+01 : f32
        %mul3A_828 = vector.broadcast %mul3A_827 : f32 to vector<16xf32>
        %mul3A_829 = arith.mulf %get3A_826, %mul3A_828 : vector<16xf32>
        %get3A_830 = arith.index_cast %shift_right_logical3A_818 : i32 to index
        %get3A_831 = arith.index_cast %mul3A_822 : i32 to index
        %get3A_832 = tpu.vector_load %arg11[%get3A_830, %get3A_831] {strides = array<i32>} : memref<16x1024xf32, #tpu.memory_space<vmem>>, vector<1x16xf32>,
        %get3A_833 = vector.shape_cast %get3A_832 : vector<1x16xf32> to vector<16xf32>
        %add3A_834 = arith.addf %mul3A_829, %get3A_833 : vector<16xf32>
        %swap3A_835 = arith.index_cast %shift_right_logical3A_818 : i32 to index
        %swap3A_836 = arith.index_cast %mul3A_822 : i32 to index
        %swap3A_837 = tpu.vector_load %arg9[%swap3A_835, %swap3A_836] {strides = array<i32>} : memref<16x1024xf32, #tpu.memory_space<vmem>>, vector<1x16xf32>,
        %swap3A_838 = vector.shape_cast %swap3A_837 : vector<1x16xf32> to vector<16xf32>
        %swap3A_839 = vector.shape_cast %add3A_834 : vector<16xf32> to vector<1x16xf32>
        tpu.vector_store %arg9[%swap3A_835, %swap3A_836], %swap3A_839 {strides = array<i32>} : memref<16x1024xf32, #tpu.memory_space<vmem>>, vector<1x16xf32>,
        %add3A_840 = arith.constant 5 : i32
        %add3A_841 = arith.addi %mul3A_718, %add3A_840 : i32
        %shift_right_logical3A_842 = arith.constant 6 : i32
        %shift_right_logical3A_843 = arith.shrui %add3A_841, %shift_right_logical3A_842 : i32
        %and3A_844 = arith.constant 63 : i32
        %and3A_845 = arith.andi %add3A_841, %and3A_844 : i32
        %mul3A_846 = arith.constant 16 : i32
        %mul3A_847 = arith.muli %and3A_845, %mul3A_846 : i32
        %get3A_848 = arith.index_cast %shift_right_logical3A_843 : i32 to index
        %get3A_849 = arith.index_cast %mul3A_847 : i32 to index
        %get3A_850 = tpu.vector_load %arg9[%get3A_848, %get3A_849] {strides = array<i32>} : memref<16x1024xf32, #tpu.memory_space<vmem>>, vector<1x16xf32>,
        %get3A_851 = vector.shape_cast %get3A_850 : vector<1x16xf32> to vector<16xf32>
        %mul3A_852 = arith.constant 3.200000e+01 : f32
        %mul3A_853 = vector.broadcast %mul3A_852 : f32 to vector<16xf32>
        %mul3A_854 = arith.mulf %get3A_851, %mul3A_853 : vector<16xf32>
        %get3A_855 = arith.index_cast %shift_right_logical3A_843 : i32 to index
        %get3A_856 = arith.index_cast %mul3A_847 : i32 to index
        %get3A_857 = tpu.vector_load %arg11[%get3A_855, %get3A_856] {strides = array<i32>} : memref<16x1024xf32, #tpu.memory_space<vmem>>, vector<1x16xf32>,
        %get3A_858 = vector.shape_cast %get3A_857 : vector<1x16xf32> to vector<16xf32>
        %add3A_859 = arith.addf %mul3A_854, %get3A_858 : vector<16xf32>
        %swap3A_860 = arith.index_cast %shift_right_logical3A_843 : i32 to index
        %swap3A_861 = arith.index_cast %mul3A_847 : i32 to index
        %swap3A_862 = tpu.vector_load %arg9[%swap3A_860, %swap3A_861] {strides = array<i32>} : memref<16x1024xf32, #tpu.memory_space<vmem>>, vector<1x16xf32>,
        %swap3A_863 = vector.shape_cast %swap3A_862 : vector<1x16xf32> to vector<16xf32>
        %swap3A_864 = vector.shape_cast %add3A_859 : vector<16xf32> to vector<1x16xf32>
        tpu.vector_store %arg9[%swap3A_860, %swap3A_861], %swap3A_864 {strides = array<i32>} : memref<16x1024xf32, #tpu.memory_space<vmem>>, vector<1x16xf32>,
        %add3A_865 = arith.constant 6 : i32
        %add3A_866 = arith.addi %mul3A_718, %add3A_865 : i32
        %shift_right_logical3A_867 = arith.constant 6 : i32
        %shift_right_logical3A_868 = arith.shrui %add3A_866, %shift_right_logical3A_867 : i32
        %and3A_869 = arith.constant 63 : i32
        %and3A_870 = arith.andi %add3A_866, %and3A_869 : i32
        %mul3A_871 = arith.constant 16 : i32
        %mul3A_872 = arith.muli %and3A_870, %mul3A_871 : i32
        %get3A_873 = arith.index_cast %shift_right_logical3A_868 : i32 to index
        %get3A_874 = arith.index_cast %mul3A_872 : i32 to index
        %get3A_875 = tpu.vector_load %arg9[%get3A_873, %get3A_874] {strides = array<i32>} : memref<16x1024xf32, #tpu.memory_space<vmem>>, vector<1x16xf32>,
        %get3A_876 = vector.shape_cast %get3A_875 : vector<1x16xf32> to vector<16xf32>
        %mul3A_877 = arith.constant 3.200000e+01 : f32
        %mul3A_878 = vector.broadcast %mul3A_877 : f32 to vector<16xf32>
        %mul3A_879 = arith.mulf %get3A_876, %mul3A_878 : vector<16xf32>
        %get3A_880 = arith.index_cast %shift_right_logical3A_868 : i32 to index
        %get3A_881 = arith.index_cast %mul3A_872 : i32 to index
        %get3A_882 = tpu.vector_load %arg11[%get3A_880, %get3A_881] {strides = array<i32>} : memref<16x1024xf32, #tpu.memory_space<vmem>>, vector<1x16xf32>,
        %get3A_883 = vector.shape_cast %get3A_882 : vector<1x16xf32> to vector<16xf32>
        %add3A_884 = arith.addf %mul3A_879, %get3A_883 : vector<16xf32>
        %swap3A_885 = arith.index_cast %shift_right_logical3A_868 : i32 to index
        %swap3A_886 = arith.index_cast %mul3A_872 : i32 to index
        %swap3A_887 = tpu.vector_load %arg9[%swap3A_885, %swap3A_886] {strides = array<i32>} : memref<16x1024xf32, #tpu.memory_space<vmem>>, vector<1x16xf32>,
        %swap3A_888 = vector.shape_cast %swap3A_887 : vector<1x16xf32> to vector<16xf32>
        %swap3A_889 = vector.shape_cast %add3A_884 : vector<16xf32> to vector<1x16xf32>
        tpu.vector_store %arg9[%swap3A_885, %swap3A_886], %swap3A_889 {strides = array<i32>} : memref<16x1024xf32, #tpu.memory_space<vmem>>, vector<1x16xf32>,
        %add3A_890 = arith.constant 7 : i32
        %add3A_891 = arith.addi %mul3A_718, %add3A_890 : i32
        %shift_right_logical3A_892 = arith.constant 6 : i32
        %shift_right_logical3A_893 = arith.shrui %add3A_891, %shift_right_logical3A_892 : i32
        %and3A_894 = arith.constant 63 : i32
        %and3A_895 = arith.andi %add3A_891, %and3A_894 : i32
        %mul3A_896 = arith.constant 16 : i32
        %mul3A_897 = arith.muli %and3A_895, %mul3A_896 : i32
        %get3A_898 = arith.index_cast %shift_right_logical3A_893 : i32 to index
        %get3A_899 = arith.index_cast %mul3A_897 : i32 to index
        %get3A_900 = tpu.vector_load %arg9[%get3A_898, %get3A_899] {strides = array<i32>} : memref<16x1024xf32, #tpu.memory_space<vmem>>, vector<1x16xf32>,
        %get3A_901 = vector.shape_cast %get3A_900 : vector<1x16xf32> to vector<16xf32>
        %mul3A_902 = arith.constant 3.200000e+01 : f32
        %mul3A_903 = vector.broadcast %mul3A_902 : f32 to vector<16xf32>
        %mul3A_904 = arith.mulf %get3A_901, %mul3A_903 : vector<16xf32>
        %get3A_905 = arith.index_cast %shift_right_logical3A_893 : i32 to index
        %get3A_906 = arith.index_cast %mul3A_897 : i32 to index
        %get3A_907 = tpu.vector_load %arg11[%get3A_905, %get3A_906] {strides = array<i32>} : memref<16x1024xf32, #tpu.memory_space<vmem>>, vector<1x16xf32>,
        %get3A_908 = vector.shape_cast %get3A_907 : vector<1x16xf32> to vector<16xf32>
        %add3A_909 = arith.addf %mul3A_904, %get3A_908 : vector<16xf32>
        %swap3A_910 = arith.index_cast %shift_right_logical3A_893 : i32 to index
        %swap3A_911 = arith.index_cast %mul3A_897 : i32 to index
        %swap3A_912 = tpu.vector_load %arg9[%swap3A_910, %swap3A_911] {strides = array<i32>} : memref<16x1024xf32, #tpu.memory_space<vmem>>, vector<1x16xf32>,
        %swap3A_913 = vector.shape_cast %swap3A_912 : vector<1x16xf32> to vector<16xf32>
        %swap3A_914 = vector.shape_cast %add3A_909 : vector<16xf32> to vector<1x16xf32>
        tpu.vector_store %arg9[%swap3A_910, %swap3A_911], %swap3A_914 {strides = array<i32>} : memref<16x1024xf32, #tpu.memory_space<vmem>>, vector<1x16xf32>,
      }
      %scan3A_664 = arith.constant 128 : i32
      %add3A_665 = arith.constant 8192 : i32
      %add3A_666 = arith.addi %add3A_665, %mul3A_2 : i32
      %mul3A_667 = arith.constant 16 : i32
      %mul3A_668 = arith.muli %add3A_531, %mul3A_667 : i32
      %add3A_669 = arith.addi %add3A_666, %mul3A_668 : i32
      %dma_start3A_670 = arith.constant 0 : i32
      %dma_start3A_671 = tpu.memref_slice %arg5[%add3A_669, %dma_start3A_670] : memref<16384x1024xf32, #tpu.memory_space<hbm>> -> memref<16x1024xf32, #tpu.memory_space<hbm>>
      %dma_start3A_672 = arith.constant 0 : i32
      %dma_start3A_673 = tpu.memref_slice %arg5[%add3A_669, %dma_start3A_672] : memref<16384x1024xf32, #tpu.memory_space<hbm>> -> memref<16x1024xf32, #tpu.memory_space<hbm>>
      tpu.enqueue_dma source(%arg9 : memref<16x1024xf32, #tpu.memory_space<vmem>>) target(%dma_start3A_673 : memref<16x1024xf32, #tpu.memory_space<hbm>>) target_semaphore(%arg19 : memref<!tpu.dma_semaphore, #tpu.memory_space<semaphore_mem>>)
      %add3A_674 = arith.constant 0 : i32
      %add3A_675 = arith.addi %add3A_674, %mul3A_2 : i32
      %mul3A_676 = arith.constant 16 : i32
      %mul3A_677 = arith.muli %add3A_531, %mul3A_676 : i32
      %add3A_678 = arith.addi %add3A_675, %mul3A_677 : i32
      %dma_wait3A_679 = arith.constant 0 : i32
      %dma_wait3A_680 = tpu.memref_slice %arg5[%add3A_678, %dma_wait3A_679] : memref<16384x1024xf32, #tpu.memory_space<hbm>> -> memref<16x1024xf32, #tpu.memory_space<hbm>>
      %dma_wait3A_681 = arith.constant 0 : i32
      %dma_wait3A_682 = tpu.memref_slice %arg5[%add3A_678, %dma_wait3A_681] : memref<16384x1024xf32, #tpu.memory_space<hbm>> -> memref<16x1024xf32, #tpu.memory_space<hbm>>
      tpu.wait_dma2 semaphore(%arg17 : memref<!tpu.dma_semaphore, #tpu.memory_space<semaphore_mem>>) src(%arg7 : memref<16x1024xf32, #tpu.memory_space<vmem>>) dst(%dma_wait3A_682 : memref<16x1024xf32, #tpu.memory_space<hbm>>)
      %add3A_683 = arith.constant 1 : i32
      %add3A_684 = arith.addi %add3A_531, %add3A_683 : i32
      %mul3A_685 = arith.constant 16 : i32
      %mul3A_686 = arith.muli %add3A_684, %mul3A_685 : i32
      %add3A_687 = arith.constant 0 : i32
      %add3A_688 = arith.addi %add3A_687, %mul3A_686 : i32
      %dma_start3A_689 = tpu.memref_slice %arg6[%add3A_688] : memref<512xi32, #tpu.memory_space<vmem>> -> memref<16xi32, #tpu.memory_space<vmem>>
      %dma_start3A_690 = arith.constant 0 : i32
      %dma_start3A_691 = arith.constant 0 : i32
      %dma_start3A_692 = tpu.memref_slice %arg3[%dma_start3A_690, %dma_start3A_691] : memref<100000x1024xf32, #tpu.memory_space<hbm>> -> memref<100000x1024xf32, #tpu.memory_space<hbm>>
      tpu.enqueue_indirect_dma source(%dma_start3A_692 : memref<100000x1024xf32, #tpu.memory_space<hbm>>) target(%arg7 : memref<16x1024xf32, #tpu.memory_space<vmem>>) offsets(%dma_start3A_689 : memref<16xi32, #tpu.memory_space<vmem>>) semaphore(%arg13 : memref<!tpu.dma_semaphore, #tpu.memory_space<semaphore_mem>>)
      %mul3A_693 = arith.constant 16 : i32
      %mul3A_694 = arith.muli %add3A_531, %mul3A_693 : i32
      %add3A_695 = arith.constant 384 : i32
      %add3A_696 = arith.addi %add3A_695, %mul3A_694 : i32
      %dma_wait3A_697 = tpu.memref_slice %arg6[%add3A_696] : memref<512xi32, #tpu.memory_space<vmem>> -> memref<16xi32, #tpu.memory_space<vmem>>
      %dma_wait3A_698 = arith.constant 0 : i32
      %dma_wait3A_699 = arith.constant 0 : i32
      %dma_wait3A_700 = tpu.memref_slice %arg3[%dma_wait3A_698, %dma_wait3A_699] : memref<100000x1024xf32, #tpu.memory_space<hbm>> -> memref<100000x1024xf32, #tpu.memory_space<hbm>>
      tpu.wait_indirect_dma semaphore(%arg16 : memref<!tpu.dma_semaphore, #tpu.memory_space<semaphore_mem>>) src(%dma_wait3A_700 : memref<100000x1024xf32, #tpu.memory_space<hbm>>) dst(%arg10 : memref<16x1024xf32, #tpu.memory_space<vmem>>)
      %scan3A_701 = arith.constant 0 : i32
      %scan3A_702 = arith.constant 0 : i32
      %scan3A_703 = arith.constant 128 : i32
      %scan3A_704 = arith.addi %scan3A_702, %scan3A_703 : i32
      %scan3A_705 = arith.constant 1 : i32
      scf.for %scan3A_716 = %scan3A_702 to %scan3A_704 step %scan3A_705  : i32 {
        %mul3A_717 = arith.constant 8 : i32
        %mul3A_718 = arith.muli %scan3A_716, %mul3A_717 : i32
        %add3A_719 = arith.constant 0 : i32
        %add3A_720 = arith.addi %mul3A_718, %add3A_719 : i32
        %shift_right_logical3A = arith.constant 6 : i32
        %shift_right_logical3A_721 = arith.shrui %add3A_720, %shift_right_logical3A : i32
        %and3A = arith.constant 63 : i32
        %and3A_722 = arith.andi %add3A_720, %and3A : i32
        %mul3A_723 = arith.constant 16 : i32
        %mul3A_724 = arith.muli %and3A_722, %mul3A_723 : i32
        %get3A = arith.index_cast %shift_right_logical3A_721 : i32 to index
        %get3A_725 = arith.index_cast %mul3A_724 : i32 to index
        %get3A_726 = tpu.vector_load %arg10[%get3A, %get3A_725] {strides = array<i32>} : memref<16x1024xf32, #tpu.memory_space<vmem>>, vector<1x16xf32>,
        %get3A_727 = vector.shape_cast %get3A_726 : vector<1x16xf32> to vector<16xf32>
        %mul3A_728 = arith.constant 3.200000e+01 : f32
        %mul3A_729 = vector.broadcast %mul3A_728 : f32 to vector<16xf32>
        %mul3A_730 = arith.mulf %get3A_727, %mul3A_729 : vector<16xf32>
        %get3A_731 = arith.index_cast %shift_right_logical3A_721 : i32 to index
        %get3A_732 = arith.index_cast %mul3A_724 : i32 to index
        %get3A_733 = tpu.vector_load %arg11[%get3A_731, %get3A_732] {strides = array<i32>} : memref<16x1024xf32, #tpu.memory_space<vmem>>, vector<1x16xf32>,
        %get3A_734 = vector.shape_cast %get3A_733 : vector<1x16xf32> to vector<16xf32>
        %add3A_735 = arith.addf %mul3A_730, %get3A_734 : vector<16xf32>
        %swap3A = arith.index_cast %shift_right_logical3A_721 : i32 to index
        %swap3A_736 = arith.index_cast %mul3A_724 : i32 to index
        %swap3A_737 = tpu.vector_load %arg10[%swap3A, %swap3A_736] {strides = array<i32>} : memref<16x1024xf32, #tpu.memory_space<vmem>>, vector<1x16xf32>,
        %swap3A_738 = vector.shape_cast %swap3A_737 : vector<1x16xf32> to vector<16xf32>
        %swap3A_739 = vector.shape_cast %add3A_735 : vector<16xf32> to vector<1x16xf32>
        tpu.vector_store %arg10[%swap3A, %swap3A_736], %swap3A_739 {strides = array<i32>} : memref<16x1024xf32, #tpu.memory_space<vmem>>, vector<1x16xf32>,
        %add3A_740 = arith.constant 1 : i32
        %add3A_741 = arith.addi %mul3A_718, %add3A_740 : i32
        %shift_right_logical3A_742 = arith.constant 6 : i32
        %shift_right_logical3A_743 = arith.shrui %add3A_741, %shift_right_logical3A_742 : i32
        %and3A_744 = arith.constant 63 : i32
        %and3A_745 = arith.andi %add3A_741, %and3A_744 : i32
        %mul3A_746 = arith.constant 16 : i32
        %mul3A_747 = arith.muli %and3A_745, %mul3A_746 : i32
        %get3A_748 = arith.index_cast %shift_right_logical3A_743 : i32 to index
        %get3A_749 = arith.index_cast %mul3A_747 : i32 to index
        %get3A_750 = tpu.vector_load %arg10[%get3A_748, %get3A_749] {strides = array<i32>} : memref<16x1024xf32, #tpu.memory_space<vmem>>, vector<1x16xf32>,
        %get3A_751 = vector.shape_cast %get3A_750 : vector<1x16xf32> to vector<16xf32>
        %mul3A_752 = arith.constant 3.200000e+01 : f32
        %mul3A_753 = vector.broadcast %mul3A_752 : f32 to vector<16xf32>
        %mul3A_754 = arith.mulf %get3A_751, %mul3A_753 : vector<16xf32>
        %get3A_755 = arith.index_cast %shift_right_logical3A_743 : i32 to index
        %get3A_756 = arith.index_cast %mul3A_747 : i32 to index
        %get3A_757 = tpu.vector_load %arg11[%get3A_755, %get3A_756] {strides = array<i32>} : memref<16x1024xf32, #tpu.memory_space<vmem>>, vector<1x16xf32>,
        %get3A_758 = vector.shape_cast %get3A_757 : vector<1x16xf32> to vector<16xf32>
        %add3A_759 = arith.addf %mul3A_754, %get3A_758 : vector<16xf32>
        %swap3A_760 = arith.index_cast %shift_right_logical3A_743 : i32 to index
        %swap3A_761 = arith.index_cast %mul3A_747 : i32 to index
        %swap3A_762 = tpu.vector_load %arg10[%swap3A_760, %swap3A_761] {strides = array<i32>} : memref<16x1024xf32, #tpu.memory_space<vmem>>, vector<1x16xf32>,
        %swap3A_763 = vector.shape_cast %swap3A_762 : vector<1x16xf32> to vector<16xf32>
        %swap3A_764 = vector.shape_cast %add3A_759 : vector<16xf32> to vector<1x16xf32>
        tpu.vector_store %arg10[%swap3A_760, %swap3A_761], %swap3A_764 {strides = array<i32>} : memref<16x1024xf32, #tpu.memory_space<vmem>>, vector<1x16xf32>,
        %add3A_765 = arith.constant 2 : i32
        %add3A_766 = arith.addi %mul3A_718, %add3A_765 : i32
        %shift_right_logical3A_767 = arith.constant 6 : i32
        %shift_right_logical3A_768 = arith.shrui %add3A_766, %shift_right_logical3A_767 : i32
        %and3A_769 = arith.constant 63 : i32
        %and3A_770 = arith.andi %add3A_766, %and3A_769 : i32
        %mul3A_771 = arith.constant 16 : i32
        %mul3A_772 = arith.muli %and3A_770, %mul3A_771 : i32
        %get3A_773 = arith.index_cast %shift_right_logical3A_768 : i32 to index
        %get3A_774 = arith.index_cast %mul3A_772 : i32 to index
        %get3A_775 = tpu.vector_load %arg10[%get3A_773, %get3A_774] {strides = array<i32>} : memref<16x1024xf32, #tpu.memory_space<vmem>>, vector<1x16xf32>,
        %get3A_776 = vector.shape_cast %get3A_775 : vector<1x16xf32> to vector<16xf32>
        %mul3A_777 = arith.constant 3.200000e+01 : f32
        %mul3A_778 = vector.broadcast %mul3A_777 : f32 to vector<16xf32>
        %mul3A_779 = arith.mulf %get3A_776, %mul3A_778 : vector<16xf32>
        %get3A_780 = arith.index_cast %shift_right_logical3A_768 : i32 to index
        %get3A_781 = arith.index_cast %mul3A_772 : i32 to index
        %get3A_782 = tpu.vector_load %arg11[%get3A_780, %get3A_781] {strides = array<i32>} : memref<16x1024xf32, #tpu.memory_space<vmem>>, vector<1x16xf32>,
        %get3A_783 = vector.shape_cast %get3A_782 : vector<1x16xf32> to vector<16xf32>
        %add3A_784 = arith.addf %mul3A_779, %get3A_783 : vector<16xf32>
        %swap3A_785 = arith.index_cast %shift_right_logical3A_768 : i32 to index
        %swap3A_786 = arith.index_cast %mul3A_772 : i32 to index
        %swap3A_787 = tpu.vector_load %arg10[%swap3A_785, %swap3A_786] {strides = array<i32>} : memref<16x1024xf32, #tpu.memory_space<vmem>>, vector<1x16xf32>,
        %swap3A_788 = vector.shape_cast %swap3A_787 : vector<1x16xf32> to vector<16xf32>
        %swap3A_789 = vector.shape_cast %add3A_784 : vector<16xf32> to vector<1x16xf32>
        tpu.vector_store %arg10[%swap3A_785, %swap3A_786], %swap3A_789 {strides = array<i32>} : memref<16x1024xf32, #tpu.memory_space<vmem>>, vector<1x16xf32>,
        %add3A_790 = arith.constant 3 : i32
        %add3A_791 = arith.addi %mul3A_718, %add3A_790 : i32
        %shift_right_logical3A_792 = arith.constant 6 : i32
        %shift_right_logical3A_793 = arith.shrui %add3A_791, %shift_right_logical3A_792 : i32
        %and3A_794 = arith.constant 63 : i32
        %and3A_795 = arith.andi %add3A_791, %and3A_794 : i32
        %mul3A_796 = arith.constant 16 : i32
        %mul3A_797 = arith.muli %and3A_795, %mul3A_796 : i32
        %get3A_798 = arith.index_cast %shift_right_logical3A_793 : i32 to index
        %get3A_799 = arith.index_cast %mul3A_797 : i32 to index
        %get3A_800 = tpu.vector_load %arg10[%get3A_798, %get3A_799] {strides = array<i32>} : memref<16x1024xf32, #tpu.memory_space<vmem>>, vector<1x16xf32>,
        %get3A_801 = vector.shape_cast %get3A_800 : vector<1x16xf32> to vector<16xf32>
        %mul3A_802 = arith.constant 3.200000e+01 : f32
        %mul3A_803 = vector.broadcast %mul3A_802 : f32 to vector<16xf32>
        %mul3A_804 = arith.mulf %get3A_801, %mul3A_803 : vector<16xf32>
        %get3A_805 = arith.index_cast %shift_right_logical3A_793 : i32 to index
        %get3A_806 = arith.index_cast %mul3A_797 : i32 to index
        %get3A_807 = tpu.vector_load %arg11[%get3A_805, %get3A_806] {strides = array<i32>} : memref<16x1024xf32, #tpu.memory_space<vmem>>, vector<1x16xf32>,
        %get3A_808 = vector.shape_cast %get3A_807 : vector<1x16xf32> to vector<16xf32>
        %add3A_809 = arith.addf %mul3A_804, %get3A_808 : vector<16xf32>
        %swap3A_810 = arith.index_cast %shift_right_logical3A_793 : i32 to index
        %swap3A_811 = arith.index_cast %mul3A_797 : i32 to index
        %swap3A_812 = tpu.vector_load %arg10[%swap3A_810, %swap3A_811] {strides = array<i32>} : memref<16x1024xf32, #tpu.memory_space<vmem>>, vector<1x16xf32>,
        %swap3A_813 = vector.shape_cast %swap3A_812 : vector<1x16xf32> to vector<16xf32>
        %swap3A_814 = vector.shape_cast %add3A_809 : vector<16xf32> to vector<1x16xf32>
        tpu.vector_store %arg10[%swap3A_810, %swap3A_811], %swap3A_814 {strides = array<i32>} : memref<16x1024xf32, #tpu.memory_space<vmem>>, vector<1x16xf32>,
        %add3A_815 = arith.constant 4 : i32
        %add3A_816 = arith.addi %mul3A_718, %add3A_815 : i32
        %shift_right_logical3A_817 = arith.constant 6 : i32
        %shift_right_logical3A_818 = arith.shrui %add3A_816, %shift_right_logical3A_817 : i32
        %and3A_819 = arith.constant 63 : i32
        %and3A_820 = arith.andi %add3A_816, %and3A_819 : i32
        %mul3A_821 = arith.constant 16 : i32
        %mul3A_822 = arith.muli %and3A_820, %mul3A_821 : i32
        %get3A_823 = arith.index_cast %shift_right_logical3A_818 : i32 to index
        %get3A_824 = arith.index_cast %mul3A_822 : i32 to index
        %get3A_825 = tpu.vector_load %arg10[%get3A_823, %get3A_824] {strides = array<i32>} : memref<16x1024xf32, #tpu.memory_space<vmem>>, vector<1x16xf32>,
        %get3A_826 = vector.shape_cast %get3A_825 : vector<1x16xf32> to vector<16xf32>
        %mul3A_827 = arith.constant 3.200000e+01 : f32
        %mul3A_828 = vector.broadcast %mul3A_827 : f32 to vector<16xf32>
        %mul3A_829 = arith.mulf %get3A_826, %mul3A_828 : vector<16xf32>
        %get3A_830 = arith.index_cast %shift_right_logical3A_818 : i32 to index
        %get3A_831 = arith.index_cast %mul3A_822 : i32 to index
        %get3A_832 = tpu.vector_load %arg11[%get3A_830, %get3A_831] {strides = array<i32>} : memref<16x1024xf32, #tpu.memory_space<vmem>>, vector<1x16xf32>,
        %get3A_833 = vector.shape_cast %get3A_832 : vector<1x16xf32> to vector<16xf32>
        %add3A_834 = arith.addf %mul3A_829, %get3A_833 : vector<16xf32>
        %swap3A_835 = arith.index_cast %shift_right_logical3A_818 : i32 to index
        %swap3A_836 = arith.index_cast %mul3A_822 : i32 to index
        %swap3A_837 = tpu.vector_load %arg10[%swap3A_835, %swap3A_836] {strides = array<i32>} : memref<16x1024xf32, #tpu.memory_space<vmem>>, vector<1x16xf32>,
        %swap3A_838 = vector.shape_cast %swap3A_837 : vector<1x16xf32> to vector<16xf32>
        %swap3A_839 = vector.shape_cast %add3A_834 : vector<16xf32> to vector<1x16xf32>
        tpu.vector_store %arg10[%swap3A_835, %swap3A_836], %swap3A_839 {strides = array<i32>} : memref<16x1024xf32, #tpu.memory_space<vmem>>, vector<1x16xf32>,
        %add3A_840 = arith.constant 5 : i32
        %add3A_841 = arith.addi %mul3A_718, %add3A_840 : i32
        %shift_right_logical3A_842 = arith.constant 6 : i32
        %shift_right_logical3A_843 = arith.shrui %add3A_841, %shift_right_logical3A_842 : i32
        %and3A_844 = arith.constant 63 : i32
        %and3A_845 = arith.andi %add3A_841, %and3A_844 : i32
        %mul3A_846 = arith.constant 16 : i32
        %mul3A_847 = arith.muli %and3A_845, %mul3A_846 : i32
        %get3A_848 = arith.index_cast %shift_right_logical3A_843 : i32 to index
        %get3A_849 = arith.index_cast %mul3A_847 : i32 to index
        %get3A_850 = tpu.vector_load %arg10[%get3A_848, %get3A_849] {strides = array<i32>} : memref<16x1024xf32, #tpu.memory_space<vmem>>, vector<1x16xf32>,
        %get3A_851 = vector.shape_cast %get3A_850 : vector<1x16xf32> to vector<16xf32>
        %mul3A_852 = arith.constant 3.200000e+01 : f32
        %mul3A_853 = vector.broadcast %mul3A_852 : f32 to vector<16xf32>
        %mul3A_854 = arith.mulf %get3A_851, %mul3A_853 : vector<16xf32>
        %get3A_855 = arith.index_cast %shift_right_logical3A_843 : i32 to index
        %get3A_856 = arith.index_cast %mul3A_847 : i32 to index
        %get3A_857 = tpu.vector_load %arg11[%get3A_855, %get3A_856] {strides = array<i32>} : memref<16x1024xf32, #tpu.memory_space<vmem>>, vector<1x16xf32>,
        %get3A_858 = vector.shape_cast %get3A_857 : vector<1x16xf32> to vector<16xf32>
        %add3A_859 = arith.addf %mul3A_854, %get3A_858 : vector<16xf32>
        %swap3A_860 = arith.index_cast %shift_right_logical3A_843 : i32 to index
        %swap3A_861 = arith.index_cast %mul3A_847 : i32 to index
        %swap3A_862 = tpu.vector_load %arg10[%swap3A_860, %swap3A_861] {strides = array<i32>} : memref<16x1024xf32, #tpu.memory_space<vmem>>, vector<1x16xf32>,
        %swap3A_863 = vector.shape_cast %swap3A_862 : vector<1x16xf32> to vector<16xf32>
        %swap3A_864 = vector.shape_cast %add3A_859 : vector<16xf32> to vector<1x16xf32>
        tpu.vector_store %arg10[%swap3A_860, %swap3A_861], %swap3A_864 {strides = array<i32>} : memref<16x1024xf32, #tpu.memory_space<vmem>>, vector<1x16xf32>,
        %add3A_865 = arith.constant 6 : i32
        %add3A_866 = arith.addi %mul3A_718, %add3A_865 : i32
        %shift_right_logical3A_867 = arith.constant 6 : i32
        %shift_right_logical3A_868 = arith.shrui %add3A_866, %shift_right_logical3A_867 : i32
        %and3A_869 = arith.constant 63 : i32
        %and3A_870 = arith.andi %add3A_866, %and3A_869 : i32
        %mul3A_871 = arith.constant 16 : i32
        %mul3A_872 = arith.muli %and3A_870, %mul3A_871 : i32
        %get3A_873 = arith.index_cast %shift_right_logical3A_868 : i32 to index
        %get3A_874 = arith.index_cast %mul3A_872 : i32 to index
        %get3A_875 = tpu.vector_load %arg10[%get3A_873, %get3A_874] {strides = array<i32>} : memref<16x1024xf32, #tpu.memory_space<vmem>>, vector<1x16xf32>,
        %get3A_876 = vector.shape_cast %get3A_875 : vector<1x16xf32> to vector<16xf32>
        %mul3A_877 = arith.constant 3.200000e+01 : f32
        %mul3A_878 = vector.broadcast %mul3A_877 : f32 to vector<16xf32>
        %mul3A_879 = arith.mulf %get3A_876, %mul3A_878 : vector<16xf32>
        %get3A_880 = arith.index_cast %shift_right_logical3A_868 : i32 to index
        %get3A_881 = arith.index_cast %mul3A_872 : i32 to index
        %get3A_882 = tpu.vector_load %arg11[%get3A_880, %get3A_881] {strides = array<i32>} : memref<16x1024xf32, #tpu.memory_space<vmem>>, vector<1x16xf32>,
        %get3A_883 = vector.shape_cast %get3A_882 : vector<1x16xf32> to vector<16xf32>
        %add3A_884 = arith.addf %mul3A_879, %get3A_883 : vector<16xf32>
        %swap3A_885 = arith.index_cast %shift_right_logical3A_868 : i32 to index
        %swap3A_886 = arith.index_cast %mul3A_872 : i32 to index
        %swap3A_887 = tpu.vector_load %arg10[%swap3A_885, %swap3A_886] {strides = array<i32>} : memref<16x1024xf32, #tpu.memory_space<vmem>>, vector<1x16xf32>,
        %swap3A_888 = vector.shape_cast %swap3A_887 : vector<1x16xf32> to vector<16xf32>
        %swap3A_889 = vector.shape_cast %add3A_884 : vector<16xf32> to vector<1x16xf32>
        tpu.vector_store %arg10[%swap3A_885, %swap3A_886], %swap3A_889 {strides = array<i32>} : memref<16x1024xf32, #tpu.memory_space<vmem>>, vector<1x16xf32>,
        %add3A_890 = arith.constant 7 : i32
        %add3A_891 = arith.addi %mul3A_718, %add3A_890 : i32
        %shift_right_logical3A_892 = arith.constant 6 : i32
        %shift_right_logical3A_893 = arith.shrui %add3A_891, %shift_right_logical3A_892 : i32
        %and3A_894 = arith.constant 63 : i32
        %and3A_895 = arith.andi %add3A_891, %and3A_894 : i32
        %mul3A_896 = arith.constant 16 : i32
        %mul3A_897 = arith.muli %and3A_895, %mul3A_896 : i32
        %get3A_898 = arith.index_cast %shift_right_logical3A_893 : i32 to index
        %get3A_899 = arith.index_cast %mul3A_897 : i32 to index
        %get3A_900 = tpu.vector_load %arg10[%get3A_898, %get3A_899] {strides = array<i32>} : memref<16x1024xf32, #tpu.memory_space<vmem>>, vector<1x16xf32>,
        %get3A_901 = vector.shape_cast %get3A_900 : vector<1x16xf32> to vector<16xf32>
        %mul3A_902 = arith.constant 3.200000e+01 : f32
        %mul3A_903 = vector.broadcast %mul3A_902 : f32 to vector<16xf32>
        %mul3A_904 = arith.mulf %get3A_901, %mul3A_903 : vector<16xf32>
        %get3A_905 = arith.index_cast %shift_right_logical3A_893 : i32 to index
        %get3A_906 = arith.index_cast %mul3A_897 : i32 to index
        %get3A_907 = tpu.vector_load %arg11[%get3A_905, %get3A_906] {strides = array<i32>} : memref<16x1024xf32, #tpu.memory_space<vmem>>, vector<1x16xf32>,
        %get3A_908 = vector.shape_cast %get3A_907 : vector<1x16xf32> to vector<16xf32>
        %add3A_909 = arith.addf %mul3A_904, %get3A_908 : vector<16xf32>
        %swap3A_910 = arith.index_cast %shift_right_logical3A_893 : i32 to index
        %swap3A_911 = arith.index_cast %mul3A_897 : i32 to index
        %swap3A_912 = tpu.vector_load %arg10[%swap3A_910, %swap3A_911] {strides = array<i32>} : memref<16x1024xf32, #tpu.memory_space<vmem>>, vector<1x16xf32>,
        %swap3A_913 = vector.shape_cast %swap3A_912 : vector<1x16xf32> to vector<16xf32>
        %swap3A_914 = vector.shape_cast %add3A_909 : vector<16xf32> to vector<1x16xf32>
        tpu.vector_store %arg10[%swap3A_910, %swap3A_911], %swap3A_914 {strides = array<i32>} : memref<16x1024xf32, #tpu.memory_space<vmem>>, vector<1x16xf32>,
      }
      %scan3A_706 = arith.constant 128 : i32
      %add3A_707 = arith.constant 12288 : i32
      %add3A_708 = arith.addi %add3A_707, %mul3A_2 : i32
      %mul3A_709 = arith.constant 16 : i32
      %mul3A_710 = arith.muli %add3A_531, %mul3A_709 : i32
      %add3A_711 = arith.addi %add3A_708, %mul3A_710 : i32
      %dma_start3A_712 = arith.constant 0 : i32
      %dma_start3A_713 = tpu.memref_slice %arg5[%add3A_711, %dma_start3A_712] : memref<16384x1024xf32, #tpu.memory_space<hbm>> -> memref<16x1024xf32, #tpu.memory_space<hbm>>
      %dma_start3A_714 = arith.constant 0 : i32
      %dma_start3A_715 = tpu.memref_slice %arg5[%add3A_711, %dma_start3A_714] : memref<16384x1024xf32, #tpu.memory_space<hbm>> -> memref<16x1024xf32, #tpu.memory_space<hbm>>
      tpu.enqueue_dma source(%arg10 : memref<16x1024xf32, #tpu.memory_space<vmem>>) target(%dma_start3A_715 : memref<16x1024xf32, #tpu.memory_space<hbm>>) target_semaphore(%arg20 : memref<!tpu.dma_semaphore, #tpu.memory_space<semaphore_mem>>)
    }
    %scan3A_188 = arith.constant 3 : i32
    %add3A_189 = arith.constant 4096 : i32
    %add3A_190 = arith.addi %add3A_189, %mul3A_2 : i32
    %add3A_191 = arith.constant 96 : i32
    %add3A_192 = arith.addi %add3A_190, %add3A_191 : i32
    %dma_wait3A_193 = arith.constant 0 : i32
    %dma_wait3A_194 = tpu.memref_slice %arg5[%add3A_192, %dma_wait3A_193] : memref<16384x1024xf32, #tpu.memory_space<hbm>> -> memref<16x1024xf32, #tpu.memory_space<hbm>>
    %dma_wait3A_195 = arith.constant 0 : i32
    %dma_wait3A_196 = tpu.memref_slice %arg5[%add3A_192, %dma_wait3A_195] : memref<16384x1024xf32, #tpu.memory_space<hbm>> -> memref<16x1024xf32, #tpu.memory_space<hbm>>
    tpu.wait_dma2 semaphore(%arg18 : memref<!tpu.dma_semaphore, #tpu.memory_space<semaphore_mem>>) src(%arg8 : memref<16x1024xf32, #tpu.memory_space<vmem>>) dst(%dma_wait3A_196 : memref<16x1024xf32, #tpu.memory_space<hbm>>)
    %dma_start3A_197 = arith.constant 240 : i32
    %dma_start3A_198 = tpu.memref_slice %arg6[%dma_start3A_197] : memref<512xi32, #tpu.memory_space<vmem>> -> memref<16xi32, #tpu.memory_space<vmem>>
    %dma_start3A_199 = arith.constant 0 : i32
    %dma_start3A_200 = arith.constant 0 : i32
    %dma_start3A_201 = tpu.memref_slice %arg3[%dma_start3A_199, %dma_start3A_200] : memref<100000x1024xf32, #tpu.memory_space<hbm>> -> memref<100000x1024xf32, #tpu.memory_space<hbm>>
    tpu.enqueue_indirect_dma source(%dma_start3A_201 : memref<100000x1024xf32, #tpu.memory_space<hbm>>) target(%arg8 : memref<16x1024xf32, #tpu.memory_space<vmem>>) offsets(%dma_start3A_198 : memref<16xi32, #tpu.memory_space<vmem>>) semaphore(%arg14 : memref<!tpu.dma_semaphore, #tpu.memory_space<semaphore_mem>>)
    %dma_wait3A_202 = arith.constant 112 : i32
    %dma_wait3A_203 = tpu.memref_slice %arg6[%dma_wait3A_202] : memref<512xi32, #tpu.memory_space<vmem>> -> memref<16xi32, #tpu.memory_space<vmem>>
    %dma_wait3A_204 = arith.constant 0 : i32
    %dma_wait3A_205 = arith.constant 0 : i32
    %dma_wait3A_206 = tpu.memref_slice %arg3[%dma_wait3A_204, %dma_wait3A_205] : memref<100000x1024xf32, #tpu.memory_space<hbm>> -> memref<100000x1024xf32, #tpu.memory_space<hbm>>
    tpu.wait_indirect_dma semaphore(%arg13 : memref<!tpu.dma_semaphore, #tpu.memory_space<semaphore_mem>>) src(%dma_wait3A_206 : memref<100000x1024xf32, #tpu.memory_space<hbm>>) dst(%arg7 : memref<16x1024xf32, #tpu.memory_space<vmem>>)
    %add3A_207 = arith.constant 112 : i32
    %add3A_208 = arith.addi %mul3A_2, %add3A_207 : i32
    %dma_wait3A_209 = arith.constant 0 : i32
    %dma_wait3A_210 = tpu.memref_slice %arg4[%add3A_208, %dma_wait3A_209] : memref<4096x1024xf32, #tpu.memory_space<hbm>> -> memref<16x1024xf32, #tpu.memory_space<hbm>>
    %dma_wait3A_211 = arith.constant 0 : i32
    %dma_wait3A_212 = tpu.memref_slice %arg4[%add3A_208, %dma_wait3A_211] : memref<4096x1024xf32, #tpu.memory_space<hbm>> -> memref<16x1024xf32, #tpu.memory_space<hbm>>
    tpu.wait_dma2 semaphore(%arg22 : memref<!tpu.dma_semaphore, #tpu.memory_space<semaphore_mem>>) src(%dma_wait3A_212 : memref<16x1024xf32, #tpu.memory_space<hbm>>) dst(%arg12 : memref<16x1024xf32, #tpu.memory_space<vmem>>)
    %scan3A_213 = arith.constant 0 : i32
    %scan3A_214 = arith.constant 0 : i32
    %scan3A_215 = arith.constant 128 : i32
    %scan3A_216 = arith.addi %scan3A_214, %scan3A_215 : i32
    %scan3A_217 = arith.constant 1 : i32
    scf.for %scan3A_342 = %scan3A_214 to %scan3A_216 step %scan3A_217  : i32 {
      %mul3A_343 = arith.constant 8 : i32
      %mul3A_344 = arith.muli %scan3A_342, %mul3A_343 : i32
      %add3A_345 = arith.constant 0 : i32
      %add3A_346 = arith.addi %mul3A_344, %add3A_345 : i32
      %shift_right_logical3A = arith.constant 6 : i32
      %shift_right_logical3A_347 = arith.shrui %add3A_346, %shift_right_logical3A : i32
      %and3A = arith.constant 63 : i32
      %and3A_348 = arith.andi %add3A_346, %and3A : i32
      %mul3A_349 = arith.constant 16 : i32
      %mul3A_350 = arith.muli %and3A_348, %mul3A_349 : i32
      %get3A = arith.index_cast %shift_right_logical3A_347 : i32 to index
      %get3A_351 = arith.index_cast %mul3A_350 : i32 to index
      %get3A_352 = tpu.vector_load %arg7[%get3A, %get3A_351] {strides = array<i32>} : memref<16x1024xf32, #tpu.memory_space<vmem>>, vector<1x16xf32>,
      %get3A_353 = vector.shape_cast %get3A_352 : vector<1x16xf32> to vector<16xf32>
      %mul3A_354 = arith.constant 3.200000e+01 : f32
      %mul3A_355 = vector.broadcast %mul3A_354 : f32 to vector<16xf32>
      %mul3A_356 = arith.mulf %get3A_353, %mul3A_355 : vector<16xf32>
      %get3A_357 = arith.index_cast %shift_right_logical3A_347 : i32 to index
      %get3A_358 = arith.index_cast %mul3A_350 : i32 to index
      %get3A_359 = tpu.vector_load %arg12[%get3A_357, %get3A_358] {strides = array<i32>} : memref<16x1024xf32, #tpu.memory_space<vmem>>, vector<1x16xf32>,
      %get3A_360 = vector.shape_cast %get3A_359 : vector<1x16xf32> to vector<16xf32>
      %add3A_361 = arith.addf %mul3A_356, %get3A_360 : vector<16xf32>
      %swap3A = arith.index_cast %shift_right_logical3A_347 : i32 to index
      %swap3A_362 = arith.index_cast %mul3A_350 : i32 to index
      %swap3A_363 = tpu.vector_load %arg7[%swap3A, %swap3A_362] {strides = array<i32>} : memref<16x1024xf32, #tpu.memory_space<vmem>>, vector<1x16xf32>,
      %swap3A_364 = vector.shape_cast %swap3A_363 : vector<1x16xf32> to vector<16xf32>
      %swap3A_365 = vector.shape_cast %add3A_361 : vector<16xf32> to vector<1x16xf32>
      tpu.vector_store %arg7[%swap3A, %swap3A_362], %swap3A_365 {strides = array<i32>} : memref<16x1024xf32, #tpu.memory_space<vmem>>, vector<1x16xf32>,
      %add3A_366 = arith.constant 1 : i32
      %add3A_367 = arith.addi %mul3A_344, %add3A_366 : i32
      %shift_right_logical3A_368 = arith.constant 6 : i32
      %shift_right_logical3A_369 = arith.shrui %add3A_367, %shift_right_logical3A_368 : i32
      %and3A_370 = arith.constant 63 : i32
      %and3A_371 = arith.andi %add3A_367, %and3A_370 : i32
      %mul3A_372 = arith.constant 16 : i32
      %mul3A_373 = arith.muli %and3A_371, %mul3A_372 : i32
      %get3A_374 = arith.index_cast %shift_right_logical3A_369 : i32 to index
      %get3A_375 = arith.index_cast %mul3A_373 : i32 to index
      %get3A_376 = tpu.vector_load %arg7[%get3A_374, %get3A_375] {strides = array<i32>} : memref<16x1024xf32, #tpu.memory_space<vmem>>, vector<1x16xf32>,
      %get3A_377 = vector.shape_cast %get3A_376 : vector<1x16xf32> to vector<16xf32>
      %mul3A_378 = arith.constant 3.200000e+01 : f32
      %mul3A_379 = vector.broadcast %mul3A_378 : f32 to vector<16xf32>
      %mul3A_380 = arith.mulf %get3A_377, %mul3A_379 : vector<16xf32>
      %get3A_381 = arith.index_cast %shift_right_logical3A_369 : i32 to index
      %get3A_382 = arith.index_cast %mul3A_373 : i32 to index
      %get3A_383 = tpu.vector_load %arg12[%get3A_381, %get3A_382] {strides = array<i32>} : memref<16x1024xf32, #tpu.memory_space<vmem>>, vector<1x16xf32>,
      %get3A_384 = vector.shape_cast %get3A_383 : vector<1x16xf32> to vector<16xf32>
      %add3A_385 = arith.addf %mul3A_380, %get3A_384 : vector<16xf32>
      %swap3A_386 = arith.index_cast %shift_right_logical3A_369 : i32 to index
      %swap3A_387 = arith.index_cast %mul3A_373 : i32 to index
      %swap3A_388 = tpu.vector_load %arg7[%swap3A_386, %swap3A_387] {strides = array<i32>} : memref<16x1024xf32, #tpu.memory_space<vmem>>, vector<1x16xf32>,
      %swap3A_389 = vector.shape_cast %swap3A_388 : vector<1x16xf32> to vector<16xf32>
      %swap3A_390 = vector.shape_cast %add3A_385 : vector<16xf32> to vector<1x16xf32>
      tpu.vector_store %arg7[%swap3A_386, %swap3A_387], %swap3A_390 {strides = array<i32>} : memref<16x1024xf32, #tpu.memory_space<vmem>>, vector<1x16xf32>,
      %add3A_391 = arith.constant 2 : i32
      %add3A_392 = arith.addi %mul3A_344, %add3A_391 : i32
      %shift_right_logical3A_393 = arith.constant 6 : i32
      %shift_right_logical3A_394 = arith.shrui %add3A_392, %shift_right_logical3A_393 : i32
      %and3A_395 = arith.constant 63 : i32
      %and3A_396 = arith.andi %add3A_392, %and3A_395 : i32
      %mul3A_397 = arith.constant 16 : i32
      %mul3A_398 = arith.muli %and3A_396, %mul3A_397 : i32
      %get3A_399 = arith.index_cast %shift_right_logical3A_394 : i32 to index
      %get3A_400 = arith.index_cast %mul3A_398 : i32 to index
      %get3A_401 = tpu.vector_load %arg7[%get3A_399, %get3A_400] {strides = array<i32>} : memref<16x1024xf32, #tpu.memory_space<vmem>>, vector<1x16xf32>,
      %get3A_402 = vector.shape_cast %get3A_401 : vector<1x16xf32> to vector<16xf32>
      %mul3A_403 = arith.constant 3.200000e+01 : f32
      %mul3A_404 = vector.broadcast %mul3A_403 : f32 to vector<16xf32>
      %mul3A_405 = arith.mulf %get3A_402, %mul3A_404 : vector<16xf32>
      %get3A_406 = arith.index_cast %shift_right_logical3A_394 : i32 to index
      %get3A_407 = arith.index_cast %mul3A_398 : i32 to index
      %get3A_408 = tpu.vector_load %arg12[%get3A_406, %get3A_407] {strides = array<i32>} : memref<16x1024xf32, #tpu.memory_space<vmem>>, vector<1x16xf32>,
      %get3A_409 = vector.shape_cast %get3A_408 : vector<1x16xf32> to vector<16xf32>
      %add3A_410 = arith.addf %mul3A_405, %get3A_409 : vector<16xf32>
      %swap3A_411 = arith.index_cast %shift_right_logical3A_394 : i32 to index
      %swap3A_412 = arith.index_cast %mul3A_398 : i32 to index
      %swap3A_413 = tpu.vector_load %arg7[%swap3A_411, %swap3A_412] {strides = array<i32>} : memref<16x1024xf32, #tpu.memory_space<vmem>>, vector<1x16xf32>,
      %swap3A_414 = vector.shape_cast %swap3A_413 : vector<1x16xf32> to vector<16xf32>
      %swap3A_415 = vector.shape_cast %add3A_410 : vector<16xf32> to vector<1x16xf32>
      tpu.vector_store %arg7[%swap3A_411, %swap3A_412], %swap3A_415 {strides = array<i32>} : memref<16x1024xf32, #tpu.memory_space<vmem>>, vector<1x16xf32>,
      %add3A_416 = arith.constant 3 : i32
      %add3A_417 = arith.addi %mul3A_344, %add3A_416 : i32
      %shift_right_logical3A_418 = arith.constant 6 : i32
      %shift_right_logical3A_419 = arith.shrui %add3A_417, %shift_right_logical3A_418 : i32
      %and3A_420 = arith.constant 63 : i32
      %and3A_421 = arith.andi %add3A_417, %and3A_420 : i32
      %mul3A_422 = arith.constant 16 : i32
      %mul3A_423 = arith.muli %and3A_421, %mul3A_422 : i32
      %get3A_424 = arith.index_cast %shift_right_logical3A_419 : i32 to index
      %get3A_425 = arith.index_cast %mul3A_423 : i32 to index
      %get3A_426 = tpu.vector_load %arg7[%get3A_424, %get3A_425] {strides = array<i32>} : memref<16x1024xf32, #tpu.memory_space<vmem>>, vector<1x16xf32>,
      %get3A_427 = vector.shape_cast %get3A_426 : vector<1x16xf32> to vector<16xf32>
      %mul3A_428 = arith.constant 3.200000e+01 : f32
      %mul3A_429 = vector.broadcast %mul3A_428 : f32 to vector<16xf32>
      %mul3A_430 = arith.mulf %get3A_427, %mul3A_429 : vector<16xf32>
      %get3A_431 = arith.index_cast %shift_right_logical3A_419 : i32 to index
      %get3A_432 = arith.index_cast %mul3A_423 : i32 to index
      %get3A_433 = tpu.vector_load %arg12[%get3A_431, %get3A_432] {strides = array<i32>} : memref<16x1024xf32, #tpu.memory_space<vmem>>, vector<1x16xf32>,
      %get3A_434 = vector.shape_cast %get3A_433 : vector<1x16xf32> to vector<16xf32>
      %add3A_435 = arith.addf %mul3A_430, %get3A_434 : vector<16xf32>
      %swap3A_436 = arith.index_cast %shift_right_logical3A_419 : i32 to index
      %swap3A_437 = arith.index_cast %mul3A_423 : i32 to index
      %swap3A_438 = tpu.vector_load %arg7[%swap3A_436, %swap3A_437] {strides = array<i32>} : memref<16x1024xf32, #tpu.memory_space<vmem>>, vector<1x16xf32>,
      %swap3A_439 = vector.shape_cast %swap3A_438 : vector<1x16xf32> to vector<16xf32>
      %swap3A_440 = vector.shape_cast %add3A_435 : vector<16xf32> to vector<1x16xf32>
      tpu.vector_store %arg7[%swap3A_436, %swap3A_437], %swap3A_440 {strides = array<i32>} : memref<16x1024xf32, #tpu.memory_space<vmem>>, vector<1x16xf32>,
      %add3A_441 = arith.constant 4 : i32
      %add3A_442 = arith.addi %mul3A_344, %add3A_441 : i32
      %shift_right_logical3A_443 = arith.constant 6 : i32
      %shift_right_logical3A_444 = arith.shrui %add3A_442, %shift_right_logical3A_443 : i32
      %and3A_445 = arith.constant 63 : i32
      %and3A_446 = arith.andi %add3A_442, %and3A_445 : i32
      %mul3A_447 = arith.constant 16 : i32
      %mul3A_448 = arith.muli %and3A_446, %mul3A_447 : i32
      %get3A_449 = arith.index_cast %shift_right_logical3A_444 : i32 to index
      %get3A_450 = arith.index_cast %mul3A_448 : i32 to index
      %get3A_451 = tpu.vector_load %arg7[%get3A_449, %get3A_450] {strides = array<i32>} : memref<16x1024xf32, #tpu.memory_space<vmem>>, vector<1x16xf32>,
      %get3A_452 = vector.shape_cast %get3A_451 : vector<1x16xf32> to vector<16xf32>
      %mul3A_453 = arith.constant 3.200000e+01 : f32
      %mul3A_454 = vector.broadcast %mul3A_453 : f32 to vector<16xf32>
      %mul3A_455 = arith.mulf %get3A_452, %mul3A_454 : vector<16xf32>
      %get3A_456 = arith.index_cast %shift_right_logical3A_444 : i32 to index
      %get3A_457 = arith.index_cast %mul3A_448 : i32 to index
      %get3A_458 = tpu.vector_load %arg12[%get3A_456, %get3A_457] {strides = array<i32>} : memref<16x1024xf32, #tpu.memory_space<vmem>>, vector<1x16xf32>,
      %get3A_459 = vector.shape_cast %get3A_458 : vector<1x16xf32> to vector<16xf32>
      %add3A_460 = arith.addf %mul3A_455, %get3A_459 : vector<16xf32>
      %swap3A_461 = arith.index_cast %shift_right_logical3A_444 : i32 to index
      %swap3A_462 = arith.index_cast %mul3A_448 : i32 to index
      %swap3A_463 = tpu.vector_load %arg7[%swap3A_461, %swap3A_462] {strides = array<i32>} : memref<16x1024xf32, #tpu.memory_space<vmem>>, vector<1x16xf32>,
      %swap3A_464 = vector.shape_cast %swap3A_463 : vector<1x16xf32> to vector<16xf32>
      %swap3A_465 = vector.shape_cast %add3A_460 : vector<16xf32> to vector<1x16xf32>
      tpu.vector_store %arg7[%swap3A_461, %swap3A_462], %swap3A_465 {strides = array<i32>} : memref<16x1024xf32, #tpu.memory_space<vmem>>, vector<1x16xf32>,
      %add3A_466 = arith.constant 5 : i32
      %add3A_467 = arith.addi %mul3A_344, %add3A_466 : i32
      %shift_right_logical3A_468 = arith.constant 6 : i32
      %shift_right_logical3A_469 = arith.shrui %add3A_467, %shift_right_logical3A_468 : i32
      %and3A_470 = arith.constant 63 : i32
      %and3A_471 = arith.andi %add3A_467, %and3A_470 : i32
      %mul3A_472 = arith.constant 16 : i32
      %mul3A_473 = arith.muli %and3A_471, %mul3A_472 : i32
      %get3A_474 = arith.index_cast %shift_right_logical3A_469 : i32 to index
      %get3A_475 = arith.index_cast %mul3A_473 : i32 to index
      %get3A_476 = tpu.vector_load %arg7[%get3A_474, %get3A_475] {strides = array<i32>} : memref<16x1024xf32, #tpu.memory_space<vmem>>, vector<1x16xf32>,
      %get3A_477 = vector.shape_cast %get3A_476 : vector<1x16xf32> to vector<16xf32>
      %mul3A_478 = arith.constant 3.200000e+01 : f32
      %mul3A_479 = vector.broadcast %mul3A_478 : f32 to vector<16xf32>
      %mul3A_480 = arith.mulf %get3A_477, %mul3A_479 : vector<16xf32>
      %get3A_481 = arith.index_cast %shift_right_logical3A_469 : i32 to index
      %get3A_482 = arith.index_cast %mul3A_473 : i32 to index
      %get3A_483 = tpu.vector_load %arg12[%get3A_481, %get3A_482] {strides = array<i32>} : memref<16x1024xf32, #tpu.memory_space<vmem>>, vector<1x16xf32>,
      %get3A_484 = vector.shape_cast %get3A_483 : vector<1x16xf32> to vector<16xf32>
      %add3A_485 = arith.addf %mul3A_480, %get3A_484 : vector<16xf32>
      %swap3A_486 = arith.index_cast %shift_right_logical3A_469 : i32 to index
      %swap3A_487 = arith.index_cast %mul3A_473 : i32 to index
      %swap3A_488 = tpu.vector_load %arg7[%swap3A_486, %swap3A_487] {strides = array<i32>} : memref<16x1024xf32, #tpu.memory_space<vmem>>, vector<1x16xf32>,
      %swap3A_489 = vector.shape_cast %swap3A_488 : vector<1x16xf32> to vector<16xf32>
      %swap3A_490 = vector.shape_cast %add3A_485 : vector<16xf32> to vector<1x16xf32>
      tpu.vector_store %arg7[%swap3A_486, %swap3A_487], %swap3A_490 {strides = array<i32>} : memref<16x1024xf32, #tpu.memory_space<vmem>>, vector<1x16xf32>,
      %add3A_491 = arith.constant 6 : i32
      %add3A_492 = arith.addi %mul3A_344, %add3A_491 : i32
      %shift_right_logical3A_493 = arith.constant 6 : i32
      %shift_right_logical3A_494 = arith.shrui %add3A_492, %shift_right_logical3A_493 : i32
      %and3A_495 = arith.constant 63 : i32
      %and3A_496 = arith.andi %add3A_492, %and3A_495 : i32
      %mul3A_497 = arith.constant 16 : i32
      %mul3A_498 = arith.muli %and3A_496, %mul3A_497 : i32
      %get3A_499 = arith.index_cast %shift_right_logical3A_494 : i32 to index
      %get3A_500 = arith.index_cast %mul3A_498 : i32 to index
      %get3A_501 = tpu.vector_load %arg7[%get3A_499, %get3A_500] {strides = array<i32>} : memref<16x1024xf32, #tpu.memory_space<vmem>>, vector<1x16xf32>,
      %get3A_502 = vector.shape_cast %get3A_501 : vector<1x16xf32> to vector<16xf32>
      %mul3A_503 = arith.constant 3.200000e+01 : f32
      %mul3A_504 = vector.broadcast %mul3A_503 : f32 to vector<16xf32>
      %mul3A_505 = arith.mulf %get3A_502, %mul3A_504 : vector<16xf32>
      %get3A_506 = arith.index_cast %shift_right_logical3A_494 : i32 to index
      %get3A_507 = arith.index_cast %mul3A_498 : i32 to index
      %get3A_508 = tpu.vector_load %arg12[%get3A_506, %get3A_507] {strides = array<i32>} : memref<16x1024xf32, #tpu.memory_space<vmem>>, vector<1x16xf32>,
      %get3A_509 = vector.shape_cast %get3A_508 : vector<1x16xf32> to vector<16xf32>
      %add3A_510 = arith.addf %mul3A_505, %get3A_509 : vector<16xf32>
      %swap3A_511 = arith.index_cast %shift_right_logical3A_494 : i32 to index
      %swap3A_512 = arith.index_cast %mul3A_498 : i32 to index
      %swap3A_513 = tpu.vector_load %arg7[%swap3A_511, %swap3A_512] {strides = array<i32>} : memref<16x1024xf32, #tpu.memory_space<vmem>>, vector<1x16xf32>,
      %swap3A_514 = vector.shape_cast %swap3A_513 : vector<1x16xf32> to vector<16xf32>
      %swap3A_515 = vector.shape_cast %add3A_510 : vector<16xf32> to vector<1x16xf32>
      tpu.vector_store %arg7[%swap3A_511, %swap3A_512], %swap3A_515 {strides = array<i32>} : memref<16x1024xf32, #tpu.memory_space<vmem>>, vector<1x16xf32>,
      %add3A_516 = arith.constant 7 : i32
      %add3A_517 = arith.addi %mul3A_344, %add3A_516 : i32
      %shift_right_logical3A_518 = arith.constant 6 : i32
      %shift_right_logical3A_519 = arith.shrui %add3A_517, %shift_right_logical3A_518 : i32
      %and3A_520 = arith.constant 63 : i32
      %and3A_521 = arith.andi %add3A_517, %and3A_520 : i32
      %mul3A_522 = arith.constant 16 : i32
      %mul3A_523 = arith.muli %and3A_521, %mul3A_522 : i32
      %get3A_524 = arith.index_cast %shift_right_logical3A_519 : i32 to index
      %get3A_525 = arith.index_cast %mul3A_523 : i32 to index
      %get3A_526 = tpu.vector_load %arg7[%get3A_524, %get3A_525] {strides = array<i32>} : memref<16x1024xf32, #tpu.memory_space<vmem>>, vector<1x16xf32>,
      %get3A_527 = vector.shape_cast %get3A_526 : vector<1x16xf32> to vector<16xf32>
      %mul3A_528 = arith.constant 3.200000e+01 : f32
      %mul3A_529 = vector.broadcast %mul3A_528 : f32 to vector<16xf32>
      %mul3A_530 = arith.mulf %get3A_527, %mul3A_529 : vector<16xf32>
      %get3A_531 = arith.index_cast %shift_right_logical3A_519 : i32 to index
      %get3A_532 = arith.index_cast %mul3A_523 : i32 to index
      %get3A_533 = tpu.vector_load %arg12[%get3A_531, %get3A_532] {strides = array<i32>} : memref<16x1024xf32, #tpu.memory_space<vmem>>, vector<1x16xf32>,
      %get3A_534 = vector.shape_cast %get3A_533 : vector<1x16xf32> to vector<16xf32>
      %add3A_535 = arith.addf %mul3A_530, %get3A_534 : vector<16xf32>
      %swap3A_536 = arith.index_cast %shift_right_logical3A_519 : i32 to index
      %swap3A_537 = arith.index_cast %mul3A_523 : i32 to index
      %swap3A_538 = tpu.vector_load %arg7[%swap3A_536, %swap3A_537] {strides = array<i32>} : memref<16x1024xf32, #tpu.memory_space<vmem>>, vector<1x16xf32>,
      %swap3A_539 = vector.shape_cast %swap3A_538 : vector<1x16xf32> to vector<16xf32>
      %swap3A_540 = vector.shape_cast %add3A_535 : vector<16xf32> to vector<1x16xf32>
      tpu.vector_store %arg7[%swap3A_536, %swap3A_537], %swap3A_540 {strides = array<i32>} : memref<16x1024xf32, #tpu.memory_space<vmem>>, vector<1x16xf32>,
    }
    %scan3A_218 = arith.constant 128 : i32
    %add3A_219 = arith.constant 0 : i32
    %add3A_220 = arith.addi %add3A_219, %mul3A_2 : i32
    %add3A_221 = arith.constant 112 : i32
    %add3A_222 = arith.addi %add3A_220, %add3A_221 : i32
    %dma_start3A_223 = arith.constant 0 : i32
    %dma_start3A_224 = tpu.memref_slice %arg5[%add3A_222, %dma_start3A_223] : memref<16384x1024xf32, #tpu.memory_space<hbm>> -> memref<16x1024xf32, #tpu.memory_space<hbm>>
    %dma_start3A_225 = arith.constant 0 : i32
    %dma_start3A_226 = tpu.memref_slice %arg5[%add3A_222, %dma_start3A_225] : memref<16384x1024xf32, #tpu.memory_space<hbm>> -> memref<16x1024xf32, #tpu.memory_space<hbm>>
    tpu.enqueue_dma source(%arg7 : memref<16x1024xf32, #tpu.memory_space<vmem>>) target(%dma_start3A_226 : memref<16x1024xf32, #tpu.memory_space<hbm>>) target_semaphore(%arg17 : memref<!tpu.dma_semaphore, #tpu.memory_space<semaphore_mem>>)
    %add3A_227 = arith.constant 8192 : i32
    %add3A_228 = arith.addi %add3A_227, %mul3A_2 : i32
    %add3A_229 = arith.constant 96 : i32
    %add3A_230 = arith.addi %add3A_228, %add3A_229 : i32
    %dma_wait3A_231 = arith.constant 0 : i32
    %dma_wait3A_232 = tpu.memref_slice %arg5[%add3A_230, %dma_wait3A_231] : memref<16384x1024xf32, #tpu.memory_space<hbm>> -> memref<16x1024xf32, #tpu.memory_space<hbm>>
    %dma_wait3A_233 = arith.constant 0 : i32
    %dma_wait3A_234 = tpu.memref_slice %arg5[%add3A_230, %dma_wait3A_233] : memref<16384x1024xf32, #tpu.memory_space<hbm>> -> memref<16x1024xf32, #tpu.memory_space<hbm>>
    tpu.wait_dma2 semaphore(%arg19 : memref<!tpu.dma_semaphore, #tpu.memory_space<semaphore_mem>>) src(%arg9 : memref<16x1024xf32, #tpu.memory_space<vmem>>) dst(%dma_wait3A_234 : memref<16x1024xf32, #tpu.memory_space<hbm>>)
    %dma_start3A_235 = arith.constant 368 : i32
    %dma_start3A_236 = tpu.memref_slice %arg6[%dma_start3A_235] : memref<512xi32, #tpu.memory_space<vmem>> -> memref<16xi32, #tpu.memory_space<vmem>>
    %dma_start3A_237 = arith.constant 0 : i32
    %dma_start3A_238 = arith.constant 0 : i32
    %dma_start3A_239 = tpu.memref_slice %arg3[%dma_start3A_237, %dma_start3A_238] : memref<100000x1024xf32, #tpu.memory_space<hbm>> -> memref<100000x1024xf32, #tpu.memory_space<hbm>>
    tpu.enqueue_indirect_dma source(%dma_start3A_239 : memref<100000x1024xf32, #tpu.memory_space<hbm>>) target(%arg9 : memref<16x1024xf32, #tpu.memory_space<vmem>>) offsets(%dma_start3A_236 : memref<16xi32, #tpu.memory_space<vmem>>) semaphore(%arg15 : memref<!tpu.dma_semaphore, #tpu.memory_space<semaphore_mem>>)
    %dma_wait3A_240 = arith.constant 240 : i32
    %dma_wait3A_241 = tpu.memref_slice %arg6[%dma_wait3A_240] : memref<512xi32, #tpu.memory_space<vmem>> -> memref<16xi32, #tpu.memory_space<vmem>>
    %dma_wait3A_242 = arith.constant 0 : i32
    %dma_wait3A_243 = arith.constant 0 : i32
    %dma_wait3A_244 = tpu.memref_slice %arg3[%dma_wait3A_242, %dma_wait3A_243] : memref<100000x1024xf32, #tpu.memory_space<hbm>> -> memref<100000x1024xf32, #tpu.memory_space<hbm>>
    tpu.wait_indirect_dma semaphore(%arg14 : memref<!tpu.dma_semaphore, #tpu.memory_space<semaphore_mem>>) src(%dma_wait3A_244 : memref<100000x1024xf32, #tpu.memory_space<hbm>>) dst(%arg8 : memref<16x1024xf32, #tpu.memory_space<vmem>>)
    %scan3A_245 = arith.constant 0 : i32
    %scan3A_246 = arith.constant 0 : i32
    %scan3A_247 = arith.constant 128 : i32
    %scan3A_248 = arith.addi %scan3A_246, %scan3A_247 : i32
    %scan3A_249 = arith.constant 1 : i32
    scf.for %scan3A_342 = %scan3A_246 to %scan3A_248 step %scan3A_249  : i32 {
      %mul3A_343 = arith.constant 8 : i32
      %mul3A_344 = arith.muli %scan3A_342, %mul3A_343 : i32
      %add3A_345 = arith.constant 0 : i32
      %add3A_346 = arith.addi %mul3A_344, %add3A_345 : i32
      %shift_right_logical3A = arith.constant 6 : i32
      %shift_right_logical3A_347 = arith.shrui %add3A_346, %shift_right_logical3A : i32
      %and3A = arith.constant 63 : i32
      %and3A_348 = arith.andi %add3A_346, %and3A : i32
      %mul3A_349 = arith.constant 16 : i32
      %mul3A_350 = arith.muli %and3A_348, %mul3A_349 : i32
      %get3A = arith.index_cast %shift_right_logical3A_347 : i32 to index
      %get3A_351 = arith.index_cast %mul3A_350 : i32 to index
      %get3A_352 = tpu.vector_load %arg8[%get3A, %get3A_351] {strides = array<i32>} : memref<16x1024xf32, #tpu.memory_space<vmem>>, vector<1x16xf32>,
      %get3A_353 = vector.shape_cast %get3A_352 : vector<1x16xf32> to vector<16xf32>
      %mul3A_354 = arith.constant 3.200000e+01 : f32
      %mul3A_355 = vector.broadcast %mul3A_354 : f32 to vector<16xf32>
      %mul3A_356 = arith.mulf %get3A_353, %mul3A_355 : vector<16xf32>
      %get3A_357 = arith.index_cast %shift_right_logical3A_347 : i32 to index
      %get3A_358 = arith.index_cast %mul3A_350 : i32 to index
      %get3A_359 = tpu.vector_load %arg12[%get3A_357, %get3A_358] {strides = array<i32>} : memref<16x1024xf32, #tpu.memory_space<vmem>>, vector<1x16xf32>,
      %get3A_360 = vector.shape_cast %get3A_359 : vector<1x16xf32> to vector<16xf32>
      %add3A_361 = arith.addf %mul3A_356, %get3A_360 : vector<16xf32>
      %swap3A = arith.index_cast %shift_right_logical3A_347 : i32 to index
      %swap3A_362 = arith.index_cast %mul3A_350 : i32 to index
      %swap3A_363 = tpu.vector_load %arg8[%swap3A, %swap3A_362] {strides = array<i32>} : memref<16x1024xf32, #tpu.memory_space<vmem>>, vector<1x16xf32>,
      %swap3A_364 = vector.shape_cast %swap3A_363 : vector<1x16xf32> to vector<16xf32>
      %swap3A_365 = vector.shape_cast %add3A_361 : vector<16xf32> to vector<1x16xf32>
      tpu.vector_store %arg8[%swap3A, %swap3A_362], %swap3A_365 {strides = array<i32>} : memref<16x1024xf32, #tpu.memory_space<vmem>>, vector<1x16xf32>,
      %add3A_366 = arith.constant 1 : i32
      %add3A_367 = arith.addi %mul3A_344, %add3A_366 : i32
      %shift_right_logical3A_368 = arith.constant 6 : i32
      %shift_right_logical3A_369 = arith.shrui %add3A_367, %shift_right_logical3A_368 : i32
      %and3A_370 = arith.constant 63 : i32
      %and3A_371 = arith.andi %add3A_367, %and3A_370 : i32
      %mul3A_372 = arith.constant 16 : i32
      %mul3A_373 = arith.muli %and3A_371, %mul3A_372 : i32
      %get3A_374 = arith.index_cast %shift_right_logical3A_369 : i32 to index
      %get3A_375 = arith.index_cast %mul3A_373 : i32 to index
      %get3A_376 = tpu.vector_load %arg8[%get3A_374, %get3A_375] {strides = array<i32>} : memref<16x1024xf32, #tpu.memory_space<vmem>>, vector<1x16xf32>,
      %get3A_377 = vector.shape_cast %get3A_376 : vector<1x16xf32> to vector<16xf32>
      %mul3A_378 = arith.constant 3.200000e+01 : f32
      %mul3A_379 = vector.broadcast %mul3A_378 : f32 to vector<16xf32>
      %mul3A_380 = arith.mulf %get3A_377, %mul3A_379 : vector<16xf32>
      %get3A_381 = arith.index_cast %shift_right_logical3A_369 : i32 to index
      %get3A_382 = arith.index_cast %mul3A_373 : i32 to index
      %get3A_383 = tpu.vector_load %arg12[%get3A_381, %get3A_382] {strides = array<i32>} : memref<16x1024xf32, #tpu.memory_space<vmem>>, vector<1x16xf32>,
      %get3A_384 = vector.shape_cast %get3A_383 : vector<1x16xf32> to vector<16xf32>
      %add3A_385 = arith.addf %mul3A_380, %get3A_384 : vector<16xf32>
      %swap3A_386 = arith.index_cast %shift_right_logical3A_369 : i32 to index
      %swap3A_387 = arith.index_cast %mul3A_373 : i32 to index
      %swap3A_388 = tpu.vector_load %arg8[%swap3A_386, %swap3A_387] {strides = array<i32>} : memref<16x1024xf32, #tpu.memory_space<vmem>>, vector<1x16xf32>,
      %swap3A_389 = vector.shape_cast %swap3A_388 : vector<1x16xf32> to vector<16xf32>
      %swap3A_390 = vector.shape_cast %add3A_385 : vector<16xf32> to vector<1x16xf32>
      tpu.vector_store %arg8[%swap3A_386, %swap3A_387], %swap3A_390 {strides = array<i32>} : memref<16x1024xf32, #tpu.memory_space<vmem>>, vector<1x16xf32>,
      %add3A_391 = arith.constant 2 : i32
      %add3A_392 = arith.addi %mul3A_344, %add3A_391 : i32
      %shift_right_logical3A_393 = arith.constant 6 : i32
      %shift_right_logical3A_394 = arith.shrui %add3A_392, %shift_right_logical3A_393 : i32
      %and3A_395 = arith.constant 63 : i32
      %and3A_396 = arith.andi %add3A_392, %and3A_395 : i32
      %mul3A_397 = arith.constant 16 : i32
      %mul3A_398 = arith.muli %and3A_396, %mul3A_397 : i32
      %get3A_399 = arith.index_cast %shift_right_logical3A_394 : i32 to index
      %get3A_400 = arith.index_cast %mul3A_398 : i32 to index
      %get3A_401 = tpu.vector_load %arg8[%get3A_399, %get3A_400] {strides = array<i32>} : memref<16x1024xf32, #tpu.memory_space<vmem>>, vector<1x16xf32>,
      %get3A_402 = vector.shape_cast %get3A_401 : vector<1x16xf32> to vector<16xf32>
      %mul3A_403 = arith.constant 3.200000e+01 : f32
      %mul3A_404 = vector.broadcast %mul3A_403 : f32 to vector<16xf32>
      %mul3A_405 = arith.mulf %get3A_402, %mul3A_404 : vector<16xf32>
      %get3A_406 = arith.index_cast %shift_right_logical3A_394 : i32 to index
      %get3A_407 = arith.index_cast %mul3A_398 : i32 to index
      %get3A_408 = tpu.vector_load %arg12[%get3A_406, %get3A_407] {strides = array<i32>} : memref<16x1024xf32, #tpu.memory_space<vmem>>, vector<1x16xf32>,
      %get3A_409 = vector.shape_cast %get3A_408 : vector<1x16xf32> to vector<16xf32>
      %add3A_410 = arith.addf %mul3A_405, %get3A_409 : vector<16xf32>
      %swap3A_411 = arith.index_cast %shift_right_logical3A_394 : i32 to index
      %swap3A_412 = arith.index_cast %mul3A_398 : i32 to index
      %swap3A_413 = tpu.vector_load %arg8[%swap3A_411, %swap3A_412] {strides = array<i32>} : memref<16x1024xf32, #tpu.memory_space<vmem>>, vector<1x16xf32>,
      %swap3A_414 = vector.shape_cast %swap3A_413 : vector<1x16xf32> to vector<16xf32>
      %swap3A_415 = vector.shape_cast %add3A_410 : vector<16xf32> to vector<1x16xf32>
      tpu.vector_store %arg8[%swap3A_411, %swap3A_412], %swap3A_415 {strides = array<i32>} : memref<16x1024xf32, #tpu.memory_space<vmem>>, vector<1x16xf32>,
      %add3A_416 = arith.constant 3 : i32
      %add3A_417 = arith.addi %mul3A_344, %add3A_416 : i32
      %shift_right_logical3A_418 = arith.constant 6 : i32
      %shift_right_logical3A_419 = arith.shrui %add3A_417, %shift_right_logical3A_418 : i32
      %and3A_420 = arith.constant 63 : i32
      %and3A_421 = arith.andi %add3A_417, %and3A_420 : i32
      %mul3A_422 = arith.constant 16 : i32
      %mul3A_423 = arith.muli %and3A_421, %mul3A_422 : i32
      %get3A_424 = arith.index_cast %shift_right_logical3A_419 : i32 to index
      %get3A_425 = arith.index_cast %mul3A_423 : i32 to index
      %get3A_426 = tpu.vector_load %arg8[%get3A_424, %get3A_425] {strides = array<i32>} : memref<16x1024xf32, #tpu.memory_space<vmem>>, vector<1x16xf32>,
      %get3A_427 = vector.shape_cast %get3A_426 : vector<1x16xf32> to vector<16xf32>
      %mul3A_428 = arith.constant 3.200000e+01 : f32
      %mul3A_429 = vector.broadcast %mul3A_428 : f32 to vector<16xf32>
      %mul3A_430 = arith.mulf %get3A_427, %mul3A_429 : vector<16xf32>
      %get3A_431 = arith.index_cast %shift_right_logical3A_419 : i32 to index
      %get3A_432 = arith.index_cast %mul3A_423 : i32 to index
      %get3A_433 = tpu.vector_load %arg12[%get3A_431, %get3A_432] {strides = array<i32>} : memref<16x1024xf32, #tpu.memory_space<vmem>>, vector<1x16xf32>,
      %get3A_434 = vector.shape_cast %get3A_433 : vector<1x16xf32> to vector<16xf32>
      %add3A_435 = arith.addf %mul3A_430, %get3A_434 : vector<16xf32>
      %swap3A_436 = arith.index_cast %shift_right_logical3A_419 : i32 to index
      %swap3A_437 = arith.index_cast %mul3A_423 : i32 to index
      %swap3A_438 = tpu.vector_load %arg8[%swap3A_436, %swap3A_437] {strides = array<i32>} : memref<16x1024xf32, #tpu.memory_space<vmem>>, vector<1x16xf32>,
      %swap3A_439 = vector.shape_cast %swap3A_438 : vector<1x16xf32> to vector<16xf32>
      %swap3A_440 = vector.shape_cast %add3A_435 : vector<16xf32> to vector<1x16xf32>
      tpu.vector_store %arg8[%swap3A_436, %swap3A_437], %swap3A_440 {strides = array<i32>} : memref<16x1024xf32, #tpu.memory_space<vmem>>, vector<1x16xf32>,
      %add3A_441 = arith.constant 4 : i32
      %add3A_442 = arith.addi %mul3A_344, %add3A_441 : i32
      %shift_right_logical3A_443 = arith.constant 6 : i32
      %shift_right_logical3A_444 = arith.shrui %add3A_442, %shift_right_logical3A_443 : i32
      %and3A_445 = arith.constant 63 : i32
      %and3A_446 = arith.andi %add3A_442, %and3A_445 : i32
      %mul3A_447 = arith.constant 16 : i32
      %mul3A_448 = arith.muli %and3A_446, %mul3A_447 : i32
      %get3A_449 = arith.index_cast %shift_right_logical3A_444 : i32 to index
      %get3A_450 = arith.index_cast %mul3A_448 : i32 to index
      %get3A_451 = tpu.vector_load %arg8[%get3A_449, %get3A_450] {strides = array<i32>} : memref<16x1024xf32, #tpu.memory_space<vmem>>, vector<1x16xf32>,
      %get3A_452 = vector.shape_cast %get3A_451 : vector<1x16xf32> to vector<16xf32>
      %mul3A_453 = arith.constant 3.200000e+01 : f32
      %mul3A_454 = vector.broadcast %mul3A_453 : f32 to vector<16xf32>
      %mul3A_455 = arith.mulf %get3A_452, %mul3A_454 : vector<16xf32>
      %get3A_456 = arith.index_cast %shift_right_logical3A_444 : i32 to index
      %get3A_457 = arith.index_cast %mul3A_448 : i32 to index
      %get3A_458 = tpu.vector_load %arg12[%get3A_456, %get3A_457] {strides = array<i32>} : memref<16x1024xf32, #tpu.memory_space<vmem>>, vector<1x16xf32>,
      %get3A_459 = vector.shape_cast %get3A_458 : vector<1x16xf32> to vector<16xf32>
      %add3A_460 = arith.addf %mul3A_455, %get3A_459 : vector<16xf32>
      %swap3A_461 = arith.index_cast %shift_right_logical3A_444 : i32 to index
      %swap3A_462 = arith.index_cast %mul3A_448 : i32 to index
      %swap3A_463 = tpu.vector_load %arg8[%swap3A_461, %swap3A_462] {strides = array<i32>} : memref<16x1024xf32, #tpu.memory_space<vmem>>, vector<1x16xf32>,
      %swap3A_464 = vector.shape_cast %swap3A_463 : vector<1x16xf32> to vector<16xf32>
      %swap3A_465 = vector.shape_cast %add3A_460 : vector<16xf32> to vector<1x16xf32>
      tpu.vector_store %arg8[%swap3A_461, %swap3A_462], %swap3A_465 {strides = array<i32>} : memref<16x1024xf32, #tpu.memory_space<vmem>>, vector<1x16xf32>,
      %add3A_466 = arith.constant 5 : i32
      %add3A_467 = arith.addi %mul3A_344, %add3A_466 : i32
      %shift_right_logical3A_468 = arith.constant 6 : i32
      %shift_right_logical3A_469 = arith.shrui %add3A_467, %shift_right_logical3A_468 : i32
      %and3A_470 = arith.constant 63 : i32
      %and3A_471 = arith.andi %add3A_467, %and3A_470 : i32
      %mul3A_472 = arith.constant 16 : i32
      %mul3A_473 = arith.muli %and3A_471, %mul3A_472 : i32
      %get3A_474 = arith.index_cast %shift_right_logical3A_469 : i32 to index
      %get3A_475 = arith.index_cast %mul3A_473 : i32 to index
      %get3A_476 = tpu.vector_load %arg8[%get3A_474, %get3A_475] {strides = array<i32>} : memref<16x1024xf32, #tpu.memory_space<vmem>>, vector<1x16xf32>,
      %get3A_477 = vector.shape_cast %get3A_476 : vector<1x16xf32> to vector<16xf32>
      %mul3A_478 = arith.constant 3.200000e+01 : f32
      %mul3A_479 = vector.broadcast %mul3A_478 : f32 to vector<16xf32>
      %mul3A_480 = arith.mulf %get3A_477, %mul3A_479 : vector<16xf32>
      %get3A_481 = arith.index_cast %shift_right_logical3A_469 : i32 to index
      %get3A_482 = arith.index_cast %mul3A_473 : i32 to index
      %get3A_483 = tpu.vector_load %arg12[%get3A_481, %get3A_482] {strides = array<i32>} : memref<16x1024xf32, #tpu.memory_space<vmem>>, vector<1x16xf32>,
      %get3A_484 = vector.shape_cast %get3A_483 : vector<1x16xf32> to vector<16xf32>
      %add3A_485 = arith.addf %mul3A_480, %get3A_484 : vector<16xf32>
      %swap3A_486 = arith.index_cast %shift_right_logical3A_469 : i32 to index
      %swap3A_487 = arith.index_cast %mul3A_473 : i32 to index
      %swap3A_488 = tpu.vector_load %arg8[%swap3A_486, %swap3A_487] {strides = array<i32>} : memref<16x1024xf32, #tpu.memory_space<vmem>>, vector<1x16xf32>,
      %swap3A_489 = vector.shape_cast %swap3A_488 : vector<1x16xf32> to vector<16xf32>
      %swap3A_490 = vector.shape_cast %add3A_485 : vector<16xf32> to vector<1x16xf32>
      tpu.vector_store %arg8[%swap3A_486, %swap3A_487], %swap3A_490 {strides = array<i32>} : memref<16x1024xf32, #tpu.memory_space<vmem>>, vector<1x16xf32>,
      %add3A_491 = arith.constant 6 : i32
      %add3A_492 = arith.addi %mul3A_344, %add3A_491 : i32
      %shift_right_logical3A_493 = arith.constant 6 : i32
      %shift_right_logical3A_494 = arith.shrui %add3A_492, %shift_right_logical3A_493 : i32
      %and3A_495 = arith.constant 63 : i32
      %and3A_496 = arith.andi %add3A_492, %and3A_495 : i32
      %mul3A_497 = arith.constant 16 : i32
      %mul3A_498 = arith.muli %and3A_496, %mul3A_497 : i32
      %get3A_499 = arith.index_cast %shift_right_logical3A_494 : i32 to index
      %get3A_500 = arith.index_cast %mul3A_498 : i32 to index
      %get3A_501 = tpu.vector_load %arg8[%get3A_499, %get3A_500] {strides = array<i32>} : memref<16x1024xf32, #tpu.memory_space<vmem>>, vector<1x16xf32>,
      %get3A_502 = vector.shape_cast %get3A_501 : vector<1x16xf32> to vector<16xf32>
      %mul3A_503 = arith.constant 3.200000e+01 : f32
      %mul3A_504 = vector.broadcast %mul3A_503 : f32 to vector<16xf32>
      %mul3A_505 = arith.mulf %get3A_502, %mul3A_504 : vector<16xf32>
      %get3A_506 = arith.index_cast %shift_right_logical3A_494 : i32 to index
      %get3A_507 = arith.index_cast %mul3A_498 : i32 to index
      %get3A_508 = tpu.vector_load %arg12[%get3A_506, %get3A_507] {strides = array<i32>} : memref<16x1024xf32, #tpu.memory_space<vmem>>, vector<1x16xf32>,
      %get3A_509 = vector.shape_cast %get3A_508 : vector<1x16xf32> to vector<16xf32>
      %add3A_510 = arith.addf %mul3A_505, %get3A_509 : vector<16xf32>
      %swap3A_511 = arith.index_cast %shift_right_logical3A_494 : i32 to index
      %swap3A_512 = arith.index_cast %mul3A_498 : i32 to index
      %swap3A_513 = tpu.vector_load %arg8[%swap3A_511, %swap3A_512] {strides = array<i32>} : memref<16x1024xf32, #tpu.memory_space<vmem>>, vector<1x16xf32>,
      %swap3A_514 = vector.shape_cast %swap3A_513 : vector<1x16xf32> to vector<16xf32>
      %swap3A_515 = vector.shape_cast %add3A_510 : vector<16xf32> to vector<1x16xf32>
      tpu.vector_store %arg8[%swap3A_511, %swap3A_512], %swap3A_515 {strides = array<i32>} : memref<16x1024xf32, #tpu.memory_space<vmem>>, vector<1x16xf32>,
      %add3A_516 = arith.constant 7 : i32
      %add3A_517 = arith.addi %mul3A_344, %add3A_516 : i32
      %shift_right_logical3A_518 = arith.constant 6 : i32
      %shift_right_logical3A_519 = arith.shrui %add3A_517, %shift_right_logical3A_518 : i32
      %and3A_520 = arith.constant 63 : i32
      %and3A_521 = arith.andi %add3A_517, %and3A_520 : i32
      %mul3A_522 = arith.constant 16 : i32
      %mul3A_523 = arith.muli %and3A_521, %mul3A_522 : i32
      %get3A_524 = arith.index_cast %shift_right_logical3A_519 : i32 to index
      %get3A_525 = arith.index_cast %mul3A_523 : i32 to index
      %get3A_526 = tpu.vector_load %arg8[%get3A_524, %get3A_525] {strides = array<i32>} : memref<16x1024xf32, #tpu.memory_space<vmem>>, vector<1x16xf32>,
      %get3A_527 = vector.shape_cast %get3A_526 : vector<1x16xf32> to vector<16xf32>
      %mul3A_528 = arith.constant 3.200000e+01 : f32
      %mul3A_529 = vector.broadcast %mul3A_528 : f32 to vector<16xf32>
      %mul3A_530 = arith.mulf %get3A_527, %mul3A_529 : vector<16xf32>
      %get3A_531 = arith.index_cast %shift_right_logical3A_519 : i32 to index
      %get3A_532 = arith.index_cast %mul3A_523 : i32 to index
      %get3A_533 = tpu.vector_load %arg12[%get3A_531, %get3A_532] {strides = array<i32>} : memref<16x1024xf32, #tpu.memory_space<vmem>>, vector<1x16xf32>,
      %get3A_534 = vector.shape_cast %get3A_533 : vector<1x16xf32> to vector<16xf32>
      %add3A_535 = arith.addf %mul3A_530, %get3A_534 : vector<16xf32>
      %swap3A_536 = arith.index_cast %shift_right_logical3A_519 : i32 to index
      %swap3A_537 = arith.index_cast %mul3A_523 : i32 to index
      %swap3A_538 = tpu.vector_load %arg8[%swap3A_536, %swap3A_537] {strides = array<i32>} : memref<16x1024xf32, #tpu.memory_space<vmem>>, vector<1x16xf32>,
      %swap3A_539 = vector.shape_cast %swap3A_538 : vector<1x16xf32> to vector<16xf32>
      %swap3A_540 = vector.shape_cast %add3A_535 : vector<16xf32> to vector<1x16xf32>
      tpu.vector_store %arg8[%swap3A_536, %swap3A_537], %swap3A_540 {strides = array<i32>} : memref<16x1024xf32, #tpu.memory_space<vmem>>, vector<1x16xf32>,
    }
    %scan3A_250 = arith.constant 128 : i32
    %add3A_251 = arith.constant 4096 : i32
    %add3A_252 = arith.addi %add3A_251, %mul3A_2 : i32
    %add3A_253 = arith.constant 112 : i32
    %add3A_254 = arith.addi %add3A_252, %add3A_253 : i32
    %dma_start3A_255 = arith.constant 0 : i32
    %dma_start3A_256 = tpu.memref_slice %arg5[%add3A_254, %dma_start3A_255] : memref<16384x1024xf32, #tpu.memory_space<hbm>> -> memref<16x1024xf32, #tpu.memory_space<hbm>>
    %dma_start3A_257 = arith.constant 0 : i32
    %dma_start3A_258 = tpu.memref_slice %arg5[%add3A_254, %dma_start3A_257] : memref<16384x1024xf32, #tpu.memory_space<hbm>> -> memref<16x1024xf32, #tpu.memory_space<hbm>>
    tpu.enqueue_dma source(%arg8 : memref<16x1024xf32, #tpu.memory_space<vmem>>) target(%dma_start3A_258 : memref<16x1024xf32, #tpu.memory_space<hbm>>) target_semaphore(%arg18 : memref<!tpu.dma_semaphore, #tpu.memory_space<semaphore_mem>>)
    %add3A_259 = arith.constant 12288 : i32
    %add3A_260 = arith.addi %add3A_259, %mul3A_2 : i32
    %add3A_261 = arith.constant 96 : i32
    %add3A_262 = arith.addi %add3A_260, %add3A_261 : i32
    %dma_wait3A_263 = arith.constant 0 : i32
    %dma_wait3A_264 = tpu.memref_slice %arg5[%add3A_262, %dma_wait3A_263] : memref<16384x1024xf32, #tpu.memory_space<hbm>> -> memref<16x1024xf32, #tpu.memory_space<hbm>>
    %dma_wait3A_265 = arith.constant 0 : i32
    %dma_wait3A_266 = tpu.memref_slice %arg5[%add3A_262, %dma_wait3A_265] : memref<16384x1024xf32, #tpu.memory_space<hbm>> -> memref<16x1024xf32, #tpu.memory_space<hbm>>
    tpu.wait_dma2 semaphore(%arg20 : memref<!tpu.dma_semaphore, #tpu.memory_space<semaphore_mem>>) src(%arg10 : memref<16x1024xf32, #tpu.memory_space<vmem>>) dst(%dma_wait3A_266 : memref<16x1024xf32, #tpu.memory_space<hbm>>)
    %dma_start3A_267 = arith.constant 496 : i32
    %dma_start3A_268 = tpu.memref_slice %arg6[%dma_start3A_267] : memref<512xi32, #tpu.memory_space<vmem>> -> memref<16xi32, #tpu.memory_space<vmem>>
    %dma_start3A_269 = arith.constant 0 : i32
    %dma_start3A_270 = arith.constant 0 : i32
    %dma_start3A_271 = tpu.memref_slice %arg3[%dma_start3A_269, %dma_start3A_270] : memref<100000x1024xf32, #tpu.memory_space<hbm>> -> memref<100000x1024xf32, #tpu.memory_space<hbm>>
    tpu.enqueue_indirect_dma source(%dma_start3A_271 : memref<100000x1024xf32, #tpu.memory_space<hbm>>) target(%arg10 : memref<16x1024xf32, #tpu.memory_space<vmem>>) offsets(%dma_start3A_268 : memref<16xi32, #tpu.memory_space<vmem>>) semaphore(%arg16 : memref<!tpu.dma_semaphore, #tpu.memory_space<semaphore_mem>>)
    %dma_wait3A_272 = arith.constant 368 : i32
    %dma_wait3A_273 = tpu.memref_slice %arg6[%dma_wait3A_272] : memref<512xi32, #tpu.memory_space<vmem>> -> memref<16xi32, #tpu.memory_space<vmem>>
    %dma_wait3A_274 = arith.constant 0 : i32
    %dma_wait3A_275 = arith.constant 0 : i32
    %dma_wait3A_276 = tpu.memref_slice %arg3[%dma_wait3A_274, %dma_wait3A_275] : memref<100000x1024xf32, #tpu.memory_space<hbm>> -> memref<100000x1024xf32, #tpu.memory_space<hbm>>
    tpu.wait_indirect_dma semaphore(%arg15 : memref<!tpu.dma_semaphore, #tpu.memory_space<semaphore_mem>>) src(%dma_wait3A_276 : memref<100000x1024xf32, #tpu.memory_space<hbm>>) dst(%arg9 : memref<16x1024xf32, #tpu.memory_space<vmem>>)
    %scan3A_277 = arith.constant 0 : i32
    %scan3A_278 = arith.constant 0 : i32
    %scan3A_279 = arith.constant 128 : i32
    %scan3A_280 = arith.addi %scan3A_278, %scan3A_279 : i32
    %scan3A_281 = arith.constant 1 : i32
    scf.for %scan3A_342 = %scan3A_278 to %scan3A_280 step %scan3A_281  : i32 {
      %mul3A_343 = arith.constant 8 : i32
      %mul3A_344 = arith.muli %scan3A_342, %mul3A_343 : i32
      %add3A_345 = arith.constant 0 : i32
      %add3A_346 = arith.addi %mul3A_344, %add3A_345 : i32
      %shift_right_logical3A = arith.constant 6 : i32
      %shift_right_logical3A_347 = arith.shrui %add3A_346, %shift_right_logical3A : i32
      %and3A = arith.constant 63 : i32
      %and3A_348 = arith.andi %add3A_346, %and3A : i32
      %mul3A_349 = arith.constant 16 : i32
      %mul3A_350 = arith.muli %and3A_348, %mul3A_349 : i32
      %get3A = arith.index_cast %shift_right_logical3A_347 : i32 to index
      %get3A_351 = arith.index_cast %mul3A_350 : i32 to index
      %get3A_352 = tpu.vector_load %arg9[%get3A, %get3A_351] {strides = array<i32>} : memref<16x1024xf32, #tpu.memory_space<vmem>>, vector<1x16xf32>,
      %get3A_353 = vector.shape_cast %get3A_352 : vector<1x16xf32> to vector<16xf32>
      %mul3A_354 = arith.constant 3.200000e+01 : f32
      %mul3A_355 = vector.broadcast %mul3A_354 : f32 to vector<16xf32>
      %mul3A_356 = arith.mulf %get3A_353, %mul3A_355 : vector<16xf32>
      %get3A_357 = arith.index_cast %shift_right_logical3A_347 : i32 to index
      %get3A_358 = arith.index_cast %mul3A_350 : i32 to index
      %get3A_359 = tpu.vector_load %arg12[%get3A_357, %get3A_358] {strides = array<i32>} : memref<16x1024xf32, #tpu.memory_space<vmem>>, vector<1x16xf32>,
      %get3A_360 = vector.shape_cast %get3A_359 : vector<1x16xf32> to vector<16xf32>
      %add3A_361 = arith.addf %mul3A_356, %get3A_360 : vector<16xf32>
      %swap3A = arith.index_cast %shift_right_logical3A_347 : i32 to index
      %swap3A_362 = arith.index_cast %mul3A_350 : i32 to index
      %swap3A_363 = tpu.vector_load %arg9[%swap3A, %swap3A_362] {strides = array<i32>} : memref<16x1024xf32, #tpu.memory_space<vmem>>, vector<1x16xf32>,
      %swap3A_364 = vector.shape_cast %swap3A_363 : vector<1x16xf32> to vector<16xf32>
      %swap3A_365 = vector.shape_cast %add3A_361 : vector<16xf32> to vector<1x16xf32>
      tpu.vector_store %arg9[%swap3A, %swap3A_362], %swap3A_365 {strides = array<i32>} : memref<16x1024xf32, #tpu.memory_space<vmem>>, vector<1x16xf32>,
      %add3A_366 = arith.constant 1 : i32
      %add3A_367 = arith.addi %mul3A_344, %add3A_366 : i32
      %shift_right_logical3A_368 = arith.constant 6 : i32
      %shift_right_logical3A_369 = arith.shrui %add3A_367, %shift_right_logical3A_368 : i32
      %and3A_370 = arith.constant 63 : i32
      %and3A_371 = arith.andi %add3A_367, %and3A_370 : i32
      %mul3A_372 = arith.constant 16 : i32
      %mul3A_373 = arith.muli %and3A_371, %mul3A_372 : i32
      %get3A_374 = arith.index_cast %shift_right_logical3A_369 : i32 to index
      %get3A_375 = arith.index_cast %mul3A_373 : i32 to index
      %get3A_376 = tpu.vector_load %arg9[%get3A_374, %get3A_375] {strides = array<i32>} : memref<16x1024xf32, #tpu.memory_space<vmem>>, vector<1x16xf32>,
      %get3A_377 = vector.shape_cast %get3A_376 : vector<1x16xf32> to vector<16xf32>
      %mul3A_378 = arith.constant 3.200000e+01 : f32
      %mul3A_379 = vector.broadcast %mul3A_378 : f32 to vector<16xf32>
      %mul3A_380 = arith.mulf %get3A_377, %mul3A_379 : vector<16xf32>
      %get3A_381 = arith.index_cast %shift_right_logical3A_369 : i32 to index
      %get3A_382 = arith.index_cast %mul3A_373 : i32 to index
      %get3A_383 = tpu.vector_load %arg12[%get3A_381, %get3A_382] {strides = array<i32>} : memref<16x1024xf32, #tpu.memory_space<vmem>>, vector<1x16xf32>,
      %get3A_384 = vector.shape_cast %get3A_383 : vector<1x16xf32> to vector<16xf32>
      %add3A_385 = arith.addf %mul3A_380, %get3A_384 : vector<16xf32>
      %swap3A_386 = arith.index_cast %shift_right_logical3A_369 : i32 to index
      %swap3A_387 = arith.index_cast %mul3A_373 : i32 to index
      %swap3A_388 = tpu.vector_load %arg9[%swap3A_386, %swap3A_387] {strides = array<i32>} : memref<16x1024xf32, #tpu.memory_space<vmem>>, vector<1x16xf32>,
      %swap3A_389 = vector.shape_cast %swap3A_388 : vector<1x16xf32> to vector<16xf32>
      %swap3A_390 = vector.shape_cast %add3A_385 : vector<16xf32> to vector<1x16xf32>
      tpu.vector_store %arg9[%swap3A_386, %swap3A_387], %swap3A_390 {strides = array<i32>} : memref<16x1024xf32, #tpu.memory_space<vmem>>, vector<1x16xf32>,
      %add3A_391 = arith.constant 2 : i32
      %add3A_392 = arith.addi %mul3A_344, %add3A_391 : i32
      %shift_right_logical3A_393 = arith.constant 6 : i32
      %shift_right_logical3A_394 = arith.shrui %add3A_392, %shift_right_logical3A_393 : i32
      %and3A_395 = arith.constant 63 : i32
      %and3A_396 = arith.andi %add3A_392, %and3A_395 : i32
      %mul3A_397 = arith.constant 16 : i32
      %mul3A_398 = arith.muli %and3A_396, %mul3A_397 : i32
      %get3A_399 = arith.index_cast %shift_right_logical3A_394 : i32 to index
      %get3A_400 = arith.index_cast %mul3A_398 : i32 to index
      %get3A_401 = tpu.vector_load %arg9[%get3A_399, %get3A_400] {strides = array<i32>} : memref<16x1024xf32, #tpu.memory_space<vmem>>, vector<1x16xf32>,
      %get3A_402 = vector.shape_cast %get3A_401 : vector<1x16xf32> to vector<16xf32>
      %mul3A_403 = arith.constant 3.200000e+01 : f32
      %mul3A_404 = vector.broadcast %mul3A_403 : f32 to vector<16xf32>
      %mul3A_405 = arith.mulf %get3A_402, %mul3A_404 : vector<16xf32>
      %get3A_406 = arith.index_cast %shift_right_logical3A_394 : i32 to index
      %get3A_407 = arith.index_cast %mul3A_398 : i32 to index
      %get3A_408 = tpu.vector_load %arg12[%get3A_406, %get3A_407] {strides = array<i32>} : memref<16x1024xf32, #tpu.memory_space<vmem>>, vector<1x16xf32>,
      %get3A_409 = vector.shape_cast %get3A_408 : vector<1x16xf32> to vector<16xf32>
      %add3A_410 = arith.addf %mul3A_405, %get3A_409 : vector<16xf32>
      %swap3A_411 = arith.index_cast %shift_right_logical3A_394 : i32 to index
      %swap3A_412 = arith.index_cast %mul3A_398 : i32 to index
      %swap3A_413 = tpu.vector_load %arg9[%swap3A_411, %swap3A_412] {strides = array<i32>} : memref<16x1024xf32, #tpu.memory_space<vmem>>, vector<1x16xf32>,
      %swap3A_414 = vector.shape_cast %swap3A_413 : vector<1x16xf32> to vector<16xf32>
      %swap3A_415 = vector.shape_cast %add3A_410 : vector<16xf32> to vector<1x16xf32>
      tpu.vector_store %arg9[%swap3A_411, %swap3A_412], %swap3A_415 {strides = array<i32>} : memref<16x1024xf32, #tpu.memory_space<vmem>>, vector<1x16xf32>,
      %add3A_416 = arith.constant 3 : i32
      %add3A_417 = arith.addi %mul3A_344, %add3A_416 : i32
      %shift_right_logical3A_418 = arith.constant 6 : i32
      %shift_right_logical3A_419 = arith.shrui %add3A_417, %shift_right_logical3A_418 : i32
      %and3A_420 = arith.constant 63 : i32
      %and3A_421 = arith.andi %add3A_417, %and3A_420 : i32
      %mul3A_422 = arith.constant 16 : i32
      %mul3A_423 = arith.muli %and3A_421, %mul3A_422 : i32
      %get3A_424 = arith.index_cast %shift_right_logical3A_419 : i32 to index
      %get3A_425 = arith.index_cast %mul3A_423 : i32 to index
      %get3A_426 = tpu.vector_load %arg9[%get3A_424, %get3A_425] {strides = array<i32>} : memref<16x1024xf32, #tpu.memory_space<vmem>>, vector<1x16xf32>,
      %get3A_427 = vector.shape_cast %get3A_426 : vector<1x16xf32> to vector<16xf32>
      %mul3A_428 = arith.constant 3.200000e+01 : f32
      %mul3A_429 = vector.broadcast %mul3A_428 : f32 to vector<16xf32>
      %mul3A_430 = arith.mulf %get3A_427, %mul3A_429 : vector<16xf32>
      %get3A_431 = arith.index_cast %shift_right_logical3A_419 : i32 to index
      %get3A_432 = arith.index_cast %mul3A_423 : i32 to index
      %get3A_433 = tpu.vector_load %arg12[%get3A_431, %get3A_432] {strides = array<i32>} : memref<16x1024xf32, #tpu.memory_space<vmem>>, vector<1x16xf32>,
      %get3A_434 = vector.shape_cast %get3A_433 : vector<1x16xf32> to vector<16xf32>
      %add3A_435 = arith.addf %mul3A_430, %get3A_434 : vector<16xf32>
      %swap3A_436 = arith.index_cast %shift_right_logical3A_419 : i32 to index
      %swap3A_437 = arith.index_cast %mul3A_423 : i32 to index
      %swap3A_438 = tpu.vector_load %arg9[%swap3A_436, %swap3A_437] {strides = array<i32>} : memref<16x1024xf32, #tpu.memory_space<vmem>>, vector<1x16xf32>,
      %swap3A_439 = vector.shape_cast %swap3A_438 : vector<1x16xf32> to vector<16xf32>
      %swap3A_440 = vector.shape_cast %add3A_435 : vector<16xf32> to vector<1x16xf32>
      tpu.vector_store %arg9[%swap3A_436, %swap3A_437], %swap3A_440 {strides = array<i32>} : memref<16x1024xf32, #tpu.memory_space<vmem>>, vector<1x16xf32>,
      %add3A_441 = arith.constant 4 : i32
      %add3A_442 = arith.addi %mul3A_344, %add3A_441 : i32
      %shift_right_logical3A_443 = arith.constant 6 : i32
      %shift_right_logical3A_444 = arith.shrui %add3A_442, %shift_right_logical3A_443 : i32
      %and3A_445 = arith.constant 63 : i32
      %and3A_446 = arith.andi %add3A_442, %and3A_445 : i32
      %mul3A_447 = arith.constant 16 : i32
      %mul3A_448 = arith.muli %and3A_446, %mul3A_447 : i32
      %get3A_449 = arith.index_cast %shift_right_logical3A_444 : i32 to index
      %get3A_450 = arith.index_cast %mul3A_448 : i32 to index
      %get3A_451 = tpu.vector_load %arg9[%get3A_449, %get3A_450] {strides = array<i32>} : memref<16x1024xf32, #tpu.memory_space<vmem>>, vector<1x16xf32>,
      %get3A_452 = vector.shape_cast %get3A_451 : vector<1x16xf32> to vector<16xf32>
      %mul3A_453 = arith.constant 3.200000e+01 : f32
      %mul3A_454 = vector.broadcast %mul3A_453 : f32 to vector<16xf32>
      %mul3A_455 = arith.mulf %get3A_452, %mul3A_454 : vector<16xf32>
      %get3A_456 = arith.index_cast %shift_right_logical3A_444 : i32 to index
      %get3A_457 = arith.index_cast %mul3A_448 : i32 to index
      %get3A_458 = tpu.vector_load %arg12[%get3A_456, %get3A_457] {strides = array<i32>} : memref<16x1024xf32, #tpu.memory_space<vmem>>, vector<1x16xf32>,
      %get3A_459 = vector.shape_cast %get3A_458 : vector<1x16xf32> to vector<16xf32>
      %add3A_460 = arith.addf %mul3A_455, %get3A_459 : vector<16xf32>
      %swap3A_461 = arith.index_cast %shift_right_logical3A_444 : i32 to index
      %swap3A_462 = arith.index_cast %mul3A_448 : i32 to index
      %swap3A_463 = tpu.vector_load %arg9[%swap3A_461, %swap3A_462] {strides = array<i32>} : memref<16x1024xf32, #tpu.memory_space<vmem>>, vector<1x16xf32>,
      %swap3A_464 = vector.shape_cast %swap3A_463 : vector<1x16xf32> to vector<16xf32>
      %swap3A_465 = vector.shape_cast %add3A_460 : vector<16xf32> to vector<1x16xf32>
      tpu.vector_store %arg9[%swap3A_461, %swap3A_462], %swap3A_465 {strides = array<i32>} : memref<16x1024xf32, #tpu.memory_space<vmem>>, vector<1x16xf32>,
      %add3A_466 = arith.constant 5 : i32
      %add3A_467 = arith.addi %mul3A_344, %add3A_466 : i32
      %shift_right_logical3A_468 = arith.constant 6 : i32
      %shift_right_logical3A_469 = arith.shrui %add3A_467, %shift_right_logical3A_468 : i32
      %and3A_470 = arith.constant 63 : i32
      %and3A_471 = arith.andi %add3A_467, %and3A_470 : i32
      %mul3A_472 = arith.constant 16 : i32
      %mul3A_473 = arith.muli %and3A_471, %mul3A_472 : i32
      %get3A_474 = arith.index_cast %shift_right_logical3A_469 : i32 to index
      %get3A_475 = arith.index_cast %mul3A_473 : i32 to index
      %get3A_476 = tpu.vector_load %arg9[%get3A_474, %get3A_475] {strides = array<i32>} : memref<16x1024xf32, #tpu.memory_space<vmem>>, vector<1x16xf32>,
      %get3A_477 = vector.shape_cast %get3A_476 : vector<1x16xf32> to vector<16xf32>
      %mul3A_478 = arith.constant 3.200000e+01 : f32
      %mul3A_479 = vector.broadcast %mul3A_478 : f32 to vector<16xf32>
      %mul3A_480 = arith.mulf %get3A_477, %mul3A_479 : vector<16xf32>
      %get3A_481 = arith.index_cast %shift_right_logical3A_469 : i32 to index
      %get3A_482 = arith.index_cast %mul3A_473 : i32 to index
      %get3A_483 = tpu.vector_load %arg12[%get3A_481, %get3A_482] {strides = array<i32>} : memref<16x1024xf32, #tpu.memory_space<vmem>>, vector<1x16xf32>,
      %get3A_484 = vector.shape_cast %get3A_483 : vector<1x16xf32> to vector<16xf32>
      %add3A_485 = arith.addf %mul3A_480, %get3A_484 : vector<16xf32>
      %swap3A_486 = arith.index_cast %shift_right_logical3A_469 : i32 to index
      %swap3A_487 = arith.index_cast %mul3A_473 : i32 to index
      %swap3A_488 = tpu.vector_load %arg9[%swap3A_486, %swap3A_487] {strides = array<i32>} : memref<16x1024xf32, #tpu.memory_space<vmem>>, vector<1x16xf32>,
      %swap3A_489 = vector.shape_cast %swap3A_488 : vector<1x16xf32> to vector<16xf32>
      %swap3A_490 = vector.shape_cast %add3A_485 : vector<16xf32> to vector<1x16xf32>
      tpu.vector_store %arg9[%swap3A_486, %swap3A_487], %swap3A_490 {strides = array<i32>} : memref<16x1024xf32, #tpu.memory_space<vmem>>, vector<1x16xf32>,
      %add3A_491 = arith.constant 6 : i32
      %add3A_492 = arith.addi %mul3A_344, %add3A_491 : i32
      %shift_right_logical3A_493 = arith.constant 6 : i32
      %shift_right_logical3A_494 = arith.shrui %add3A_492, %shift_right_logical3A_493 : i32
      %and3A_495 = arith.constant 63 : i32
      %and3A_496 = arith.andi %add3A_492, %and3A_495 : i32
      %mul3A_497 = arith.constant 16 : i32
      %mul3A_498 = arith.muli %and3A_496, %mul3A_497 : i32
      %get3A_499 = arith.index_cast %shift_right_logical3A_494 : i32 to index
      %get3A_500 = arith.index_cast %mul3A_498 : i32 to index
      %get3A_501 = tpu.vector_load %arg9[%get3A_499, %get3A_500] {strides = array<i32>} : memref<16x1024xf32, #tpu.memory_space<vmem>>, vector<1x16xf32>,
      %get3A_502 = vector.shape_cast %get3A_501 : vector<1x16xf32> to vector<16xf32>
      %mul3A_503 = arith.constant 3.200000e+01 : f32
      %mul3A_504 = vector.broadcast %mul3A_503 : f32 to vector<16xf32>
      %mul3A_505 = arith.mulf %get3A_502, %mul3A_504 : vector<16xf32>
      %get3A_506 = arith.index_cast %shift_right_logical3A_494 : i32 to index
      %get3A_507 = arith.index_cast %mul3A_498 : i32 to index
      %get3A_508 = tpu.vector_load %arg12[%get3A_506, %get3A_507] {strides = array<i32>} : memref<16x1024xf32, #tpu.memory_space<vmem>>, vector<1x16xf32>,
      %get3A_509 = vector.shape_cast %get3A_508 : vector<1x16xf32> to vector<16xf32>
      %add3A_510 = arith.addf %mul3A_505, %get3A_509 : vector<16xf32>
      %swap3A_511 = arith.index_cast %shift_right_logical3A_494 : i32 to index
      %swap3A_512 = arith.index_cast %mul3A_498 : i32 to index
      %swap3A_513 = tpu.vector_load %arg9[%swap3A_511, %swap3A_512] {strides = array<i32>} : memref<16x1024xf32, #tpu.memory_space<vmem>>, vector<1x16xf32>,
      %swap3A_514 = vector.shape_cast %swap3A_513 : vector<1x16xf32> to vector<16xf32>
      %swap3A_515 = vector.shape_cast %add3A_510 : vector<16xf32> to vector<1x16xf32>
      tpu.vector_store %arg9[%swap3A_511, %swap3A_512], %swap3A_515 {strides = array<i32>} : memref<16x1024xf32, #tpu.memory_space<vmem>>, vector<1x16xf32>,
      %add3A_516 = arith.constant 7 : i32
      %add3A_517 = arith.addi %mul3A_344, %add3A_516 : i32
      %shift_right_logical3A_518 = arith.constant 6 : i32
      %shift_right_logical3A_519 = arith.shrui %add3A_517, %shift_right_logical3A_518 : i32
      %and3A_520 = arith.constant 63 : i32
      %and3A_521 = arith.andi %add3A_517, %and3A_520 : i32
      %mul3A_522 = arith.constant 16 : i32
      %mul3A_523 = arith.muli %and3A_521, %mul3A_522 : i32
      %get3A_524 = arith.index_cast %shift_right_logical3A_519 : i32 to index
      %get3A_525 = arith.index_cast %mul3A_523 : i32 to index
      %get3A_526 = tpu.vector_load %arg9[%get3A_524, %get3A_525] {strides = array<i32>} : memref<16x1024xf32, #tpu.memory_space<vmem>>, vector<1x16xf32>,
      %get3A_527 = vector.shape_cast %get3A_526 : vector<1x16xf32> to vector<16xf32>
      %mul3A_528 = arith.constant 3.200000e+01 : f32
      %mul3A_529 = vector.broadcast %mul3A_528 : f32 to vector<16xf32>
      %mul3A_530 = arith.mulf %get3A_527, %mul3A_529 : vector<16xf32>
      %get3A_531 = arith.index_cast %shift_right_logical3A_519 : i32 to index
      %get3A_532 = arith.index_cast %mul3A_523 : i32 to index
      %get3A_533 = tpu.vector_load %arg12[%get3A_531, %get3A_532] {strides = array<i32>} : memref<16x1024xf32, #tpu.memory_space<vmem>>, vector<1x16xf32>,
      %get3A_534 = vector.shape_cast %get3A_533 : vector<1x16xf32> to vector<16xf32>
      %add3A_535 = arith.addf %mul3A_530, %get3A_534 : vector<16xf32>
      %swap3A_536 = arith.index_cast %shift_right_logical3A_519 : i32 to index
      %swap3A_537 = arith.index_cast %mul3A_523 : i32 to index
      %swap3A_538 = tpu.vector_load %arg9[%swap3A_536, %swap3A_537] {strides = array<i32>} : memref<16x1024xf32, #tpu.memory_space<vmem>>, vector<1x16xf32>,
      %swap3A_539 = vector.shape_cast %swap3A_538 : vector<1x16xf32> to vector<16xf32>
      %swap3A_540 = vector.shape_cast %add3A_535 : vector<16xf32> to vector<1x16xf32>
      tpu.vector_store %arg9[%swap3A_536, %swap3A_537], %swap3A_540 {strides = array<i32>} : memref<16x1024xf32, #tpu.memory_space<vmem>>, vector<1x16xf32>,
    }
    %scan3A_282 = arith.constant 128 : i32
    %add3A_283 = arith.constant 8192 : i32
    %add3A_284 = arith.addi %add3A_283, %mul3A_2 : i32
    %add3A_285 = arith.constant 112 : i32
    %add3A_286 = arith.addi %add3A_284, %add3A_285 : i32
    %dma_start3A_287 = arith.constant 0 : i32
    %dma_start3A_288 = tpu.memref_slice %arg5[%add3A_286, %dma_start3A_287] : memref<16384x1024xf32, #tpu.memory_space<hbm>> -> memref<16x1024xf32, #tpu.memory_space<hbm>>
    %dma_start3A_289 = arith.constant 0 : i32
    %dma_start3A_290 = tpu.memref_slice %arg5[%add3A_286, %dma_start3A_289] : memref<16384x1024xf32, #tpu.memory_space<hbm>> -> memref<16x1024xf32, #tpu.memory_space<hbm>>
    tpu.enqueue_dma source(%arg9 : memref<16x1024xf32, #tpu.memory_space<vmem>>) target(%dma_start3A_290 : memref<16x1024xf32, #tpu.memory_space<hbm>>) target_semaphore(%arg19 : memref<!tpu.dma_semaphore, #tpu.memory_space<semaphore_mem>>)
    %add3A_291 = arith.constant 0 : i32
    %add3A_292 = arith.addi %add3A_291, %mul3A_2 : i32
    %add3A_293 = arith.constant 112 : i32
    %add3A_294 = arith.addi %add3A_292, %add3A_293 : i32
    %dma_wait3A_295 = arith.constant 0 : i32
    %dma_wait3A_296 = tpu.memref_slice %arg5[%add3A_294, %dma_wait3A_295] : memref<16384x1024xf32, #tpu.memory_space<hbm>> -> memref<16x1024xf32, #tpu.memory_space<hbm>>
    %dma_wait3A_297 = arith.constant 0 : i32
    %dma_wait3A_298 = tpu.memref_slice %arg5[%add3A_294, %dma_wait3A_297] : memref<16384x1024xf32, #tpu.memory_space<hbm>> -> memref<16x1024xf32, #tpu.memory_space<hbm>>
    tpu.wait_dma2 semaphore(%arg17 : memref<!tpu.dma_semaphore, #tpu.memory_space<semaphore_mem>>) src(%arg7 : memref<16x1024xf32, #tpu.memory_space<vmem>>) dst(%dma_wait3A_298 : memref<16x1024xf32, #tpu.memory_space<hbm>>)
    %dma_wait3A_299 = arith.constant 496 : i32
    %dma_wait3A_300 = tpu.memref_slice %arg6[%dma_wait3A_299] : memref<512xi32, #tpu.memory_space<vmem>> -> memref<16xi32, #tpu.memory_space<vmem>>
    %dma_wait3A_301 = arith.constant 0 : i32
    %dma_wait3A_302 = arith.constant 0 : i32
    %dma_wait3A_303 = tpu.memref_slice %arg3[%dma_wait3A_301, %dma_wait3A_302] : memref<100000x1024xf32, #tpu.memory_space<hbm>> -> memref<100000x1024xf32, #tpu.memory_space<hbm>>
    tpu.wait_indirect_dma semaphore(%arg16 : memref<!tpu.dma_semaphore, #tpu.memory_space<semaphore_mem>>) src(%dma_wait3A_303 : memref<100000x1024xf32, #tpu.memory_space<hbm>>) dst(%arg10 : memref<16x1024xf32, #tpu.memory_space<vmem>>)
    %scan3A_304 = arith.constant 0 : i32
    %scan3A_305 = arith.constant 0 : i32
    %scan3A_306 = arith.constant 128 : i32
    %scan3A_307 = arith.addi %scan3A_305, %scan3A_306 : i32
    %scan3A_308 = arith.constant 1 : i32
    scf.for %scan3A_342 = %scan3A_305 to %scan3A_307 step %scan3A_308  : i32 {
      %mul3A_343 = arith.constant 8 : i32
      %mul3A_344 = arith.muli %scan3A_342, %mul3A_343 : i32
      %add3A_345 = arith.constant 0 : i32
      %add3A_346 = arith.addi %mul3A_344, %add3A_345 : i32
      %shift_right_logical3A = arith.constant 6 : i32
      %shift_right_logical3A_347 = arith.shrui %add3A_346, %shift_right_logical3A : i32
      %and3A = arith.constant 63 : i32
      %and3A_348 = arith.andi %add3A_346, %and3A : i32
      %mul3A_349 = arith.constant 16 : i32
      %mul3A_350 = arith.muli %and3A_348, %mul3A_349 : i32
      %get3A = arith.index_cast %shift_right_logical3A_347 : i32 to index
      %get3A_351 = arith.index_cast %mul3A_350 : i32 to index
      %get3A_352 = tpu.vector_load %arg10[%get3A, %get3A_351] {strides = array<i32>} : memref<16x1024xf32, #tpu.memory_space<vmem>>, vector<1x16xf32>,
      %get3A_353 = vector.shape_cast %get3A_352 : vector<1x16xf32> to vector<16xf32>
      %mul3A_354 = arith.constant 3.200000e+01 : f32
      %mul3A_355 = vector.broadcast %mul3A_354 : f32 to vector<16xf32>
      %mul3A_356 = arith.mulf %get3A_353, %mul3A_355 : vector<16xf32>
      %get3A_357 = arith.index_cast %shift_right_logical3A_347 : i32 to index
      %get3A_358 = arith.index_cast %mul3A_350 : i32 to index
      %get3A_359 = tpu.vector_load %arg12[%get3A_357, %get3A_358] {strides = array<i32>} : memref<16x1024xf32, #tpu.memory_space<vmem>>, vector<1x16xf32>,
      %get3A_360 = vector.shape_cast %get3A_359 : vector<1x16xf32> to vector<16xf32>
      %add3A_361 = arith.addf %mul3A_356, %get3A_360 : vector<16xf32>
      %swap3A = arith.index_cast %shift_right_logical3A_347 : i32 to index
      %swap3A_362 = arith.index_cast %mul3A_350 : i32 to index
      %swap3A_363 = tpu.vector_load %arg10[%swap3A, %swap3A_362] {strides = array<i32>} : memref<16x1024xf32, #tpu.memory_space<vmem>>, vector<1x16xf32>,
      %swap3A_364 = vector.shape_cast %swap3A_363 : vector<1x16xf32> to vector<16xf32>
      %swap3A_365 = vector.shape_cast %add3A_361 : vector<16xf32> to vector<1x16xf32>
      tpu.vector_store %arg10[%swap3A, %swap3A_362], %swap3A_365 {strides = array<i32>} : memref<16x1024xf32, #tpu.memory_space<vmem>>, vector<1x16xf32>,
      %add3A_366 = arith.constant 1 : i32
      %add3A_367 = arith.addi %mul3A_344, %add3A_366 : i32
      %shift_right_logical3A_368 = arith.constant 6 : i32
      %shift_right_logical3A_369 = arith.shrui %add3A_367, %shift_right_logical3A_368 : i32
      %and3A_370 = arith.constant 63 : i32
      %and3A_371 = arith.andi %add3A_367, %and3A_370 : i32
      %mul3A_372 = arith.constant 16 : i32
      %mul3A_373 = arith.muli %and3A_371, %mul3A_372 : i32
      %get3A_374 = arith.index_cast %shift_right_logical3A_369 : i32 to index
      %get3A_375 = arith.index_cast %mul3A_373 : i32 to index
      %get3A_376 = tpu.vector_load %arg10[%get3A_374, %get3A_375] {strides = array<i32>} : memref<16x1024xf32, #tpu.memory_space<vmem>>, vector<1x16xf32>,
      %get3A_377 = vector.shape_cast %get3A_376 : vector<1x16xf32> to vector<16xf32>
      %mul3A_378 = arith.constant 3.200000e+01 : f32
      %mul3A_379 = vector.broadcast %mul3A_378 : f32 to vector<16xf32>
      %mul3A_380 = arith.mulf %get3A_377, %mul3A_379 : vector<16xf32>
      %get3A_381 = arith.index_cast %shift_right_logical3A_369 : i32 to index
      %get3A_382 = arith.index_cast %mul3A_373 : i32 to index
      %get3A_383 = tpu.vector_load %arg12[%get3A_381, %get3A_382] {strides = array<i32>} : memref<16x1024xf32, #tpu.memory_space<vmem>>, vector<1x16xf32>,
      %get3A_384 = vector.shape_cast %get3A_383 : vector<1x16xf32> to vector<16xf32>
      %add3A_385 = arith.addf %mul3A_380, %get3A_384 : vector<16xf32>
      %swap3A_386 = arith.index_cast %shift_right_logical3A_369 : i32 to index
      %swap3A_387 = arith.index_cast %mul3A_373 : i32 to index
      %swap3A_388 = tpu.vector_load %arg10[%swap3A_386, %swap3A_387] {strides = array<i32>} : memref<16x1024xf32, #tpu.memory_space<vmem>>, vector<1x16xf32>,
      %swap3A_389 = vector.shape_cast %swap3A_388 : vector<1x16xf32> to vector<16xf32>
      %swap3A_390 = vector.shape_cast %add3A_385 : vector<16xf32> to vector<1x16xf32>
      tpu.vector_store %arg10[%swap3A_386, %swap3A_387], %swap3A_390 {strides = array<i32>} : memref<16x1024xf32, #tpu.memory_space<vmem>>, vector<1x16xf32>,
      %add3A_391 = arith.constant 2 : i32
      %add3A_392 = arith.addi %mul3A_344, %add3A_391 : i32
      %shift_right_logical3A_393 = arith.constant 6 : i32
      %shift_right_logical3A_394 = arith.shrui %add3A_392, %shift_right_logical3A_393 : i32
      %and3A_395 = arith.constant 63 : i32
      %and3A_396 = arith.andi %add3A_392, %and3A_395 : i32
      %mul3A_397 = arith.constant 16 : i32
      %mul3A_398 = arith.muli %and3A_396, %mul3A_397 : i32
      %get3A_399 = arith.index_cast %shift_right_logical3A_394 : i32 to index
      %get3A_400 = arith.index_cast %mul3A_398 : i32 to index
      %get3A_401 = tpu.vector_load %arg10[%get3A_399, %get3A_400] {strides = array<i32>} : memref<16x1024xf32, #tpu.memory_space<vmem>>, vector<1x16xf32>,
      %get3A_402 = vector.shape_cast %get3A_401 : vector<1x16xf32> to vector<16xf32>
      %mul3A_403 = arith.constant 3.200000e+01 : f32
      %mul3A_404 = vector.broadcast %mul3A_403 : f32 to vector<16xf32>
      %mul3A_405 = arith.mulf %get3A_402, %mul3A_404 : vector<16xf32>
      %get3A_406 = arith.index_cast %shift_right_logical3A_394 : i32 to index
      %get3A_407 = arith.index_cast %mul3A_398 : i32 to index
      %get3A_408 = tpu.vector_load %arg12[%get3A_406, %get3A_407] {strides = array<i32>} : memref<16x1024xf32, #tpu.memory_space<vmem>>, vector<1x16xf32>,
      %get3A_409 = vector.shape_cast %get3A_408 : vector<1x16xf32> to vector<16xf32>
      %add3A_410 = arith.addf %mul3A_405, %get3A_409 : vector<16xf32>
      %swap3A_411 = arith.index_cast %shift_right_logical3A_394 : i32 to index
      %swap3A_412 = arith.index_cast %mul3A_398 : i32 to index
      %swap3A_413 = tpu.vector_load %arg10[%swap3A_411, %swap3A_412] {strides = array<i32>} : memref<16x1024xf32, #tpu.memory_space<vmem>>, vector<1x16xf32>,
      %swap3A_414 = vector.shape_cast %swap3A_413 : vector<1x16xf32> to vector<16xf32>
      %swap3A_415 = vector.shape_cast %add3A_410 : vector<16xf32> to vector<1x16xf32>
      tpu.vector_store %arg10[%swap3A_411, %swap3A_412], %swap3A_415 {strides = array<i32>} : memref<16x1024xf32, #tpu.memory_space<vmem>>, vector<1x16xf32>,
      %add3A_416 = arith.constant 3 : i32
      %add3A_417 = arith.addi %mul3A_344, %add3A_416 : i32
      %shift_right_logical3A_418 = arith.constant 6 : i32
      %shift_right_logical3A_419 = arith.shrui %add3A_417, %shift_right_logical3A_418 : i32
      %and3A_420 = arith.constant 63 : i32
      %and3A_421 = arith.andi %add3A_417, %and3A_420 : i32
      %mul3A_422 = arith.constant 16 : i32
      %mul3A_423 = arith.muli %and3A_421, %mul3A_422 : i32
      %get3A_424 = arith.index_cast %shift_right_logical3A_419 : i32 to index
      %get3A_425 = arith.index_cast %mul3A_423 : i32 to index
      %get3A_426 = tpu.vector_load %arg10[%get3A_424, %get3A_425] {strides = array<i32>} : memref<16x1024xf32, #tpu.memory_space<vmem>>, vector<1x16xf32>,
      %get3A_427 = vector.shape_cast %get3A_426 : vector<1x16xf32> to vector<16xf32>
      %mul3A_428 = arith.constant 3.200000e+01 : f32
      %mul3A_429 = vector.broadcast %mul3A_428 : f32 to vector<16xf32>
      %mul3A_430 = arith.mulf %get3A_427, %mul3A_429 : vector<16xf32>
      %get3A_431 = arith.index_cast %shift_right_logical3A_419 : i32 to index
      %get3A_432 = arith.index_cast %mul3A_423 : i32 to index
      %get3A_433 = tpu.vector_load %arg12[%get3A_431, %get3A_432] {strides = array<i32>} : memref<16x1024xf32, #tpu.memory_space<vmem>>, vector<1x16xf32>,
      %get3A_434 = vector.shape_cast %get3A_433 : vector<1x16xf32> to vector<16xf32>
      %add3A_435 = arith.addf %mul3A_430, %get3A_434 : vector<16xf32>
      %swap3A_436 = arith.index_cast %shift_right_logical3A_419 : i32 to index
      %swap3A_437 = arith.index_cast %mul3A_423 : i32 to index
      %swap3A_438 = tpu.vector_load %arg10[%swap3A_436, %swap3A_437] {strides = array<i32>} : memref<16x1024xf32, #tpu.memory_space<vmem>>, vector<1x16xf32>,
      %swap3A_439 = vector.shape_cast %swap3A_438 : vector<1x16xf32> to vector<16xf32>
      %swap3A_440 = vector.shape_cast %add3A_435 : vector<16xf32> to vector<1x16xf32>
      tpu.vector_store %arg10[%swap3A_436, %swap3A_437], %swap3A_440 {strides = array<i32>} : memref<16x1024xf32, #tpu.memory_space<vmem>>, vector<1x16xf32>,
      %add3A_441 = arith.constant 4 : i32
      %add3A_442 = arith.addi %mul3A_344, %add3A_441 : i32
      %shift_right_logical3A_443 = arith.constant 6 : i32
      %shift_right_logical3A_444 = arith.shrui %add3A_442, %shift_right_logical3A_443 : i32
      %and3A_445 = arith.constant 63 : i32
      %and3A_446 = arith.andi %add3A_442, %and3A_445 : i32
      %mul3A_447 = arith.constant 16 : i32
      %mul3A_448 = arith.muli %and3A_446, %mul3A_447 : i32
      %get3A_449 = arith.index_cast %shift_right_logical3A_444 : i32 to index
      %get3A_450 = arith.index_cast %mul3A_448 : i32 to index
      %get3A_451 = tpu.vector_load %arg10[%get3A_449, %get3A_450] {strides = array<i32>} : memref<16x1024xf32, #tpu.memory_space<vmem>>, vector<1x16xf32>,
      %get3A_452 = vector.shape_cast %get3A_451 : vector<1x16xf32> to vector<16xf32>
      %mul3A_453 = arith.constant 3.200000e+01 : f32
      %mul3A_454 = vector.broadcast %mul3A_453 : f32 to vector<16xf32>
      %mul3A_455 = arith.mulf %get3A_452, %mul3A_454 : vector<16xf32>
      %get3A_456 = arith.index_cast %shift_right_logical3A_444 : i32 to index
      %get3A_457 = arith.index_cast %mul3A_448 : i32 to index
      %get3A_458 = tpu.vector_load %arg12[%get3A_456, %get3A_457] {strides = array<i32>} : memref<16x1024xf32, #tpu.memory_space<vmem>>, vector<1x16xf32>,
      %get3A_459 = vector.shape_cast %get3A_458 : vector<1x16xf32> to vector<16xf32>
      %add3A_460 = arith.addf %mul3A_455, %get3A_459 : vector<16xf32>
      %swap3A_461 = arith.index_cast %shift_right_logical3A_444 : i32 to index
      %swap3A_462 = arith.index_cast %mul3A_448 : i32 to index
      %swap3A_463 = tpu.vector_load %arg10[%swap3A_461, %swap3A_462] {strides = array<i32>} : memref<16x1024xf32, #tpu.memory_space<vmem>>, vector<1x16xf32>,
      %swap3A_464 = vector.shape_cast %swap3A_463 : vector<1x16xf32> to vector<16xf32>
      %swap3A_465 = vector.shape_cast %add3A_460 : vector<16xf32> to vector<1x16xf32>
      tpu.vector_store %arg10[%swap3A_461, %swap3A_462], %swap3A_465 {strides = array<i32>} : memref<16x1024xf32, #tpu.memory_space<vmem>>, vector<1x16xf32>,
      %add3A_466 = arith.constant 5 : i32
      %add3A_467 = arith.addi %mul3A_344, %add3A_466 : i32
      %shift_right_logical3A_468 = arith.constant 6 : i32
      %shift_right_logical3A_469 = arith.shrui %add3A_467, %shift_right_logical3A_468 : i32
      %and3A_470 = arith.constant 63 : i32
      %and3A_471 = arith.andi %add3A_467, %and3A_470 : i32
      %mul3A_472 = arith.constant 16 : i32
      %mul3A_473 = arith.muli %and3A_471, %mul3A_472 : i32
      %get3A_474 = arith.index_cast %shift_right_logical3A_469 : i32 to index
      %get3A_475 = arith.index_cast %mul3A_473 : i32 to index
      %get3A_476 = tpu.vector_load %arg10[%get3A_474, %get3A_475] {strides = array<i32>} : memref<16x1024xf32, #tpu.memory_space<vmem>>, vector<1x16xf32>,
      %get3A_477 = vector.shape_cast %get3A_476 : vector<1x16xf32> to vector<16xf32>
      %mul3A_478 = arith.constant 3.200000e+01 : f32
      %mul3A_479 = vector.broadcast %mul3A_478 : f32 to vector<16xf32>
      %mul3A_480 = arith.mulf %get3A_477, %mul3A_479 : vector<16xf32>
      %get3A_481 = arith.index_cast %shift_right_logical3A_469 : i32 to index
      %get3A_482 = arith.index_cast %mul3A_473 : i32 to index
      %get3A_483 = tpu.vector_load %arg12[%get3A_481, %get3A_482] {strides = array<i32>} : memref<16x1024xf32, #tpu.memory_space<vmem>>, vector<1x16xf32>,
      %get3A_484 = vector.shape_cast %get3A_483 : vector<1x16xf32> to vector<16xf32>
      %add3A_485 = arith.addf %mul3A_480, %get3A_484 : vector<16xf32>
      %swap3A_486 = arith.index_cast %shift_right_logical3A_469 : i32 to index
      %swap3A_487 = arith.index_cast %mul3A_473 : i32 to index
      %swap3A_488 = tpu.vector_load %arg10[%swap3A_486, %swap3A_487] {strides = array<i32>} : memref<16x1024xf32, #tpu.memory_space<vmem>>, vector<1x16xf32>,
      %swap3A_489 = vector.shape_cast %swap3A_488 : vector<1x16xf32> to vector<16xf32>
      %swap3A_490 = vector.shape_cast %add3A_485 : vector<16xf32> to vector<1x16xf32>
      tpu.vector_store %arg10[%swap3A_486, %swap3A_487], %swap3A_490 {strides = array<i32>} : memref<16x1024xf32, #tpu.memory_space<vmem>>, vector<1x16xf32>,
      %add3A_491 = arith.constant 6 : i32
      %add3A_492 = arith.addi %mul3A_344, %add3A_491 : i32
      %shift_right_logical3A_493 = arith.constant 6 : i32
      %shift_right_logical3A_494 = arith.shrui %add3A_492, %shift_right_logical3A_493 : i32
      %and3A_495 = arith.constant 63 : i32
      %and3A_496 = arith.andi %add3A_492, %and3A_495 : i32
      %mul3A_497 = arith.constant 16 : i32
      %mul3A_498 = arith.muli %and3A_496, %mul3A_497 : i32
      %get3A_499 = arith.index_cast %shift_right_logical3A_494 : i32 to index
      %get3A_500 = arith.index_cast %mul3A_498 : i32 to index
      %get3A_501 = tpu.vector_load %arg10[%get3A_499, %get3A_500] {strides = array<i32>} : memref<16x1024xf32, #tpu.memory_space<vmem>>, vector<1x16xf32>,
      %get3A_502 = vector.shape_cast %get3A_501 : vector<1x16xf32> to vector<16xf32>
      %mul3A_503 = arith.constant 3.200000e+01 : f32
      %mul3A_504 = vector.broadcast %mul3A_503 : f32 to vector<16xf32>
      %mul3A_505 = arith.mulf %get3A_502, %mul3A_504 : vector<16xf32>
      %get3A_506 = arith.index_cast %shift_right_logical3A_494 : i32 to index
      %get3A_507 = arith.index_cast %mul3A_498 : i32 to index
      %get3A_508 = tpu.vector_load %arg12[%get3A_506, %get3A_507] {strides = array<i32>} : memref<16x1024xf32, #tpu.memory_space<vmem>>, vector<1x16xf32>,
      %get3A_509 = vector.shape_cast %get3A_508 : vector<1x16xf32> to vector<16xf32>
      %add3A_510 = arith.addf %mul3A_505, %get3A_509 : vector<16xf32>
      %swap3A_511 = arith.index_cast %shift_right_logical3A_494 : i32 to index
      %swap3A_512 = arith.index_cast %mul3A_498 : i32 to index
      %swap3A_513 = tpu.vector_load %arg10[%swap3A_511, %swap3A_512] {strides = array<i32>} : memref<16x1024xf32, #tpu.memory_space<vmem>>, vector<1x16xf32>,
      %swap3A_514 = vector.shape_cast %swap3A_513 : vector<1x16xf32> to vector<16xf32>
      %swap3A_515 = vector.shape_cast %add3A_510 : vector<16xf32> to vector<1x16xf32>
      tpu.vector_store %arg10[%swap3A_511, %swap3A_512], %swap3A_515 {strides = array<i32>} : memref<16x1024xf32, #tpu.memory_space<vmem>>, vector<1x16xf32>,
      %add3A_516 = arith.constant 7 : i32
      %add3A_517 = arith.addi %mul3A_344, %add3A_516 : i32
      %shift_right_logical3A_518 = arith.constant 6 : i32
      %shift_right_logical3A_519 = arith.shrui %add3A_517, %shift_right_logical3A_518 : i32
      %and3A_520 = arith.constant 63 : i32
      %and3A_521 = arith.andi %add3A_517, %and3A_520 : i32
      %mul3A_522 = arith.constant 16 : i32
      %mul3A_523 = arith.muli %and3A_521, %mul3A_522 : i32
      %get3A_524 = arith.index_cast %shift_right_logical3A_519 : i32 to index
      %get3A_525 = arith.index_cast %mul3A_523 : i32 to index
      %get3A_526 = tpu.vector_load %arg10[%get3A_524, %get3A_525] {strides = array<i32>} : memref<16x1024xf32, #tpu.memory_space<vmem>>, vector<1x16xf32>,
      %get3A_527 = vector.shape_cast %get3A_526 : vector<1x16xf32> to vector<16xf32>
      %mul3A_528 = arith.constant 3.200000e+01 : f32
      %mul3A_529 = vector.broadcast %mul3A_528 : f32 to vector<16xf32>
      %mul3A_530 = arith.mulf %get3A_527, %mul3A_529 : vector<16xf32>
      %get3A_531 = arith.index_cast %shift_right_logical3A_519 : i32 to index
      %get3A_532 = arith.index_cast %mul3A_523 : i32 to index
      %get3A_533 = tpu.vector_load %arg12[%get3A_531, %get3A_532] {strides = array<i32>} : memref<16x1024xf32, #tpu.memory_space<vmem>>, vector<1x16xf32>,
      %get3A_534 = vector.shape_cast %get3A_533 : vector<1x16xf32> to vector<16xf32>
      %add3A_535 = arith.addf %mul3A_530, %get3A_534 : vector<16xf32>
      %swap3A_536 = arith.index_cast %shift_right_logical3A_519 : i32 to index
      %swap3A_537 = arith.index_cast %mul3A_523 : i32 to index
      %swap3A_538 = tpu.vector_load %arg10[%swap3A_536, %swap3A_537] {strides = array<i32>} : memref<16x1024xf32, #tpu.memory_space<vmem>>, vector<1x16xf32>,
      %swap3A_539 = vector.shape_cast %swap3A_538 : vector<1x16xf32> to vector<16xf32>
      %swap3A_540 = vector.shape_cast %add3A_535 : vector<16xf32> to vector<1x16xf32>
      tpu.vector_store %arg10[%swap3A_536, %swap3A_537], %swap3A_540 {strides = array<i32>} : memref<16x1024xf32, #tpu.memory_space<vmem>>, vector<1x16xf32>,
    }
    %scan3A_309 = arith.constant 128 : i32
    %add3A_310 = arith.constant 12288 : i32
    %add3A_311 = arith.addi %add3A_310, %mul3A_2 : i32
    %add3A_312 = arith.constant 112 : i32
    %add3A_313 = arith.addi %add3A_311, %add3A_312 : i32
    %dma_start3A_314 = arith.constant 0 : i32
    %dma_start3A_315 = tpu.memref_slice %arg5[%add3A_313, %dma_start3A_314] : memref<16384x1024xf32, #tpu.memory_space<hbm>> -> memref<16x1024xf32, #tpu.memory_space<hbm>>
    %dma_start3A_316 = arith.constant 0 : i32
    %dma_start3A_317 = tpu.memref_slice %arg5[%add3A_313, %dma_start3A_316] : memref<16384x1024xf32, #tpu.memory_space<hbm>> -> memref<16x1024xf32, #tpu.memory_space<hbm>>
    tpu.enqueue_dma source(%arg10 : memref<16x1024xf32, #tpu.memory_space<vmem>>) target(%dma_start3A_317 : memref<16x1024xf32, #tpu.memory_space<hbm>>) target_semaphore(%arg20 : memref<!tpu.dma_semaphore, #tpu.memory_space<semaphore_mem>>)
    %add3A_318 = arith.constant 4096 : i32
    %add3A_319 = arith.addi %add3A_318, %mul3A_2 : i32
    %add3A_320 = arith.constant 112 : i32
    %add3A_321 = arith.addi %add3A_319, %add3A_320 : i32
    %dma_wait3A_322 = arith.constant 0 : i32
    %dma_wait3A_323 = tpu.memref_slice %arg5[%add3A_321, %dma_wait3A_322] : memref<16384x1024xf32, #tpu.memory_space<hbm>> -> memref<16x1024xf32, #tpu.memory_space<hbm>>
    %dma_wait3A_324 = arith.constant 0 : i32
    %dma_wait3A_325 = tpu.memref_slice %arg5[%add3A_321, %dma_wait3A_324] : memref<16384x1024xf32, #tpu.memory_space<hbm>> -> memref<16x1024xf32, #tpu.memory_space<hbm>>
    tpu.wait_dma2 semaphore(%arg18 : memref<!tpu.dma_semaphore, #tpu.memory_space<semaphore_mem>>) src(%arg8 : memref<16x1024xf32, #tpu.memory_space<vmem>>) dst(%dma_wait3A_325 : memref<16x1024xf32, #tpu.memory_space<hbm>>)
    %add3A_326 = arith.constant 8192 : i32
    %add3A_327 = arith.addi %add3A_326, %mul3A_2 : i32
    %add3A_328 = arith.constant 112 : i32
    %add3A_329 = arith.addi %add3A_327, %add3A_328 : i32
    %dma_wait3A_330 = arith.constant 0 : i32
    %dma_wait3A_331 = tpu.memref_slice %arg5[%add3A_329, %dma_wait3A_330] : memref<16384x1024xf32, #tpu.memory_space<hbm>> -> memref<16x1024xf32, #tpu.memory_space<hbm>>
    %dma_wait3A_332 = arith.constant 0 : i32
    %dma_wait3A_333 = tpu.memref_slice %arg5[%add3A_329, %dma_wait3A_332] : memref<16384x1024xf32, #tpu.memory_space<hbm>> -> memref<16x1024xf32, #tpu.memory_space<hbm>>
    tpu.wait_dma2 semaphore(%arg19 : memref<!tpu.dma_semaphore, #tpu.memory_space<semaphore_mem>>) src(%arg9 : memref<16x1024xf32, #tpu.memory_space<vmem>>) dst(%dma_wait3A_333 : memref<16x1024xf32, #tpu.memory_space<hbm>>)
    %add3A_334 = arith.constant 12288 : i32
    %add3A_335 = arith.addi %add3A_334, %mul3A_2 : i32
    %add3A_336 = arith.constant 112 : i32
    %add3A_337 = arith.addi %add3A_335, %add3A_336 : i32
    %dma_wait3A_338 = arith.constant 0 : i32
    %dma_wait3A_339 = tpu.memref_slice %arg5[%add3A_337, %dma_wait3A_338] : memref<16384x1024xf32, #tpu.memory_space<hbm>> -> memref<16x1024xf32, #tpu.memory_space<hbm>>
    %dma_wait3A_340 = arith.constant 0 : i32
    %dma_wait3A_341 = tpu.memref_slice %arg5[%add3A_337, %dma_wait3A_340] : memref<16384x1024xf32, #tpu.memory_space<hbm>> -> memref<16x1024xf32, #tpu.memory_space<hbm>>
    tpu.wait_dma2 semaphore(%arg20 : memref<!tpu.dma_semaphore, #tpu.memory_space<semaphore_mem>>) src(%arg10 : memref<16x1024xf32, #tpu.memory_space<vmem>>) dst(%dma_wait3A_341 : memref<16x1024xf32, #tpu.memory_space<hbm>>)
    return
  }
}

</mosaic_0001>

<sc_bundles>
// kernel: _sc_embed.3.cloned.1.call-start
scs
__scs_entry_jumppad:
0x0: {  	(pc) =	sbr.rel $0x88, $3  }
0x1: {  	(tag) =	ssettag $0x0;
	lr =	simm.s32 $0x1  }
0x2: {  	[smem:$0x3F9E] =	sst lr;
	_ =	strace $0xD0000000  }
0x3: {  	_ = 	snop  }
0x4: {  	_ = 	snop  }
0x5: {  	_ = 	snop  }
0x6: {  	_ = 	snop  }
0x7: {  	_ = 	snop  }
__scs_overlays_trampoline_lowered:
0x8: {  	[smem:$0x3FAD] =	sst s0  }
0x9: {  	[smem:$0x3FAE] =	sst s1  }
0xa: {  	[smem:$0x3FAF] =	sst s2  }
0xb: {  	[smem:$0x3FB0] =	sst s3  }
0xc: {  	[smem:$0x3FB1] =	sst s4  }
0xd: {  	[smem:$0x3FB2] =	sst s5  }
0xe: {  	[smem:$0x3FB3] =	sst s6  }
0xf: {  	[smem:$0x3FB4] =	sst s7  }
0x10: {  	[smem:$0x3FB5] =	sst s8  }
0x11: {  	[smem:$0x3FB6] =	sst s9;
	s0 =	simm.s32 @!p0 $0x0  }
0x12: {  	s1 =	sld [smem:$0x3F9C];
	s0 =	simm.s32 @p0 $0x1  }
0x13: {  	[smem:$0x3FB7] =	sst s0;
	s0 =	simm.s32 @!p1 $0x0  }
0x14: {  	s2 =	sld [smem:$0x3F9B];
	s0 =	simm.s32 @p1 $0x1  }
0x15: {  	[smem:$0x3FB8] =	sst s0;
	s0 =	simm.s32 @!p2 $0x0  }
0x16: {  	s3 =	sld [smem:$0x3FDB];
	s0 =	simm.s32 @p2 $0x1  }
0x17: {  	s4 =	simm.s32 $0x1BF5;
	[smem:$0x3FBA] =	sst s0  }
0x18: {  	s0 =	sld [smem:$0x3F9D];
	_ =	swait.ge [sflag:s4], $0x0  }
0x19: {  	s7 =	sld [smem:$0x3F9E]  }
0x1a: {  	s8 =	sadd.s32 $0xFFFFE003, lr  }
0x1b: {  	s9 =	sadd.s32 $0xFFFFFEF7, lr;
	s5 =	simm.s32 $0xFFFFFFFF;
	p2 =	slt.u32 s8, $0xFFFFF086  }
0x1c: {  	p1 =	slt.u32 s9, $0xF7A;
	s5 =	simm.s32 @!p2 $0x0  }
0x1d: {  	s5 =	simm.s32 @p1 $0x1;
	p0 =	seq.s32 s7, s2  }
0x1e: {  	s7 =	smul.u32 @!p0 $0xF7A, s2;
	p2 =	seq.s32 @!p0 s5, $0x0  }
0x1f: {  	s9 =	smul.u32 $0xF7A, s1;
	s8 =	simm.s32 @!p0 $0x1BF5;
	p2 =	por !p2, p0  }
0x20: {  	[sflag:s8] =	ssyncset.s32 @!p0 $0xFFFFF086;
	s6 =	sadd.s32 @!p0 s3, s7;
	s7 =	simm.s32 @!p0 $0x108  }
0x21: {  	s3 =	sadd.s32 s3, s9;
	s6 =	sadd.s32 @!p0 $0x88, s6;
	s7 =	simm.s32 @p2 $0x1082  }
0x22: {  	[simem:s7], [sflag:s8] =	dma.local @!p0 [hbm:s6], $0xF7A  }
0x23: {  	s9 =	sor.u32 $0xD0000000, s2;
	s6 =	simm.s32 $0x108;
	_ =	swait.ge @!p0 [sflag:s8], $0x0  }
0x24: {  	s3 =	sadd.s32 $0x88, s3;
	s6 =	simm.s32 @!p1 $0x1082;
	[sflag:s4] =	ssyncset.s32 $0xFFFFF086  }
0x25: {  	[simem:s6], [sflag:s4] =	dma.local [hbm:s3], $0xF7A  }
0x26: {  	[smem:$0x3F9E] =	sst s1;
	(tag) =	ssettag s2;
	_ =	strace s9  }
0x27: {  	s1 =	sld [smem:$0x3FAE]  }
0x28: {  	s2 =	sld [smem:$0x3FAF]  }
0x29: {  	s4 =	sld [smem:$0x3FB1]  }
0x2a: {  	p0 =	seq.s32 s5, $0x0;
	s5 =	sld [smem:$0x3FB2]  }
0x2b: {  	s6 =	sld [smem:$0x3FB3]  }
0x2c: {  	s7 =	sld [smem:$0x3FB4]  }
0x2d: {  	s3 =	simm.s32 $0x108;
	s8 =	sld [smem:$0x3FB5]  }
0x2e: {  	s3 =	simm.s32 @!p0 $0x1082;
	s9 =	sld [smem:$0x3FB6]  }
0x2f: {  	lr =	sadd.s32 s0, s3;
	s0 =	sld [smem:$0x3FAD]  }
0x30: {  	s3 =	sld [smem:$0x3FB0]  }
0x31: {  	[smem:$0x3FB9] =	sst s10  }
0x32: {  	s10 =	sld [smem:$0x3FB7];
	_ =	sdelay $0x3  }
0x33: {  	p0 =	seq.s32 s10, $0x1;
	s10 =	sld [smem:$0x3FB9];
	_ =	sdelay $0x3  }
0x34: {  	[smem:$0x3FB9] =	sst s10  }
0x35: {  	s10 =	sld [smem:$0x3FB8];
	_ =	sdelay $0x3  }
0x36: {  	p1 =	seq.s32 s10, $0x1;
	s10 =	sld [smem:$0x3FB9];
	_ =	sdelay $0x3  }
0x37: {  	[smem:$0x3FB9] =	sst s10  }
0x38: {  	s10 =	sld [smem:$0x3FBA]  }
0x39: {  	_ = 	snop;
	(pc) =	sbr.ind lr, $3  }
0x3a: {  	_ = 	snop  }
0x3b: {  	_ = 	snop  }
0x3c: {  	p2 =	seq.s32 s10, $0x1;
	s10 =	sld [smem:$0x3FB9]  }
0x3d: {  	_ =	shalt  }
0x3e: {  	_ =	shalt  }
0x3f: {  	_ =	shalt  }
0x40: {  	_ =	shalt  }
0x41: {  	_ =	shalt  }
0x42: {  	_ =	shalt  }
0x43: {  	_ =	shalt  }
0x44: {  	_ =	shalt  }
0x45: {  	_ =	shalt  }
0x46: {  	_ =	shalt  }
0x47: {  	_ =	shalt  }
0x48: {  	_ =	shalt  }
0x49: {  	_ =	shalt  }
0x4a: {  	_ =	shalt  }
0x4b: {  	_ =	shalt  }
0x4c: {  	_ =	shalt  }
0x4d: {  	_ =	shalt  }
0x4e: {  	_ =	shalt  }
0x4f: {  	_ =	shalt  }
0x50: {  	_ =	shalt  }
0x51: {  	_ =	shalt  }
0x52: {  	_ =	shalt  }
0x53: {  	_ =	shalt  }
0x54: {  	_ =	shalt  }
0x55: {  	_ =	shalt  }
0x56: {  	_ =	shalt  }
0x57: {  	_ =	shalt  }
0x58: {  	_ =	shalt  }
0x59: {  	_ =	shalt  }
0x5a: {  	_ =	shalt  }
0x5b: {  	_ =	shalt  }
0x5c: {  	_ =	shalt  }
0x5d: {  	_ =	shalt  }
0x5e: {  	_ =	shalt  }
0x5f: {  	_ =	shalt  }
0x60: {  	_ =	shalt  }
0x61: {  	_ =	shalt  }
0x62: {  	_ =	shalt  }
0x63: {  	_ =	shalt  }
0x64: {  	_ =	shalt  }
0x65: {  	_ =	shalt  }
0x66: {  	_ =	shalt  }
0x67: {  	_ =	shalt  }
0x68: {  	_ =	shalt  }
0x69: {  	_ =	shalt  }
0x6a: {  	_ =	shalt  }
0x6b: {  	_ =	shalt  }
0x6c: {  	_ =	shalt  }
0x6d: {  	_ =	shalt  }
0x6e: {  	_ =	shalt  }
0x6f: {  	_ =	shalt  }
0x70: {  	_ =	shalt  }
0x71: {  	_ =	shalt  }
0x72: {  	_ =	shalt  }
0x73: {  	_ =	shalt  }
0x74: {  	_ =	shalt  }
0x75: {  	_ =	shalt  }
0x76: {  	_ =	shalt  }
0x77: {  	_ =	shalt  }
0x78: {  	_ =	shalt  }
0x79: {  	_ =	shalt  }
0x7a: {  	_ =	shalt  }
0x7b: {  	_ =	shalt  }
0x7c: {  	_ =	shalt  }
0x7d: {  	_ =	shalt  }
0x7e: {  	_ =	shalt  }
0x7f: {  	_ =	shalt  }
0x80: {  	_ =	shalt  }
0x81: {  	_ =	shalt  }
0x82: {  	_ =	shalt  }
0x83: {  	_ =	shalt  }
0x84: {  	_ =	shalt  }
0x85: {  	_ =	shalt  }
0x86: {  	_ =	shalt  }
0x87: {  	_ =	shalt  }
.Lfunc_end0:
.L_simem_size_0:
called_computation_lowered:
.L_overlay_start_0:
0x88: {  	s2 =	sld [smem:$0x3FD9]  }
0x89: {  	s3 =	sld [smem:$0x3FFE];
	_ =	sdelay $0x1  }
0x8a: {  	s1 =	srdreg.scid  }
0x8b: {  	s0 =	sand.u32 $0x1, s1  }
0x8c: {  	s18 =	sshll.u32 s0, $0xA;
	s2 =	sadd.s32 s3, s2  }
0x8d: {  	s2 =	sadd.s32 s2, s18  }
0x8e: {  	[smem:$0x3FC5] =	sst s2  }
0x8f: {  	_ = 	snop  }
0x90: {  	s2 =	sld [smem:$0x3FC9]  }
0x91: {  	s19 =	sld [smem:$0x3FC8]  }
0x92: {  	s4 =	sld [smem:$0x3FC7]  }
0x93: {  	s5 =	sld [smem:$0x3FD0];
	(tm) =	ssettm $0x1  }
0x94: {  	s6 =	sld [smem:$0x3FFB];
	_ =	sdelay $0x3  }
0x95: {  	_ =	strace s6  }
0x96: {  	s6 =	sld [smem:$0x3FFC];
	_ =	sdelay $0x3  }
0x97: {  	_ =	strace s6  }
0x98: {  	s6 =	sld [smem:$0x3FFD];
	_ =	sdelay $0x3  }
0x99: {  	_ =	strace s6  }
0x9a: {  	_ =	strace $0x8FFFFFFF  }
0x9b: {  	s20 =	sld [smem:$0x3FDB];
	_ =	sdelay $0x1  }
0x9c: {  	s7 =	simm.s32 $_scs_section_size  }
0x9d: {  	s8 =	simm.s32 $_size__tile_overlayer_lowered;
	s9 =	simm.s32 $_tile_overlayer_lowered  }
0x9e: {  	s23 =	simm.s32 $0x1BFF;
	s22 =	sshll.u32 s9, $0x1;
	s6 =	sadd.s32 s7, s20  }
0x9f: {  	s10 =	simm.s32 $0x0;
	s21 =	sshll.u32 s8, $0x1;
	s8 =	sadd.s32 s22, s6  }
0xa0: {  	[timem:s10], [sflag:s23] =	dma.local [hbm:s8], s21  }
0xa1: {  	_ =	swait.ge [sflag:s23], s21  }
0xa2: {  	s7 =	ssub.s32 $0x0, s21;
	[sflag:s23] =	ssyncset.done $0x0  }
0xa3: {  	[sflag:s23] =	ssyncadd.s32 s7;
	_ =	sdelay $0x1  }
0xa4: {  	s24 =	simm.s32 $0x1B8B  }
0xa5: {  	_ =	swait.ge [sflag:s24], $0x1  }
0xa6: {  	[sflag:s24] =	ssyncset.done $0x0  }
0xa7: {  	s25 =	simm.s32 $0x1B8E;
	[sflag:s24] =	ssyncadd.s32 $0xFFFFFFFF  }
0xa8: {  	s26 =	simm.s32 $execute0_lowered;
	[smem:$0x3FD2] =	sst s25  }
0xa9: {  	s7 =	sshll.u32 s26, $0x1;
	_ =	strace $0x80000046;
	[dreg:$0x1] =	wrdreg $0xFFFFFFFF  }
0xaa: {  	s28 =	simm.s32 $_size_execute0_lowered;
	s6 =	sadd.s32 s6, s7;
	[dreg:$0x0] =	wrdreg $0x0  }
0xab: {  	s7 =	sshll.u32 s28, $0x1;
	[dreg:$0x2] =	wrdreg s6  }
0xac: {  	[dreg:$0x3] =	wrdreg s7  }
0xad: {  	[dreg:$0x4] =	wrdreg $0xC0  }
0xae: {  	_ =	task [dreg:s10], $0x5FFFF  }
0xaf: {  	[dreg:$0x1] =	wrdreg $0xFFFFFFFF  }
0xb0: {  	[dreg:$0x0] =	wrdreg $0x60  }
0xb1: {  	[dreg:$0x2] =	wrdreg s2  }
0xb2: {  	[dreg:$0x3] =	wrdreg s19  }
0xb3: {  	[dreg:$0x4] =	wrdreg s4  }
0xb4: {  	[dreg:$0x5] =	wrdreg s5  }
0xb5: {  	[dreg:$0x6] =	wrdreg $0x9  }
0xb6: {  	_ =	task.clear_ibuf [dreg:s10], $0x7FFFF;
	_ =	strace $0x90000046  }
0xb7: {  	s29 =	simm.s32 $0x9;
	_ =	strace $0x80000048  }
0xb8: {  	_ =	swait.ge [sflag:s29], $0x1  }
0xb9: {  	[sflag:s29] =	ssyncadd.s32 $0xFFFFFFFF  }
0xba: {  	_ =	strace $0x90000048  }
0xbb: {  	_ =	sfence  }
0xbc: {  	s30 =	sld [smem:$0x0];
	_ =	sdelay $0x2  }
0xbd: {  	s31 =	sshll.u32 s1, $0xD;
	s1 =	sshrl.u32 s1, $0x2  }
0xbe: {  	s3 =	sand.u32 $0x4000, s31;
	s1 =	sadd.s32 s1, s30  }
0xbf: {  	s0 =	sor.u32 s3, s0;
	s1 =	sshll.u32 s1, $0x11  }
0xc0: {  	s0 =	sor.u32 s1, s0  }
0xc1: {  	s0 =	sadd.s32 $0x8F2B, s0  }
0xc2: {  	[sflag:s0] =	ssyncadd.remote.s32 $0x1  }
0xc3: {  	_ =	sfence.sel $0xFFFF  }
0xc4: {  	[dreg:$0x0] =	wrdreg $0xFFFFFFFF;
	(pc) =	sbr.abs _section_cstart, $3  }
0xc5: {  	[dreg:$0x1] =	wrdreg $0xFFFFFFFF  }
0xc6: {  	_ =	task.clear_ibuf [dreg:s10], $0x2FFFF;
	_ =	strace $0x9FFFFFFF  }
0xc7: {  	(tm) =	ssettm $0x7FFFFFFF  }
tec
execute0_lowered:
.L_overlay_start_1:
0x0: {  	(tag) =	ssettag $0x1  }
0x1: {  	s0 =	rddreg [dreg:$0x0]  }
0x2: {  	s1 =	rddreg [dreg:$0x1]  }
0x3: {  	s30 =	rddreg [dreg:$0x2]  }
0x4: {  	s3 =	rddreg [dreg:$0x3];
	s9 =	simm.s32 $0x0  }
0x5: {  	s2 =	srdreg.scid;
	s5 =	stileid.u32;
	s29 =	simm.s32 $0x4  }
0x6: {  	s31 =	simm.s32 $0x200;
	[smem:$0x7FF] =	sst s9;
	s2 =	sand.u32 $0x1, s2  }
0x7: {  	s5 =	sshll.u32 s5, $0x8;
	s16 =	sadd.s32 $0x200, s1;
	s4 =	ssub.s32 $0x2, s2  }
0x8: {  	s17 =	sadd.s32 $0x300, s1;
	s2 =	sshll.u32 s2, $0x7;
	s7 =	sshrl.u32 s4, $0x1  }
0x9: {  	_ =	strace $0x80000047;
	s6 =	sor.u32 s2, s5;
	s26 =	ssub.s32 s4, s7  }
0xa: {  	s28 =	sor.u32 $0x1000, s6;
	s8 =	sor.u32 $0x2000, s6;
	s10 =	sor.u32 $0x3000, s6  }
0xb: {  	s5 =	sshrl.u32 s6, $0x3;
	s15 =	sshll.u32 s6, $0x7;
	[dreg:$0x5] =	wrdreg s28  }
0xc: {  	s7 =	simm.s32 $0x0;
	s11 =	sshrl.u32 s28, $0x3;
	[dreg:$0x6] =	wrdreg s8  }
0xd: {  	s4 =	sadd.s32 s0, s5;
	s13 =	sshrl.u32 s8, $0x3;
	[dreg:$0x7] =	wrdreg s10  }
0xe: {  	s14 =	sshrl.u32 s10, $0x3;
	s18 =	sadd.s32 s30, s15;
	[dreg:$0x8] =	wrdreg s4  }
0xf: {  	s5 =	sadd.s32 s3, s15;
	s25 =	smax.u32 s26, $0x1;
	[dreg:$0xc] =	wrdreg s18  }
0x10: {  	s19 =	sshll.u32 s28, $0x7;
	s20 =	sshll.u32 s8, $0x7;
	[dreg:$0x14] =	wrdreg s25  }
0x11: {  	s22 =	sshll.u32 s10, $0x7;
	s12 =	sadd.s32 s0, s11;
	[dreg:$0xe] =	wrdreg s5  }
0x12: {  	s10 =	simm.s32 $0x8200;
	s4 =	sadd.s32 s0, s13;
	[dreg:$0x9] =	wrdreg s12  }
0x13: {  	s0 =	sadd.s32 s0, s14;
	s14 =	sadd.s32 $0x100, s1;
	[dreg:$0xa] =	wrdreg s4  }
0x14: {  	s21 =	sadd.s32 s3, s20;
	s23 =	sadd.s32 $0x3800, s5;
	[dreg:$0xb] =	wrdreg s0  }
0x15: {  	s24 =	sadd.s32 $0x83800, s5;
	s26 =	sadd.s32 $0x103800, s5;
	[dreg:$0x10] =	wrdreg s21  }
0x16: {  	s28 =	sadd.s32 $0x183800, s5;
	s5 =	simm.s32 $0x1;
	[dreg:$0x12] =	wrdreg s23  }
0x17: {  	s13 =	simm.s32 $0x5;
	s20 =	simm.s32 $0x7;
	[dreg:$0x13] =	wrdreg s24  }
0x18: {  	s25 =	simm.s32 $0x0;
	s0 =	sadd.s32 $0x800, s18;
	[dreg:$0x15] =	wrdreg s26  }
0x19: {  	[dreg:$0x16] =	wrdreg s28;
	s4 =	simm.s32 $0x3;
	s24 =	simm.s32 $0x4200  }
0x1a: {  	v2 =	vlaneseq.u32;
	s26 =	simm.s32 $0xC200;
	[dreg:$0xd] =	wrdreg s0;
	s0 =	sadd.s32 s3, s19  }
0x1b: {  	vm0 =	vmmov $0xffff;
	v1 =	vshrl.u32 v2, $0x3;
	s18 =	simm.s32 $0x6;
	[dreg:$0xf] =	wrdreg s0;
	s0 =	sadd.s32 s3, s22  }
0x1c: {  	v0 =	vand.u32 $0x7, v2;
	v2 =	vor.u32 $0x8, v2;
	v1 =	vmul.u32 $0x8, v1;
	s21 =	simm.s32 $0x8;
	[dreg:$0x11] =	wrdreg s0;
	s0 =	simm.s32 $0x2  }
.LBB2_1:
0x1d: {  	[dreg:$0x17] =	wrdreg s7  }
0x1e: {  	s2 =	rddreg [dreg:$0x8]  }
0x1f: {  	[tilespmem:s9], [sflag:$0x2] =	stream.linear.gather [hbm4b:s2+s9], $0x80, $0x38;
	[tilespmem:$0x18200] =	vst v63  }
0x20: {  	s23 =	rddreg [dreg:$0x9];
	s28 =	simm.s32 $0x80  }
0x21: {  	[tilespmem:s28], [sflag:$0x3] =	stream.linear.gather [hbm4b:s23+s9], $0x80, $0x38;
	[tilespmem:$0x18200] =	vst v63  }
0x22: {  	s8 =	rddreg [dreg:$0xa];
	s11 =	simm.s32 $0x100  }
0x23: {  	[tilespmem:s11], [sflag:$0x4] =	stream.linear.gather [hbm4b:s8+s9], $0x80, $0x38;
	[tilespmem:$0x18200] =	vst v63  }
0x24: {  	s12 =	rddreg [dreg:$0xb];
	s15 =	simm.s32 $0x180  }
0x25: {  	[tilespmem:s15], [sflag:$0xA] =	stream.linear.gather [hbm4b:s12+s9], $0x80, $0x38;
	[tilespmem:$0x18200] =	vst v63  }
0x26: {  	_ =	swait.ge [sflag:s0], $0x80  }
0x27: {  	[sflag:s0] =	ssyncset.done $0x0  }
0x28: {  	[sflag:s0] =	ssyncadd.s32 $0xFFFFFF80  }
0x29: {  	_ =	swait.ge [sflag:s4], $0x80  }
0x2a: {  	[sflag:s4] =	ssyncset.done $0x0  }
0x2b: {  	[sflag:s4] =	ssyncadd.s32 $0xFFFFFF80  }
0x2c: {  	_ =	swait.ge [sflag:s29], $0x80  }
0x2d: {  	[sflag:s29] =	ssyncset.done $0x0  }
0x2e: {  	s19 =	simm.s32 $0xA;
	[sflag:s29] =	ssyncadd.s32 $0xFFFFFF80  }
0x2f: {  	_ =	swait.ge [sflag:s19], $0x80  }
0x30: {  	[sflag:s19] =	ssyncset.done $0x0  }
0x31: {  	[sflag:s19] =	ssyncadd.s32 $0xFFFFFF80  }
0x32: {  	v3 =	vld [tilespmem:$0x0];
	_ =	sdelay $0x4  }
0x33: {  	v4 =	vshll.u32 v3, $0x3  }
0x34: {  	v3 =	vand.u32 $0x7, v3;
	v4 =	vand.u32 $0xFFFFFFC0, v4  }
0x35: {  	v3 =	vor.u32 v3, v4  }
0x36: {  	v4 =	vperm.xlane v3, v0;
	_ =	sdelay $0x1  }
0x37: {  	v4 =	vadd.s32 v1, v4;
	_ =	sdelay $0x4  }
0x38: {  	[tilespmem:s31], [sflag:$0x1] =	stream.indirect_vreg.gather [hbm4b:s1+s9], $0x80, v4, vm0, $0xb8;
	[tilespmem:$0x18200] =	vst v63  }
0x39: {  	s22 =	simm.s32 $0xA00;
	v3 =	vperm.xlane v3, v2  }
0x3a: {  	[tilespmem:s22], [sflag:$0x1] =	stream.indirect_vreg.gather [hbm4b:s14+s9], $0x80, v4, vm0, $0xb8;
	[tilespmem:$0x18200] =	vst v63  }
0x3b: {  	s23 =	simm.s32 $0x1200;
	v3 =	vadd.s32 v1, v3  }
0x3c: {  	[tilespmem:s23], [sflag:$0x1] =	stream.indirect_vreg.gather [hbm4b:s16+s9], $0x80, v4, vm0, $0xb8;
	[tilespmem:$0x18200] =	vst v63  }
0x3d: {  	s28 =	simm.s32 $0x1A00  }
0x3e: {  	[tilespmem:s28], [sflag:$0x1] =	stream.indirect_vreg.gather [hbm4b:s17+s9], $0x80, v4, vm0, $0xb8;
	[tilespmem:$0x18200] =	vst v63  }
0x3f: {  	s7 =	simm.s32 $0x2200  }
0x40: {  	[tilespmem:s7], [sflag:$0x1] =	stream.indirect_vreg.gather [hbm4b:s1+s9], $0x80, v3, vm0, $0xb8;
	[tilespmem:$0x18200] =	vst v63  }
0x41: {  	s8 =	simm.s32 $0x2A00  }
0x42: {  	[tilespmem:s8], [sflag:$0x1] =	stream.indirect_vreg.gather [hbm4b:s14+s9], $0x80, v3, vm0, $0xb8;
	[tilespmem:$0x18200] =	vst v63  }
0x43: {  	s11 =	simm.s32 $0x3200  }
0x44: {  	[tilespmem:s11], [sflag:$0x1] =	stream.indirect_vreg.gather [hbm4b:s16+s9], $0x80, v3, vm0, $0xb8;
	[tilespmem:$0x18200] =	vst v63  }
0x45: {  	s12 =	simm.s32 $0x3A00  }
0x46: {  	[tilespmem:s12], [sflag:$0x1] =	stream.indirect_vreg.gather [hbm4b:s17+s9], $0x80, v3, vm0, $0xb8;
	[tilespmem:$0x18200] =	vst v63  }
0x47: {  	s15 =	rddreg [dreg:$0xc];
	s19 =	simm.s32 $0x10200  }
0x48: {  	[tilespmem:s19], [sflag:$0x9] =	stream.linear.gather [hbm4b:s15+s9], $0x4000, $0x38;
	[tilespmem:$0x18200] =	vst v63  }
0x49: {  	s22 =	rddreg [dreg:$0xd];
	s23 =	simm.s32 $0x14200  }
0x4a: {  	[tilespmem:s23], [sflag:$0xA] =	stream.linear.gather [hbm4b:s22+s9], $0x4000, $0x38;
	[tilespmem:$0x18200] =	vst v63  }
0x4b: {  	v3 =	vld [tilespmem:$0x80];
	_ =	sdelay $0x4  }
0x4c: {  	v4 =	vshll.u32 v3, $0x3  }
0x4d: {  	v3 =	vand.u32 $0x7, v3;
	v4 =	vand.u32 $0xFFFFFFC0, v4  }
0x4e: {  	v3 =	vor.u32 v3, v4  }
0x4f: {  	v4 =	vperm.xlane v3, v0;
	_ =	sdelay $0x1  }
0x50: {  	v4 =	vadd.s32 v1, v4;
	_ =	sdelay $0x4  }
0x51: {  	[tilespmem:s24], [sflag:$0x2] =	stream.indirect_vreg.gather [hbm4b:s1+s9], $0x80, v4, vm0, $0xb8;
	[tilespmem:$0x18200] =	vst v63  }
0x52: {  	s28 =	simm.s32 $0x4A00;
	v3 =	vperm.xlane v3, v2  }
0x53: {  	[tilespmem:s28], [sflag:$0x2] =	stream.indirect_vreg.gather [hbm4b:s14+s9], $0x80, v4, vm0, $0xb8;
	[tilespmem:$0x18200] =	vst v63  }
0x54: {  	s7 =	simm.s32 $0x5200;
	v3 =	vadd.s32 v1, v3  }
0x55: {  	[tilespmem:s7], [sflag:$0x2] =	stream.indirect_vreg.gather [hbm4b:s16+s9], $0x80, v4, vm0, $0xb8;
	[tilespmem:$0x18200] =	vst v63  }
0x56: {  	s8 =	simm.s32 $0x5A00  }
0x57: {  	[tilespmem:s8], [sflag:$0x2] =	stream.indirect_vreg.gather [hbm4b:s17+s9], $0x80, v4, vm0, $0xb8;
	[tilespmem:$0x18200] =	vst v63  }
0x58: {  	s11 =	simm.s32 $0x6200  }
0x59: {  	[tilespmem:s11], [sflag:$0x2] =	stream.indirect_vreg.gather [hbm4b:s1+s9], $0x80, v3, vm0, $0xb8;
	[tilespmem:$0x18200] =	vst v63  }
0x5a: {  	s12 =	simm.s32 $0x6A00  }
0x5b: {  	[tilespmem:s12], [sflag:$0x2] =	stream.indirect_vreg.gather [hbm4b:s14+s9], $0x80, v3, vm0, $0xb8;
	[tilespmem:$0x18200] =	vst v63  }
0x5c: {  	s15 =	simm.s32 $0x7200  }
0x5d: {  	[tilespmem:s15], [sflag:$0x2] =	stream.indirect_vreg.gather [hbm4b:s16+s9], $0x80, v3, vm0, $0xb8;
	[tilespmem:$0x18200] =	vst v63  }
0x5e: {  	s19 =	simm.s32 $0x7A00  }
0x5f: {  	[tilespmem:s19], [sflag:$0x2] =	stream.indirect_vreg.gather [hbm4b:s17+s9], $0x80, v3, vm0, $0xb8;
	[tilespmem:$0x18200] =	vst v63  }
0x60: {  	_ =	swait.ge [sflag:s5], $0x4000  }
0x61: {  	[sflag:s5] =	ssyncset.done $0x0  }
0x62: {  	s22 =	simm.s32 $0x9;
	[sflag:s5] =	ssyncadd.s32 $0xFFFFC000  }
0x63: {  	s23 =	sand.u32 $0x2000, s9;
	s11 =	sand.u32 $0x1C00, s9;
	_ =	swait.ge [sflag:s22], $0x4000  }
0x64: {  	s28 =	sand.u32 $0x380, s9;
	s2 =	sor.u32 s11, s23;
	[sflag:s22] =	ssyncset.done $0x0  }
0x65: {  	s11 =	sor.u32 s28, s2;
	[sflag:s22] =	ssyncadd.s32 $0xFFFFC000  }
0x66: {  	v8 =	vld [tilespmem:s11+$0x10200]  }
0x67: {  	v7 =	vld [tilespmem:s11+$0x10210]  }
0x68: {  	v6 =	vld [tilespmem:s11+$0x10220]  }
0x69: {  	v5 =	vld [tilespmem:s11+$0x10230]  }
0x6a: {  	v4 =	vld [tilespmem:s11+$0x10240]  }
0x6b: {  	v3 =	vld [tilespmem:s11+$0x10250]  }
0x6c: {  	v13 =	vld [tilespmem:s11+$0x200]  }
0x6d: {  	v12 =	vld [tilespmem:s11+$0x210]  }
0x6e: {  	v11 =	vld [tilespmem:s11+$0x220]  }
0x6f: {  	v10 =	vld [tilespmem:s11+$0x230]  }
0x70: {  	s12 =	simm.s32 $0x80;
	s2 =	simm.s32 $0x0;
	s15 =	simm.s32 $0x0;
	v9 =	vld [tilespmem:s11+$0x240]  }
.LBB2_2:
0x71: {  	p0 =	sne.s32 s12, $0x3F80;
	v13 =	vmul.f32 $3.200000000e+01, v13;
	v14 =	vld [tilespmem:s11+$0x250]  }
0x72: {  	s15 =	sadd.s32 $0x400, s15;
	v12 =	vmul.f32 $3.200000000e+01, v12;
	v15 =	vld [tilespmem:s11+$0x260]  }
0x73: {  	s19 =	sand.u32 $0x2000, s12;
	s2 =	sadd.s32 $0x10, s2;
	s22 =	sand.u32 $0x1C00, s15;
	v8 =	vadd.f32 v8, v13;
	v11 =	vmul.f32 $3.200000000e+01, v11;
	v13 =	vld [tilespmem:s11+$0x270]  }
0x74: {  	s19 =	sor.u32 s22, s19;
	s22 =	sand.u32 $0x380, s2;
	v7 =	vadd.f32 v7, v12;
	v10 =	vmul.f32 $3.200000000e+01, v10;
	v12 =	vld [tilespmem:s11+$0x10260]  }
0x75: {  	s19 =	sor.u32 s22, s19;
	[tilespmem:s11+$0x200] =	vst v8;
	v6 =	vadd.f32 v6, v11;
	v9 =	vmul.f32 $3.200000000e+01, v9;
	v11 =	vld [tilespmem:s11+$0x10270]  }
0x76: {  	v8 =	vld [tilespmem:s19+$0x10200];
	[tilespmem:s11+$0x210] =	vst v7;
	v5 =	vadd.f32 v5, v10;
	v10 =	vmul.f32 $3.200000000e+01, v14  }
0x77: {  	v7 =	vld [tilespmem:s19+$0x10210];
	[tilespmem:s11+$0x220] =	vst v6;
	v4 =	vadd.f32 v4, v9;
	v9 =	vmul.f32 $3.200000000e+01, v15  }
0x78: {  	v6 =	vld [tilespmem:s19+$0x10220];
	[tilespmem:s11+$0x230] =	vst v5;
	v3 =	vadd.f32 v3, v10;
	v10 =	vmul.f32 $3.200000000e+01, v13  }
0x79: {  	v5 =	vld [tilespmem:s19+$0x10230];
	[tilespmem:s11+$0x240] =	vst v4;
	v9 =	vadd.f32 v12, v9  }
0x7a: {  	v4 =	vld [tilespmem:s19+$0x10240];
	[tilespmem:s11+$0x250] =	vst v3;
	v10 =	vadd.f32 v11, v10  }
0x7b: {  	v3 =	vld [tilespmem:s19+$0x10250];
	[tilespmem:s11+$0x260] =	vst v9  }
.Ltmp0:
0x7c: {  	v13 =	vld [tilespmem:s19+$0x200];
	[tilespmem:s11+$0x270] =	vst v10;
	s11 =	smov.u32 s19;
	(pc) =	sbr.rel @p0 .LBB2_2-.Ltmp0, $4  }
0x7d: {  	v12 =	vld [tilespmem:s11+$0x210]  }
0x7e: {  	v11 =	vld [tilespmem:s11+$0x220]  }
0x7f: {  	v10 =	vld [tilespmem:s11+$0x230]  }
0x80: {  	s12 =	sadd.s32 $0x80, s12;
	v9 =	vld [tilespmem:s11+$0x240]  }
0x81: {  	v13 =	vmul.f32 $3.200000000e+01, v13;
	v14 =	vld [tilespmem:s11+$0x250]  }
0x82: {  	v15 =	vld [tilespmem:s11+$0x260];
	v12 =	vmul.f32 $3.200000000e+01, v12  }
0x83: {  	v8 =	vadd.f32 v8, v13;
	v13 =	vld [tilespmem:s11+$0x270];
	v11 =	vmul.f32 $3.200000000e+01, v11  }
0x84: {  	v16 =	vld [tilespmem:s11+$0x10260];
	v7 =	vadd.f32 v7, v12;
	v10 =	vmul.f32 $3.200000000e+01, v10  }
0x85: {  	[tilespmem:s11+$0x200] =	vst v8;
	v6 =	vadd.f32 v6, v11;
	v8 =	vmul.f32 $3.200000000e+01, v9;
	v9 =	vld [tilespmem:s11+$0x10270]  }
0x86: {  	[tilespmem:s11+$0x210] =	vst v7;
	v5 =	vadd.f32 v5, v10;
	v7 =	vmul.f32 $3.200000000e+01, v14  }
0x87: {  	[tilespmem:s11+$0x220] =	vst v6;
	v4 =	vadd.f32 v4, v8;
	v6 =	vmul.f32 $3.200000000e+01, v15  }
0x88: {  	[tilespmem:s11+$0x230] =	vst v5;
	v3 =	vadd.f32 v3, v7;
	v5 =	vmul.f32 $3.200000000e+01, v13  }
0x89: {  	[tilespmem:s11+$0x240] =	vst v4;
	v4 =	vadd.f32 v16, v6  }
0x8a: {  	[tilespmem:s11+$0x250] =	vst v3;
	v3 =	vadd.f32 v9, v5  }
0x8b: {  	[tilespmem:s11+$0x260] =	vst v4  }
0x8c: {  	s12 =	simm.s32 $0x0;
	s2 =	rddreg [dreg:$0xe];
	[tilespmem:s11+$0x270] =	vst v3  }
0x8d: {  	[hbm4b:s2+s12] =	stream.linear.scatter [tilespmem:s31], [sflag:$0x5], $0x4000, $0x38;
	[tilespmem:$0x18200] =	vst v63  }
0x8e: {  	v3 =	vld [tilespmem:$0x100];
	_ =	sdelay $0x4  }
0x8f: {  	v4 =	vshll.u32 v3, $0x3  }
0x90: {  	v3 =	vand.u32 $0x7, v3;
	v4 =	vand.u32 $0xFFFFFFC0, v4  }
0x91: {  	v3 =	vor.u32 v3, v4  }
0x92: {  	v4 =	vperm.xlane v3, v0;
	_ =	sdelay $0x1  }
0x93: {  	v4 =	vadd.s32 v1, v4;
	_ =	sdelay $0x4  }
0x94: {  	[tilespmem:s10], [sflag:$0x3] =	stream.indirect_vreg.gather [hbm4b:s1+s12], $0x80, v4, vm0, $0xb8;
	[tilespmem:$0x18200] =	vst v63  }
0x95: {  	s28 =	simm.s32 $0x8A00;
	v3 =	vperm.xlane v3, v2  }
0x96: {  	[tilespmem:s28], [sflag:$0x3] =	stream.indirect_vreg.gather [hbm4b:s14+s12], $0x80, v4, vm0, $0xb8;
	[tilespmem:$0x18200] =	vst v63  }
0x97: {  	s7 =	simm.s32 $0x9200;
	v3 =	vadd.s32 v1, v3  }
0x98: {  	[tilespmem:s7], [sflag:$0x3] =	stream.indirect_vreg.gather [hbm4b:s16+s12], $0x80, v4, vm0, $0xb8;
	[tilespmem:$0x18200] =	vst v63  }
0x99: {  	s8 =	simm.s32 $0x9A00  }
0x9a: {  	[tilespmem:s8], [sflag:$0x3] =	stream.indirect_vreg.gather [hbm4b:s17+s12], $0x80, v4, vm0, $0xb8;
	[tilespmem:$0x18200] =	vst v63  }
0x9b: {  	s9 =	simm.s32 $0xA200  }
0x9c: {  	[tilespmem:s9], [sflag:$0x3] =	stream.indirect_vreg.gather [hbm4b:s1+s12], $0x80, v3, vm0, $0xb8;
	[tilespmem:$0x18200] =	vst v63  }
0x9d: {  	s11 =	simm.s32 $0xAA00  }
0x9e: {  	[tilespmem:s11], [sflag:$0x3] =	stream.indirect_vreg.gather [hbm4b:s14+s12], $0x80, v3, vm0, $0xb8;
	[tilespmem:$0x18200] =	vst v63  }
0x9f: {  	s15 =	simm.s32 $0xB200  }
0xa0: {  	[tilespmem:s15], [sflag:$0x3] =	stream.indirect_vreg.gather [hbm4b:s16+s12], $0x80, v3, vm0, $0xb8;
	[tilespmem:$0x18200] =	vst v63  }
0xa1: {  	s19 =	simm.s32 $0xBA00  }
0xa2: {  	[tilespmem:s19], [sflag:$0x3] =	stream.indirect_vreg.gather [hbm4b:s17+s12], $0x80, v3, vm0, $0xb8;
	[tilespmem:$0x18200] =	vst v63  }
0xa3: {  	s22 =	sand.u32 $0x2000, s12;
	s23 =	sand.u32 $0x1C00, s12;
	_ =	swait.ge [sflag:s0], $0x4000  }
0xa4: {  	s2 =	sor.u32 s23, s22;
	s28 =	sand.u32 $0x380, s12;
	[sflag:s0] =	ssyncset.done $0x0  }
0xa5: {  	s11 =	sor.u32 s28, s2;
	[sflag:s0] =	ssyncadd.s32 $0xFFFFC000  }
0xa6: {  	v8 =	vld [tilespmem:s11+$0x10200]  }
0xa7: {  	v7 =	vld [tilespmem:s11+$0x10210]  }
0xa8: {  	v6 =	vld [tilespmem:s11+$0x10220]  }
0xa9: {  	v5 =	vld [tilespmem:s11+$0x10230]  }
0xaa: {  	v4 =	vld [tilespmem:s11+$0x10240]  }
0xab: {  	v3 =	vld [tilespmem:s11+$0x10250]  }
0xac: {  	v13 =	vld [tilespmem:s11+$0x4200]  }
0xad: {  	v12 =	vld [tilespmem:s11+$0x4210]  }
0xae: {  	v11 =	vld [tilespmem:s11+$0x4220]  }
0xaf: {  	v10 =	vld [tilespmem:s11+$0x4230]  }
0xb0: {  	s2 =	simm.s32 $0x0;
	s15 =	simm.s32 $0x80;
	v9 =	vld [tilespmem:s11+$0x4240]  }
.LBB2_4:
0xb1: {  	p0 =	sne.s32 s15, $0x3F80;
	v13 =	vmul.f32 $3.200000000e+01, v13;
	v14 =	vld [tilespmem:s11+$0x4250]  }
0xb2: {  	s12 =	sadd.s32 $0x400, s12;
	v12 =	vmul.f32 $3.200000000e+01, v12;
	v15 =	vld [tilespmem:s11+$0x4260]  }
0xb3: {  	s19 =	sand.u32 $0x2000, s15;
	s2 =	sadd.s32 $0x10, s2;
	s22 =	sand.u32 $0x1C00, s12;
	v8 =	vadd.f32 v8, v13;
	v11 =	vmul.f32 $3.200000000e+01, v11;
	v13 =	vld [tilespmem:s11+$0x4270]  }
0xb4: {  	s19 =	sor.u32 s22, s19;
	s22 =	sand.u32 $0x380, s2;
	v7 =	vadd.f32 v7, v12;
	v10 =	vmul.f32 $3.200000000e+01, v10;
	v12 =	vld [tilespmem:s11+$0x10260]  }
0xb5: {  	s19 =	sor.u32 s22, s19;
	[tilespmem:s11+$0x4200] =	vst v8;
	v6 =	vadd.f32 v6, v11;
	v9 =	vmul.f32 $3.200000000e+01, v9;
	v11 =	vld [tilespmem:s11+$0x10270]  }
0xb6: {  	v8 =	vld [tilespmem:s19+$0x10200];
	[tilespmem:s11+$0x4210] =	vst v7;
	v5 =	vadd.f32 v5, v10;
	v10 =	vmul.f32 $3.200000000e+01, v14  }
0xb7: {  	v7 =	vld [tilespmem:s19+$0x10210];
	[tilespmem:s11+$0x4220] =	vst v6;
	v4 =	vadd.f32 v4, v9;
	v9 =	vmul.f32 $3.200000000e+01, v15  }
0xb8: {  	v6 =	vld [tilespmem:s19+$0x10220];
	[tilespmem:s11+$0x4230] =	vst v5;
	v3 =	vadd.f32 v3, v10;
	v10 =	vmul.f32 $3.200000000e+01, v13  }
0xb9: {  	v5 =	vld [tilespmem:s19+$0x10230];
	[tilespmem:s11+$0x4240] =	vst v4;
	v9 =	vadd.f32 v12, v9  }
0xba: {  	v4 =	vld [tilespmem:s19+$0x10240];
	[tilespmem:s11+$0x4250] =	vst v3;
	v10 =	vadd.f32 v11, v10  }
0xbb: {  	v3 =	vld [tilespmem:s19+$0x10250];
	[tilespmem:s11+$0x4260] =	vst v9  }
.Ltmp1:
0xbc: {  	v13 =	vld [tilespmem:s19+$0x4200];
	[tilespmem:s11+$0x4270] =	vst v10;
	s11 =	smov.u32 s19;
	(pc) =	sbr.rel @p0 .LBB2_4-.Ltmp1, $4  }
0xbd: {  	v12 =	vld [tilespmem:s11+$0x4210]  }
0xbe: {  	v11 =	vld [tilespmem:s11+$0x4220]  }
0xbf: {  	v10 =	vld [tilespmem:s11+$0x4230]  }
0xc0: {  	s15 =	sadd.s32 $0x80, s15;
	v9 =	vld [tilespmem:s11+$0x4240]  }
0xc1: {  	v13 =	vmul.f32 $3.200000000e+01, v13;
	v14 =	vld [tilespmem:s11+$0x4250]  }
0xc2: {  	v15 =	vld [tilespmem:s11+$0x4260];
	v12 =	vmul.f32 $3.200000000e+01, v12  }
0xc3: {  	v8 =	vadd.f32 v8, v13;
	v13 =	vld [tilespmem:s11+$0x4270];
	v11 =	vmul.f32 $3.200000000e+01, v11  }
0xc4: {  	v16 =	vld [tilespmem:s11+$0x10260];
	v7 =	vadd.f32 v7, v12;
	v10 =	vmul.f32 $3.200000000e+01, v10  }
0xc5: {  	[tilespmem:s11+$0x4200] =	vst v8;
	v6 =	vadd.f32 v6, v11;
	v8 =	vmul.f32 $3.200000000e+01, v9;
	v9 =	vld [tilespmem:s11+$0x10270]  }
0xc6: {  	[tilespmem:s11+$0x4210] =	vst v7;
	v5 =	vadd.f32 v5, v10;
	v7 =	vmul.f32 $3.200000000e+01, v14  }
0xc7: {  	[tilespmem:s11+$0x4220] =	vst v6;
	v4 =	vadd.f32 v4, v8;
	v6 =	vmul.f32 $3.200000000e+01, v15  }
0xc8: {  	[tilespmem:s11+$0x4230] =	vst v5;
	v3 =	vadd.f32 v3, v7;
	v5 =	vmul.f32 $3.200000000e+01, v13  }
0xc9: {  	[tilespmem:s11+$0x4240] =	vst v4;
	v4 =	vadd.f32 v16, v6  }
0xca: {  	[tilespmem:s11+$0x4250] =	vst v3;
	v3 =	vadd.f32 v9, v5  }
0xcb: {  	[tilespmem:s11+$0x4260] =	vst v4  }
0xcc: {  	s12 =	simm.s32 $0x0;
	s2 =	rddreg [dreg:$0xf];
	[tilespmem:s11+$0x4270] =	vst v3  }
0xcd: {  	[hbm4b:s2+s12] =	stream.linear.scatter [tilespmem:s24], [sflag:$0x6], $0x4000, $0x38;
	[tilespmem:$0x18200] =	vst v63  }
0xce: {  	v3 =	vld [tilespmem:$0x180];
	_ =	sdelay $0x4  }
0xcf: {  	v4 =	vshll.u32 v3, $0x3  }
0xd0: {  	v3 =	vand.u32 $0x7, v3;
	v4 =	vand.u32 $0xFFFFFFC0, v4  }
0xd1: {  	v3 =	vor.u32 v3, v4  }
0xd2: {  	v4 =	vperm.xlane v3, v0;
	_ =	sdelay $0x1  }
0xd3: {  	v4 =	vadd.s32 v1, v4;
	_ =	sdelay $0x4  }
0xd4: {  	[tilespmem:s26], [sflag:$0x4] =	stream.indirect_vreg.gather [hbm4b:s1+s12], $0x80, v4, vm0, $0xb8;
	[tilespmem:$0x18200] =	vst v63  }
0xd5: {  	s28 =	simm.s32 $0xCA00;
	v3 =	vperm.xlane v3, v2  }
0xd6: {  	[tilespmem:s28], [sflag:$0x4] =	stream.indirect_vreg.gather [hbm4b:s14+s12], $0x80, v4, vm0, $0xb8;
	[tilespmem:$0x18200] =	vst v63  }
0xd7: {  	s7 =	simm.s32 $0xD200;
	v3 =	vadd.s32 v1, v3  }
0xd8: {  	[tilespmem:s7], [sflag:$0x4] =	stream.indirect_vreg.gather [hbm4b:s16+s12], $0x80, v4, vm0, $0xb8;
	[tilespmem:$0x18200] =	vst v63  }
0xd9: {  	s8 =	simm.s32 $0xDA00  }
0xda: {  	[tilespmem:s8], [sflag:$0x4] =	stream.indirect_vreg.gather [hbm4b:s17+s12], $0x80, v4, vm0, $0xb8;
	[tilespmem:$0x18200] =	vst v63  }
0xdb: {  	s9 =	simm.s32 $0xE200  }
0xdc: {  	[tilespmem:s9], [sflag:$0x4] =	stream.indirect_vreg.gather [hbm4b:s1+s12], $0x80, v3, vm0, $0xb8;
	[tilespmem:$0x18200] =	vst v63  }
0xdd: {  	s11 =	simm.s32 $0xEA00  }
0xde: {  	[tilespmem:s11], [sflag:$0x4] =	stream.indirect_vreg.gather [hbm4b:s14+s12], $0x80, v3, vm0, $0xb8;
	[tilespmem:$0x18200] =	vst v63  }
0xdf: {  	s15 =	simm.s32 $0xF200  }
0xe0: {  	[tilespmem:s15], [sflag:$0x4] =	stream.indirect_vreg.gather [hbm4b:s16+s12], $0x80, v3, vm0, $0xb8;
	[tilespmem:$0x18200] =	vst v63  }
0xe1: {  	s19 =	simm.s32 $0xFA00  }
0xe2: {  	[tilespmem:s19], [sflag:$0x4] =	stream.indirect_vreg.gather [hbm4b:s17+s12], $0x80, v3, vm0, $0xb8;
	[tilespmem:$0x18200] =	vst v63  }
0xe3: {  	s22 =	sand.u32 $0x2000, s12;
	s23 =	sand.u32 $0x1C00, s12;
	_ =	swait.ge [sflag:s4], $0x4000  }
0xe4: {  	s2 =	sor.u32 s23, s22;
	s28 =	sand.u32 $0x380, s12;
	[sflag:s4] =	ssyncset.done $0x0  }
0xe5: {  	s11 =	sor.u32 s28, s2;
	[sflag:s4] =	ssyncadd.s32 $0xFFFFC000  }
0xe6: {  	v8 =	vld [tilespmem:s11+$0x10200]  }
0xe7: {  	v7 =	vld [tilespmem:s11+$0x10210]  }
0xe8: {  	v6 =	vld [tilespmem:s11+$0x10220]  }
0xe9: {  	v5 =	vld [tilespmem:s11+$0x10230]  }
0xea: {  	v4 =	vld [tilespmem:s11+$0x10240]  }
0xeb: {  	v3 =	vld [tilespmem:s11+$0x10250]  }
0xec: {  	v13 =	vld [tilespmem:s11+$0x8200]  }
0xed: {  	v12 =	vld [tilespmem:s11+$0x8210]  }
0xee: {  	v11 =	vld [tilespmem:s11+$0x8220]  }
0xef: {  	v10 =	vld [tilespmem:s11+$0x8230]  }
0xf0: {  	s2 =	simm.s32 $0x0;
	s15 =	simm.s32 $0x80;
	v9 =	vld [tilespmem:s11+$0x8240]  }
.LBB2_6:
0xf1: {  	p0 =	sne.s32 s15, $0x3F80;
	v13 =	vmul.f32 $3.200000000e+01, v13;
	v14 =	vld [tilespmem:s11+$0x8250]  }
0xf2: {  	s12 =	sadd.s32 $0x400, s12;
	v12 =	vmul.f32 $3.200000000e+01, v12;
	v15 =	vld [tilespmem:s11+$0x8260]  }
0xf3: {  	s19 =	sand.u32 $0x2000, s15;
	s2 =	sadd.s32 $0x10, s2;
	s22 =	sand.u32 $0x1C00, s12;
	v8 =	vadd.f32 v8, v13;
	v11 =	vmul.f32 $3.200000000e+01, v11;
	v13 =	vld [tilespmem:s11+$0x8270]  }
0xf4: {  	s19 =	sor.u32 s22, s19;
	s22 =	sand.u32 $0x380, s2;
	v7 =	vadd.f32 v7, v12;
	v10 =	vmul.f32 $3.200000000e+01, v10;
	v12 =	vld [tilespmem:s11+$0x10260]  }
0xf5: {  	s19 =	sor.u32 s22, s19;
	[tilespmem:s11+$0x8200] =	vst v8;
	v6 =	vadd.f32 v6, v11;
	v9 =	vmul.f32 $3.200000000e+01, v9;
	v11 =	vld [tilespmem:s11+$0x10270]  }
0xf6: {  	v8 =	vld [tilespmem:s19+$0x10200];
	[tilespmem:s11+$0x8210] =	vst v7;
	v5 =	vadd.f32 v5, v10;
	v10 =	vmul.f32 $3.200000000e+01, v14  }
0xf7: {  	v7 =	vld [tilespmem:s19+$0x10210];
	[tilespmem:s11+$0x8220] =	vst v6;
	v4 =	vadd.f32 v4, v9;
	v9 =	vmul.f32 $3.200000000e+01, v15  }
0xf8: {  	v6 =	vld [tilespmem:s19+$0x10220];
	[tilespmem:s11+$0x8230] =	vst v5;
	v3 =	vadd.f32 v3, v10;
	v10 =	vmul.f32 $3.200000000e+01, v13  }
0xf9: {  	v5 =	vld [tilespmem:s19+$0x10230];
	[tilespmem:s11+$0x8240] =	vst v4;
	v9 =	vadd.f32 v12, v9  }
0xfa: {  	v4 =	vld [tilespmem:s19+$0x10240];
	[tilespmem:s11+$0x8250] =	vst v3;
	v10 =	vadd.f32 v11, v10  }
0xfb: {  	v3 =	vld [tilespmem:s19+$0x10250];
	[tilespmem:s11+$0x8260] =	vst v9  }
.Ltmp2:
0xfc: {  	v13 =	vld [tilespmem:s19+$0x8200];
	[tilespmem:s11+$0x8270] =	vst v10;
	s11 =	smov.u32 s19;
	(pc) =	sbr.rel @p0 .LBB2_6-.Ltmp2, $4  }
0xfd: {  	v12 =	vld [tilespmem:s11+$0x8210]  }
0xfe: {  	v11 =	vld [tilespmem:s11+$0x8220]  }
0xff: {  	v10 =	vld [tilespmem:s11+$0x8230]  }
0x100: {  	s15 =	sadd.s32 $0x80, s15;
	v9 =	vld [tilespmem:s11+$0x8240]  }
0x101: {  	v13 =	vmul.f32 $3.200000000e+01, v13;
	v14 =	vld [tilespmem:s11+$0x8250]  }
0x102: {  	v15 =	vld [tilespmem:s11+$0x8260];
	v12 =	vmul.f32 $3.200000000e+01, v12  }
0x103: {  	v8 =	vadd.f32 v8, v13;
	v13 =	vld [tilespmem:s11+$0x8270];
	v11 =	vmul.f32 $3.200000000e+01, v11  }
0x104: {  	v16 =	vld [tilespmem:s11+$0x10260];
	v7 =	vadd.f32 v7, v12;
	v10 =	vmul.f32 $3.200000000e+01, v10  }
0x105: {  	[tilespmem:s11+$0x8200] =	vst v8;
	v6 =	vadd.f32 v6, v11;
	v8 =	vmul.f32 $3.200000000e+01, v9;
	v9 =	vld [tilespmem:s11+$0x10270]  }
0x106: {  	[tilespmem:s11+$0x8210] =	vst v7;
	v5 =	vadd.f32 v5, v10;
	v7 =	vmul.f32 $3.200000000e+01, v14  }
0x107: {  	[tilespmem:s11+$0x8220] =	vst v6;
	v4 =	vadd.f32 v4, v8;
	v6 =	vmul.f32 $3.200000000e+01, v15  }
0x108: {  	[tilespmem:s11+$0x8230] =	vst v5;
	v3 =	vadd.f32 v3, v7;
	v5 =	vmul.f32 $3.200000000e+01, v13  }
0x109: {  	[tilespmem:s11+$0x8240] =	vst v4;
	v4 =	vadd.f32 v16, v6  }
0x10a: {  	[tilespmem:s11+$0x8250] =	vst v3;
	v3 =	vadd.f32 v9, v5  }
0x10b: {  	[tilespmem:s11+$0x8260] =	vst v4  }
0x10c: {  	s2 =	rddreg [dreg:$0x10];
	[tilespmem:s11+$0x8270] =	vst v3;
	s11 =	simm.s32 $0x0  }
0x10d: {  	[hbm4b:s2+s11] =	stream.linear.scatter [tilespmem:s10], [sflag:$0x7], $0x4000, $0x38;
	[tilespmem:$0x18200] =	vst v63  }
0x10e: {  	_ =	swait.ge [sflag:s13], $0x4000  }
0x10f: {  	[sflag:s13] =	ssyncset.done $0x0  }
0x110: {  	[sflag:s13] =	ssyncadd.s32 $0xFFFFC000  }
0x111: {  	v3 =	vld [tilespmem:$0x10];
	_ =	sdelay $0x4  }
0x112: {  	v4 =	vshll.u32 v3, $0x3  }
0x113: {  	v3 =	vand.u32 $0x7, v3;
	v4 =	vand.u32 $0xFFFFFFC0, v4  }
0x114: {  	v3 =	vor.u32 v3, v4  }
0x115: {  	v4 =	vperm.xlane v3, v0;
	_ =	sdelay $0x1  }
0x116: {  	v4 =	vadd.s32 v1, v4;
	_ =	sdelay $0x4  }
0x117: {  	[tilespmem:s31], [sflag:$0x1] =	stream.indirect_vreg.gather [hbm4b:s1+s11], $0x80, v4, vm0, $0xb8;
	[tilespmem:$0x18200] =	vst v63  }
0x118: {  	s7 =	simm.s32 $0xA00;
	v3 =	vperm.xlane v3, v2  }
0x119: {  	[tilespmem:s7], [sflag:$0x1] =	stream.indirect_vreg.gather [hbm4b:s14+s11], $0x80, v4, vm0, $0xb8;
	[tilespmem:$0x18200] =	vst v63  }
0x11a: {  	s8 =	simm.s32 $0x1200;
	v3 =	vadd.s32 v1, v3  }
0x11b: {  	[tilespmem:s8], [sflag:$0x1] =	stream.indirect_vreg.gather [hbm4b:s16+s11], $0x80, v4, vm0, $0xb8;
	[tilespmem:$0x18200] =	vst v63  }
0x11c: {  	s9 =	simm.s32 $0x1A00  }
0x11d: {  	[tilespmem:s9], [sflag:$0x1] =	stream.indirect_vreg.gather [hbm4b:s17+s11], $0x80, v4, vm0, $0xb8;
	[tilespmem:$0x18200] =	vst v63  }
0x11e: {  	s12 =	simm.s32 $0x2200  }
0x11f: {  	[tilespmem:s12], [sflag:$0x1] =	stream.indirect_vreg.gather [hbm4b:s1+s11], $0x80, v3, vm0, $0xb8;
	[tilespmem:$0x18200] =	vst v63  }
0x120: {  	s15 =	simm.s32 $0x2A00  }
0x121: {  	[tilespmem:s15], [sflag:$0x1] =	stream.indirect_vreg.gather [hbm4b:s14+s11], $0x80, v3, vm0, $0xb8;
	[tilespmem:$0x18200] =	vst v63  }
0x122: {  	s19 =	simm.s32 $0x3200  }
0x123: {  	[tilespmem:s19], [sflag:$0x1] =	stream.indirect_vreg.gather [hbm4b:s16+s11], $0x80, v3, vm0, $0xb8;
	[tilespmem:$0x18200] =	vst v63  }
0x124: {  	s22 =	simm.s32 $0x3A00  }
0x125: {  	[tilespmem:s22], [sflag:$0x1] =	stream.indirect_vreg.gather [hbm4b:s17+s11], $0x80, v3, vm0, $0xb8;
	[tilespmem:$0x18200] =	vst v63  }
0x126: {  	s23 =	sand.u32 $0x2000, s11;
	s12 =	sand.u32 $0x1C00, s11;
	_ =	swait.ge [sflag:s29], $0x4000  }
0x127: {  	s28 =	sand.u32 $0x380, s11;
	s2 =	sor.u32 s12, s23;
	[sflag:s29] =	ssyncset.done $0x0  }
0x128: {  	s12 =	sor.u32 s28, s2;
	[sflag:s29] =	ssyncadd.s32 $0xFFFFC000  }
0x129: {  	v8 =	vld [tilespmem:s12+$0x10200]  }
0x12a: {  	v7 =	vld [tilespmem:s12+$0x10210]  }
0x12b: {  	v6 =	vld [tilespmem:s12+$0x10220]  }
0x12c: {  	v5 =	vld [tilespmem:s12+$0x10230]  }
0x12d: {  	v4 =	vld [tilespmem:s12+$0x10240]  }
0x12e: {  	v3 =	vld [tilespmem:s12+$0x10250]  }
0x12f: {  	v13 =	vld [tilespmem:s12+$0xC200]  }
0x130: {  	v12 =	vld [tilespmem:s12+$0xC210]  }
0x131: {  	v11 =	vld [tilespmem:s12+$0xC220]  }
0x132: {  	v10 =	vld [tilespmem:s12+$0xC230]  }
0x133: {  	s15 =	simm.s32 $0x80;
	s2 =	simm.s32 $0x0;
	v9 =	vld [tilespmem:s12+$0xC240]  }
.LBB2_8:
0x134: {  	p0 =	sne.s32 s15, $0x3F80;
	v13 =	vmul.f32 $3.200000000e+01, v13;
	v14 =	vld [tilespmem:s12+$0xC250]  }
0x135: {  	s11 =	sadd.s32 $0x400, s11;
	v12 =	vmul.f32 $3.200000000e+01, v12;
	v15 =	vld [tilespmem:s12+$0xC260]  }
0x136: {  	s19 =	sand.u32 $0x2000, s15;
	s2 =	sadd.s32 $0x10, s2;
	s22 =	sand.u32 $0x1C00, s11;
	v8 =	vadd.f32 v8, v13;
	v11 =	vmul.f32 $3.200000000e+01, v11;
	v13 =	vld [tilespmem:s12+$0xC270]  }
0x137: {  	s19 =	sor.u32 s22, s19;
	s22 =	sand.u32 $0x380, s2;
	v7 =	vadd.f32 v7, v12;
	v10 =	vmul.f32 $3.200000000e+01, v10;
	v12 =	vld [tilespmem:s12+$0x10260]  }
0x138: {  	s19 =	sor.u32 s22, s19;
	[tilespmem:s12+$0xC200] =	vst v8;
	v6 =	vadd.f32 v6, v11;
	v9 =	vmul.f32 $3.200000000e+01, v9;
	v11 =	vld [tilespmem:s12+$0x10270]  }
0x139: {  	v8 =	vld [tilespmem:s19+$0x10200];
	[tilespmem:s12+$0xC210] =	vst v7;
	v5 =	vadd.f32 v5, v10;
	v10 =	vmul.f32 $3.200000000e+01, v14  }
0x13a: {  	v7 =	vld [tilespmem:s19+$0x10210];
	[tilespmem:s12+$0xC220] =	vst v6;
	v4 =	vadd.f32 v4, v9;
	v9 =	vmul.f32 $3.200000000e+01, v15  }
0x13b: {  	v6 =	vld [tilespmem:s19+$0x10220];
	[tilespmem:s12+$0xC230] =	vst v5;
	v3 =	vadd.f32 v3, v10;
	v10 =	vmul.f32 $3.200000000e+01, v13  }
0x13c: {  	v5 =	vld [tilespmem:s19+$0x10230];
	[tilespmem:s12+$0xC240] =	vst v4;
	v9 =	vadd.f32 v12, v9  }
0x13d: {  	v4 =	vld [tilespmem:s19+$0x10240];
	[tilespmem:s12+$0xC250] =	vst v3;
	v10 =	vadd.f32 v11, v10  }
0x13e: {  	v3 =	vld [tilespmem:s19+$0x10250];
	[tilespmem:s12+$0xC260] =	vst v9  }
.Ltmp3:
0x13f: {  	v13 =	vld [tilespmem:s19+$0xC200];
	[tilespmem:s12+$0xC270] =	vst v10;
	s12 =	smov.u32 s19;
	(pc) =	sbr.rel @p0 .LBB2_8-.Ltmp3, $4  }
0x140: {  	v12 =	vld [tilespmem:s12+$0xC210]  }
0x141: {  	v11 =	vld [tilespmem:s12+$0xC220]  }
0x142: {  	v10 =	vld [tilespmem:s12+$0xC230]  }
0x143: {  	s15 =	sadd.s32 $0x80, s15;
	v9 =	vld [tilespmem:s12+$0xC240]  }
0x144: {  	v13 =	vmul.f32 $3.200000000e+01, v13;
	v14 =	vld [tilespmem:s12+$0xC250]  }
0x145: {  	v15 =	vld [tilespmem:s12+$0xC260];
	v12 =	vmul.f32 $3.200000000e+01, v12  }
0x146: {  	v57 =	vld [tilespmem:s12+$0xC270];
	v8 =	vadd.f32 v8, v13;
	v11 =	vmul.f32 $3.200000000e+01, v11  }
0x147: {  	v16 =	vld [tilespmem:s12+$0x10260];
	v7 =	vadd.f32 v7, v12;
	v10 =	vmul.f32 $3.200000000e+01, v10  }
0x148: {  	v59 =	vld [tilespmem:s12+$0x10270];
	[tilespmem:s12+$0xC200] =	vst v8;
	v6 =	vadd.f32 v6, v11;
	v58 =	vmul.f32 $3.200000000e+01, v9  }
0x149: {  	[tilespmem:s12+$0xC210] =	vst v7;
	v5 =	vadd.f32 v5, v10;
	v60 =	vmul.f32 $3.200000000e+01, v14  }
0x14a: {  	v61 =	vmul.f32 $3.200000000e+01, v15;
	[tilespmem:s12+$0xC220] =	vst v6;
	v4 =	vadd.f32 v4, v58  }
0x14b: {  	v62 =	vmul.f32 $3.200000000e+01, v57;
	[tilespmem:s12+$0xC230] =	vst v5;
	v3 =	vadd.f32 v3, v60  }
0x14c: {  	v63 =	vadd.f32 v16, v61;
	[tilespmem:s12+$0xC240] =	vst v4  }
0x14d: {  	[tilespmem:s12+$0xC250] =	vst v3;
	v3 =	vadd.f32 v59, v62  }
0x14e: {  	[tilespmem:s12+$0xC260] =	vst v63  }
0x14f: {  	s2 =	rddreg [dreg:$0x11];
	s28 =	simm.s32 $0x0;
	[tilespmem:s12+$0xC270] =	vst v3  }
0x150: {  	[hbm4b:s2+s25] =	stream.linear.scatter [tilespmem:s26], [sflag:$0x8], $0x4000, $0x38;
	[tilespmem:$0x18200] =	vst v63  }
.LBB2_10:
0x151: {  	s19 =	sshll.u32 s28, $0x5  }
0x152: {  	s15 =	sadd.s32 $0x20, s19  }
0x153: {  	s2 =	sadd.s32 s6, s15  }
0x154: {  	s22 =	sshll.u32 s2, $0x7  }
0x155: {  	s7 =	simm.s32 $0x10200;
	s2 =	sadd.s32 s30, s22  }
0x156: {  	[tilespmem:s7], [sflag:$0x9] =	stream.linear.gather [hbm4b:s2+s25], $0x4000, $0x38;
	[tilespmem:$0x18200] =	vst v63  }
0x157: {  	_ =	swait.ge [sflag:s18], $0x4000  }
0x158: {  	[sflag:s18] =	ssyncset.done $0x0  }
0x159: {  	[sflag:s18] =	ssyncadd.s32 $0xFFFFC000  }
0x15a: {  	v3 =	vld [tilespmem:s19+$0x90];
	_ =	sdelay $0x4  }
0x15b: {  	v4 =	vshll.u32 v3, $0x3  }
0x15c: {  	v3 =	vand.u32 $0x7, v3;
	v4 =	vand.u32 $0xFFFFFFC0, v4  }
0x15d: {  	v3 =	vor.u32 v3, v4  }
0x15e: {  	v4 =	vperm.xlane v3, v0;
	_ =	sdelay $0x1  }
0x15f: {  	v4 =	vadd.s32 v1, v4;
	_ =	sdelay $0x4  }
0x160: {  	[tilespmem:s24], [sflag:$0x2] =	stream.indirect_vreg.gather [hbm4b:s1+s25], $0x80, v4, vm0, $0xb8;
	[tilespmem:$0x18200] =	vst v63  }
0x161: {  	s11 =	simm.s32 $0x4A00;
	v3 =	vperm.xlane v3, v2  }
0x162: {  	[tilespmem:s11], [sflag:$0x2] =	stream.indirect_vreg.gather [hbm4b:s14+s25], $0x80, v4, vm0, $0xb8;
	[tilespmem:$0x18200] =	vst v63  }
0x163: {  	s12 =	simm.s32 $0x5200;
	v3 =	vadd.s32 v1, v3  }
0x164: {  	[tilespmem:s12], [sflag:$0x2] =	stream.indirect_vreg.gather [hbm4b:s16+s25], $0x80, v4, vm0, $0xb8;
	[tilespmem:$0x18200] =	vst v63  }
0x165: {  	s23 =	simm.s32 $0x5A00  }
0x166: {  	[tilespmem:s23], [sflag:$0x2] =	stream.indirect_vreg.gather [hbm4b:s17+s25], $0x80, v4, vm0, $0xb8;
	[tilespmem:$0x18200] =	vst v63  }
0x167: {  	s9 =	smov.u32 s30;
	s30 =	simm.s32 $0x6200  }
0x168: {  	[tilespmem:s30], [sflag:$0x2] =	stream.indirect_vreg.gather [hbm4b:s1+s25], $0x80, v3, vm0, $0xb8;
	[tilespmem:$0x18200] =	vst v63  }
0x169: {  	s7 =	simm.s32 $0x6A00  }
0x16a: {  	[tilespmem:s7], [sflag:$0x2] =	stream.indirect_vreg.gather [hbm4b:s14+s25], $0x80, v3, vm0, $0xb8;
	[tilespmem:$0x18200] =	vst v63  }
0x16b: {  	s8 =	simm.s32 $0x7200  }
0x16c: {  	[tilespmem:s8], [sflag:$0x2] =	stream.indirect_vreg.gather [hbm4b:s16+s25], $0x80, v3, vm0, $0xb8;
	[tilespmem:$0x18200] =	vst v63  }
0x16d: {  	s11 =	simm.s32 $0x7A00  }
0x16e: {  	[tilespmem:s11], [sflag:$0x2] =	stream.indirect_vreg.gather [hbm4b:s17+s25], $0x80, v3, vm0, $0xb8;
	[tilespmem:$0x18200] =	vst v63  }
0x16f: {  	_ =	swait.ge [sflag:s5], $0x4000  }
0x170: {  	[sflag:s5] =	ssyncset.done $0x0  }
0x171: {  	s12 =	simm.s32 $0xA;
	[sflag:s5] =	ssyncadd.s32 $0xFFFFC000  }
0x172: {  	s23 =	sand.u32 $0x2000, s25;
	s11 =	sand.u32 $0x1C00, s25;
	_ =	swait.ge [sflag:s12], $0x4000  }
0x173: {  	s30 =	sand.u32 $0x380, s25;
	s2 =	sor.u32 s11, s23;
	[sflag:s12] =	ssyncset.done $0x0  }
0x174: {  	s11 =	sor.u32 s30, s2;
	[sflag:s12] =	ssyncadd.s32 $0xFFFFC000  }
0x175: {  	v8 =	vld [tilespmem:s11+$0x14200]  }
0x176: {  	v7 =	vld [tilespmem:s11+$0x14210]  }
0x177: {  	v6 =	vld [tilespmem:s11+$0x14220]  }
0x178: {  	v5 =	vld [tilespmem:s11+$0x14230]  }
0x179: {  	v4 =	vld [tilespmem:s11+$0x14240]  }
0x17a: {  	v3 =	vld [tilespmem:s11+$0x14250]  }
0x17b: {  	v13 =	vld [tilespmem:s11+$0x200]  }
0x17c: {  	v12 =	vld [tilespmem:s11+$0x210]  }
0x17d: {  	v11 =	vld [tilespmem:s11+$0x220]  }
0x17e: {  	v10 =	vld [tilespmem:s11+$0x230]  }
0x17f: {  	s23 =	simm.s32 $0x0;
	s2 =	simm.s32 $0x0;
	s12 =	simm.s32 $0x80;
	v9 =	vld [tilespmem:s11+$0x240]  }
.LBB2_11:
0x180: {  	p0 =	sne.s32 s12, $0x3F80;
	v13 =	vmul.f32 $3.200000000e+01, v13;
	v14 =	vld [tilespmem:s11+$0x250]  }
0x181: {  	s23 =	sadd.s32 $0x400, s23;
	v12 =	vmul.f32 $3.200000000e+01, v12;
	v15 =	vld [tilespmem:s11+$0x260]  }
0x182: {  	s30 =	sand.u32 $0x2000, s12;
	s2 =	sadd.s32 $0x10, s2;
	s7 =	sand.u32 $0x1C00, s23;
	v8 =	vadd.f32 v8, v13;
	v11 =	vmul.f32 $3.200000000e+01, v11;
	v13 =	vld [tilespmem:s11+$0x270]  }
0x183: {  	s7 =	sor.u32 s7, s30;
	s30 =	sand.u32 $0x380, s2;
	v7 =	vadd.f32 v7, v12;
	v10 =	vmul.f32 $3.200000000e+01, v10;
	v12 =	vld [tilespmem:s11+$0x14260]  }
0x184: {  	s7 =	sor.u32 s30, s7;
	[tilespmem:s11+$0x200] =	vst v8;
	v6 =	vadd.f32 v6, v11;
	v9 =	vmul.f32 $3.200000000e+01, v9;
	v11 =	vld [tilespmem:s11+$0x14270]  }
0x185: {  	v8 =	vld [tilespmem:s7+$0x14200];
	[tilespmem:s11+$0x210] =	vst v7;
	v5 =	vadd.f32 v5, v10;
	v10 =	vmul.f32 $3.200000000e+01, v14  }
0x186: {  	v7 =	vld [tilespmem:s7+$0x14210];
	[tilespmem:s11+$0x220] =	vst v6;
	v4 =	vadd.f32 v4, v9;
	v9 =	vmul.f32 $3.200000000e+01, v15  }
0x187: {  	v6 =	vld [tilespmem:s7+$0x14220];
	[tilespmem:s11+$0x230] =	vst v5;
	v3 =	vadd.f32 v3, v10;
	v10 =	vmul.f32 $3.200000000e+01, v13  }
0x188: {  	v5 =	vld [tilespmem:s7+$0x14230];
	[tilespmem:s11+$0x240] =	vst v4;
	v9 =	vadd.f32 v12, v9  }
0x189: {  	v4 =	vld [tilespmem:s7+$0x14240];
	[tilespmem:s11+$0x250] =	vst v3;
	v10 =	vadd.f32 v11, v10  }
0x18a: {  	v3 =	vld [tilespmem:s7+$0x14250];
	[tilespmem:s11+$0x260] =	vst v9  }
.Ltmp4:
0x18b: {  	v13 =	vld [tilespmem:s7+$0x200];
	[tilespmem:s11+$0x270] =	vst v10;
	s11 =	smov.u32 s7;
	(pc) =	sbr.rel @p0 .LBB2_11-.Ltmp4, $4  }
0x18c: {  	v12 =	vld [tilespmem:s11+$0x210]  }
0x18d: {  	v11 =	vld [tilespmem:s11+$0x220]  }
0x18e: {  	v10 =	vld [tilespmem:s11+$0x230]  }
0x18f: {  	s12 =	sadd.s32 $0x80, s12;
	v9 =	vld [tilespmem:s11+$0x240]  }
0x190: {  	v13 =	vmul.f32 $3.200000000e+01, v13;
	v14 =	vld [tilespmem:s11+$0x250]  }
0x191: {  	v15 =	vld [tilespmem:s11+$0x260];
	v12 =	vmul.f32 $3.200000000e+01, v12  }
0x192: {  	v8 =	vadd.f32 v8, v13;
	v13 =	vld [tilespmem:s11+$0x270];
	v11 =	vmul.f32 $3.200000000e+01, v11  }
0x193: {  	v16 =	vld [tilespmem:s11+$0x14260];
	v7 =	vadd.f32 v7, v12;
	v10 =	vmul.f32 $3.200000000e+01, v10  }
0x194: {  	[tilespmem:s11+$0x200] =	vst v8;
	v6 =	vadd.f32 v6, v11;
	v8 =	vmul.f32 $3.200000000e+01, v9;
	v9 =	vld [tilespmem:s11+$0x14270]  }
0x195: {  	[tilespmem:s11+$0x210] =	vst v7;
	v5 =	vadd.f32 v5, v10;
	v7 =	vmul.f32 $3.200000000e+01, v14  }
0x196: {  	[tilespmem:s11+$0x220] =	vst v6;
	v4 =	vadd.f32 v4, v8;
	v6 =	vmul.f32 $3.200000000e+01, v15  }
0x197: {  	[tilespmem:s11+$0x230] =	vst v5;
	v3 =	vadd.f32 v3, v7;
	v5 =	vmul.f32 $3.200000000e+01, v13  }
0x198: {  	s23 =	sor.u32 $0x10, s19;
	[tilespmem:s11+$0x240] =	vst v4;
	v4 =	vadd.f32 v16, v6  }
0x199: {  	s2 =	sadd.s32 s6, s23;
	[tilespmem:s11+$0x250] =	vst v3;
	v3 =	vadd.f32 v9, v5  }
0x19a: {  	s2 =	sshll.u32 s2, $0x7;
	[tilespmem:s11+$0x260] =	vst v4  }
0x19b: {  	s12 =	simm.s32 $0x0;
	s2 =	sadd.s32 s3, s2;
	[tilespmem:s11+$0x270] =	vst v3  }
0x19c: {  	[hbm4b:s2+s12] =	stream.linear.scatter [tilespmem:s31], [sflag:$0x5], $0x4000, $0x38;
	[tilespmem:$0x18200] =	vst v63  }
0x19d: {  	_ =	swait.ge [sflag:s20], $0x4000  }
0x19e: {  	[sflag:s20] =	ssyncset.done $0x0  }
0x19f: {  	[sflag:s20] =	ssyncadd.s32 $0xFFFFC000  }
0x1a0: {  	v3 =	vld [tilespmem:s19+$0x110];
	_ =	sdelay $0x4  }
0x1a1: {  	v4 =	vshll.u32 v3, $0x3  }
0x1a2: {  	v3 =	vand.u32 $0x7, v3;
	v4 =	vand.u32 $0xFFFFFFC0, v4  }
0x1a3: {  	v3 =	vor.u32 v3, v4  }
0x1a4: {  	v4 =	vperm.xlane v3, v0;
	_ =	sdelay $0x1  }
0x1a5: {  	v4 =	vadd.s32 v1, v4;
	_ =	sdelay $0x4  }
0x1a6: {  	[tilespmem:s10], [sflag:$0x3] =	stream.indirect_vreg.gather [hbm4b:s1+s12], $0x80, v4, vm0, $0xb8;
	[tilespmem:$0x18200] =	vst v63  }
0x1a7: {  	s7 =	simm.s32 $0x8A00;
	v3 =	vperm.xlane v3, v2  }
0x1a8: {  	[tilespmem:s7], [sflag:$0x3] =	stream.indirect_vreg.gather [hbm4b:s14+s12], $0x80, v4, vm0, $0xb8;
	[tilespmem:$0x18200] =	vst v63  }
0x1a9: {  	s8 =	simm.s32 $0x9200;
	v3 =	vadd.s32 v1, v3  }
0x1aa: {  	[tilespmem:s8], [sflag:$0x3] =	stream.indirect_vreg.gather [hbm4b:s16+s12], $0x80, v4, vm0, $0xb8;
	[tilespmem:$0x18200] =	vst v63  }
0x1ab: {  	s11 =	simm.s32 $0x9A00  }
0x1ac: {  	[tilespmem:s11], [sflag:$0x3] =	stream.indirect_vreg.gather [hbm4b:s17+s12], $0x80, v4, vm0, $0xb8;
	[tilespmem:$0x18200] =	vst v63  }
0x1ad: {  	s7 =	simm.s32 $0xA200  }
0x1ae: {  	[tilespmem:s7], [sflag:$0x3] =	stream.indirect_vreg.gather [hbm4b:s1+s12], $0x80, v3, vm0, $0xb8;
	[tilespmem:$0x18200] =	vst v63  }
0x1af: {  	s8 =	simm.s32 $0xAA00  }
0x1b0: {  	[tilespmem:s8], [sflag:$0x3] =	stream.indirect_vreg.gather [hbm4b:s14+s12], $0x80, v3, vm0, $0xb8;
	[tilespmem:$0x18200] =	vst v63  }
0x1b1: {  	s11 =	simm.s32 $0xB200  }
0x1b2: {  	[tilespmem:s11], [sflag:$0x3] =	stream.indirect_vreg.gather [hbm4b:s16+s12], $0x80, v3, vm0, $0xb8;
	[tilespmem:$0x18200] =	vst v63  }
0x1b3: {  	s7 =	simm.s32 $0xBA00  }
0x1b4: {  	[tilespmem:s7], [sflag:$0x3] =	stream.indirect_vreg.gather [hbm4b:s17+s12], $0x80, v3, vm0, $0xb8;
	[tilespmem:$0x18200] =	vst v63  }
0x1b5: {  	s8 =	sand.u32 $0x2000, s12;
	s7 =	sand.u32 $0x1C00, s12;
	_ =	swait.ge [sflag:s0], $0x4000  }
0x1b6: {  	s11 =	sand.u32 $0x380, s12;
	s2 =	sor.u32 s7, s8;
	[sflag:s0] =	ssyncset.done $0x0  }
0x1b7: {  	s11 =	sor.u32 s11, s2;
	[sflag:s0] =	ssyncadd.s32 $0xFFFFC000  }
0x1b8: {  	v8 =	vld [tilespmem:s11+$0x14200]  }
0x1b9: {  	v7 =	vld [tilespmem:s11+$0x14210]  }
0x1ba: {  	v6 =	vld [tilespmem:s11+$0x14220]  }
0x1bb: {  	v5 =	vld [tilespmem:s11+$0x14230]  }
0x1bc: {  	v4 =	vld [tilespmem:s11+$0x14240]  }
0x1bd: {  	v3 =	vld [tilespmem:s11+$0x14250]  }
0x1be: {  	v13 =	vld [tilespmem:s11+$0x4200]  }
0x1bf: {  	v12 =	vld [tilespmem:s11+$0x4210]  }
0x1c0: {  	v11 =	vld [tilespmem:s11+$0x4220]  }
0x1c1: {  	v10 =	vld [tilespmem:s11+$0x4230]  }
0x1c2: {  	s30 =	simm.s32 $0x0;
	s2 =	simm.s32 $0x80;
	v9 =	vld [tilespmem:s11+$0x4240]  }
.LBB2_13:
0x1c3: {  	p0 =	sne.s32 s2, $0x3F80;
	v13 =	vmul.f32 $3.200000000e+01, v13;
	v14 =	vld [tilespmem:s11+$0x4250]  }
0x1c4: {  	s12 =	sadd.s32 $0x400, s12;
	v12 =	vmul.f32 $3.200000000e+01, v12;
	v15 =	vld [tilespmem:s11+$0x4260]  }
0x1c5: {  	s7 =	sand.u32 $0x2000, s2;
	s30 =	sadd.s32 $0x10, s30;
	s8 =	sand.u32 $0x1C00, s12;
	v8 =	vadd.f32 v8, v13;
	v11 =	vmul.f32 $3.200000000e+01, v11;
	v13 =	vld [tilespmem:s11+$0x4270]  }
0x1c6: {  	s7 =	sor.u32 s8, s7;
	s8 =	sand.u32 $0x380, s30;
	v7 =	vadd.f32 v7, v12;
	v10 =	vmul.f32 $3.200000000e+01, v10;
	v12 =	vld [tilespmem:s11+$0x14260]  }
0x1c7: {  	s7 =	sor.u32 s8, s7;
	[tilespmem:s11+$0x4200] =	vst v8;
	v6 =	vadd.f32 v6, v11;
	v9 =	vmul.f32 $3.200000000e+01, v9;
	v11 =	vld [tilespmem:s11+$0x14270]  }
0x1c8: {  	v8 =	vld [tilespmem:s7+$0x14200];
	[tilespmem:s11+$0x4210] =	vst v7;
	v5 =	vadd.f32 v5, v10;
	v10 =	vmul.f32 $3.200000000e+01, v14  }
0x1c9: {  	v7 =	vld [tilespmem:s7+$0x14210];
	[tilespmem:s11+$0x4220] =	vst v6;
	v4 =	vadd.f32 v4, v9;
	v9 =	vmul.f32 $3.200000000e+01, v15  }
0x1ca: {  	v6 =	vld [tilespmem:s7+$0x14220];
	[tilespmem:s11+$0x4230] =	vst v5;
	v3 =	vadd.f32 v3, v10;
	v10 =	vmul.f32 $3.200000000e+01, v13  }
0x1cb: {  	v5 =	vld [tilespmem:s7+$0x14230];
	[tilespmem:s11+$0x4240] =	vst v4;
	v9 =	vadd.f32 v12, v9  }
0x1cc: {  	v4 =	vld [tilespmem:s7+$0x14240];
	[tilespmem:s11+$0x4250] =	vst v3;
	v10 =	vadd.f32 v11, v10  }
0x1cd: {  	v3 =	vld [tilespmem:s7+$0x14250];
	[tilespmem:s11+$0x4260] =	vst v9  }
.Ltmp5:
0x1ce: {  	v13 =	vld [tilespmem:s7+$0x4200];
	[tilespmem:s11+$0x4270] =	vst v10;
	s11 =	smov.u32 s7;
	(pc) =	sbr.rel @p0 .LBB2_13-.Ltmp5, $4  }
0x1cf: {  	v12 =	vld [tilespmem:s11+$0x4210]  }
0x1d0: {  	v11 =	vld [tilespmem:s11+$0x4220]  }
0x1d1: {  	v10 =	vld [tilespmem:s11+$0x4230]  }
0x1d2: {  	s2 =	sadd.s32 $0x80, s2;
	v9 =	vld [tilespmem:s11+$0x4240]  }
0x1d3: {  	v13 =	vmul.f32 $3.200000000e+01, v13;
	v14 =	vld [tilespmem:s11+$0x4250]  }
0x1d4: {  	v15 =	vld [tilespmem:s11+$0x4260];
	v12 =	vmul.f32 $3.200000000e+01, v12  }
0x1d5: {  	v8 =	vadd.f32 v8, v13;
	v13 =	vld [tilespmem:s11+$0x4270];
	v11 =	vmul.f32 $3.200000000e+01, v11  }
0x1d6: {  	v16 =	vld [tilespmem:s11+$0x14260];
	v7 =	vadd.f32 v7, v12;
	v10 =	vmul.f32 $3.200000000e+01, v10  }
0x1d7: {  	[tilespmem:s11+$0x4200] =	vst v8;
	v6 =	vadd.f32 v6, v11;
	v8 =	vmul.f32 $3.200000000e+01, v9;
	v9 =	vld [tilespmem:s11+$0x14270]  }
0x1d8: {  	[tilespmem:s11+$0x4210] =	vst v7;
	v5 =	vadd.f32 v5, v10;
	v7 =	vmul.f32 $3.200000000e+01, v14  }
0x1d9: {  	[tilespmem:s11+$0x4220] =	vst v6;
	v4 =	vadd.f32 v4, v8;
	v6 =	vmul.f32 $3.200000000e+01, v15  }
0x1da: {  	[tilespmem:s11+$0x4230] =	vst v5;
	v3 =	vadd.f32 v3, v7;
	v5 =	vmul.f32 $3.200000000e+01, v13  }
0x1db: {  	s2 =	rddreg [dreg:$0x5];
	[tilespmem:s11+$0x4240] =	vst v4;
	v4 =	vadd.f32 v16, v6  }
0x1dc: {  	s2 =	sadd.s32 s2, s23;
	[tilespmem:s11+$0x4250] =	vst v3;
	v3 =	vadd.f32 v9, v5  }
0x1dd: {  	s2 =	sshll.u32 s2, $0x7;
	[tilespmem:s11+$0x4260] =	vst v4  }
0x1de: {  	s12 =	simm.s32 $0x0;
	s2 =	sadd.s32 s3, s2;
	[tilespmem:s11+$0x4270] =	vst v3  }
0x1df: {  	[hbm4b:s2+s12] =	stream.linear.scatter [tilespmem:s24], [sflag:$0x6], $0x4000, $0x38;
	[tilespmem:$0x18200] =	vst v63  }
0x1e0: {  	_ =	swait.ge [sflag:s21], $0x4000  }
0x1e1: {  	[sflag:s21] =	ssyncset.done $0x0  }
0x1e2: {  	[sflag:s21] =	ssyncadd.s32 $0xFFFFC000  }
0x1e3: {  	v3 =	vld [tilespmem:s19+$0x190];
	_ =	sdelay $0x4  }
0x1e4: {  	v4 =	vshll.u32 v3, $0x3  }
0x1e5: {  	v3 =	vand.u32 $0x7, v3;
	v4 =	vand.u32 $0xFFFFFFC0, v4  }
0x1e6: {  	v3 =	vor.u32 v3, v4  }
0x1e7: {  	v4 =	vperm.xlane v3, v0;
	_ =	sdelay $0x1  }
0x1e8: {  	v4 =	vadd.s32 v1, v4;
	_ =	sdelay $0x4  }
0x1e9: {  	[tilespmem:s26], [sflag:$0x4] =	stream.indirect_vreg.gather [hbm4b:s1+s12], $0x80, v4, vm0, $0xb8;
	[tilespmem:$0x18200] =	vst v63  }
0x1ea: {  	s7 =	simm.s32 $0xCA00;
	v3 =	vperm.xlane v3, v2  }
0x1eb: {  	[tilespmem:s7], [sflag:$0x4] =	stream.indirect_vreg.gather [hbm4b:s14+s12], $0x80, v4, vm0, $0xb8;
	[tilespmem:$0x18200] =	vst v63  }
0x1ec: {  	s8 =	simm.s32 $0xD200;
	v3 =	vadd.s32 v1, v3  }
0x1ed: {  	[tilespmem:s8], [sflag:$0x4] =	stream.indirect_vreg.gather [hbm4b:s16+s12], $0x80, v4, vm0, $0xb8;
	[tilespmem:$0x18200] =	vst v63  }
0x1ee: {  	s11 =	simm.s32 $0xDA00  }
0x1ef: {  	[tilespmem:s11], [sflag:$0x4] =	stream.indirect_vreg.gather [hbm4b:s17+s12], $0x80, v4, vm0, $0xb8;
	[tilespmem:$0x18200] =	vst v63  }
0x1f0: {  	s7 =	simm.s32 $0xE200  }
0x1f1: {  	[tilespmem:s7], [sflag:$0x4] =	stream.indirect_vreg.gather [hbm4b:s1+s12], $0x80, v3, vm0, $0xb8;
	[tilespmem:$0x18200] =	vst v63  }
0x1f2: {  	s8 =	simm.s32 $0xEA00  }
0x1f3: {  	[tilespmem:s8], [sflag:$0x4] =	stream.indirect_vreg.gather [hbm4b:s14+s12], $0x80, v3, vm0, $0xb8;
	[tilespmem:$0x18200] =	vst v63  }
0x1f4: {  	s11 =	simm.s32 $0xF200  }
0x1f5: {  	[tilespmem:s11], [sflag:$0x4] =	stream.indirect_vreg.gather [hbm4b:s16+s12], $0x80, v3, vm0, $0xb8;
	[tilespmem:$0x18200] =	vst v63  }
0x1f6: {  	s7 =	simm.s32 $0xFA00  }
0x1f7: {  	[tilespmem:s7], [sflag:$0x4] =	stream.indirect_vreg.gather [hbm4b:s17+s12], $0x80, v3, vm0, $0xb8;
	[tilespmem:$0x18200] =	vst v63  }
0x1f8: {  	s8 =	sand.u32 $0x2000, s12;
	s7 =	sand.u32 $0x1C00, s12;
	_ =	swait.ge [sflag:s4], $0x4000  }
0x1f9: {  	s11 =	sand.u32 $0x380, s12;
	s2 =	sor.u32 s7, s8;
	[sflag:s4] =	ssyncset.done $0x0  }
0x1fa: {  	s11 =	sor.u32 s11, s2;
	[sflag:s4] =	ssyncadd.s32 $0xFFFFC000  }
0x1fb: {  	v8 =	vld [tilespmem:s11+$0x14200]  }
0x1fc: {  	v7 =	vld [tilespmem:s11+$0x14210]  }
0x1fd: {  	v6 =	vld [tilespmem:s11+$0x14220]  }
0x1fe: {  	v5 =	vld [tilespmem:s11+$0x14230]  }
0x1ff: {  	v4 =	vld [tilespmem:s11+$0x14240]  }
0x200: {  	v3 =	vld [tilespmem:s11+$0x14250]  }
0x201: {  	v13 =	vld [tilespmem:s11+$0x8200]  }
0x202: {  	v12 =	vld [tilespmem:s11+$0x8210]  }
0x203: {  	v11 =	vld [tilespmem:s11+$0x8220]  }
0x204: {  	v10 =	vld [tilespmem:s11+$0x8230]  }
0x205: {  	s30 =	simm.s32 $0x0;
	s2 =	simm.s32 $0x80;
	v9 =	vld [tilespmem:s11+$0x8240]  }
.LBB2_15:
0x206: {  	p0 =	sne.s32 s2, $0x3F80;
	v13 =	vmul.f32 $3.200000000e+01, v13;
	v14 =	vld [tilespmem:s11+$0x8250]  }
0x207: {  	s12 =	sadd.s32 $0x400, s12;
	v12 =	vmul.f32 $3.200000000e+01, v12;
	v15 =	vld [tilespmem:s11+$0x8260]  }
0x208: {  	s7 =	sand.u32 $0x2000, s2;
	s30 =	sadd.s32 $0x10, s30;
	s8 =	sand.u32 $0x1C00, s12;
	v8 =	vadd.f32 v8, v13;
	v11 =	vmul.f32 $3.200000000e+01, v11;
	v13 =	vld [tilespmem:s11+$0x8270]  }
0x209: {  	s7 =	sor.u32 s8, s7;
	s8 =	sand.u32 $0x380, s30;
	v7 =	vadd.f32 v7, v12;
	v10 =	vmul.f32 $3.200000000e+01, v10;
	v12 =	vld [tilespmem:s11+$0x14260]  }
0x20a: {  	s7 =	sor.u32 s8, s7;
	[tilespmem:s11+$0x8200] =	vst v8;
	v6 =	vadd.f32 v6, v11;
	v9 =	vmul.f32 $3.200000000e+01, v9;
	v11 =	vld [tilespmem:s11+$0x14270]  }
0x20b: {  	v8 =	vld [tilespmem:s7+$0x14200];
	[tilespmem:s11+$0x8210] =	vst v7;
	v5 =	vadd.f32 v5, v10;
	v10 =	vmul.f32 $3.200000000e+01, v14  }
0x20c: {  	v7 =	vld [tilespmem:s7+$0x14210];
	[tilespmem:s11+$0x8220] =	vst v6;
	v4 =	vadd.f32 v4, v9;
	v9 =	vmul.f32 $3.200000000e+01, v15  }
0x20d: {  	v6 =	vld [tilespmem:s7+$0x14220];
	[tilespmem:s11+$0x8230] =	vst v5;
	v3 =	vadd.f32 v3, v10;
	v10 =	vmul.f32 $3.200000000e+01, v13  }
0x20e: {  	v5 =	vld [tilespmem:s7+$0x14230];
	[tilespmem:s11+$0x8240] =	vst v4;
	v9 =	vadd.f32 v12, v9  }
0x20f: {  	v4 =	vld [tilespmem:s7+$0x14240];
	[tilespmem:s11+$0x8250] =	vst v3;
	v10 =	vadd.f32 v11, v10  }
0x210: {  	v3 =	vld [tilespmem:s7+$0x14250];
	[tilespmem:s11+$0x8260] =	vst v9  }
.Ltmp6:
0x211: {  	v13 =	vld [tilespmem:s7+$0x8200];
	[tilespmem:s11+$0x8270] =	vst v10;
	s11 =	smov.u32 s7;
	(pc) =	sbr.rel @p0 .LBB2_15-.Ltmp6, $4  }
0x212: {  	v12 =	vld [tilespmem:s11+$0x8210]  }
0x213: {  	v11 =	vld [tilespmem:s11+$0x8220]  }
0x214: {  	v10 =	vld [tilespmem:s11+$0x8230]  }
0x215: {  	s2 =	sadd.s32 $0x80, s2;
	v9 =	vld [tilespmem:s11+$0x8240]  }
0x216: {  	v13 =	vmul.f32 $3.200000000e+01, v13;
	v14 =	vld [tilespmem:s11+$0x8250]  }
0x217: {  	v15 =	vld [tilespmem:s11+$0x8260];
	v12 =	vmul.f32 $3.200000000e+01, v12  }
0x218: {  	v8 =	vadd.f32 v8, v13;
	v13 =	vld [tilespmem:s11+$0x8270];
	v11 =	vmul.f32 $3.200000000e+01, v11  }
0x219: {  	v16 =	vld [tilespmem:s11+$0x14260];
	v7 =	vadd.f32 v7, v12;
	v10 =	vmul.f32 $3.200000000e+01, v10  }
0x21a: {  	[tilespmem:s11+$0x8200] =	vst v8;
	v6 =	vadd.f32 v6, v11;
	v8 =	vmul.f32 $3.200000000e+01, v9;
	v9 =	vld [tilespmem:s11+$0x14270]  }
0x21b: {  	[tilespmem:s11+$0x8210] =	vst v7;
	v5 =	vadd.f32 v5, v10;
	v7 =	vmul.f32 $3.200000000e+01, v14  }
0x21c: {  	[tilespmem:s11+$0x8220] =	vst v6;
	v4 =	vadd.f32 v4, v8;
	v6 =	vmul.f32 $3.200000000e+01, v15  }
0x21d: {  	[tilespmem:s11+$0x8230] =	vst v5;
	v3 =	vadd.f32 v3, v7;
	v5 =	vmul.f32 $3.200000000e+01, v13  }
0x21e: {  	s2 =	rddreg [dreg:$0x6];
	[tilespmem:s11+$0x8240] =	vst v4;
	v4 =	vadd.f32 v16, v6  }
0x21f: {  	s2 =	sadd.s32 s2, s23;
	[tilespmem:s11+$0x8250] =	vst v3;
	v3 =	vadd.f32 v9, v5  }
0x220: {  	s2 =	sshll.u32 s2, $0x7;
	[tilespmem:s11+$0x8260] =	vst v4  }
0x221: {  	s12 =	simm.s32 $0x0;
	s2 =	sadd.s32 s3, s2;
	[tilespmem:s11+$0x8270] =	vst v3  }
0x222: {  	[hbm4b:s2+s12] =	stream.linear.scatter [tilespmem:s10], [sflag:$0x7], $0x4000, $0x38;
	[tilespmem:$0x18200] =	vst v63  }
0x223: {  	_ =	swait.ge [sflag:s13], $0x4000  }
0x224: {  	[sflag:s13] =	ssyncset.done $0x0  }
0x225: {  	[sflag:s13] =	ssyncadd.s32 $0xFFFFC000  }
0x226: {  	v3 =	vld [tilespmem:s19+$0x20];
	_ =	sdelay $0x4  }
0x227: {  	v4 =	vshll.u32 v3, $0x3  }
0x228: {  	v3 =	vand.u32 $0x7, v3;
	v4 =	vand.u32 $0xFFFFFFC0, v4  }
0x229: {  	v3 =	vor.u32 v3, v4  }
0x22a: {  	v4 =	vperm.xlane v3, v0;
	_ =	sdelay $0x1  }
0x22b: {  	v4 =	vadd.s32 v1, v4;
	_ =	sdelay $0x4  }
0x22c: {  	[tilespmem:s31], [sflag:$0x1] =	stream.indirect_vreg.gather [hbm4b:s1+s12], $0x80, v4, vm0, $0xb8;
	[tilespmem:$0x18200] =	vst v63  }
0x22d: {  	s7 =	simm.s32 $0xA00;
	v3 =	vperm.xlane v3, v2  }
0x22e: {  	[tilespmem:s7], [sflag:$0x1] =	stream.indirect_vreg.gather [hbm4b:s14+s12], $0x80, v4, vm0, $0xb8;
	[tilespmem:$0x18200] =	vst v63  }
0x22f: {  	s8 =	simm.s32 $0x1200;
	v3 =	vadd.s32 v1, v3  }
0x230: {  	[tilespmem:s8], [sflag:$0x1] =	stream.indirect_vreg.gather [hbm4b:s16+s12], $0x80, v4, vm0, $0xb8;
	[tilespmem:$0x18200] =	vst v63  }
0x231: {  	s11 =	simm.s32 $0x1A00  }
0x232: {  	[tilespmem:s11], [sflag:$0x1] =	stream.indirect_vreg.gather [hbm4b:s17+s12], $0x80, v4, vm0, $0xb8;
	[tilespmem:$0x18200] =	vst v63  }
0x233: {  	s7 =	simm.s32 $0x2200  }
0x234: {  	[tilespmem:s7], [sflag:$0x1] =	stream.indirect_vreg.gather [hbm4b:s1+s12], $0x80, v3, vm0, $0xb8;
	[tilespmem:$0x18200] =	vst v63  }
0x235: {  	s8 =	simm.s32 $0x2A00  }
0x236: {  	[tilespmem:s8], [sflag:$0x1] =	stream.indirect_vreg.gather [hbm4b:s14+s12], $0x80, v3, vm0, $0xb8;
	[tilespmem:$0x18200] =	vst v63  }
0x237: {  	s11 =	simm.s32 $0x3200  }
0x238: {  	[tilespmem:s11], [sflag:$0x1] =	stream.indirect_vreg.gather [hbm4b:s16+s12], $0x80, v3, vm0, $0xb8;
	[tilespmem:$0x18200] =	vst v63  }
0x239: {  	s7 =	simm.s32 $0x3A00  }
0x23a: {  	[tilespmem:s7], [sflag:$0x1] =	stream.indirect_vreg.gather [hbm4b:s17+s12], $0x80, v3, vm0, $0xb8;
	[tilespmem:$0x18200] =	vst v63  }
0x23b: {  	s8 =	sand.u32 $0x2000, s12;
	s7 =	sand.u32 $0x1C00, s12;
	_ =	swait.ge [sflag:s29], $0x4000  }
0x23c: {  	s11 =	sand.u32 $0x380, s12;
	s2 =	sor.u32 s7, s8;
	[sflag:s29] =	ssyncset.done $0x0  }
0x23d: {  	s11 =	sor.u32 s11, s2;
	[sflag:s29] =	ssyncadd.s32 $0xFFFFC000  }
0x23e: {  	v8 =	vld [tilespmem:s11+$0x14200]  }
0x23f: {  	v7 =	vld [tilespmem:s11+$0x14210]  }
0x240: {  	v6 =	vld [tilespmem:s11+$0x14220]  }
0x241: {  	v5 =	vld [tilespmem:s11+$0x14230]  }
0x242: {  	v4 =	vld [tilespmem:s11+$0x14240]  }
0x243: {  	v3 =	vld [tilespmem:s11+$0x14250]  }
0x244: {  	v13 =	vld [tilespmem:s11+$0xC200]  }
0x245: {  	v12 =	vld [tilespmem:s11+$0xC210]  }
0x246: {  	v11 =	vld [tilespmem:s11+$0xC220]  }
0x247: {  	v10 =	vld [tilespmem:s11+$0xC230]  }
0x248: {  	s30 =	simm.s32 $0x0;
	s2 =	simm.s32 $0x80;
	v9 =	vld [tilespmem:s11+$0xC240]  }
.LBB2_17:
0x249: {  	p0 =	sne.s32 s2, $0x3F80;
	v13 =	vmul.f32 $3.200000000e+01, v13;
	v14 =	vld [tilespmem:s11+$0xC250]  }
0x24a: {  	s12 =	sadd.s32 $0x400, s12;
	v12 =	vmul.f32 $3.200000000e+01, v12;
	v15 =	vld [tilespmem:s11+$0xC260]  }
0x24b: {  	s7 =	sand.u32 $0x2000, s2;
	s30 =	sadd.s32 $0x10, s30;
	s8 =	sand.u32 $0x1C00, s12;
	v8 =	vadd.f32 v8, v13;
	v11 =	vmul.f32 $3.200000000e+01, v11;
	v13 =	vld [tilespmem:s11+$0xC270]  }
0x24c: {  	s7 =	sor.u32 s8, s7;
	s8 =	sand.u32 $0x380, s30;
	v7 =	vadd.f32 v7, v12;
	v10 =	vmul.f32 $3.200000000e+01, v10;
	v12 =	vld [tilespmem:s11+$0x14260]  }
0x24d: {  	s7 =	sor.u32 s8, s7;
	[tilespmem:s11+$0xC200] =	vst v8;
	v6 =	vadd.f32 v6, v11;
	v9 =	vmul.f32 $3.200000000e+01, v9;
	v11 =	vld [tilespmem:s11+$0x14270]  }
0x24e: {  	v8 =	vld [tilespmem:s7+$0x14200];
	[tilespmem:s11+$0xC210] =	vst v7;
	v5 =	vadd.f32 v5, v10;
	v10 =	vmul.f32 $3.200000000e+01, v14  }
0x24f: {  	v7 =	vld [tilespmem:s7+$0x14210];
	[tilespmem:s11+$0xC220] =	vst v6;
	v4 =	vadd.f32 v4, v9;
	v9 =	vmul.f32 $3.200000000e+01, v15  }
0x250: {  	v6 =	vld [tilespmem:s7+$0x14220];
	[tilespmem:s11+$0xC230] =	vst v5;
	v3 =	vadd.f32 v3, v10;
	v10 =	vmul.f32 $3.200000000e+01, v13  }
0x251: {  	v5 =	vld [tilespmem:s7+$0x14230];
	[tilespmem:s11+$0xC240] =	vst v4;
	v9 =	vadd.f32 v12, v9  }
0x252: {  	v4 =	vld [tilespmem:s7+$0x14240];
	[tilespmem:s11+$0xC250] =	vst v3;
	v10 =	vadd.f32 v11, v10  }
0x253: {  	v3 =	vld [tilespmem:s7+$0x14250];
	[tilespmem:s11+$0xC260] =	vst v9  }
.Ltmp7:
0x254: {  	v13 =	vld [tilespmem:s7+$0xC200];
	[tilespmem:s11+$0xC270] =	vst v10;
	s11 =	smov.u32 s7;
	(pc) =	sbr.rel @p0 .LBB2_17-.Ltmp7, $4  }
0x255: {  	v12 =	vld [tilespmem:s11+$0xC210]  }
0x256: {  	v11 =	vld [tilespmem:s11+$0xC220]  }
0x257: {  	v10 =	vld [tilespmem:s11+$0xC230]  }
0x258: {  	s2 =	sadd.s32 $0x80, s2;
	v9 =	vld [tilespmem:s11+$0xC240]  }
0x259: {  	v13 =	vmul.f32 $3.200000000e+01, v13;
	v14 =	vld [tilespmem:s11+$0xC250]  }
0x25a: {  	v15 =	vld [tilespmem:s11+$0xC260];
	v12 =	vmul.f32 $3.200000000e+01, v12  }
0x25b: {  	v8 =	vadd.f32 v8, v13;
	v13 =	vld [tilespmem:s11+$0xC270];
	v11 =	vmul.f32 $3.200000000e+01, v11  }
0x25c: {  	v16 =	vld [tilespmem:s11+$0x14260];
	v7 =	vadd.f32 v7, v12;
	v10 =	vmul.f32 $3.200000000e+01, v10  }
0x25d: {  	[tilespmem:s11+$0xC200] =	vst v8;
	v6 =	vadd.f32 v6, v11;
	v8 =	vmul.f32 $3.200000000e+01, v9;
	v9 =	vld [tilespmem:s11+$0x14270]  }
0x25e: {  	[tilespmem:s11+$0xC210] =	vst v7;
	v5 =	vadd.f32 v5, v10;
	v7 =	vmul.f32 $3.200000000e+01, v14  }
0x25f: {  	[tilespmem:s11+$0xC220] =	vst v6;
	v4 =	vadd.f32 v4, v8;
	v6 =	vmul.f32 $3.200000000e+01, v15  }
0x260: {  	[tilespmem:s11+$0xC230] =	vst v5;
	v3 =	vadd.f32 v3, v7;
	v5 =	vmul.f32 $3.200000000e+01, v13  }
0x261: {  	s2 =	rddreg [dreg:$0x7];
	[tilespmem:s11+$0xC240] =	vst v4;
	v4 =	vadd.f32 v16, v6  }
0x262: {  	s2 =	sadd.s32 s2, s23;
	[tilespmem:s11+$0xC250] =	vst v3;
	v3 =	vadd.f32 v9, v5  }
0x263: {  	s2 =	sshll.u32 s2, $0x7;
	[tilespmem:s11+$0xC260] =	vst v4  }
0x264: {  	s12 =	sadd.s32 $0x30, s19;
	s23 =	simm.s32 $0x0;
	s2 =	sadd.s32 s3, s2;
	[tilespmem:s11+$0xC270] =	vst v3  }
0x265: {  	[hbm4b:s2+s23] =	stream.linear.scatter [tilespmem:s26], [sflag:$0x8], $0x4000, $0x38;
	[tilespmem:$0x18200] =	vst v63  }
0x266: {  	s2 =	sadd.s32 s6, s12  }
0x267: {  	s2 =	sshll.u32 s2, $0x7  }
0x268: {  	s7 =	simm.s32 $0x14200;
	s2 =	sadd.s32 s9, s2  }
0x269: {  	[tilespmem:s7], [sflag:$0xA] =	stream.linear.gather [hbm4b:s2+s23], $0x4000, $0x38;
	[tilespmem:$0x18200] =	vst v63  }
0x26a: {  	_ =	swait.ge [sflag:s18], $0x4000  }
0x26b: {  	[sflag:s18] =	ssyncset.done $0x0  }
0x26c: {  	[sflag:s18] =	ssyncadd.s32 $0xFFFFC000  }
0x26d: {  	v3 =	vld [tilespmem:s19+$0xA0];
	_ =	sdelay $0x4  }
0x26e: {  	v4 =	vshll.u32 v3, $0x3  }
0x26f: {  	v3 =	vand.u32 $0x7, v3;
	v4 =	vand.u32 $0xFFFFFFC0, v4  }
0x270: {  	v3 =	vor.u32 v3, v4  }
0x271: {  	v4 =	vperm.xlane v3, v0;
	_ =	sdelay $0x1  }
0x272: {  	v4 =	vadd.s32 v1, v4;
	_ =	sdelay $0x4  }
0x273: {  	[tilespmem:s24], [sflag:$0x2] =	stream.indirect_vreg.gather [hbm4b:s1+s23], $0x80, v4, vm0, $0xb8;
	[tilespmem:$0x18200] =	vst v63  }
0x274: {  	s7 =	simm.s32 $0x4A00;
	v3 =	vperm.xlane v3, v2  }
0x275: {  	[tilespmem:s7], [sflag:$0x2] =	stream.indirect_vreg.gather [hbm4b:s14+s23], $0x80, v4, vm0, $0xb8;
	[tilespmem:$0x18200] =	vst v63  }
0x276: {  	s8 =	simm.s32 $0x5200;
	v3 =	vadd.s32 v1, v3  }
0x277: {  	[tilespmem:s8], [sflag:$0x2] =	stream.indirect_vreg.gather [hbm4b:s16+s23], $0x80, v4, vm0, $0xb8;
	[tilespmem:$0x18200] =	vst v63  }
0x278: {  	s30 =	smov.u32 s9;
	s9 =	simm.s32 $0x5A00  }
0x279: {  	[tilespmem:s9], [sflag:$0x2] =	stream.indirect_vreg.gather [hbm4b:s17+s23], $0x80, v4, vm0, $0xb8;
	[tilespmem:$0x18200] =	vst v63  }
0x27a: {  	s11 =	simm.s32 $0x6200  }
0x27b: {  	[tilespmem:s11], [sflag:$0x2] =	stream.indirect_vreg.gather [hbm4b:s1+s23], $0x80, v3, vm0, $0xb8;
	[tilespmem:$0x18200] =	vst v63  }
0x27c: {  	s12 =	simm.s32 $0x6A00  }
0x27d: {  	[tilespmem:s12], [sflag:$0x2] =	stream.indirect_vreg.gather [hbm4b:s14+s23], $0x80, v3, vm0, $0xb8;
	[tilespmem:$0x18200] =	vst v63  }
0x27e: {  	s7 =	simm.s32 $0x7200  }
0x27f: {  	[tilespmem:s7], [sflag:$0x2] =	stream.indirect_vreg.gather [hbm4b:s16+s23], $0x80, v3, vm0, $0xb8;
	[tilespmem:$0x18200] =	vst v63  }
0x280: {  	s8 =	simm.s32 $0x7A00  }
0x281: {  	[tilespmem:s8], [sflag:$0x2] =	stream.indirect_vreg.gather [hbm4b:s17+s23], $0x80, v3, vm0, $0xb8;
	[tilespmem:$0x18200] =	vst v63  }
0x282: {  	_ =	swait.ge [sflag:s5], $0x4000  }
0x283: {  	[sflag:s5] =	ssyncset.done $0x0  }
0x284: {  	s8 =	simm.s32 $0x9;
	[sflag:s5] =	ssyncadd.s32 $0xFFFFC000  }
0x285: {  	s9 =	sand.u32 $0x2000, s23;
	s11 =	sand.u32 $0x1C00, s23;
	_ =	swait.ge [sflag:s8], $0x4000  }
0x286: {  	s2 =	sor.u32 s11, s9;
	s12 =	sand.u32 $0x380, s23;
	[sflag:s8] =	ssyncset.done $0x0  }
0x287: {  	s11 =	sor.u32 s12, s2;
	[sflag:s8] =	ssyncadd.s32 $0xFFFFC000  }
0x288: {  	v8 =	vld [tilespmem:s11+$0x10200]  }
0x289: {  	v7 =	vld [tilespmem:s11+$0x10210]  }
0x28a: {  	v6 =	vld [tilespmem:s11+$0x10220]  }
0x28b: {  	v5 =	vld [tilespmem:s11+$0x10230]  }
0x28c: {  	v4 =	vld [tilespmem:s11+$0x10240]  }
0x28d: {  	v3 =	vld [tilespmem:s11+$0x10250]  }
0x28e: {  	v13 =	vld [tilespmem:s11+$0x200]  }
0x28f: {  	v12 =	vld [tilespmem:s11+$0x210]  }
0x290: {  	v11 =	vld [tilespmem:s11+$0x220]  }
0x291: {  	v10 =	vld [tilespmem:s11+$0x230]  }
0x292: {  	s2 =	simm.s32 $0x80;
	s12 =	simm.s32 $0x0;
	v9 =	vld [tilespmem:s11+$0x240]  }
.LBB2_19:
0x293: {  	p0 =	sne.s32 s2, $0x3F80;
	v13 =	vmul.f32 $3.200000000e+01, v13;
	v14 =	vld [tilespmem:s11+$0x250]  }
0x294: {  	s23 =	sadd.s32 $0x400, s23;
	v12 =	vmul.f32 $3.200000000e+01, v12;
	v15 =	vld [tilespmem:s11+$0x260]  }
0x295: {  	s7 =	sand.u32 $0x2000, s2;
	s12 =	sadd.s32 $0x10, s12;
	s8 =	sand.u32 $0x1C00, s23;
	v8 =	vadd.f32 v8, v13;
	v11 =	vmul.f32 $3.200000000e+01, v11;
	v13 =	vld [tilespmem:s11+$0x270]  }
0x296: {  	s7 =	sor.u32 s8, s7;
	s8 =	sand.u32 $0x380, s12;
	v7 =	vadd.f32 v7, v12;
	v10 =	vmul.f32 $3.200000000e+01, v10;
	v12 =	vld [tilespmem:s11+$0x10260]  }
0x297: {  	s7 =	sor.u32 s8, s7;
	[tilespmem:s11+$0x200] =	vst v8;
	v6 =	vadd.f32 v6, v11;
	v9 =	vmul.f32 $3.200000000e+01, v9;
	v11 =	vld [tilespmem:s11+$0x10270]  }
0x298: {  	v8 =	vld [tilespmem:s7+$0x10200];
	[tilespmem:s11+$0x210] =	vst v7;
	v5 =	vadd.f32 v5, v10;
	v10 =	vmul.f32 $3.200000000e+01, v14  }
0x299: {  	v7 =	vld [tilespmem:s7+$0x10210];
	[tilespmem:s11+$0x220] =	vst v6;
	v4 =	vadd.f32 v4, v9;
	v9 =	vmul.f32 $3.200000000e+01, v15  }
0x29a: {  	v6 =	vld [tilespmem:s7+$0x10220];
	[tilespmem:s11+$0x230] =	vst v5;
	v3 =	vadd.f32 v3, v10;
	v10 =	vmul.f32 $3.200000000e+01, v13  }
0x29b: {  	v5 =	vld [tilespmem:s7+$0x10230];
	[tilespmem:s11+$0x240] =	vst v4;
	v9 =	vadd.f32 v12, v9  }
0x29c: {  	v4 =	vld [tilespmem:s7+$0x10240];
	[tilespmem:s11+$0x250] =	vst v3;
	v10 =	vadd.f32 v11, v10  }
0x29d: {  	v3 =	vld [tilespmem:s7+$0x10250];
	[tilespmem:s11+$0x260] =	vst v9  }
.Ltmp8:
0x29e: {  	v13 =	vld [tilespmem:s7+$0x200];
	[tilespmem:s11+$0x270] =	vst v10;
	s11 =	smov.u32 s7;
	(pc) =	sbr.rel @p0 .LBB2_19-.Ltmp8, $4  }
0x29f: {  	v12 =	vld [tilespmem:s11+$0x210]  }
0x2a0: {  	v11 =	vld [tilespmem:s11+$0x220]  }
0x2a1: {  	v10 =	vld [tilespmem:s11+$0x230]  }
0x2a2: {  	s2 =	sadd.s32 $0x80, s2;
	v9 =	vld [tilespmem:s11+$0x240]  }
0x2a3: {  	v13 =	vmul.f32 $3.200000000e+01, v13;
	v14 =	vld [tilespmem:s11+$0x250]  }
0x2a4: {  	v15 =	vld [tilespmem:s11+$0x260];
	v12 =	vmul.f32 $3.200000000e+01, v12  }
0x2a5: {  	v8 =	vadd.f32 v8, v13;
	v13 =	vld [tilespmem:s11+$0x270];
	v11 =	vmul.f32 $3.200000000e+01, v11  }
0x2a6: {  	v16 =	vld [tilespmem:s11+$0x10260];
	v7 =	vadd.f32 v7, v12;
	v10 =	vmul.f32 $3.200000000e+01, v10  }
0x2a7: {  	[tilespmem:s11+$0x200] =	vst v8;
	v6 =	vadd.f32 v6, v11;
	v8 =	vmul.f32 $3.200000000e+01, v9;
	v9 =	vld [tilespmem:s11+$0x10270]  }
0x2a8: {  	[tilespmem:s11+$0x210] =	vst v7;
	v5 =	vadd.f32 v5, v10;
	v7 =	vmul.f32 $3.200000000e+01, v14  }
0x2a9: {  	[tilespmem:s11+$0x220] =	vst v6;
	v4 =	vadd.f32 v4, v8;
	v6 =	vmul.f32 $3.200000000e+01, v15  }
0x2aa: {  	[tilespmem:s11+$0x230] =	vst v5;
	v3 =	vadd.f32 v3, v7;
	v5 =	vmul.f32 $3.200000000e+01, v13  }
0x2ab: {  	[tilespmem:s11+$0x240] =	vst v4;
	v4 =	vadd.f32 v16, v6  }
0x2ac: {  	[tilespmem:s11+$0x250] =	vst v3;
	v3 =	vadd.f32 v9, v5  }
0x2ad: {  	[tilespmem:s11+$0x260] =	vst v4  }
0x2ae: {  	s2 =	sadd.s32 s3, s22;
	s12 =	simm.s32 $0x0;
	[tilespmem:s11+$0x270] =	vst v3  }
0x2af: {  	[hbm4b:s2+s12] =	stream.linear.scatter [tilespmem:s31], [sflag:$0x5], $0x4000, $0x38;
	[tilespmem:$0x18200] =	vst v63  }
0x2b0: {  	_ =	swait.ge [sflag:s20], $0x4000  }
0x2b1: {  	[sflag:s20] =	ssyncset.done $0x0  }
0x2b2: {  	[sflag:s20] =	ssyncadd.s32 $0xFFFFC000  }
0x2b3: {  	v3 =	vld [tilespmem:s19+$0x120];
	_ =	sdelay $0x4  }
0x2b4: {  	v4 =	vshll.u32 v3, $0x3  }
0x2b5: {  	v3 =	vand.u32 $0x7, v3;
	v4 =	vand.u32 $0xFFFFFFC0, v4  }
0x2b6: {  	v3 =	vor.u32 v3, v4  }
0x2b7: {  	v4 =	vperm.xlane v3, v0;
	_ =	sdelay $0x1  }
0x2b8: {  	v4 =	vadd.s32 v1, v4;
	_ =	sdelay $0x4  }
0x2b9: {  	[tilespmem:s10], [sflag:$0x3] =	stream.indirect_vreg.gather [hbm4b:s1+s12], $0x80, v4, vm0, $0xb8;
	[tilespmem:$0x18200] =	vst v63  }
0x2ba: {  	s11 =	simm.s32 $0x8A00;
	v3 =	vperm.xlane v3, v2  }
0x2bb: {  	[tilespmem:s11], [sflag:$0x3] =	stream.indirect_vreg.gather [hbm4b:s14+s12], $0x80, v4, vm0, $0xb8;
	[tilespmem:$0x18200] =	vst v63  }
0x2bc: {  	s22 =	simm.s32 $0x9200;
	v3 =	vadd.s32 v1, v3  }
0x2bd: {  	[tilespmem:s22], [sflag:$0x3] =	stream.indirect_vreg.gather [hbm4b:s16+s12], $0x80, v4, vm0, $0xb8;
	[tilespmem:$0x18200] =	vst v63  }
0x2be: {  	s23 =	simm.s32 $0x9A00  }
0x2bf: {  	[tilespmem:s23], [sflag:$0x3] =	stream.indirect_vreg.gather [hbm4b:s17+s12], $0x80, v4, vm0, $0xb8;
	[tilespmem:$0x18200] =	vst v63  }
0x2c0: {  	s7 =	simm.s32 $0xA200  }
0x2c1: {  	[tilespmem:s7], [sflag:$0x3] =	stream.indirect_vreg.gather [hbm4b:s1+s12], $0x80, v3, vm0, $0xb8;
	[tilespmem:$0x18200] =	vst v63  }
0x2c2: {  	s8 =	simm.s32 $0xAA00  }
0x2c3: {  	[tilespmem:s8], [sflag:$0x3] =	stream.indirect_vreg.gather [hbm4b:s14+s12], $0x80, v3, vm0, $0xb8;
	[tilespmem:$0x18200] =	vst v63  }
0x2c4: {  	s9 =	simm.s32 $0xB200  }
0x2c5: {  	[tilespmem:s9], [sflag:$0x3] =	stream.indirect_vreg.gather [hbm4b:s16+s12], $0x80, v3, vm0, $0xb8;
	[tilespmem:$0x18200] =	vst v63  }
0x2c6: {  	s11 =	simm.s32 $0xBA00  }
0x2c7: {  	[tilespmem:s11], [sflag:$0x3] =	stream.indirect_vreg.gather [hbm4b:s17+s12], $0x80, v3, vm0, $0xb8;
	[tilespmem:$0x18200] =	vst v63  }
0x2c8: {  	s22 =	sand.u32 $0x2000, s12;
	s7 =	sand.u32 $0x1C00, s12;
	_ =	swait.ge [sflag:s0], $0x4000  }
0x2c9: {  	s23 =	sand.u32 $0x380, s12;
	s2 =	sor.u32 s7, s22;
	[sflag:s0] =	ssyncset.done $0x0  }
0x2ca: {  	s11 =	sor.u32 s23, s2;
	[sflag:s0] =	ssyncadd.s32 $0xFFFFC000  }
0x2cb: {  	v8 =	vld [tilespmem:s11+$0x10200]  }
0x2cc: {  	v7 =	vld [tilespmem:s11+$0x10210]  }
0x2cd: {  	v6 =	vld [tilespmem:s11+$0x10220]  }
0x2ce: {  	v5 =	vld [tilespmem:s11+$0x10230]  }
0x2cf: {  	v4 =	vld [tilespmem:s11+$0x10240]  }
0x2d0: {  	v3 =	vld [tilespmem:s11+$0x10250]  }
0x2d1: {  	v13 =	vld [tilespmem:s11+$0x4200]  }
0x2d2: {  	v12 =	vld [tilespmem:s11+$0x4210]  }
0x2d3: {  	v11 =	vld [tilespmem:s11+$0x4220]  }
0x2d4: {  	v10 =	vld [tilespmem:s11+$0x4230]  }
0x2d5: {  	s22 =	simm.s32 $0x0;
	s9 =	simm.s32 $0x0;
	s2 =	simm.s32 $0x80;
	v9 =	vld [tilespmem:s11+$0x4240]  }
.LBB2_21:
0x2d6: {  	p0 =	sne.s32 s2, $0x3F80;
	v13 =	vmul.f32 $3.200000000e+01, v13;
	v14 =	vld [tilespmem:s11+$0x4250]  }
0x2d7: {  	s12 =	sadd.s32 $0x400, s12;
	v12 =	vmul.f32 $3.200000000e+01, v12;
	v15 =	vld [tilespmem:s11+$0x4260]  }
0x2d8: {  	s7 =	sand.u32 $0x2000, s2;
	s22 =	sadd.s32 $0x10, s22;
	s8 =	sand.u32 $0x1C00, s12;
	v8 =	vadd.f32 v8, v13;
	v11 =	vmul.f32 $3.200000000e+01, v11;
	v13 =	vld [tilespmem:s11+$0x4270]  }
0x2d9: {  	s7 =	sor.u32 s8, s7;
	s8 =	sand.u32 $0x380, s22;
	v7 =	vadd.f32 v7, v12;
	v10 =	vmul.f32 $3.200000000e+01, v10;
	v12 =	vld [tilespmem:s11+$0x10260]  }
0x2da: {  	s7 =	sor.u32 s8, s7;
	[tilespmem:s11+$0x4200] =	vst v8;
	v6 =	vadd.f32 v6, v11;
	v9 =	vmul.f32 $3.200000000e+01, v9;
	v11 =	vld [tilespmem:s11+$0x10270]  }
0x2db: {  	v8 =	vld [tilespmem:s7+$0x10200];
	[tilespmem:s11+$0x4210] =	vst v7;
	v5 =	vadd.f32 v5, v10;
	v10 =	vmul.f32 $3.200000000e+01, v14  }
0x2dc: {  	v7 =	vld [tilespmem:s7+$0x10210];
	[tilespmem:s11+$0x4220] =	vst v6;
	v4 =	vadd.f32 v4, v9;
	v9 =	vmul.f32 $3.200000000e+01, v15  }
0x2dd: {  	v6 =	vld [tilespmem:s7+$0x10220];
	[tilespmem:s11+$0x4230] =	vst v5;
	v3 =	vadd.f32 v3, v10;
	v10 =	vmul.f32 $3.200000000e+01, v13  }
0x2de: {  	v5 =	vld [tilespmem:s7+$0x10230];
	[tilespmem:s11+$0x4240] =	vst v4;
	v9 =	vadd.f32 v12, v9  }
0x2df: {  	v4 =	vld [tilespmem:s7+$0x10240];
	[tilespmem:s11+$0x4250] =	vst v3;
	v10 =	vadd.f32 v11, v10  }
0x2e0: {  	v3 =	vld [tilespmem:s7+$0x10250];
	[tilespmem:s11+$0x4260] =	vst v9  }
.Ltmp9:
0x2e1: {  	v13 =	vld [tilespmem:s7+$0x4200];
	[tilespmem:s11+$0x4270] =	vst v10;
	s11 =	smov.u32 s7;
	(pc) =	sbr.rel @p0 .LBB2_21-.Ltmp9, $4  }
0x2e2: {  	v12 =	vld [tilespmem:s11+$0x4210]  }
0x2e3: {  	v11 =	vld [tilespmem:s11+$0x4220]  }
0x2e4: {  	v10 =	vld [tilespmem:s11+$0x4230]  }
0x2e5: {  	s2 =	sadd.s32 $0x80, s2;
	v9 =	vld [tilespmem:s11+$0x4240]  }
0x2e6: {  	v13 =	vmul.f32 $3.200000000e+01, v13;
	v14 =	vld [tilespmem:s11+$0x4250]  }
0x2e7: {  	v15 =	vld [tilespmem:s11+$0x4260];
	v12 =	vmul.f32 $3.200000000e+01, v12  }
0x2e8: {  	v8 =	vadd.f32 v8, v13;
	v13 =	vld [tilespmem:s11+$0x4270];
	v11 =	vmul.f32 $3.200000000e+01, v11  }
0x2e9: {  	v16 =	vld [tilespmem:s11+$0x10260];
	v7 =	vadd.f32 v7, v12;
	v10 =	vmul.f32 $3.200000000e+01, v10  }
0x2ea: {  	[tilespmem:s11+$0x4200] =	vst v8;
	v6 =	vadd.f32 v6, v11;
	v8 =	vmul.f32 $3.200000000e+01, v9;
	v9 =	vld [tilespmem:s11+$0x10270]  }
0x2eb: {  	[tilespmem:s11+$0x4210] =	vst v7;
	v5 =	vadd.f32 v5, v10;
	v7 =	vmul.f32 $3.200000000e+01, v14  }
0x2ec: {  	[tilespmem:s11+$0x4220] =	vst v6;
	v4 =	vadd.f32 v4, v8;
	v6 =	vmul.f32 $3.200000000e+01, v15  }
0x2ed: {  	[tilespmem:s11+$0x4230] =	vst v5;
	v3 =	vadd.f32 v3, v7;
	v5 =	vmul.f32 $3.200000000e+01, v13  }
0x2ee: {  	s2 =	rddreg [dreg:$0x5];
	[tilespmem:s11+$0x4240] =	vst v4;
	v4 =	vadd.f32 v16, v6  }
0x2ef: {  	s2 =	sadd.s32 s2, s15;
	[tilespmem:s11+$0x4250] =	vst v3;
	v3 =	vadd.f32 v9, v5  }
0x2f0: {  	s2 =	sshll.u32 s2, $0x7;
	[tilespmem:s11+$0x4260] =	vst v4  }
0x2f1: {  	s12 =	simm.s32 $0x0;
	s2 =	sadd.s32 s3, s2;
	[tilespmem:s11+$0x4270] =	vst v3  }
0x2f2: {  	[hbm4b:s2+s12] =	stream.linear.scatter [tilespmem:s24], [sflag:$0x6], $0x4000, $0x38;
	[tilespmem:$0x18200] =	vst v63  }
0x2f3: {  	_ =	swait.ge [sflag:s21], $0x4000  }
0x2f4: {  	[sflag:s21] =	ssyncset.done $0x0  }
0x2f5: {  	[sflag:s21] =	ssyncadd.s32 $0xFFFFC000  }
0x2f6: {  	v3 =	vld [tilespmem:s19+$0x1A0];
	_ =	sdelay $0x4  }
0x2f7: {  	v4 =	vshll.u32 v3, $0x3  }
0x2f8: {  	v3 =	vand.u32 $0x7, v3;
	v4 =	vand.u32 $0xFFFFFFC0, v4  }
0x2f9: {  	v3 =	vor.u32 v3, v4  }
0x2fa: {  	v4 =	vperm.xlane v3, v0;
	_ =	sdelay $0x1  }
0x2fb: {  	v4 =	vadd.s32 v1, v4;
	_ =	sdelay $0x4  }
0x2fc: {  	[tilespmem:s26], [sflag:$0x4] =	stream.indirect_vreg.gather [hbm4b:s1+s12], $0x80, v4, vm0, $0xb8;
	[tilespmem:$0x18200] =	vst v63  }
0x2fd: {  	s8 =	simm.s32 $0xCA00;
	v3 =	vperm.xlane v3, v2  }
0x2fe: {  	[tilespmem:s8], [sflag:$0x4] =	stream.indirect_vreg.gather [hbm4b:s14+s12], $0x80, v4, vm0, $0xb8;
	[tilespmem:$0x18200] =	vst v63  }
0x2ff: {  	s11 =	simm.s32 $0xD200;
	v3 =	vadd.s32 v1, v3  }
0x300: {  	[tilespmem:s11], [sflag:$0x4] =	stream.indirect_vreg.gather [hbm4b:s16+s12], $0x80, v4, vm0, $0xb8;
	[tilespmem:$0x18200] =	vst v63  }
0x301: {  	s22 =	simm.s32 $0xDA00  }
0x302: {  	[tilespmem:s22], [sflag:$0x4] =	stream.indirect_vreg.gather [hbm4b:s17+s12], $0x80, v4, vm0, $0xb8;
	[tilespmem:$0x18200] =	vst v63  }
0x303: {  	s23 =	simm.s32 $0xE200  }
0x304: {  	[tilespmem:s23], [sflag:$0x4] =	stream.indirect_vreg.gather [hbm4b:s1+s12], $0x80, v3, vm0, $0xb8;
	[tilespmem:$0x18200] =	vst v63  }
0x305: {  	s7 =	simm.s32 $0xEA00  }
0x306: {  	[tilespmem:s7], [sflag:$0x4] =	stream.indirect_vreg.gather [hbm4b:s14+s12], $0x80, v3, vm0, $0xb8;
	[tilespmem:$0x18200] =	vst v63  }
0x307: {  	s8 =	simm.s32 $0xF200  }
0x308: {  	[tilespmem:s8], [sflag:$0x4] =	stream.indirect_vreg.gather [hbm4b:s16+s12], $0x80, v3, vm0, $0xb8;
	[tilespmem:$0x18200] =	vst v63  }
0x309: {  	s11 =	simm.s32 $0xFA00  }
0x30a: {  	[tilespmem:s11], [sflag:$0x4] =	stream.indirect_vreg.gather [hbm4b:s17+s12], $0x80, v3, vm0, $0xb8;
	[tilespmem:$0x18200] =	vst v63  }
0x30b: {  	s22 =	sand.u32 $0x2000, s12;
	s7 =	sand.u32 $0x1C00, s12;
	_ =	swait.ge [sflag:s4], $0x4000  }
0x30c: {  	s23 =	sand.u32 $0x380, s12;
	s2 =	sor.u32 s7, s22;
	[sflag:s4] =	ssyncset.done $0x0  }
0x30d: {  	s11 =	sor.u32 s23, s2;
	[sflag:s4] =	ssyncadd.s32 $0xFFFFC000  }
0x30e: {  	v8 =	vld [tilespmem:s11+$0x10200]  }
0x30f: {  	v7 =	vld [tilespmem:s11+$0x10210]  }
0x310: {  	v6 =	vld [tilespmem:s11+$0x10220]  }
0x311: {  	v5 =	vld [tilespmem:s11+$0x10230]  }
0x312: {  	v4 =	vld [tilespmem:s11+$0x10240]  }
0x313: {  	v3 =	vld [tilespmem:s11+$0x10250]  }
0x314: {  	v13 =	vld [tilespmem:s11+$0x8200]  }
0x315: {  	v12 =	vld [tilespmem:s11+$0x8210]  }
0x316: {  	v11 =	vld [tilespmem:s11+$0x8220]  }
0x317: {  	v10 =	vld [tilespmem:s11+$0x8230]  }
0x318: {  	s22 =	simm.s32 $0x0;
	s2 =	simm.s32 $0x80;
	v9 =	vld [tilespmem:s11+$0x8240]  }
.LBB2_23:
0x319: {  	p0 =	sne.s32 s2, $0x3F80;
	v13 =	vmul.f32 $3.200000000e+01, v13;
	v14 =	vld [tilespmem:s11+$0x8250]  }
0x31a: {  	s12 =	sadd.s32 $0x400, s12;
	v12 =	vmul.f32 $3.200000000e+01, v12;
	v15 =	vld [tilespmem:s11+$0x8260]  }
0x31b: {  	s7 =	sand.u32 $0x2000, s2;
	s22 =	sadd.s32 $0x10, s22;
	s8 =	sand.u32 $0x1C00, s12;
	v8 =	vadd.f32 v8, v13;
	v11 =	vmul.f32 $3.200000000e+01, v11;
	v13 =	vld [tilespmem:s11+$0x8270]  }
0x31c: {  	s7 =	sor.u32 s8, s7;
	s8 =	sand.u32 $0x380, s22;
	v7 =	vadd.f32 v7, v12;
	v10 =	vmul.f32 $3.200000000e+01, v10;
	v12 =	vld [tilespmem:s11+$0x10260]  }
0x31d: {  	s7 =	sor.u32 s8, s7;
	[tilespmem:s11+$0x8200] =	vst v8;
	v6 =	vadd.f32 v6, v11;
	v9 =	vmul.f32 $3.200000000e+01, v9;
	v11 =	vld [tilespmem:s11+$0x10270]  }
0x31e: {  	v8 =	vld [tilespmem:s7+$0x10200];
	[tilespmem:s11+$0x8210] =	vst v7;
	v5 =	vadd.f32 v5, v10;
	v10 =	vmul.f32 $3.200000000e+01, v14  }
0x31f: {  	v7 =	vld [tilespmem:s7+$0x10210];
	[tilespmem:s11+$0x8220] =	vst v6;
	v4 =	vadd.f32 v4, v9;
	v9 =	vmul.f32 $3.200000000e+01, v15  }
0x320: {  	v6 =	vld [tilespmem:s7+$0x10220];
	[tilespmem:s11+$0x8230] =	vst v5;
	v3 =	vadd.f32 v3, v10;
	v10 =	vmul.f32 $3.200000000e+01, v13  }
0x321: {  	v5 =	vld [tilespmem:s7+$0x10230];
	[tilespmem:s11+$0x8240] =	vst v4;
	v9 =	vadd.f32 v12, v9  }
0x322: {  	v4 =	vld [tilespmem:s7+$0x10240];
	[tilespmem:s11+$0x8250] =	vst v3;
	v10 =	vadd.f32 v11, v10  }
0x323: {  	v3 =	vld [tilespmem:s7+$0x10250];
	[tilespmem:s11+$0x8260] =	vst v9  }
.Ltmp10:
0x324: {  	v13 =	vld [tilespmem:s7+$0x8200];
	[tilespmem:s11+$0x8270] =	vst v10;
	s11 =	smov.u32 s7;
	(pc) =	sbr.rel @p0 .LBB2_23-.Ltmp10, $4  }
0x325: {  	v12 =	vld [tilespmem:s11+$0x8210]  }
0x326: {  	v11 =	vld [tilespmem:s11+$0x8220]  }
0x327: {  	v10 =	vld [tilespmem:s11+$0x8230]  }
0x328: {  	s2 =	sadd.s32 $0x80, s2;
	v9 =	vld [tilespmem:s11+$0x8240]  }
0x329: {  	v13 =	vmul.f32 $3.200000000e+01, v13;
	v14 =	vld [tilespmem:s11+$0x8250]  }
0x32a: {  	v15 =	vld [tilespmem:s11+$0x8260];
	v12 =	vmul.f32 $3.200000000e+01, v12  }
0x32b: {  	v8 =	vadd.f32 v8, v13;
	v13 =	vld [tilespmem:s11+$0x8270];
	v11 =	vmul.f32 $3.200000000e+01, v11  }
0x32c: {  	v16 =	vld [tilespmem:s11+$0x10260];
	v7 =	vadd.f32 v7, v12;
	v10 =	vmul.f32 $3.200000000e+01, v10  }
0x32d: {  	[tilespmem:s11+$0x8200] =	vst v8;
	v6 =	vadd.f32 v6, v11;
	v8 =	vmul.f32 $3.200000000e+01, v9;
	v9 =	vld [tilespmem:s11+$0x10270]  }
0x32e: {  	[tilespmem:s11+$0x8210] =	vst v7;
	v5 =	vadd.f32 v5, v10;
	v7 =	vmul.f32 $3.200000000e+01, v14  }
0x32f: {  	[tilespmem:s11+$0x8220] =	vst v6;
	v4 =	vadd.f32 v4, v8;
	v6 =	vmul.f32 $3.200000000e+01, v15  }
0x330: {  	[tilespmem:s11+$0x8230] =	vst v5;
	v3 =	vadd.f32 v3, v7;
	v5 =	vmul.f32 $3.200000000e+01, v13  }
0x331: {  	s2 =	rddreg [dreg:$0x6];
	[tilespmem:s11+$0x8240] =	vst v4;
	v4 =	vadd.f32 v16, v6  }
0x332: {  	s2 =	sadd.s32 s2, s15;
	[tilespmem:s11+$0x8250] =	vst v3;
	v3 =	vadd.f32 v9, v5  }
0x333: {  	s2 =	sshll.u32 s2, $0x7;
	[tilespmem:s11+$0x8260] =	vst v4  }
0x334: {  	s12 =	simm.s32 $0x0;
	s2 =	sadd.s32 s3, s2;
	[tilespmem:s11+$0x8270] =	vst v3  }
0x335: {  	[hbm4b:s2+s12] =	stream.linear.scatter [tilespmem:s10], [sflag:$0x7], $0x4000, $0x38;
	[tilespmem:$0x18200] =	vst v63  }
0x336: {  	_ =	swait.ge [sflag:s13], $0x4000  }
0x337: {  	[sflag:s13] =	ssyncset.done $0x0  }
0x338: {  	[sflag:s13] =	ssyncadd.s32 $0xFFFFC000  }
0x339: {  	v3 =	vld [tilespmem:s19+$0x30];
	_ =	sdelay $0x4  }
0x33a: {  	v4 =	vshll.u32 v3, $0x3  }
0x33b: {  	v3 =	vand.u32 $0x7, v3;
	v4 =	vand.u32 $0xFFFFFFC0, v4  }
0x33c: {  	v3 =	vor.u32 v3, v4  }
0x33d: {  	v4 =	vperm.xlane v3, v0;
	_ =	sdelay $0x1  }
0x33e: {  	v4 =	vadd.s32 v1, v4;
	_ =	sdelay $0x4  }
0x33f: {  	[tilespmem:s31], [sflag:$0x1] =	stream.indirect_vreg.gather [hbm4b:s1+s12], $0x80, v4, vm0, $0xb8;
	[tilespmem:$0x18200] =	vst v63  }
0x340: {  	s19 =	simm.s32 $0xA00;
	v3 =	vperm.xlane v3, v2  }
0x341: {  	[tilespmem:s19], [sflag:$0x1] =	stream.indirect_vreg.gather [hbm4b:s14+s12], $0x80, v4, vm0, $0xb8;
	[tilespmem:$0x18200] =	vst v63  }
0x342: {  	s22 =	simm.s32 $0x1200;
	v3 =	vadd.s32 v1, v3  }
0x343: {  	[tilespmem:s22], [sflag:$0x1] =	stream.indirect_vreg.gather [hbm4b:s16+s12], $0x80, v4, vm0, $0xb8;
	[tilespmem:$0x18200] =	vst v63  }
0x344: {  	s23 =	simm.s32 $0x1A00  }
0x345: {  	[tilespmem:s23], [sflag:$0x1] =	stream.indirect_vreg.gather [hbm4b:s17+s12], $0x80, v4, vm0, $0xb8;
	[tilespmem:$0x18200] =	vst v63  }
0x346: {  	s7 =	simm.s32 $0x2200  }
0x347: {  	[tilespmem:s7], [sflag:$0x1] =	stream.indirect_vreg.gather [hbm4b:s1+s12], $0x80, v3, vm0, $0xb8;
	[tilespmem:$0x18200] =	vst v63  }
0x348: {  	s8 =	simm.s32 $0x2A00  }
0x349: {  	[tilespmem:s8], [sflag:$0x1] =	stream.indirect_vreg.gather [hbm4b:s14+s12], $0x80, v3, vm0, $0xb8;
	[tilespmem:$0x18200] =	vst v63  }
0x34a: {  	s11 =	simm.s32 $0x3200  }
0x34b: {  	[tilespmem:s11], [sflag:$0x1] =	stream.indirect_vreg.gather [hbm4b:s16+s12], $0x80, v3, vm0, $0xb8;
	[tilespmem:$0x18200] =	vst v63  }
0x34c: {  	s19 =	simm.s32 $0x3A00  }
0x34d: {  	[tilespmem:s19], [sflag:$0x1] =	stream.indirect_vreg.gather [hbm4b:s17+s12], $0x80, v3, vm0, $0xb8;
	[tilespmem:$0x18200] =	vst v63  }
0x34e: {  	s22 =	sand.u32 $0x2000, s12;
	s7 =	sand.u32 $0x1C00, s12;
	_ =	swait.ge [sflag:s29], $0x4000  }
0x34f: {  	s23 =	sand.u32 $0x380, s12;
	s2 =	sor.u32 s7, s22;
	[sflag:s29] =	ssyncset.done $0x0  }
0x350: {  	s11 =	sor.u32 s23, s2;
	[sflag:s29] =	ssyncadd.s32 $0xFFFFC000  }
0x351: {  	v8 =	vld [tilespmem:s11+$0x10200]  }
0x352: {  	v7 =	vld [tilespmem:s11+$0x10210]  }
0x353: {  	v6 =	vld [tilespmem:s11+$0x10220]  }
0x354: {  	v5 =	vld [tilespmem:s11+$0x10230]  }
0x355: {  	v4 =	vld [tilespmem:s11+$0x10240]  }
0x356: {  	v3 =	vld [tilespmem:s11+$0x10250]  }
0x357: {  	v13 =	vld [tilespmem:s11+$0xC200]  }
0x358: {  	v12 =	vld [tilespmem:s11+$0xC210]  }
0x359: {  	v11 =	vld [tilespmem:s11+$0xC220]  }
0x35a: {  	v10 =	vld [tilespmem:s11+$0xC230]  }
0x35b: {  	s2 =	simm.s32 $0x80;
	s19 =	simm.s32 $0x0;
	v9 =	vld [tilespmem:s11+$0xC240]  }
.LBB2_25:
0x35c: {  	p0 =	sne.s32 s2, $0x3F80;
	v13 =	vmul.f32 $3.200000000e+01, v13;
	v14 =	vld [tilespmem:s11+$0xC250]  }
0x35d: {  	s12 =	sadd.s32 $0x400, s12;
	v12 =	vmul.f32 $3.200000000e+01, v12;
	v15 =	vld [tilespmem:s11+$0xC260]  }
0x35e: {  	s7 =	sand.u32 $0x2000, s2;
	s19 =	sadd.s32 $0x10, s19;
	s8 =	sand.u32 $0x1C00, s12;
	v8 =	vadd.f32 v8, v13;
	v11 =	vmul.f32 $3.200000000e+01, v11;
	v13 =	vld [tilespmem:s11+$0xC270]  }
0x35f: {  	s7 =	sor.u32 s8, s7;
	s8 =	sand.u32 $0x380, s19;
	v7 =	vadd.f32 v7, v12;
	v10 =	vmul.f32 $3.200000000e+01, v10;
	v12 =	vld [tilespmem:s11+$0x10260]  }
0x360: {  	s7 =	sor.u32 s8, s7;
	[tilespmem:s11+$0xC200] =	vst v8;
	v6 =	vadd.f32 v6, v11;
	v9 =	vmul.f32 $3.200000000e+01, v9;
	v11 =	vld [tilespmem:s11+$0x10270]  }
0x361: {  	v8 =	vld [tilespmem:s7+$0x10200];
	[tilespmem:s11+$0xC210] =	vst v7;
	v5 =	vadd.f32 v5, v10;
	v10 =	vmul.f32 $3.200000000e+01, v14  }
0x362: {  	v7 =	vld [tilespmem:s7+$0x10210];
	[tilespmem:s11+$0xC220] =	vst v6;
	v4 =	vadd.f32 v4, v9;
	v9 =	vmul.f32 $3.200000000e+01, v15  }
0x363: {  	v6 =	vld [tilespmem:s7+$0x10220];
	[tilespmem:s11+$0xC230] =	vst v5;
	v3 =	vadd.f32 v3, v10;
	v10 =	vmul.f32 $3.200000000e+01, v13  }
0x364: {  	v5 =	vld [tilespmem:s7+$0x10230];
	[tilespmem:s11+$0xC240] =	vst v4;
	v9 =	vadd.f32 v12, v9  }
0x365: {  	v4 =	vld [tilespmem:s7+$0x10240];
	[tilespmem:s11+$0xC250] =	vst v3;
	v10 =	vadd.f32 v11, v10  }
0x366: {  	v3 =	vld [tilespmem:s7+$0x10250];
	[tilespmem:s11+$0xC260] =	vst v9  }
.Ltmp11:
0x367: {  	v13 =	vld [tilespmem:s7+$0xC200];
	[tilespmem:s11+$0xC270] =	vst v10;
	s11 =	smov.u32 s7;
	(pc) =	sbr.rel @p0 .LBB2_25-.Ltmp11, $4  }
0x368: {  	v12 =	vld [tilespmem:s11+$0xC210]  }
0x369: {  	v11 =	vld [tilespmem:s11+$0xC220]  }
0x36a: {  	v10 =	vld [tilespmem:s11+$0xC230]  }
0x36b: {  	s2 =	sadd.s32 $0x80, s2;
	v9 =	vld [tilespmem:s11+$0xC240]  }
0x36c: {  	v13 =	vmul.f32 $3.200000000e+01, v13;
	v14 =	vld [tilespmem:s11+$0xC250]  }
0x36d: {  	v15 =	vld [tilespmem:s11+$0xC260];
	v12 =	vmul.f32 $3.200000000e+01, v12  }
0x36e: {  	v57 =	vld [tilespmem:s11+$0xC270];
	v8 =	vadd.f32 v8, v13;
	v11 =	vmul.f32 $3.200000000e+01, v11  }
0x36f: {  	v16 =	vld [tilespmem:s11+$0x10260];
	v7 =	vadd.f32 v7, v12;
	v10 =	vmul.f32 $3.200000000e+01, v10  }
0x370: {  	v59 =	vld [tilespmem:s11+$0x10270];
	[tilespmem:s11+$0xC200] =	vst v8;
	v6 =	vadd.f32 v6, v11;
	v58 =	vmul.f32 $3.200000000e+01, v9  }
0x371: {  	[tilespmem:s11+$0xC210] =	vst v7;
	v5 =	vadd.f32 v5, v10;
	v60 =	vmul.f32 $3.200000000e+01, v14  }
0x372: {  	s28 =	sadd.s32 $0x1, s28;
	v61 =	vmul.f32 $3.200000000e+01, v15;
	[tilespmem:s11+$0xC220] =	vst v6;
	v4 =	vadd.f32 v4, v58  }
0x373: {  	p0 =	sne.s32 s28, $0x3;
	v62 =	vmul.f32 $3.200000000e+01, v57;
	[tilespmem:s11+$0xC230] =	vst v5;
	v3 =	vadd.f32 v3, v60  }
.Ltmp12:
0x374: {  	s2 =	rddreg [dreg:$0x7];
	v63 =	vadd.f32 v16, v61;
	[tilespmem:s11+$0xC240] =	vst v4;
	(pc) =	sbr.rel @p0 .LBB2_10-.Ltmp12, $4  }
0x375: {  	s2 =	sadd.s32 s2, s15;
	[tilespmem:s11+$0xC250] =	vst v3;
	v3 =	vadd.f32 v59, v62  }
0x376: {  	s2 =	sshll.u32 s2, $0x7;
	[tilespmem:s11+$0xC260] =	vst v63  }
0x377: {  	s2 =	sadd.s32 s3, s2;
	[tilespmem:s11+$0xC270] =	vst v3  }
0x378: {  	[hbm4b:s2+s9] =	stream.linear.scatter [tilespmem:s26], [sflag:$0x8], $0x4000, $0x38;
	[tilespmem:$0x18200] =	vst v63  }
0x379: {  	_ =	swait.ge [sflag:s18], $0x4000  }
0x37a: {  	[sflag:s18] =	ssyncset.done $0x0  }
0x37b: {  	[sflag:s18] =	ssyncadd.s32 $0xFFFFC000  }
0x37c: {  	v3 =	vld [tilespmem:$0xF0];
	_ =	sdelay $0x4  }
0x37d: {  	v4 =	vshll.u32 v3, $0x3  }
0x37e: {  	v3 =	vand.u32 $0x7, v3;
	v4 =	vand.u32 $0xFFFFFFC0, v4  }
0x37f: {  	v3 =	vor.u32 v3, v4  }
0x380: {  	v4 =	vperm.xlane v3, v0;
	_ =	sdelay $0x1  }
0x381: {  	v4 =	vadd.s32 v1, v4;
	_ =	sdelay $0x3  }
0x382: {  	s12 =	simm.s32 $0x0  }
0x383: {  	[tilespmem:s24], [sflag:$0x2] =	stream.indirect_vreg.gather [hbm4b:s1+s12], $0x80, v4, vm0, $0xb8;
	[tilespmem:$0x18200] =	vst v63  }
0x384: {  	s2 =	simm.s32 $0x4A00;
	v3 =	vperm.xlane v3, v2  }
0x385: {  	[tilespmem:s2], [sflag:$0x2] =	stream.indirect_vreg.gather [hbm4b:s14+s12], $0x80, v4, vm0, $0xb8;
	[tilespmem:$0x18200] =	vst v63  }
0x386: {  	s7 =	simm.s32 $0x5200;
	v3 =	vadd.s32 v1, v3  }
0x387: {  	[tilespmem:s7], [sflag:$0x2] =	stream.indirect_vreg.gather [hbm4b:s16+s12], $0x80, v4, vm0, $0xb8;
	[tilespmem:$0x18200] =	vst v63  }
0x388: {  	s8 =	simm.s32 $0x5A00  }
0x389: {  	[tilespmem:s8], [sflag:$0x2] =	stream.indirect_vreg.gather [hbm4b:s17+s12], $0x80, v4, vm0, $0xb8;
	[tilespmem:$0x18200] =	vst v63  }
0x38a: {  	s11 =	simm.s32 $0x6200  }
0x38b: {  	[tilespmem:s11], [sflag:$0x2] =	stream.indirect_vreg.gather [hbm4b:s1+s12], $0x80, v3, vm0, $0xb8;
	[tilespmem:$0x18200] =	vst v63  }
0x38c: {  	s15 =	simm.s32 $0x6A00  }
0x38d: {  	[tilespmem:s15], [sflag:$0x2] =	stream.indirect_vreg.gather [hbm4b:s14+s12], $0x80, v3, vm0, $0xb8;
	[tilespmem:$0x18200] =	vst v63  }
0x38e: {  	s19 =	simm.s32 $0x7200  }
0x38f: {  	[tilespmem:s19], [sflag:$0x2] =	stream.indirect_vreg.gather [hbm4b:s16+s12], $0x80, v3, vm0, $0xb8;
	[tilespmem:$0x18200] =	vst v63  }
0x390: {  	s22 =	simm.s32 $0x7A00  }
0x391: {  	[tilespmem:s22], [sflag:$0x2] =	stream.indirect_vreg.gather [hbm4b:s17+s12], $0x80, v3, vm0, $0xb8;
	[tilespmem:$0x18200] =	vst v63  }
0x392: {  	_ =	swait.ge [sflag:s5], $0x4000  }
0x393: {  	[sflag:s5] =	ssyncset.done $0x0  }
0x394: {  	s8 =	simm.s32 $0xA;
	[sflag:s5] =	ssyncadd.s32 $0xFFFFC000  }
0x395: {  	s23 =	sand.u32 $0x2000, s12;
	s7 =	sand.u32 $0x1C00, s12;
	_ =	swait.ge [sflag:s8], $0x4000  }
0x396: {  	s28 =	sand.u32 $0x380, s12;
	s2 =	sor.u32 s7, s23;
	[sflag:s8] =	ssyncset.done $0x0  }
0x397: {  	s11 =	sor.u32 s28, s2;
	[sflag:s8] =	ssyncadd.s32 $0xFFFFC000  }
0x398: {  	v8 =	vld [tilespmem:s11+$0x14200]  }
0x399: {  	v7 =	vld [tilespmem:s11+$0x14210]  }
0x39a: {  	v6 =	vld [tilespmem:s11+$0x14220]  }
0x39b: {  	v5 =	vld [tilespmem:s11+$0x14230]  }
0x39c: {  	v4 =	vld [tilespmem:s11+$0x14240]  }
0x39d: {  	v3 =	vld [tilespmem:s11+$0x14250]  }
0x39e: {  	v13 =	vld [tilespmem:s11+$0x200]  }
0x39f: {  	v12 =	vld [tilespmem:s11+$0x210]  }
0x3a0: {  	v11 =	vld [tilespmem:s11+$0x220]  }
0x3a1: {  	v10 =	vld [tilespmem:s11+$0x230]  }
0x3a2: {  	s2 =	simm.s32 $0x80;
	s15 =	simm.s32 $0x0;
	v9 =	vld [tilespmem:s11+$0x240]  }
.LBB2_28:
0x3a3: {  	p0 =	sne.s32 s2, $0x3F80;
	v13 =	vmul.f32 $3.200000000e+01, v13;
	v14 =	vld [tilespmem:s11+$0x250]  }
0x3a4: {  	s12 =	sadd.s32 $0x400, s12;
	v12 =	vmul.f32 $3.200000000e+01, v12;
	v15 =	vld [tilespmem:s11+$0x260]  }
0x3a5: {  	s7 =	sand.u32 $0x2000, s2;
	s15 =	sadd.s32 $0x10, s15;
	s8 =	sand.u32 $0x1C00, s12;
	v8 =	vadd.f32 v8, v13;
	v11 =	vmul.f32 $3.200000000e+01, v11;
	v13 =	vld [tilespmem:s11+$0x270]  }
0x3a6: {  	s7 =	sor.u32 s8, s7;
	s8 =	sand.u32 $0x380, s15;
	v7 =	vadd.f32 v7, v12;
	v10 =	vmul.f32 $3.200000000e+01, v10;
	v12 =	vld [tilespmem:s11+$0x14260]  }
0x3a7: {  	s7 =	sor.u32 s8, s7;
	[tilespmem:s11+$0x200] =	vst v8;
	v6 =	vadd.f32 v6, v11;
	v9 =	vmul.f32 $3.200000000e+01, v9;
	v11 =	vld [tilespmem:s11+$0x14270]  }
0x3a8: {  	v8 =	vld [tilespmem:s7+$0x14200];
	[tilespmem:s11+$0x210] =	vst v7;
	v5 =	vadd.f32 v5, v10;
	v10 =	vmul.f32 $3.200000000e+01, v14  }
0x3a9: {  	v7 =	vld [tilespmem:s7+$0x14210];
	[tilespmem:s11+$0x220] =	vst v6;
	v4 =	vadd.f32 v4, v9;
	v9 =	vmul.f32 $3.200000000e+01, v15  }
0x3aa: {  	v6 =	vld [tilespmem:s7+$0x14220];
	[tilespmem:s11+$0x230] =	vst v5;
	v3 =	vadd.f32 v3, v10;
	v10 =	vmul.f32 $3.200000000e+01, v13  }
0x3ab: {  	v5 =	vld [tilespmem:s7+$0x14230];
	[tilespmem:s11+$0x240] =	vst v4;
	v9 =	vadd.f32 v12, v9  }
0x3ac: {  	v4 =	vld [tilespmem:s7+$0x14240];
	[tilespmem:s11+$0x250] =	vst v3;
	v10 =	vadd.f32 v11, v10  }
0x3ad: {  	v3 =	vld [tilespmem:s7+$0x14250];
	[tilespmem:s11+$0x260] =	vst v9  }
.Ltmp13:
0x3ae: {  	v13 =	vld [tilespmem:s7+$0x200];
	[tilespmem:s11+$0x270] =	vst v10;
	s11 =	smov.u32 s7;
	(pc) =	sbr.rel @p0 .LBB2_28-.Ltmp13, $4  }
0x3af: {  	v12 =	vld [tilespmem:s11+$0x210]  }
0x3b0: {  	v11 =	vld [tilespmem:s11+$0x220]  }
0x3b1: {  	v10 =	vld [tilespmem:s11+$0x230]  }
0x3b2: {  	s2 =	sadd.s32 $0x80, s2;
	v9 =	vld [tilespmem:s11+$0x240]  }
0x3b3: {  	v13 =	vmul.f32 $3.200000000e+01, v13;
	v14 =	vld [tilespmem:s11+$0x250]  }
0x3b4: {  	v15 =	vld [tilespmem:s11+$0x260];
	v12 =	vmul.f32 $3.200000000e+01, v12  }
0x3b5: {  	v8 =	vadd.f32 v8, v13;
	v13 =	vld [tilespmem:s11+$0x270];
	v11 =	vmul.f32 $3.200000000e+01, v11  }
0x3b6: {  	v16 =	vld [tilespmem:s11+$0x14260];
	v7 =	vadd.f32 v7, v12;
	v10 =	vmul.f32 $3.200000000e+01, v10  }
0x3b7: {  	[tilespmem:s11+$0x200] =	vst v8;
	v6 =	vadd.f32 v6, v11;
	v8 =	vmul.f32 $3.200000000e+01, v9;
	v9 =	vld [tilespmem:s11+$0x14270]  }
0x3b8: {  	[tilespmem:s11+$0x210] =	vst v7;
	v5 =	vadd.f32 v5, v10;
	v7 =	vmul.f32 $3.200000000e+01, v14  }
0x3b9: {  	[tilespmem:s11+$0x220] =	vst v6;
	v4 =	vadd.f32 v4, v8;
	v6 =	vmul.f32 $3.200000000e+01, v15  }
0x3ba: {  	[tilespmem:s11+$0x230] =	vst v5;
	v3 =	vadd.f32 v3, v7;
	v5 =	vmul.f32 $3.200000000e+01, v13  }
0x3bb: {  	[tilespmem:s11+$0x240] =	vst v4;
	v4 =	vadd.f32 v16, v6  }
0x3bc: {  	[tilespmem:s11+$0x250] =	vst v3;
	v3 =	vadd.f32 v9, v5  }
0x3bd: {  	[tilespmem:s11+$0x260] =	vst v4  }
0x3be: {  	s2 =	rddreg [dreg:$0x12];
	[tilespmem:s11+$0x270] =	vst v3;
	s11 =	simm.s32 $0x0  }
0x3bf: {  	[hbm4b:s2+s11] =	stream.linear.scatter [tilespmem:s31], [sflag:$0x5], $0x4000, $0x38;
	[tilespmem:$0x18200] =	vst v63  }
0x3c0: {  	_ =	swait.ge [sflag:s20], $0x4000  }
0x3c1: {  	[sflag:s20] =	ssyncset.done $0x0  }
0x3c2: {  	[sflag:s20] =	ssyncadd.s32 $0xFFFFC000  }
0x3c3: {  	v3 =	vld [tilespmem:$0x170];
	_ =	sdelay $0x4  }
0x3c4: {  	v4 =	vshll.u32 v3, $0x3  }
0x3c5: {  	v3 =	vand.u32 $0x7, v3;
	v4 =	vand.u32 $0xFFFFFFC0, v4  }
0x3c6: {  	v3 =	vor.u32 v3, v4  }
0x3c7: {  	v4 =	vperm.xlane v3, v0;
	_ =	sdelay $0x1  }
0x3c8: {  	v4 =	vadd.s32 v1, v4;
	_ =	sdelay $0x4  }
0x3c9: {  	[tilespmem:s10], [sflag:$0x3] =	stream.indirect_vreg.gather [hbm4b:s1+s11], $0x80, v4, vm0, $0xb8;
	[tilespmem:$0x18200] =	vst v63  }
0x3ca: {  	s28 =	simm.s32 $0x8A00;
	v3 =	vperm.xlane v3, v2  }
0x3cb: {  	[tilespmem:s28], [sflag:$0x3] =	stream.indirect_vreg.gather [hbm4b:s14+s11], $0x80, v4, vm0, $0xb8;
	[tilespmem:$0x18200] =	vst v63  }
0x3cc: {  	s7 =	simm.s32 $0x9200;
	v3 =	vadd.s32 v1, v3  }
0x3cd: {  	[tilespmem:s7], [sflag:$0x3] =	stream.indirect_vreg.gather [hbm4b:s16+s11], $0x80, v4, vm0, $0xb8;
	[tilespmem:$0x18200] =	vst v63  }
0x3ce: {  	s8 =	simm.s32 $0x9A00  }
0x3cf: {  	[tilespmem:s8], [sflag:$0x3] =	stream.indirect_vreg.gather [hbm4b:s17+s11], $0x80, v4, vm0, $0xb8;
	[tilespmem:$0x18200] =	vst v63  }
0x3d0: {  	s12 =	simm.s32 $0xA200  }
0x3d1: {  	[tilespmem:s12], [sflag:$0x3] =	stream.indirect_vreg.gather [hbm4b:s1+s11], $0x80, v3, vm0, $0xb8;
	[tilespmem:$0x18200] =	vst v63  }
0x3d2: {  	s15 =	simm.s32 $0xAA00  }
0x3d3: {  	[tilespmem:s15], [sflag:$0x3] =	stream.indirect_vreg.gather [hbm4b:s14+s11], $0x80, v3, vm0, $0xb8;
	[tilespmem:$0x18200] =	vst v63  }
0x3d4: {  	s19 =	simm.s32 $0xB200  }
0x3d5: {  	[tilespmem:s19], [sflag:$0x3] =	stream.indirect_vreg.gather [hbm4b:s16+s11], $0x80, v3, vm0, $0xb8;
	[tilespmem:$0x18200] =	vst v63  }
0x3d6: {  	s22 =	simm.s32 $0xBA00  }
0x3d7: {  	[tilespmem:s22], [sflag:$0x3] =	stream.indirect_vreg.gather [hbm4b:s17+s11], $0x80, v3, vm0, $0xb8;
	[tilespmem:$0x18200] =	vst v63  }
0x3d8: {  	s23 =	sand.u32 $0x2000, s11;
	s7 =	sand.u32 $0x1C00, s11;
	_ =	swait.ge [sflag:s0], $0x4000  }
0x3d9: {  	s28 =	sand.u32 $0x380, s11;
	s2 =	sor.u32 s7, s23;
	[sflag:s0] =	ssyncset.done $0x0  }
0x3da: {  	s12 =	sor.u32 s28, s2;
	[sflag:s0] =	ssyncadd.s32 $0xFFFFC000  }
0x3db: {  	v8 =	vld [tilespmem:s12+$0x14200]  }
0x3dc: {  	v7 =	vld [tilespmem:s12+$0x14210]  }
0x3dd: {  	v6 =	vld [tilespmem:s12+$0x14220]  }
0x3de: {  	v5 =	vld [tilespmem:s12+$0x14230]  }
0x3df: {  	v4 =	vld [tilespmem:s12+$0x14240]  }
0x3e0: {  	v3 =	vld [tilespmem:s12+$0x14250]  }
0x3e1: {  	v13 =	vld [tilespmem:s12+$0x4200]  }
0x3e2: {  	v12 =	vld [tilespmem:s12+$0x4210]  }
0x3e3: {  	v11 =	vld [tilespmem:s12+$0x4220]  }
0x3e4: {  	v10 =	vld [tilespmem:s12+$0x4230]  }
0x3e5: {  	s2 =	simm.s32 $0x80;
	s15 =	simm.s32 $0x0;
	v9 =	vld [tilespmem:s12+$0x4240]  }
.LBB2_30:
0x3e6: {  	p0 =	sne.s32 s2, $0x3F80;
	v13 =	vmul.f32 $3.200000000e+01, v13;
	v14 =	vld [tilespmem:s12+$0x4250]  }
0x3e7: {  	s11 =	sadd.s32 $0x400, s11;
	v12 =	vmul.f32 $3.200000000e+01, v12;
	v15 =	vld [tilespmem:s12+$0x4260]  }
0x3e8: {  	s7 =	sand.u32 $0x2000, s2;
	s15 =	sadd.s32 $0x10, s15;
	s8 =	sand.u32 $0x1C00, s11;
	v8 =	vadd.f32 v8, v13;
	v11 =	vmul.f32 $3.200000000e+01, v11;
	v13 =	vld [tilespmem:s12+$0x4270]  }
0x3e9: {  	s7 =	sor.u32 s8, s7;
	s8 =	sand.u32 $0x380, s15;
	v7 =	vadd.f32 v7, v12;
	v10 =	vmul.f32 $3.200000000e+01, v10;
	v12 =	vld [tilespmem:s12+$0x14260]  }
0x3ea: {  	s7 =	sor.u32 s8, s7;
	[tilespmem:s12+$0x4200] =	vst v8;
	v6 =	vadd.f32 v6, v11;
	v9 =	vmul.f32 $3.200000000e+01, v9;
	v11 =	vld [tilespmem:s12+$0x14270]  }
0x3eb: {  	v8 =	vld [tilespmem:s7+$0x14200];
	[tilespmem:s12+$0x4210] =	vst v7;
	v5 =	vadd.f32 v5, v10;
	v10 =	vmul.f32 $3.200000000e+01, v14  }
0x3ec: {  	v7 =	vld [tilespmem:s7+$0x14210];
	[tilespmem:s12+$0x4220] =	vst v6;
	v4 =	vadd.f32 v4, v9;
	v9 =	vmul.f32 $3.200000000e+01, v15  }
0x3ed: {  	v6 =	vld [tilespmem:s7+$0x14220];
	[tilespmem:s12+$0x4230] =	vst v5;
	v3 =	vadd.f32 v3, v10;
	v10 =	vmul.f32 $3.200000000e+01, v13  }
0x3ee: {  	v5 =	vld [tilespmem:s7+$0x14230];
	[tilespmem:s12+$0x4240] =	vst v4;
	v9 =	vadd.f32 v12, v9  }
0x3ef: {  	v4 =	vld [tilespmem:s7+$0x14240];
	[tilespmem:s12+$0x4250] =	vst v3;
	v10 =	vadd.f32 v11, v10  }
0x3f0: {  	v3 =	vld [tilespmem:s7+$0x14250];
	[tilespmem:s12+$0x4260] =	vst v9  }
.Ltmp14:
0x3f1: {  	v13 =	vld [tilespmem:s7+$0x4200];
	[tilespmem:s12+$0x4270] =	vst v10;
	s12 =	smov.u32 s7;
	(pc) =	sbr.rel @p0 .LBB2_30-.Ltmp14, $4  }
0x3f2: {  	v12 =	vld [tilespmem:s12+$0x4210]  }
0x3f3: {  	v11 =	vld [tilespmem:s12+$0x4220]  }
0x3f4: {  	v10 =	vld [tilespmem:s12+$0x4230]  }
0x3f5: {  	s2 =	sadd.s32 $0x80, s2;
	v9 =	vld [tilespmem:s12+$0x4240]  }
0x3f6: {  	v13 =	vmul.f32 $3.200000000e+01, v13;
	v14 =	vld [tilespmem:s12+$0x4250]  }
0x3f7: {  	v15 =	vld [tilespmem:s12+$0x4260];
	v12 =	vmul.f32 $3.200000000e+01, v12  }
0x3f8: {  	v8 =	vadd.f32 v8, v13;
	v13 =	vld [tilespmem:s12+$0x4270];
	v11 =	vmul.f32 $3.200000000e+01, v11  }
0x3f9: {  	v16 =	vld [tilespmem:s12+$0x14260];
	v7 =	vadd.f32 v7, v12;
	v10 =	vmul.f32 $3.200000000e+01, v10  }
0x3fa: {  	[tilespmem:s12+$0x4200] =	vst v8;
	v6 =	vadd.f32 v6, v11;
	v8 =	vmul.f32 $3.200000000e+01, v9;
	v9 =	vld [tilespmem:s12+$0x14270]  }
0x3fb: {  	[tilespmem:s12+$0x4210] =	vst v7;
	v5 =	vadd.f32 v5, v10;
	v7 =	vmul.f32 $3.200000000e+01, v14  }
0x3fc: {  	[tilespmem:s12+$0x4220] =	vst v6;
	v4 =	vadd.f32 v4, v8;
	v6 =	vmul.f32 $3.200000000e+01, v15  }
0x3fd: {  	[tilespmem:s12+$0x4230] =	vst v5;
	v3 =	vadd.f32 v3, v7;
	v5 =	vmul.f32 $3.200000000e+01, v13  }
0x3fe: {  	[tilespmem:s12+$0x4240] =	vst v4;
	v4 =	vadd.f32 v16, v6  }
0x3ff: {  	[tilespmem:s12+$0x4250] =	vst v3;
	v3 =	vadd.f32 v9, v5  }
0x400: {  	[tilespmem:s12+$0x4260] =	vst v4  }
0x401: {  	s11 =	simm.s32 $0x0;
	s2 =	rddreg [dreg:$0x13];
	[tilespmem:s12+$0x4270] =	vst v3  }
0x402: {  	[hbm4b:s2+s11] =	stream.linear.scatter [tilespmem:s24], [sflag:$0x6], $0x4000, $0x38;
	[tilespmem:$0x18200] =	vst v63  }
0x403: {  	_ =	swait.ge [sflag:s21], $0x4000  }
0x404: {  	[sflag:s21] =	ssyncset.done $0x0  }
0x405: {  	[sflag:s21] =	ssyncadd.s32 $0xFFFFC000  }
0x406: {  	v3 =	vld [tilespmem:$0x1F0];
	_ =	sdelay $0x4  }
0x407: {  	v4 =	vshll.u32 v3, $0x3  }
0x408: {  	v3 =	vand.u32 $0x7, v3;
	v4 =	vand.u32 $0xFFFFFFC0, v4  }
0x409: {  	v3 =	vor.u32 v3, v4  }
0x40a: {  	v4 =	vperm.xlane v3, v0;
	_ =	sdelay $0x1  }
0x40b: {  	v4 =	vadd.s32 v1, v4;
	_ =	sdelay $0x4  }
0x40c: {  	[tilespmem:s26], [sflag:$0x4] =	stream.indirect_vreg.gather [hbm4b:s1+s11], $0x80, v4, vm0, $0xb8;
	[tilespmem:$0x18200] =	vst v63  }
0x40d: {  	s28 =	simm.s32 $0xCA00;
	v3 =	vperm.xlane v3, v2  }
0x40e: {  	[tilespmem:s28], [sflag:$0x4] =	stream.indirect_vreg.gather [hbm4b:s14+s11], $0x80, v4, vm0, $0xb8;
	[tilespmem:$0x18200] =	vst v63  }
0x40f: {  	s7 =	simm.s32 $0xD200;
	v3 =	vadd.s32 v1, v3  }
0x410: {  	[tilespmem:s7], [sflag:$0x4] =	stream.indirect_vreg.gather [hbm4b:s16+s11], $0x80, v4, vm0, $0xb8;
	[tilespmem:$0x18200] =	vst v63  }
0x411: {  	s8 =	simm.s32 $0xDA00  }
0x412: {  	[tilespmem:s8], [sflag:$0x4] =	stream.indirect_vreg.gather [hbm4b:s17+s11], $0x80, v4, vm0, $0xb8;
	[tilespmem:$0x18200] =	vst v63  }
0x413: {  	s12 =	simm.s32 $0xE200  }
0x414: {  	[tilespmem:s12], [sflag:$0x4] =	stream.indirect_vreg.gather [hbm4b:s1+s11], $0x80, v3, vm0, $0xb8;
	[tilespmem:$0x18200] =	vst v63  }
0x415: {  	s15 =	simm.s32 $0xEA00  }
0x416: {  	[tilespmem:s15], [sflag:$0x4] =	stream.indirect_vreg.gather [hbm4b:s14+s11], $0x80, v3, vm0, $0xb8;
	[tilespmem:$0x18200] =	vst v63  }
0x417: {  	s19 =	simm.s32 $0xF200  }
0x418: {  	[tilespmem:s19], [sflag:$0x4] =	stream.indirect_vreg.gather [hbm4b:s16+s11], $0x80, v3, vm0, $0xb8;
	[tilespmem:$0x18200] =	vst v63  }
0x419: {  	s22 =	simm.s32 $0xFA00  }
0x41a: {  	[tilespmem:s22], [sflag:$0x4] =	stream.indirect_vreg.gather [hbm4b:s17+s11], $0x80, v3, vm0, $0xb8;
	[tilespmem:$0x18200] =	vst v63  }
0x41b: {  	s23 =	sand.u32 $0x2000, s11;
	s7 =	sand.u32 $0x1C00, s11;
	_ =	swait.ge [sflag:s4], $0x4000  }
0x41c: {  	s28 =	sand.u32 $0x380, s11;
	s2 =	sor.u32 s7, s23;
	[sflag:s4] =	ssyncset.done $0x0  }
0x41d: {  	s12 =	sor.u32 s28, s2;
	[sflag:s4] =	ssyncadd.s32 $0xFFFFC000  }
0x41e: {  	v8 =	vld [tilespmem:s12+$0x14200]  }
0x41f: {  	v7 =	vld [tilespmem:s12+$0x14210]  }
0x420: {  	v6 =	vld [tilespmem:s12+$0x14220]  }
0x421: {  	v5 =	vld [tilespmem:s12+$0x14230]  }
0x422: {  	v4 =	vld [tilespmem:s12+$0x14240]  }
0x423: {  	v3 =	vld [tilespmem:s12+$0x14250]  }
0x424: {  	v13 =	vld [tilespmem:s12+$0x8200]  }
0x425: {  	v12 =	vld [tilespmem:s12+$0x8210]  }
0x426: {  	v11 =	vld [tilespmem:s12+$0x8220]  }
0x427: {  	v10 =	vld [tilespmem:s12+$0x8230]  }
0x428: {  	s2 =	simm.s32 $0x80;
	s15 =	simm.s32 $0x0;
	v9 =	vld [tilespmem:s12+$0x8240]  }
.LBB2_32:
0x429: {  	p0 =	sne.s32 s2, $0x3F80;
	v13 =	vmul.f32 $3.200000000e+01, v13;
	v14 =	vld [tilespmem:s12+$0x8250]  }
0x42a: {  	s11 =	sadd.s32 $0x400, s11;
	v12 =	vmul.f32 $3.200000000e+01, v12;
	v15 =	vld [tilespmem:s12+$0x8260]  }
0x42b: {  	s7 =	sand.u32 $0x2000, s2;
	s15 =	sadd.s32 $0x10, s15;
	s8 =	sand.u32 $0x1C00, s11;
	v8 =	vadd.f32 v8, v13;
	v11 =	vmul.f32 $3.200000000e+01, v11;
	v13 =	vld [tilespmem:s12+$0x8270]  }
0x42c: {  	s7 =	sor.u32 s8, s7;
	s8 =	sand.u32 $0x380, s15;
	v7 =	vadd.f32 v7, v12;
	v10 =	vmul.f32 $3.200000000e+01, v10;
	v12 =	vld [tilespmem:s12+$0x14260]  }
0x42d: {  	s7 =	sor.u32 s8, s7;
	[tilespmem:s12+$0x8200] =	vst v8;
	v6 =	vadd.f32 v6, v11;
	v9 =	vmul.f32 $3.200000000e+01, v9;
	v11 =	vld [tilespmem:s12+$0x14270]  }
0x42e: {  	v8 =	vld [tilespmem:s7+$0x14200];
	[tilespmem:s12+$0x8210] =	vst v7;
	v5 =	vadd.f32 v5, v10;
	v10 =	vmul.f32 $3.200000000e+01, v14  }
0x42f: {  	v7 =	vld [tilespmem:s7+$0x14210];
	[tilespmem:s12+$0x8220] =	vst v6;
	v4 =	vadd.f32 v4, v9;
	v9 =	vmul.f32 $3.200000000e+01, v15  }
0x430: {  	v6 =	vld [tilespmem:s7+$0x14220];
	[tilespmem:s12+$0x8230] =	vst v5;
	v3 =	vadd.f32 v3, v10;
	v10 =	vmul.f32 $3.200000000e+01, v13  }
0x431: {  	v5 =	vld [tilespmem:s7+$0x14230];
	[tilespmem:s12+$0x8240] =	vst v4;
	v9 =	vadd.f32 v12, v9  }
0x432: {  	v4 =	vld [tilespmem:s7+$0x14240];
	[tilespmem:s12+$0x8250] =	vst v3;
	v10 =	vadd.f32 v11, v10  }
0x433: {  	v3 =	vld [tilespmem:s7+$0x14250];
	[tilespmem:s12+$0x8260] =	vst v9  }
.Ltmp15:
0x434: {  	v13 =	vld [tilespmem:s7+$0x8200];
	[tilespmem:s12+$0x8270] =	vst v10;
	s12 =	smov.u32 s7;
	(pc) =	sbr.rel @p0 .LBB2_32-.Ltmp15, $4  }
0x435: {  	v12 =	vld [tilespmem:s12+$0x8210]  }
0x436: {  	v11 =	vld [tilespmem:s12+$0x8220]  }
0x437: {  	v10 =	vld [tilespmem:s12+$0x8230]  }
0x438: {  	s2 =	sadd.s32 $0x80, s2;
	v9 =	vld [tilespmem:s12+$0x8240]  }
0x439: {  	v13 =	vmul.f32 $3.200000000e+01, v13;
	v14 =	vld [tilespmem:s12+$0x8250]  }
0x43a: {  	v15 =	vld [tilespmem:s12+$0x8260];
	v12 =	vmul.f32 $3.200000000e+01, v12  }
0x43b: {  	v8 =	vadd.f32 v8, v13;
	v13 =	vld [tilespmem:s12+$0x8270];
	v11 =	vmul.f32 $3.200000000e+01, v11  }
0x43c: {  	v16 =	vld [tilespmem:s12+$0x14260];
	v7 =	vadd.f32 v7, v12;
	v10 =	vmul.f32 $3.200000000e+01, v10  }
0x43d: {  	[tilespmem:s12+$0x8200] =	vst v8;
	v6 =	vadd.f32 v6, v11;
	v8 =	vmul.f32 $3.200000000e+01, v9;
	v9 =	vld [tilespmem:s12+$0x14270]  }
0x43e: {  	[tilespmem:s12+$0x8210] =	vst v7;
	v5 =	vadd.f32 v5, v10;
	v7 =	vmul.f32 $3.200000000e+01, v14  }
0x43f: {  	[tilespmem:s12+$0x8220] =	vst v6;
	v4 =	vadd.f32 v4, v8;
	v6 =	vmul.f32 $3.200000000e+01, v15  }
0x440: {  	[tilespmem:s12+$0x8230] =	vst v5;
	v3 =	vadd.f32 v3, v7;
	v5 =	vmul.f32 $3.200000000e+01, v13  }
0x441: {  	[tilespmem:s12+$0x8240] =	vst v4;
	v4 =	vadd.f32 v16, v6  }
0x442: {  	[tilespmem:s12+$0x8250] =	vst v3;
	v3 =	vadd.f32 v9, v5  }
0x443: {  	[tilespmem:s12+$0x8260] =	vst v4  }
0x444: {  	s2 =	rddreg [dreg:$0x15];
	[tilespmem:s12+$0x8270] =	vst v3;
	s12 =	simm.s32 $0x0  }
0x445: {  	[hbm4b:s2+s12] =	stream.linear.scatter [tilespmem:s10], [sflag:$0x7], $0x4000, $0x38;
	[tilespmem:$0x18200] =	vst v63  }
0x446: {  	_ =	swait.ge [sflag:s13], $0x4000  }
0x447: {  	[sflag:s13] =	ssyncset.done $0x0  }
0x448: {  	[sflag:s13] =	ssyncadd.s32 $0xFFFFC000  }
0x449: {  	s23 =	sand.u32 $0x2000, s12;
	s7 =	sand.u32 $0x1C00, s12;
	_ =	swait.ge [sflag:s29], $0x4000  }
0x44a: {  	s28 =	sand.u32 $0x380, s12;
	s2 =	sor.u32 s7, s23;
	[sflag:s29] =	ssyncset.done $0x0  }
0x44b: {  	s11 =	sor.u32 s28, s2;
	[sflag:s29] =	ssyncadd.s32 $0xFFFFC000  }
0x44c: {  	v8 =	vld [tilespmem:s11+$0x14200]  }
0x44d: {  	v7 =	vld [tilespmem:s11+$0x14210]  }
0x44e: {  	v6 =	vld [tilespmem:s11+$0x14220]  }
0x44f: {  	v5 =	vld [tilespmem:s11+$0x14230]  }
0x450: {  	v4 =	vld [tilespmem:s11+$0x14240]  }
0x451: {  	v3 =	vld [tilespmem:s11+$0x14250]  }
0x452: {  	v13 =	vld [tilespmem:s11+$0xC200]  }
0x453: {  	v12 =	vld [tilespmem:s11+$0xC210]  }
0x454: {  	v11 =	vld [tilespmem:s11+$0xC220]  }
0x455: {  	v10 =	vld [tilespmem:s11+$0xC230]  }
0x456: {  	s15 =	simm.s32 $0x0;
	s2 =	simm.s32 $0x80;
	v9 =	vld [tilespmem:s11+$0xC240]  }
.LBB2_34:
0x457: {  	p0 =	sne.s32 s2, $0x3F80;
	v13 =	vmul.f32 $3.200000000e+01, v13;
	v14 =	vld [tilespmem:s11+$0xC250]  }
0x458: {  	s12 =	sadd.s32 $0x400, s12;
	v12 =	vmul.f32 $3.200000000e+01, v12;
	v15 =	vld [tilespmem:s11+$0xC260]  }
0x459: {  	s7 =	sand.u32 $0x2000, s2;
	s15 =	sadd.s32 $0x10, s15;
	s8 =	sand.u32 $0x1C00, s12;
	v8 =	vadd.f32 v8, v13;
	v11 =	vmul.f32 $3.200000000e+01, v11;
	v13 =	vld [tilespmem:s11+$0xC270]  }
0x45a: {  	s7 =	sor.u32 s8, s7;
	s8 =	sand.u32 $0x380, s15;
	v7 =	vadd.f32 v7, v12;
	v10 =	vmul.f32 $3.200000000e+01, v10;
	v12 =	vld [tilespmem:s11+$0x14260]  }
0x45b: {  	s7 =	sor.u32 s8, s7;
	[tilespmem:s11+$0xC200] =	vst v8;
	v6 =	vadd.f32 v6, v11;
	v9 =	vmul.f32 $3.200000000e+01, v9;
	v11 =	vld [tilespmem:s11+$0x14270]  }
0x45c: {  	v8 =	vld [tilespmem:s7+$0x14200];
	[tilespmem:s11+$0xC210] =	vst v7;
	v5 =	vadd.f32 v5, v10;
	v10 =	vmul.f32 $3.200000000e+01, v14  }
0x45d: {  	v7 =	vld [tilespmem:s7+$0x14210];
	[tilespmem:s11+$0xC220] =	vst v6;
	v4 =	vadd.f32 v4, v9;
	v9 =	vmul.f32 $3.200000000e+01, v15  }
0x45e: {  	v6 =	vld [tilespmem:s7+$0x14220];
	[tilespmem:s11+$0xC230] =	vst v5;
	v3 =	vadd.f32 v3, v10;
	v10 =	vmul.f32 $3.200000000e+01, v13  }
0x45f: {  	v5 =	vld [tilespmem:s7+$0x14230];
	[tilespmem:s11+$0xC240] =	vst v4;
	v9 =	vadd.f32 v12, v9  }
0x460: {  	v4 =	vld [tilespmem:s7+$0x14240];
	[tilespmem:s11+$0xC250] =	vst v3;
	v10 =	vadd.f32 v11, v10  }
0x461: {  	v3 =	vld [tilespmem:s7+$0x14250];
	[tilespmem:s11+$0xC260] =	vst v9  }
.Ltmp16:
0x462: {  	v13 =	vld [tilespmem:s7+$0xC200];
	[tilespmem:s11+$0xC270] =	vst v10;
	s11 =	smov.u32 s7;
	(pc) =	sbr.rel @p0 .LBB2_34-.Ltmp16, $4  }
0x463: {  	v12 =	vld [tilespmem:s11+$0xC210]  }
0x464: {  	v11 =	vld [tilespmem:s11+$0xC220]  }
0x465: {  	v10 =	vld [tilespmem:s11+$0xC230]  }
0x466: {  	s2 =	sadd.s32 $0x80, s2;
	v9 =	vld [tilespmem:s11+$0xC240]  }
0x467: {  	v13 =	vmul.f32 $3.200000000e+01, v13;
	v14 =	vld [tilespmem:s11+$0xC250]  }
0x468: {  	v15 =	vld [tilespmem:s11+$0xC260];
	v12 =	vmul.f32 $3.200000000e+01, v12  }
0x469: {  	v57 =	vld [tilespmem:s11+$0xC270];
	v8 =	vadd.f32 v8, v13;
	v11 =	vmul.f32 $3.200000000e+01, v11  }
0x46a: {  	v16 =	vld [tilespmem:s11+$0x14260];
	v7 =	vadd.f32 v7, v12;
	v10 =	vmul.f32 $3.200000000e+01, v10  }
0x46b: {  	v59 =	vld [tilespmem:s11+$0x14270];
	[tilespmem:s11+$0xC200] =	vst v8;
	v6 =	vadd.f32 v6, v11;
	v58 =	vmul.f32 $3.200000000e+01, v9  }
0x46c: {  	[tilespmem:s11+$0xC210] =	vst v7;
	v5 =	vadd.f32 v5, v10;
	v60 =	vmul.f32 $3.200000000e+01, v14  }
0x46d: {  	v61 =	vmul.f32 $3.200000000e+01, v15;
	[tilespmem:s11+$0xC220] =	vst v6;
	v4 =	vadd.f32 v4, v58  }
0x46e: {  	v62 =	vmul.f32 $3.200000000e+01, v57;
	[tilespmem:s11+$0xC230] =	vst v5;
	v3 =	vadd.f32 v3, v60  }
0x46f: {  	v63 =	vadd.f32 v16, v61;
	[tilespmem:s11+$0xC240] =	vst v4  }
0x470: {  	[tilespmem:s11+$0xC250] =	vst v3;
	v3 =	vadd.f32 v59, v62  }
0x471: {  	[tilespmem:s11+$0xC260] =	vst v63  }
0x472: {  	s2 =	rddreg [dreg:$0x16];
	[tilespmem:s11+$0xC270] =	vst v3  }
0x473: {  	[hbm4b:s2+s9] =	stream.linear.scatter [tilespmem:s26], [sflag:$0x8], $0x4000, $0x38;
	[tilespmem:$0x18200] =	vst v63  }
0x474: {  	_ =	swait.ge [sflag:s18], $0x4000  }
0x475: {  	[sflag:s18] =	ssyncset.done $0x0  }
0x476: {  	[sflag:s18] =	ssyncadd.s32 $0xFFFFC000  }
0x477: {  	_ =	swait.ge [sflag:s20], $0x4000  }
0x478: {  	[sflag:s20] =	ssyncset.done $0x0  }
0x479: {  	[sflag:s20] =	ssyncadd.s32 $0xFFFFC000  }
0x47a: {  	_ =	swait.ge [sflag:s21], $0x4000  }
0x47b: {  	s7 =	rddreg [dreg:$0x17]  }
0x47c: {  	s28 =	rddreg [dreg:$0x14];
	s7 =	sadd.s32 $0x1, s7  }
0x47d: {  	p0 =	sne.s32 s7, s28  }
.Ltmp17:
0x47e: {  	_ = 	snop;
	(pc) =	sbr.rel @p0 .LBB2_1-.Ltmp17, $3  }
0x47f: {  	_ =	sdelay $0x1  }
0x480: {  	[sflag:s21] =	ssyncset.done $0x0  }
0x481: {  	[sflag:s21] =	ssyncadd.s32 $0xFFFFC000  }
0x482: {  	_ =	sfence.sel $0x180000  }
0x483: {  	[bflag:$0x0] =	sbarrier.arrive $0xFFFF  }
0x484: {  	_ =	strace $0x90000047  }
0x485: {  	s0 =	stileid.u32;
	[bflag:$0x2] =	sbarrier.arrive $0xFFFF  }
0x486: {  	p0 =	sne.s32 s0, $0x0;
	s0 =	rddreg [dreg:$0x4]  }
0x487: {  	s0 =	sadd.s32 @!p0 $0x100000, s0  }
0x488: {  	[sflag:s0] =	ssyncadd.tile.s32 @!p0 $0x1;
	_ =	shalt  }
.Lfunc_end2:
_tile_overlayer_lowered:
.L_overlay_start_2:
0x489: {  	(tag) =	ssettag $0x2  }
0x48a: {  	s0 =	rddreg [dreg:$0x0];
	s2 =	stileid.u32  }
0x48b: {  	s1 =	rddreg [dreg:$0x1];
	p0 =	sne.s32 s2, $0x0  }
0x48c: {  	s3 =	rddreg [dreg:$0x2];
	[bflag:$0x3] =	sbarrier.arrive $0xFFFF;
	s2 =	simm.s32 @!p0 $0x1C0B  }
0x48d: {  	[timem:s3], [sflag:s2] =	dma.local @!p0 [hbm:s0], s1  }
0x48e: {  	s0 =	simm.s32 @!p0 $0xB  }
0x48f: {  	_ =	swait.ge @!p0 [sflag:s0], s1  }
0x490: {  	s1 =	ssub.s32 @!p0 $0x0, s1;
	[sflag:s0] =	ssyncset.done @!p0 $0x0  }
0x491: {  	[sflag:s0] =	ssyncadd.s32 @!p0 s1  }
0x492: {  	[bflag:$0x3] =	sbarrier.arrive $0xFFFF  }
0x493: {  	_ =	shalt  }

</sc_bundles>
